<compile_context>
chip_gen: v7x
topology: tpu7x:2x2x1
jax: 0.10.2.dev20260603
libtpu: 0.0.44.dev20260713+nightly
codegen_flags: <defaults>
</compile_context>

<pallas_src>
import functools

import jax
import jax.numpy as jnp
from jax import lax
from jax.experimental import pallas as pl
from jax.experimental.pallas import tpu as pltpu
from jax.experimental.pallas import tpu_sc as plsc

B, S, D = 4, 4096, 1024
L = 16
NC, NS = 2, 16
NW = NC * NS
S_PER_W = S // NW
CH = 8
NCHUNK = S_PER_W // CH
NSLOT = 3
VECS = CH * D // L
VPR = D // L

_mesh = plsc.VectorSubcoreMesh(core_axis_name="c", subcore_axis_name="s")


@functools.partial(
    pl.kernel,
    out_type=jax.ShapeDtypeStruct((B, S, D), jnp.float32),
    mesh=_mesh,
    scratch_types=[
        pltpu.VMEM((NSLOT, CH, D), jnp.float32),
        pltpu.VMEM((NSLOT, B, CH, D), jnp.float32),
        [pltpu.SemaphoreType.DMA] * NSLOT,
        [pltpu.SemaphoreType.DMA] * NSLOT,
    ],
)
def _sc_pos_add(x_hbm, pos_hbm, out_hbm, pos_v, x_v, sem_in, sem_out):
    wid = lax.axis_index("s") * NC + lax.axis_index("c")
    s_base = wid * S_PER_W

    def start_in(ci):
        slot = ci % NSLOT
        s0 = s_base + ci * CH
        return [pltpu.async_copy(pos_hbm.at[pl.ds(s0, CH)],
                                 pos_v.at[slot], sem_in[slot]),
                pltpu.async_copy(x_hbm.at[:, pl.ds(s0, CH)],
                                 x_v.at[slot], sem_in[slot])]

    def start_out(ci):
        slot = ci % NSLOT
        s0 = s_base + ci * CH
        return [pltpu.async_copy(x_v.at[slot],
                                 out_hbm.at[:, pl.ds(s0, CH)], sem_out[slot])]

    def compute(ci):
        slot = ci % NSLOT

        def row_body(r, _):
            @plsc.parallel_loop(0, D, L, unroll=8)
            def _vec(c):
                pv = pos_v[slot, r, pl.ds(c, L)]
                for b in range(B):
                    plsc.addupdate(x_v.at[slot, b, r, pl.ds(c, L)], pv)
            return 0

        lax.fori_loop(0, CH, row_body, 0)

    descs_in = [None] * NCHUNK
    descs_out = [None] * NCHUNK
    descs_in[0] = start_in(0)
    for ci in range(NCHUNK):
        if ci + 1 < NCHUNK:
            if ci + 1 - NSLOT >= 0:
                for d in descs_out[ci + 1 - NSLOT]:
                    d.wait()
            descs_in[ci + 1] = start_in(ci + 1)
        for d in descs_in[ci]:
            d.wait()
        compute(ci)
        descs_out[ci] = start_out(ci)
    for ci in range(NCHUNK - NSLOT, NCHUNK):
        for d in descs_out[ci]:
            d.wait()


def kernel(x, pos_table):
    return _sc_pos_add(x, pos_table)

# --- scband reference (transcript-rebuilt; emitter-appended) ---
"""Pipeline reference for scband-positional-encoding-learnable-52836687675799 (READ-ONLY COPY).

The authoritative reference and input builder live on the scoring server;
editing this copy changes nothing except your own understanding.
"""

import jax, jax.numpy as jnp
import numpy as np

MAX_LEN = 8192
NUM_FEATURES = 1024

def setup_inputs(seed: int = 0) -> dict:
    key = jax.random.key(seed)
    k1, k2 = jax.random.split(key)
    x = jax.random.normal(k1, (4, 4096, 1024), dtype=jnp.float32)
    # learned positional embedding table, matches nn.Embedding(max_len, num_features) default init N(0,1)
    pos_table = jax.random.normal(k2, (MAX_LEN, NUM_FEATURES), dtype=jnp.float32)
    return {"x": x, "pos_table": pos_table}

def reference(x, pos_table):
    seq_len = x.shape[1]
    position = jnp.arange(0, seq_len, dtype=jnp.int32)[None, :]  # [1, S]
    encoding = jnp.take(pos_table, position, axis=0)             # [1, S, D] embedding lookup
    return x + encoding

if __name__ == "__main__":
    import jax
    _d = setup_inputs()
    print(jax.jit(kernel)(*tuple(_d.values())))

</pallas_src>

<mosaic_0001>
#map = affine_map<(d0, d1) -> (0, 0, 0)>
#map1 = affine_map<(d0, d1) -> (0, 0)>
module attributes {stable_mosaic.version = 14 : i64} {
  func.func @_sc_pos_add(%arg0: i32, %arg1: i32, %arg2: memref<4x4096x1024xf32, #tpu.memory_space<hbm>>, %arg3: memref<8192x1024xf32, #tpu.memory_space<hbm>>, %arg4: memref<4x4096x1024xf32, #tpu.memory_space<hbm>>, %arg5: memref<3x8x1024xf32, #tpu.memory_space<vmem>>, %arg6: memref<3x4x8x1024xf32, #tpu.memory_space<vmem>>, %arg7: memref<!tpu.dma_semaphore, #tpu.memory_space<semaphore_mem>>, %arg8: memref<!tpu.dma_semaphore, #tpu.memory_space<semaphore_mem>>, %arg9: memref<!tpu.dma_semaphore, #tpu.memory_space<semaphore_mem>>, %arg10: memref<!tpu.dma_semaphore, #tpu.memory_space<semaphore_mem>>, %arg11: memref<!tpu.dma_semaphore, #tpu.memory_space<semaphore_mem>>, %arg12: memref<!tpu.dma_semaphore, #tpu.memory_space<semaphore_mem>>) attributes {dimension_semantics = [#tpu.dimension_semantics<core_parallel>, #tpu.dimension_semantics<subcore_parallel>], iteration_bounds = array<i64: 2, 16>, scalar_prefetch = 0 : i64, scratch_operands = 8 : i64, tpu.core_type = #tpu.core_type<sc_vector_subcore>, window_params = [{transform_indices = #map}, {transform_indices = #map1}, {transform_indices = #map}]} {
    %mul3A = arith.constant 2 : i32
    %mul3A_0 = arith.muli %arg1, %mul3A : i32
    %add3A = arith.addi %mul3A_0, %arg0 : i32
    %mul3A_1 = arith.constant 128 : i32
    %mul3A_2 = arith.muli %add3A, %mul3A_1 : i32
    %add3A_3 = arith.constant 0 : i32
    %add3A_4 = arith.addi %mul3A_2, %add3A_3 : i32
    %dma_start3A = arith.constant 0 : i32
    %dma_start3A_5 = arith.constant 0 : i32
    %dma_start3A_6 = arith.constant 0 : i32
    %dma_start3A_7 = tpu.memref_slice %arg5[%dma_start3A, %dma_start3A_5, %dma_start3A_6] : memref<3x8x1024xf32, #tpu.memory_space<vmem>> -> memref<1x8x1024xf32, #tpu.memory_space<vmem>>
    %dma_start3A_8 = tpu.memref_squeeze %dma_start3A_7 : memref<1x8x1024xf32, #tpu.memory_space<vmem>> -> memref<8x1024xf32, #tpu.memory_space<vmem>>
    %dma_start3A_9 = arith.constant 0 : i32
    %dma_start3A_10 = tpu.memref_slice %arg3[%add3A_4, %dma_start3A_9] : memref<8192x1024xf32, #tpu.memory_space<hbm>> -> memref<8x1024xf32, #tpu.memory_space<hbm>>
    %dma_start3A_11 = arith.constant 0 : i32
    %dma_start3A_12 = arith.constant 0 : i32
    %dma_start3A_13 = tpu.memref_slice %arg5[%dma_start3A, %dma_start3A_11, %dma_start3A_12] : memref<3x8x1024xf32, #tpu.memory_space<vmem>> -> memref<1x8x1024xf32, #tpu.memory_space<vmem>>
    %dma_start3A_14 = tpu.memref_squeeze %dma_start3A_13 : memref<1x8x1024xf32, #tpu.memory_space<vmem>> -> memref<8x1024xf32, #tpu.memory_space<vmem>>
    %dma_start3A_15 = arith.constant 0 : i32
    %dma_start3A_16 = tpu.memref_slice %arg3[%add3A_4, %dma_start3A_15] : memref<8192x1024xf32, #tpu.memory_space<hbm>> -> memref<8x1024xf32, #tpu.memory_space<hbm>>
    tpu.enqueue_dma source(%dma_start3A_16 : memref<8x1024xf32, #tpu.memory_space<hbm>>) target(%dma_start3A_14 : memref<8x1024xf32, #tpu.memory_space<vmem>>) target_semaphore(%arg7 : memref<!tpu.dma_semaphore, #tpu.memory_space<semaphore_mem>>)
    %dma_start3A_17 = arith.constant 0 : i32
    %dma_start3A_18 = arith.constant 0 : i32
    %dma_start3A_19 = arith.constant 0 : i32
    %dma_start3A_20 = arith.constant 0 : i32
    %dma_start3A_21 = tpu.memref_slice %arg6[%dma_start3A_17, %dma_start3A_18, %dma_start3A_19, %dma_start3A_20] : memref<3x4x8x1024xf32, #tpu.memory_space<vmem>> -> memref<1x4x8x1024xf32, #tpu.memory_space<vmem>>
    %dma_start3A_22 = tpu.memref_squeeze %dma_start3A_21 : memref<1x4x8x1024xf32, #tpu.memory_space<vmem>> -> memref<4x8x1024xf32, #tpu.memory_space<vmem>>
    %dma_start3A_23 = arith.constant 0 : i32
    %dma_start3A_24 = arith.constant 0 : i32
    %dma_start3A_25 = tpu.memref_slice %arg2[%dma_start3A_23, %add3A_4, %dma_start3A_24] : memref<4x4096x1024xf32, #tpu.memory_space<hbm>> -> memref<4x8x1024xf32, #tpu.memory_space<hbm>>
    %dma_start3A_26 = arith.constant 0 : i32
    %dma_start3A_27 = arith.constant 0 : i32
    %dma_start3A_28 = arith.constant 0 : i32
    %dma_start3A_29 = tpu.memref_slice %arg6[%dma_start3A_17, %dma_start3A_26, %dma_start3A_27, %dma_start3A_28] : memref<3x4x8x1024xf32, #tpu.memory_space<vmem>> -> memref<1x4x8x1024xf32, #tpu.memory_space<vmem>>
    %dma_start3A_30 = tpu.memref_squeeze %dma_start3A_29 : memref<1x4x8x1024xf32, #tpu.memory_space<vmem>> -> memref<4x8x1024xf32, #tpu.memory_space<vmem>>
    %dma_start3A_31 = arith.constant 0 : i32
    %dma_start3A_32 = arith.constant 0 : i32
    %dma_start3A_33 = tpu.memref_slice %arg2[%dma_start3A_31, %add3A_4, %dma_start3A_32] : memref<4x4096x1024xf32, #tpu.memory_space<hbm>> -> memref<4x8x1024xf32, #tpu.memory_space<hbm>>
    tpu.enqueue_dma source(%dma_start3A_33 : memref<4x8x1024xf32, #tpu.memory_space<hbm>>) target(%dma_start3A_30 : memref<4x8x1024xf32, #tpu.memory_space<vmem>>) target_semaphore(%arg7 : memref<!tpu.dma_semaphore, #tpu.memory_space<semaphore_mem>>)
    %add3A_34 = arith.constant 8 : i32
    %add3A_35 = arith.addi %mul3A_2, %add3A_34 : i32
    %dma_start3A_36 = arith.constant 1 : i32
    %dma_start3A_37 = arith.constant 0 : i32
    %dma_start3A_38 = arith.constant 0 : i32
    %dma_start3A_39 = tpu.memref_slice %arg5[%dma_start3A_36, %dma_start3A_37, %dma_start3A_38] : memref<3x8x1024xf32, #tpu.memory_space<vmem>> -> memref<1x8x1024xf32, #tpu.memory_space<vmem>>
    %dma_start3A_40 = tpu.memref_squeeze %dma_start3A_39 : memref<1x8x1024xf32, #tpu.memory_space<vmem>> -> memref<8x1024xf32, #tpu.memory_space<vmem>>
    %dma_start3A_41 = arith.constant 0 : i32
    %dma_start3A_42 = tpu.memref_slice %arg3[%add3A_35, %dma_start3A_41] : memref<8192x1024xf32, #tpu.memory_space<hbm>> -> memref<8x1024xf32, #tpu.memory_space<hbm>>
    %dma_start3A_43 = arith.constant 0 : i32
    %dma_start3A_44 = arith.constant 0 : i32
    %dma_start3A_45 = tpu.memref_slice %arg5[%dma_start3A_36, %dma_start3A_43, %dma_start3A_44] : memref<3x8x1024xf32, #tpu.memory_space<vmem>> -> memref<1x8x1024xf32, #tpu.memory_space<vmem>>
    %dma_start3A_46 = tpu.memref_squeeze %dma_start3A_45 : memref<1x8x1024xf32, #tpu.memory_space<vmem>> -> memref<8x1024xf32, #tpu.memory_space<vmem>>
    %dma_start3A_47 = arith.constant 0 : i32
    %dma_start3A_48 = tpu.memref_slice %arg3[%add3A_35, %dma_start3A_47] : memref<8192x1024xf32, #tpu.memory_space<hbm>> -> memref<8x1024xf32, #tpu.memory_space<hbm>>
    tpu.enqueue_dma source(%dma_start3A_48 : memref<8x1024xf32, #tpu.memory_space<hbm>>) target(%dma_start3A_46 : memref<8x1024xf32, #tpu.memory_space<vmem>>) target_semaphore(%arg8 : memref<!tpu.dma_semaphore, #tpu.memory_space<semaphore_mem>>)
    %dma_start3A_49 = arith.constant 1 : i32
    %dma_start3A_50 = arith.constant 0 : i32
    %dma_start3A_51 = arith.constant 0 : i32
    %dma_start3A_52 = arith.constant 0 : i32
    %dma_start3A_53 = tpu.memref_slice %arg6[%dma_start3A_49, %dma_start3A_50, %dma_start3A_51, %dma_start3A_52] : memref<3x4x8x1024xf32, #tpu.memory_space<vmem>> -> memref<1x4x8x1024xf32, #tpu.memory_space<vmem>>
    %dma_start3A_54 = tpu.memref_squeeze %dma_start3A_53 : memref<1x4x8x1024xf32, #tpu.memory_space<vmem>> -> memref<4x8x1024xf32, #tpu.memory_space<vmem>>
    %dma_start3A_55 = arith.constant 0 : i32
    %dma_start3A_56 = arith.constant 0 : i32
    %dma_start3A_57 = tpu.memref_slice %arg2[%dma_start3A_55, %add3A_35, %dma_start3A_56] : memref<4x4096x1024xf32, #tpu.memory_space<hbm>> -> memref<4x8x1024xf32, #tpu.memory_space<hbm>>
    %dma_start3A_58 = arith.constant 0 : i32
    %dma_start3A_59 = arith.constant 0 : i32
    %dma_start3A_60 = arith.constant 0 : i32
    %dma_start3A_61 = tpu.memref_slice %arg6[%dma_start3A_49, %dma_start3A_58, %dma_start3A_59, %dma_start3A_60] : memref<3x4x8x1024xf32, #tpu.memory_space<vmem>> -> memref<1x4x8x1024xf32, #tpu.memory_space<vmem>>
    %dma_start3A_62 = tpu.memref_squeeze %dma_start3A_61 : memref<1x4x8x1024xf32, #tpu.memory_space<vmem>> -> memref<4x8x1024xf32, #tpu.memory_space<vmem>>
    %dma_start3A_63 = arith.constant 0 : i32
    %dma_start3A_64 = arith.constant 0 : i32
    %dma_start3A_65 = tpu.memref_slice %arg2[%dma_start3A_63, %add3A_35, %dma_start3A_64] : memref<4x4096x1024xf32, #tpu.memory_space<hbm>> -> memref<4x8x1024xf32, #tpu.memory_space<hbm>>
    tpu.enqueue_dma source(%dma_start3A_65 : memref<4x8x1024xf32, #tpu.memory_space<hbm>>) target(%dma_start3A_62 : memref<4x8x1024xf32, #tpu.memory_space<vmem>>) target_semaphore(%arg8 : memref<!tpu.dma_semaphore, #tpu.memory_space<semaphore_mem>>)
    %dma_wait3A = arith.constant 0 : i32
    %dma_wait3A_66 = arith.constant 0 : i32
    %dma_wait3A_67 = arith.constant 0 : i32
    %dma_wait3A_68 = tpu.memref_slice %arg5[%dma_wait3A, %dma_wait3A_66, %dma_wait3A_67] : memref<3x8x1024xf32, #tpu.memory_space<vmem>> -> memref<1x8x1024xf32, #tpu.memory_space<vmem>>
    %dma_wait3A_69 = tpu.memref_squeeze %dma_wait3A_68 : memref<1x8x1024xf32, #tpu.memory_space<vmem>> -> memref<8x1024xf32, #tpu.memory_space<vmem>>
    %dma_wait3A_70 = arith.constant 0 : i32
    %dma_wait3A_71 = tpu.memref_slice %arg3[%add3A_4, %dma_wait3A_70] : memref<8192x1024xf32, #tpu.memory_space<hbm>> -> memref<8x1024xf32, #tpu.memory_space<hbm>>
    %dma_wait3A_72 = arith.constant 0 : i32
    %dma_wait3A_73 = arith.constant 0 : i32
    %dma_wait3A_74 = tpu.memref_slice %arg5[%dma_wait3A, %dma_wait3A_72, %dma_wait3A_73] : memref<3x8x1024xf32, #tpu.memory_space<vmem>> -> memref<1x8x1024xf32, #tpu.memory_space<vmem>>
    %dma_wait3A_75 = tpu.memref_squeeze %dma_wait3A_74 : memref<1x8x1024xf32, #tpu.memory_space<vmem>> -> memref<8x1024xf32, #tpu.memory_space<vmem>>
    %dma_wait3A_76 = arith.constant 0 : i32
    %dma_wait3A_77 = tpu.memref_slice %arg3[%add3A_4, %dma_wait3A_76] : memref<8192x1024xf32, #tpu.memory_space<hbm>> -> memref<8x1024xf32, #tpu.memory_space<hbm>>
    tpu.wait_dma2 semaphore(%arg7 : memref<!tpu.dma_semaphore, #tpu.memory_space<semaphore_mem>>) src(%dma_wait3A_77 : memref<8x1024xf32, #tpu.memory_space<hbm>>) dst(%dma_wait3A_75 : memref<8x1024xf32, #tpu.memory_space<vmem>>)
    %dma_wait3A_78 = arith.constant 0 : i32
    %dma_wait3A_79 = arith.constant 0 : i32
    %dma_wait3A_80 = arith.constant 0 : i32
    %dma_wait3A_81 = arith.constant 0 : i32
    %dma_wait3A_82 = tpu.memref_slice %arg6[%dma_wait3A_78, %dma_wait3A_79, %dma_wait3A_80, %dma_wait3A_81] : memref<3x4x8x1024xf32, #tpu.memory_space<vmem>> -> memref<1x4x8x1024xf32, #tpu.memory_space<vmem>>
    %dma_wait3A_83 = tpu.memref_squeeze %dma_wait3A_82 : memref<1x4x8x1024xf32, #tpu.memory_space<vmem>> -> memref<4x8x1024xf32, #tpu.memory_space<vmem>>
    %dma_wait3A_84 = arith.constant 0 : i32
    %dma_wait3A_85 = arith.constant 0 : i32
    %dma_wait3A_86 = tpu.memref_slice %arg2[%dma_wait3A_84, %add3A_4, %dma_wait3A_85] : memref<4x4096x1024xf32, #tpu.memory_space<hbm>> -> memref<4x8x1024xf32, #tpu.memory_space<hbm>>
    %dma_wait3A_87 = arith.constant 0 : i32
    %dma_wait3A_88 = arith.constant 0 : i32
    %dma_wait3A_89 = arith.constant 0 : i32
    %dma_wait3A_90 = tpu.memref_slice %arg6[%dma_wait3A_78, %dma_wait3A_87, %dma_wait3A_88, %dma_wait3A_89] : memref<3x4x8x1024xf32, #tpu.memory_space<vmem>> -> memref<1x4x8x1024xf32, #tpu.memory_space<vmem>>
    %dma_wait3A_91 = tpu.memref_squeeze %dma_wait3A_90 : memref<1x4x8x1024xf32, #tpu.memory_space<vmem>> -> memref<4x8x1024xf32, #tpu.memory_space<vmem>>
    %dma_wait3A_92 = arith.constant 0 : i32
    %dma_wait3A_93 = arith.constant 0 : i32
    %dma_wait3A_94 = tpu.memref_slice %arg2[%dma_wait3A_92, %add3A_4, %dma_wait3A_93] : memref<4x4096x1024xf32, #tpu.memory_space<hbm>> -> memref<4x8x1024xf32, #tpu.memory_space<hbm>>
    tpu.wait_dma2 semaphore(%arg7 : memref<!tpu.dma_semaphore, #tpu.memory_space<semaphore_mem>>) src(%dma_wait3A_94 : memref<4x8x1024xf32, #tpu.memory_space<hbm>>) dst(%dma_wait3A_91 : memref<4x8x1024xf32, #tpu.memory_space<vmem>>)
    %scan3A = arith.constant 0 : i32
    %scan3A_95 = arith.constant 0 : i32
    %scan3A_96 = arith.constant 8 : i32
    %scan3A_97 = arith.addi %scan3A_95, %scan3A_96 : i32
    %scan3A_98 = arith.constant 1 : i32
    %scan3A_99 = scf.for %scan3A_1680 = %scan3A_95 to %scan3A_97 step %scan3A_98 iter_args(%scan3A_1681 = %scan3A) -> (i32)  : i32 {
      %parallel_loop3A = arith.constant 0 : i32
      %parallel_loop3A_1682 = arith.constant 1024 : i32
      %parallel_loop3A_1683 = arith.constant 16 : i32
      scf.for %parallel_loop3A_1685 = %parallel_loop3A to %parallel_loop3A_1682 step %parallel_loop3A_1683  : i32 {
        %parallel_loop3A_1686 = arith.constant 0 : i32
        %parallel_loop3A_1687 = arith.index_cast %parallel_loop3A_1686 : i32 to index
        %parallel_loop3A_1688 = arith.index_cast %scan3A_1680 : i32 to index
        %parallel_loop3A_1689 = arith.index_cast %parallel_loop3A_1685 : i32 to index
        %parallel_loop3A_1690 = tpu.vector_load %arg5[%parallel_loop3A_1687, %parallel_loop3A_1688, %parallel_loop3A_1689] {strides = array<i32>} : memref<3x8x1024xf32, #tpu.memory_space<vmem>>, vector<1x1x16xf32>,
        %parallel_loop3A_1691 = vector.shape_cast %parallel_loop3A_1690 : vector<1x1x16xf32> to vector<16xf32>
        %parallel_loop3A_1692 = arith.constant 0 : i32
        %parallel_loop3A_1693 = arith.constant 0 : i32
        %parallel_loop3A_1694 = arith.index_cast %parallel_loop3A_1692 : i32 to index
        %parallel_loop3A_1695 = arith.index_cast %parallel_loop3A_1693 : i32 to index
        %parallel_loop3A_1696 = arith.index_cast %scan3A_1680 : i32 to index
        %parallel_loop3A_1697 = arith.index_cast %parallel_loop3A_1685 : i32 to index
        %parallel_loop3A_1698 = tpu.vector_load %arg6[%parallel_loop3A_1694, %parallel_loop3A_1695, %parallel_loop3A_1696, %parallel_loop3A_1697] {strides = array<i32>} : memref<3x4x8x1024xf32, #tpu.memory_space<vmem>>, vector<1x1x1x16xf32>,
        %parallel_loop3A_1699 = vector.shape_cast %parallel_loop3A_1698 : vector<1x1x1x16xf32> to vector<16xf32>
        %parallel_loop3A_1700 = vector.shape_cast %parallel_loop3A_1691 : vector<16xf32> to vector<1x1x1x16xf32>
        tpu.vector_store %arg6[%parallel_loop3A_1694, %parallel_loop3A_1695, %parallel_loop3A_1696, %parallel_loop3A_1697], %parallel_loop3A_1700 {add = true, strides = array<i32>} : memref<3x4x8x1024xf32, #tpu.memory_space<vmem>>, vector<1x1x1x16xf32>,
        %parallel_loop3A_1701 = arith.constant 0 : i32
        %parallel_loop3A_1702 = arith.constant 1 : i32
        %parallel_loop3A_1703 = arith.index_cast %parallel_loop3A_1701 : i32 to index
        %parallel_loop3A_1704 = arith.index_cast %parallel_loop3A_1702 : i32 to index
        %parallel_loop3A_1705 = arith.index_cast %scan3A_1680 : i32 to index
        %parallel_loop3A_1706 = arith.index_cast %parallel_loop3A_1685 : i32 to index
        %parallel_loop3A_1707 = tpu.vector_load %arg6[%parallel_loop3A_1703, %parallel_loop3A_1704, %parallel_loop3A_1705, %parallel_loop3A_1706] {strides = array<i32>} : memref<3x4x8x1024xf32, #tpu.memory_space<vmem>>, vector<1x1x1x16xf32>,
        %parallel_loop3A_1708 = vector.shape_cast %parallel_loop3A_1707 : vector<1x1x1x16xf32> to vector<16xf32>
        %parallel_loop3A_1709 = vector.shape_cast %parallel_loop3A_1691 : vector<16xf32> to vector<1x1x1x16xf32>
        tpu.vector_store %arg6[%parallel_loop3A_1703, %parallel_loop3A_1704, %parallel_loop3A_1705, %parallel_loop3A_1706], %parallel_loop3A_1709 {add = true, strides = array<i32>} : memref<3x4x8x1024xf32, #tpu.memory_space<vmem>>, vector<1x1x1x16xf32>,
        %parallel_loop3A_1710 = arith.constant 0 : i32
        %parallel_loop3A_1711 = arith.constant 2 : i32
        %parallel_loop3A_1712 = arith.index_cast %parallel_loop3A_1710 : i32 to index
        %parallel_loop3A_1713 = arith.index_cast %parallel_loop3A_1711 : i32 to index
        %parallel_loop3A_1714 = arith.index_cast %scan3A_1680 : i32 to index
        %parallel_loop3A_1715 = arith.index_cast %parallel_loop3A_1685 : i32 to index
        %parallel_loop3A_1716 = tpu.vector_load %arg6[%parallel_loop3A_1712, %parallel_loop3A_1713, %parallel_loop3A_1714, %parallel_loop3A_1715] {strides = array<i32>} : memref<3x4x8x1024xf32, #tpu.memory_space<vmem>>, vector<1x1x1x16xf32>,
        %parallel_loop3A_1717 = vector.shape_cast %parallel_loop3A_1716 : vector<1x1x1x16xf32> to vector<16xf32>
        %parallel_loop3A_1718 = vector.shape_cast %parallel_loop3A_1691 : vector<16xf32> to vector<1x1x1x16xf32>
        tpu.vector_store %arg6[%parallel_loop3A_1712, %parallel_loop3A_1713, %parallel_loop3A_1714, %parallel_loop3A_1715], %parallel_loop3A_1718 {add = true, strides = array<i32>} : memref<3x4x8x1024xf32, #tpu.memory_space<vmem>>, vector<1x1x1x16xf32>,
        %parallel_loop3A_1719 = arith.constant 0 : i32
        %parallel_loop3A_1720 = arith.constant 3 : i32
        %parallel_loop3A_1721 = arith.index_cast %parallel_loop3A_1719 : i32 to index
        %parallel_loop3A_1722 = arith.index_cast %parallel_loop3A_1720 : i32 to index
        %parallel_loop3A_1723 = arith.index_cast %scan3A_1680 : i32 to index
        %parallel_loop3A_1724 = arith.index_cast %parallel_loop3A_1685 : i32 to index
        %parallel_loop3A_1725 = tpu.vector_load %arg6[%parallel_loop3A_1721, %parallel_loop3A_1722, %parallel_loop3A_1723, %parallel_loop3A_1724] {strides = array<i32>} : memref<3x4x8x1024xf32, #tpu.memory_space<vmem>>, vector<1x1x1x16xf32>,
        %parallel_loop3A_1726 = vector.shape_cast %parallel_loop3A_1725 : vector<1x1x1x16xf32> to vector<16xf32>
        %parallel_loop3A_1727 = vector.shape_cast %parallel_loop3A_1691 : vector<16xf32> to vector<1x1x1x16xf32>
        tpu.vector_store %arg6[%parallel_loop3A_1721, %parallel_loop3A_1722, %parallel_loop3A_1723, %parallel_loop3A_1724], %parallel_loop3A_1727 {add = true, strides = array<i32>} : memref<3x4x8x1024xf32, #tpu.memory_space<vmem>>, vector<1x1x1x16xf32>,
      } {sc.loop_unroll_factor = 8 : i64, sc.parallel_access}
      %scan3A_1684 = arith.constant 0 : i32
      scf.yield %scan3A_1684 : i32
    }
    %scan3A_100 = arith.constant 8 : i32
    %add3A_101 = arith.constant 0 : i32
    %add3A_102 = arith.addi %mul3A_2, %add3A_101 : i32
    %dma_start3A_103 = arith.constant 0 : i32
    %dma_start3A_104 = arith.constant 0 : i32
    %dma_start3A_105 = arith.constant 0 : i32
    %dma_start3A_106 = arith.constant 0 : i32
    %dma_start3A_107 = tpu.memref_slice %arg6[%dma_start3A_103, %dma_start3A_104, %dma_start3A_105, %dma_start3A_106] : memref<3x4x8x1024xf32, #tpu.memory_space<vmem>> -> memref<1x4x8x1024xf32, #tpu.memory_space<vmem>>
    %dma_start3A_108 = tpu.memref_squeeze %dma_start3A_107 : memref<1x4x8x1024xf32, #tpu.memory_space<vmem>> -> memref<4x8x1024xf32, #tpu.memory_space<vmem>>
    %dma_start3A_109 = arith.constant 0 : i32
    %dma_start3A_110 = arith.constant 0 : i32
    %dma_start3A_111 = tpu.memref_slice %arg4[%dma_start3A_109, %add3A_102, %dma_start3A_110] : memref<4x4096x1024xf32, #tpu.memory_space<hbm>> -> memref<4x8x1024xf32, #tpu.memory_space<hbm>>
    %dma_start3A_112 = arith.constant 0 : i32
    %dma_start3A_113 = arith.constant 0 : i32
    %dma_start3A_114 = tpu.memref_slice %arg4[%dma_start3A_112, %add3A_102, %dma_start3A_113] : memref<4x4096x1024xf32, #tpu.memory_space<hbm>> -> memref<4x8x1024xf32, #tpu.memory_space<hbm>>
    %dma_start3A_115 = arith.constant 0 : i32
    %dma_start3A_116 = arith.constant 0 : i32
    %dma_start3A_117 = arith.constant 0 : i32
    %dma_start3A_118 = tpu.memref_slice %arg6[%dma_start3A_103, %dma_start3A_115, %dma_start3A_116, %dma_start3A_117] : memref<3x4x8x1024xf32, #tpu.memory_space<vmem>> -> memref<1x4x8x1024xf32, #tpu.memory_space<vmem>>
    %dma_start3A_119 = tpu.memref_squeeze %dma_start3A_118 : memref<1x4x8x1024xf32, #tpu.memory_space<vmem>> -> memref<4x8x1024xf32, #tpu.memory_space<vmem>>
    tpu.enqueue_dma source(%dma_start3A_119 : memref<4x8x1024xf32, #tpu.memory_space<vmem>>) target(%dma_start3A_114 : memref<4x8x1024xf32, #tpu.memory_space<hbm>>) target_semaphore(%arg10 : memref<!tpu.dma_semaphore, #tpu.memory_space<semaphore_mem>>)
    %add3A_120 = arith.constant 16 : i32
    %add3A_121 = arith.addi %mul3A_2, %add3A_120 : i32
    %dma_start3A_122 = arith.constant 2 : i32
    %dma_start3A_123 = arith.constant 0 : i32
    %dma_start3A_124 = arith.constant 0 : i32
    %dma_start3A_125 = tpu.memref_slice %arg5[%dma_start3A_122, %dma_start3A_123, %dma_start3A_124] : memref<3x8x1024xf32, #tpu.memory_space<vmem>> -> memref<1x8x1024xf32, #tpu.memory_space<vmem>>
    %dma_start3A_126 = tpu.memref_squeeze %dma_start3A_125 : memref<1x8x1024xf32, #tpu.memory_space<vmem>> -> memref<8x1024xf32, #tpu.memory_space<vmem>>
    %dma_start3A_127 = arith.constant 0 : i32
    %dma_start3A_128 = tpu.memref_slice %arg3[%add3A_121, %dma_start3A_127] : memref<8192x1024xf32, #tpu.memory_space<hbm>> -> memref<8x1024xf32, #tpu.memory_space<hbm>>
    %dma_start3A_129 = arith.constant 0 : i32
    %dma_start3A_130 = arith.constant 0 : i32
    %dma_start3A_131 = tpu.memref_slice %arg5[%dma_start3A_122, %dma_start3A_129, %dma_start3A_130] : memref<3x8x1024xf32, #tpu.memory_space<vmem>> -> memref<1x8x1024xf32, #tpu.memory_space<vmem>>
    %dma_start3A_132 = tpu.memref_squeeze %dma_start3A_131 : memref<1x8x1024xf32, #tpu.memory_space<vmem>> -> memref<8x1024xf32, #tpu.memory_space<vmem>>
    %dma_start3A_133 = arith.constant 0 : i32
    %dma_start3A_134 = tpu.memref_slice %arg3[%add3A_121, %dma_start3A_133] : memref<8192x1024xf32, #tpu.memory_space<hbm>> -> memref<8x1024xf32, #tpu.memory_space<hbm>>
    tpu.enqueue_dma source(%dma_start3A_134 : memref<8x1024xf32, #tpu.memory_space<hbm>>) target(%dma_start3A_132 : memref<8x1024xf32, #tpu.memory_space<vmem>>) target_semaphore(%arg9 : memref<!tpu.dma_semaphore, #tpu.memory_space<semaphore_mem>>)
    %dma_start3A_135 = arith.constant 2 : i32
    %dma_start3A_136 = arith.constant 0 : i32
    %dma_start3A_137 = arith.constant 0 : i32
    %dma_start3A_138 = arith.constant 0 : i32
    %dma_start3A_139 = tpu.memref_slice %arg6[%dma_start3A_135, %dma_start3A_136, %dma_start3A_137, %dma_start3A_138] : memref<3x4x8x1024xf32, #tpu.memory_space<vmem>> -> memref<1x4x8x1024xf32, #tpu.memory_space<vmem>>
    %dma_start3A_140 = tpu.memref_squeeze %dma_start3A_139 : memref<1x4x8x1024xf32, #tpu.memory_space<vmem>> -> memref<4x8x1024xf32, #tpu.memory_space<vmem>>
    %dma_start3A_141 = arith.constant 0 : i32
    %dma_start3A_142 = arith.constant 0 : i32
    %dma_start3A_143 = tpu.memref_slice %arg2[%dma_start3A_141, %add3A_121, %dma_start3A_142] : memref<4x4096x1024xf32, #tpu.memory_space<hbm>> -> memref<4x8x1024xf32, #tpu.memory_space<hbm>>
    %dma_start3A_144 = arith.constant 0 : i32
    %dma_start3A_145 = arith.constant 0 : i32
    %dma_start3A_146 = arith.constant 0 : i32
    %dma_start3A_147 = tpu.memref_slice %arg6[%dma_start3A_135, %dma_start3A_144, %dma_start3A_145, %dma_start3A_146] : memref<3x4x8x1024xf32, #tpu.memory_space<vmem>> -> memref<1x4x8x1024xf32, #tpu.memory_space<vmem>>
    %dma_start3A_148 = tpu.memref_squeeze %dma_start3A_147 : memref<1x4x8x1024xf32, #tpu.memory_space<vmem>> -> memref<4x8x1024xf32, #tpu.memory_space<vmem>>
    %dma_start3A_149 = arith.constant 0 : i32
    %dma_start3A_150 = arith.constant 0 : i32
    %dma_start3A_151 = tpu.memref_slice %arg2[%dma_start3A_149, %add3A_121, %dma_start3A_150] : memref<4x4096x1024xf32, #tpu.memory_space<hbm>> -> memref<4x8x1024xf32, #tpu.memory_space<hbm>>
    tpu.enqueue_dma source(%dma_start3A_151 : memref<4x8x1024xf32, #tpu.memory_space<hbm>>) target(%dma_start3A_148 : memref<4x8x1024xf32, #tpu.memory_space<vmem>>) target_semaphore(%arg9 : memref<!tpu.dma_semaphore, #tpu.memory_space<semaphore_mem>>)
    %dma_wait3A_152 = arith.constant 1 : i32
    %dma_wait3A_153 = arith.constant 0 : i32
    %dma_wait3A_154 = arith.constant 0 : i32
    %dma_wait3A_155 = tpu.memref_slice %arg5[%dma_wait3A_152, %dma_wait3A_153, %dma_wait3A_154] : memref<3x8x1024xf32, #tpu.memory_space<vmem>> -> memref<1x8x1024xf32, #tpu.memory_space<vmem>>
    %dma_wait3A_156 = tpu.memref_squeeze %dma_wait3A_155 : memref<1x8x1024xf32, #tpu.memory_space<vmem>> -> memref<8x1024xf32, #tpu.memory_space<vmem>>
    %dma_wait3A_157 = arith.constant 0 : i32
    %dma_wait3A_158 = tpu.memref_slice %arg3[%add3A_35, %dma_wait3A_157] : memref<8192x1024xf32, #tpu.memory_space<hbm>> -> memref<8x1024xf32, #tpu.memory_space<hbm>>
    %dma_wait3A_159 = arith.constant 0 : i32
    %dma_wait3A_160 = arith.constant 0 : i32
    %dma_wait3A_161 = tpu.memref_slice %arg5[%dma_wait3A_152, %dma_wait3A_159, %dma_wait3A_160] : memref<3x8x1024xf32, #tpu.memory_space<vmem>> -> memref<1x8x1024xf32, #tpu.memory_space<vmem>>
    %dma_wait3A_162 = tpu.memref_squeeze %dma_wait3A_161 : memref<1x8x1024xf32, #tpu.memory_space<vmem>> -> memref<8x1024xf32, #tpu.memory_space<vmem>>
    %dma_wait3A_163 = arith.constant 0 : i32
    %dma_wait3A_164 = tpu.memref_slice %arg3[%add3A_35, %dma_wait3A_163] : memref<8192x1024xf32, #tpu.memory_space<hbm>> -> memref<8x1024xf32, #tpu.memory_space<hbm>>
    tpu.wait_dma2 semaphore(%arg8 : memref<!tpu.dma_semaphore, #tpu.memory_space<semaphore_mem>>) src(%dma_wait3A_164 : memref<8x1024xf32, #tpu.memory_space<hbm>>) dst(%dma_wait3A_162 : memref<8x1024xf32, #tpu.memory_space<vmem>>)
    %dma_wait3A_165 = arith.constant 1 : i32
    %dma_wait3A_166 = arith.constant 0 : i32
    %dma_wait3A_167 = arith.constant 0 : i32
    %dma_wait3A_168 = arith.constant 0 : i32
    %dma_wait3A_169 = tpu.memref_slice %arg6[%dma_wait3A_165, %dma_wait3A_166, %dma_wait3A_167, %dma_wait3A_168] : memref<3x4x8x1024xf32, #tpu.memory_space<vmem>> -> memref<1x4x8x1024xf32, #tpu.memory_space<vmem>>
    %dma_wait3A_170 = tpu.memref_squeeze %dma_wait3A_169 : memref<1x4x8x1024xf32, #tpu.memory_space<vmem>> -> memref<4x8x1024xf32, #tpu.memory_space<vmem>>
    %dma_wait3A_171 = arith.constant 0 : i32
    %dma_wait3A_172 = arith.constant 0 : i32
    %dma_wait3A_173 = tpu.memref_slice %arg2[%dma_wait3A_171, %add3A_35, %dma_wait3A_172] : memref<4x4096x1024xf32, #tpu.memory_space<hbm>> -> memref<4x8x1024xf32, #tpu.memory_space<hbm>>
    %dma_wait3A_174 = arith.constant 0 : i32
    %dma_wait3A_175 = arith.constant 0 : i32
    %dma_wait3A_176 = arith.constant 0 : i32
    %dma_wait3A_177 = tpu.memref_slice %arg6[%dma_wait3A_165, %dma_wait3A_174, %dma_wait3A_175, %dma_wait3A_176] : memref<3x4x8x1024xf32, #tpu.memory_space<vmem>> -> memref<1x4x8x1024xf32, #tpu.memory_space<vmem>>
    %dma_wait3A_178 = tpu.memref_squeeze %dma_wait3A_177 : memref<1x4x8x1024xf32, #tpu.memory_space<vmem>> -> memref<4x8x1024xf32, #tpu.memory_space<vmem>>
    %dma_wait3A_179 = arith.constant 0 : i32
    %dma_wait3A_180 = arith.constant 0 : i32
    %dma_wait3A_181 = tpu.memref_slice %arg2[%dma_wait3A_179, %add3A_35, %dma_wait3A_180] : memref<4x4096x1024xf32, #tpu.memory_space<hbm>> -> memref<4x8x1024xf32, #tpu.memory_space<hbm>>
    tpu.wait_dma2 semaphore(%arg8 : memref<!tpu.dma_semaphore, #tpu.memory_space<semaphore_mem>>) src(%dma_wait3A_181 : memref<4x8x1024xf32, #tpu.memory_space<hbm>>) dst(%dma_wait3A_178 : memref<4x8x1024xf32, #tpu.memory_space<vmem>>)
    %scan3A_182 = arith.constant 0 : i32
    %scan3A_183 = arith.constant 0 : i32
    %scan3A_184 = arith.constant 8 : i32
    %scan3A_185 = arith.addi %scan3A_183, %scan3A_184 : i32
    %scan3A_186 = arith.constant 1 : i32
    %scan3A_187 = scf.for %scan3A_1680 = %scan3A_183 to %scan3A_185 step %scan3A_186 iter_args(%scan3A_1681 = %scan3A_182) -> (i32)  : i32 {
      %parallel_loop3A = arith.constant 0 : i32
      %parallel_loop3A_1682 = arith.constant 1024 : i32
      %parallel_loop3A_1683 = arith.constant 16 : i32
      scf.for %parallel_loop3A_1685 = %parallel_loop3A to %parallel_loop3A_1682 step %parallel_loop3A_1683  : i32 {
        %parallel_loop3A_1686 = arith.constant 1 : i32
        %parallel_loop3A_1687 = arith.index_cast %parallel_loop3A_1686 : i32 to index
        %parallel_loop3A_1688 = arith.index_cast %scan3A_1680 : i32 to index
        %parallel_loop3A_1689 = arith.index_cast %parallel_loop3A_1685 : i32 to index
        %parallel_loop3A_1690 = tpu.vector_load %arg5[%parallel_loop3A_1687, %parallel_loop3A_1688, %parallel_loop3A_1689] {strides = array<i32>} : memref<3x8x1024xf32, #tpu.memory_space<vmem>>, vector<1x1x16xf32>,
        %parallel_loop3A_1691 = vector.shape_cast %parallel_loop3A_1690 : vector<1x1x16xf32> to vector<16xf32>
        %parallel_loop3A_1692 = arith.constant 1 : i32
        %parallel_loop3A_1693 = arith.constant 0 : i32
        %parallel_loop3A_1694 = arith.index_cast %parallel_loop3A_1692 : i32 to index
        %parallel_loop3A_1695 = arith.index_cast %parallel_loop3A_1693 : i32 to index
        %parallel_loop3A_1696 = arith.index_cast %scan3A_1680 : i32 to index
        %parallel_loop3A_1697 = arith.index_cast %parallel_loop3A_1685 : i32 to index
        %parallel_loop3A_1698 = tpu.vector_load %arg6[%parallel_loop3A_1694, %parallel_loop3A_1695, %parallel_loop3A_1696, %parallel_loop3A_1697] {strides = array<i32>} : memref<3x4x8x1024xf32, #tpu.memory_space<vmem>>, vector<1x1x1x16xf32>,
        %parallel_loop3A_1699 = vector.shape_cast %parallel_loop3A_1698 : vector<1x1x1x16xf32> to vector<16xf32>
        %parallel_loop3A_1700 = vector.shape_cast %parallel_loop3A_1691 : vector<16xf32> to vector<1x1x1x16xf32>
        tpu.vector_store %arg6[%parallel_loop3A_1694, %parallel_loop3A_1695, %parallel_loop3A_1696, %parallel_loop3A_1697], %parallel_loop3A_1700 {add = true, strides = array<i32>} : memref<3x4x8x1024xf32, #tpu.memory_space<vmem>>, vector<1x1x1x16xf32>,
        %parallel_loop3A_1701 = arith.constant 1 : i32
        %parallel_loop3A_1702 = arith.constant 1 : i32
        %parallel_loop3A_1703 = arith.index_cast %parallel_loop3A_1701 : i32 to index
        %parallel_loop3A_1704 = arith.index_cast %parallel_loop3A_1702 : i32 to index
        %parallel_loop3A_1705 = arith.index_cast %scan3A_1680 : i32 to index
        %parallel_loop3A_1706 = arith.index_cast %parallel_loop3A_1685 : i32 to index
        %parallel_loop3A_1707 = tpu.vector_load %arg6[%parallel_loop3A_1703, %parallel_loop3A_1704, %parallel_loop3A_1705, %parallel_loop3A_1706] {strides = array<i32>} : memref<3x4x8x1024xf32, #tpu.memory_space<vmem>>, vector<1x1x1x16xf32>,
        %parallel_loop3A_1708 = vector.shape_cast %parallel_loop3A_1707 : vector<1x1x1x16xf32> to vector<16xf32>
        %parallel_loop3A_1709 = vector.shape_cast %parallel_loop3A_1691 : vector<16xf32> to vector<1x1x1x16xf32>
        tpu.vector_store %arg6[%parallel_loop3A_1703, %parallel_loop3A_1704, %parallel_loop3A_1705, %parallel_loop3A_1706], %parallel_loop3A_1709 {add = true, strides = array<i32>} : memref<3x4x8x1024xf32, #tpu.memory_space<vmem>>, vector<1x1x1x16xf32>,
        %parallel_loop3A_1710 = arith.constant 1 : i32
        %parallel_loop3A_1711 = arith.constant 2 : i32
        %parallel_loop3A_1712 = arith.index_cast %parallel_loop3A_1710 : i32 to index
        %parallel_loop3A_1713 = arith.index_cast %parallel_loop3A_1711 : i32 to index
        %parallel_loop3A_1714 = arith.index_cast %scan3A_1680 : i32 to index
        %parallel_loop3A_1715 = arith.index_cast %parallel_loop3A_1685 : i32 to index
        %parallel_loop3A_1716 = tpu.vector_load %arg6[%parallel_loop3A_1712, %parallel_loop3A_1713, %parallel_loop3A_1714, %parallel_loop3A_1715] {strides = array<i32>} : memref<3x4x8x1024xf32, #tpu.memory_space<vmem>>, vector<1x1x1x16xf32>,
        %parallel_loop3A_1717 = vector.shape_cast %parallel_loop3A_1716 : vector<1x1x1x16xf32> to vector<16xf32>
        %parallel_loop3A_1718 = vector.shape_cast %parallel_loop3A_1691 : vector<16xf32> to vector<1x1x1x16xf32>
        tpu.vector_store %arg6[%parallel_loop3A_1712, %parallel_loop3A_1713, %parallel_loop3A_1714, %parallel_loop3A_1715], %parallel_loop3A_1718 {add = true, strides = array<i32>} : memref<3x4x8x1024xf32, #tpu.memory_space<vmem>>, vector<1x1x1x16xf32>,
        %parallel_loop3A_1719 = arith.constant 1 : i32
        %parallel_loop3A_1720 = arith.constant 3 : i32
        %parallel_loop3A_1721 = arith.index_cast %parallel_loop3A_1719 : i32 to index
        %parallel_loop3A_1722 = arith.index_cast %parallel_loop3A_1720 : i32 to index
        %parallel_loop3A_1723 = arith.index_cast %scan3A_1680 : i32 to index
        %parallel_loop3A_1724 = arith.index_cast %parallel_loop3A_1685 : i32 to index
        %parallel_loop3A_1725 = tpu.vector_load %arg6[%parallel_loop3A_1721, %parallel_loop3A_1722, %parallel_loop3A_1723, %parallel_loop3A_1724] {strides = array<i32>} : memref<3x4x8x1024xf32, #tpu.memory_space<vmem>>, vector<1x1x1x16xf32>,
        %parallel_loop3A_1726 = vector.shape_cast %parallel_loop3A_1725 : vector<1x1x1x16xf32> to vector<16xf32>
        %parallel_loop3A_1727 = vector.shape_cast %parallel_loop3A_1691 : vector<16xf32> to vector<1x1x1x16xf32>
        tpu.vector_store %arg6[%parallel_loop3A_1721, %parallel_loop3A_1722, %parallel_loop3A_1723, %parallel_loop3A_1724], %parallel_loop3A_1727 {add = true, strides = array<i32>} : memref<3x4x8x1024xf32, #tpu.memory_space<vmem>>, vector<1x1x1x16xf32>,
      } {sc.loop_unroll_factor = 8 : i64, sc.parallel_access}
      %scan3A_1684 = arith.constant 0 : i32
      scf.yield %scan3A_1684 : i32
    }
    %scan3A_188 = arith.constant 8 : i32
    %add3A_189 = arith.constant 8 : i32
    %add3A_190 = arith.addi %mul3A_2, %add3A_189 : i32
    %dma_start3A_191 = arith.constant 1 : i32
    %dma_start3A_192 = arith.constant 0 : i32
    %dma_start3A_193 = arith.constant 0 : i32
    %dma_start3A_194 = arith.constant 0 : i32
    %dma_start3A_195 = tpu.memref_slice %arg6[%dma_start3A_191, %dma_start3A_192, %dma_start3A_193, %dma_start3A_194] : memref<3x4x8x1024xf32, #tpu.memory_space<vmem>> -> memref<1x4x8x1024xf32, #tpu.memory_space<vmem>>
    %dma_start3A_196 = tpu.memref_squeeze %dma_start3A_195 : memref<1x4x8x1024xf32, #tpu.memory_space<vmem>> -> memref<4x8x1024xf32, #tpu.memory_space<vmem>>
    %dma_start3A_197 = arith.constant 0 : i32
    %dma_start3A_198 = arith.constant 0 : i32
    %dma_start3A_199 = tpu.memref_slice %arg4[%dma_start3A_197, %add3A_190, %dma_start3A_198] : memref<4x4096x1024xf32, #tpu.memory_space<hbm>> -> memref<4x8x1024xf32, #tpu.memory_space<hbm>>
    %dma_start3A_200 = arith.constant 0 : i32
    %dma_start3A_201 = arith.constant 0 : i32
    %dma_start3A_202 = tpu.memref_slice %arg4[%dma_start3A_200, %add3A_190, %dma_start3A_201] : memref<4x4096x1024xf32, #tpu.memory_space<hbm>> -> memref<4x8x1024xf32, #tpu.memory_space<hbm>>
    %dma_start3A_203 = arith.constant 0 : i32
    %dma_start3A_204 = arith.constant 0 : i32
    %dma_start3A_205 = arith.constant 0 : i32
    %dma_start3A_206 = tpu.memref_slice %arg6[%dma_start3A_191, %dma_start3A_203, %dma_start3A_204, %dma_start3A_205] : memref<3x4x8x1024xf32, #tpu.memory_space<vmem>> -> memref<1x4x8x1024xf32, #tpu.memory_space<vmem>>
    %dma_start3A_207 = tpu.memref_squeeze %dma_start3A_206 : memref<1x4x8x1024xf32, #tpu.memory_space<vmem>> -> memref<4x8x1024xf32, #tpu.memory_space<vmem>>
    tpu.enqueue_dma source(%dma_start3A_207 : memref<4x8x1024xf32, #tpu.memory_space<vmem>>) target(%dma_start3A_202 : memref<4x8x1024xf32, #tpu.memory_space<hbm>>) target_semaphore(%arg11 : memref<!tpu.dma_semaphore, #tpu.memory_space<semaphore_mem>>)
    %dma_wait3A_208 = arith.constant 0 : i32
    %dma_wait3A_209 = arith.constant 0 : i32
    %dma_wait3A_210 = arith.constant 0 : i32
    %dma_wait3A_211 = arith.constant 0 : i32
    %dma_wait3A_212 = tpu.memref_slice %arg6[%dma_wait3A_208, %dma_wait3A_209, %dma_wait3A_210, %dma_wait3A_211] : memref<3x4x8x1024xf32, #tpu.memory_space<vmem>> -> memref<1x4x8x1024xf32, #tpu.memory_space<vmem>>
    %dma_wait3A_213 = tpu.memref_squeeze %dma_wait3A_212 : memref<1x4x8x1024xf32, #tpu.memory_space<vmem>> -> memref<4x8x1024xf32, #tpu.memory_space<vmem>>
    %dma_wait3A_214 = arith.constant 0 : i32
    %dma_wait3A_215 = arith.constant 0 : i32
    %dma_wait3A_216 = tpu.memref_slice %arg4[%dma_wait3A_214, %add3A_102, %dma_wait3A_215] : memref<4x4096x1024xf32, #tpu.memory_space<hbm>> -> memref<4x8x1024xf32, #tpu.memory_space<hbm>>
    %dma_wait3A_217 = arith.constant 0 : i32
    %dma_wait3A_218 = arith.constant 0 : i32
    %dma_wait3A_219 = tpu.memref_slice %arg4[%dma_wait3A_217, %add3A_102, %dma_wait3A_218] : memref<4x4096x1024xf32, #tpu.memory_space<hbm>> -> memref<4x8x1024xf32, #tpu.memory_space<hbm>>
    %dma_wait3A_220 = arith.constant 0 : i32
    %dma_wait3A_221 = arith.constant 0 : i32
    %dma_wait3A_222 = arith.constant 0 : i32
    %dma_wait3A_223 = tpu.memref_slice %arg6[%dma_wait3A_208, %dma_wait3A_220, %dma_wait3A_221, %dma_wait3A_222] : memref<3x4x8x1024xf32, #tpu.memory_space<vmem>> -> memref<1x4x8x1024xf32, #tpu.memory_space<vmem>>
    %dma_wait3A_224 = tpu.memref_squeeze %dma_wait3A_223 : memref<1x4x8x1024xf32, #tpu.memory_space<vmem>> -> memref<4x8x1024xf32, #tpu.memory_space<vmem>>
    tpu.wait_dma2 semaphore(%arg10 : memref<!tpu.dma_semaphore, #tpu.memory_space<semaphore_mem>>) src(%dma_wait3A_224 : memref<4x8x1024xf32, #tpu.memory_space<vmem>>) dst(%dma_wait3A_219 : memref<4x8x1024xf32, #tpu.memory_space<hbm>>)
    %add3A_225 = arith.constant 24 : i32
    %add3A_226 = arith.addi %mul3A_2, %add3A_225 : i32
    %dma_start3A_227 = arith.constant 0 : i32
    %dma_start3A_228 = arith.constant 0 : i32
    %dma_start3A_229 = arith.constant 0 : i32
    %dma_start3A_230 = tpu.memref_slice %arg5[%dma_start3A_227, %dma_start3A_228, %dma_start3A_229] : memref<3x8x1024xf32, #tpu.memory_space<vmem>> -> memref<1x8x1024xf32, #tpu.memory_space<vmem>>
    %dma_start3A_231 = tpu.memref_squeeze %dma_start3A_230 : memref<1x8x1024xf32, #tpu.memory_space<vmem>> -> memref<8x1024xf32, #tpu.memory_space<vmem>>
    %dma_start3A_232 = arith.constant 0 : i32
    %dma_start3A_233 = tpu.memref_slice %arg3[%add3A_226, %dma_start3A_232] : memref<8192x1024xf32, #tpu.memory_space<hbm>> -> memref<8x1024xf32, #tpu.memory_space<hbm>>
    %dma_start3A_234 = arith.constant 0 : i32
    %dma_start3A_235 = arith.constant 0 : i32
    %dma_start3A_236 = tpu.memref_slice %arg5[%dma_start3A_227, %dma_start3A_234, %dma_start3A_235] : memref<3x8x1024xf32, #tpu.memory_space<vmem>> -> memref<1x8x1024xf32, #tpu.memory_space<vmem>>
    %dma_start3A_237 = tpu.memref_squeeze %dma_start3A_236 : memref<1x8x1024xf32, #tpu.memory_space<vmem>> -> memref<8x1024xf32, #tpu.memory_space<vmem>>
    %dma_start3A_238 = arith.constant 0 : i32
    %dma_start3A_239 = tpu.memref_slice %arg3[%add3A_226, %dma_start3A_238] : memref<8192x1024xf32, #tpu.memory_space<hbm>> -> memref<8x1024xf32, #tpu.memory_space<hbm>>
    tpu.enqueue_dma source(%dma_start3A_239 : memref<8x1024xf32, #tpu.memory_space<hbm>>) target(%dma_start3A_237 : memref<8x1024xf32, #tpu.memory_space<vmem>>) target_semaphore(%arg7 : memref<!tpu.dma_semaphore, #tpu.memory_space<semaphore_mem>>)
    %dma_start3A_240 = arith.constant 0 : i32
    %dma_start3A_241 = arith.constant 0 : i32
    %dma_start3A_242 = arith.constant 0 : i32
    %dma_start3A_243 = arith.constant 0 : i32
    %dma_start3A_244 = tpu.memref_slice %arg6[%dma_start3A_240, %dma_start3A_241, %dma_start3A_242, %dma_start3A_243] : memref<3x4x8x1024xf32, #tpu.memory_space<vmem>> -> memref<1x4x8x1024xf32, #tpu.memory_space<vmem>>
    %dma_start3A_245 = tpu.memref_squeeze %dma_start3A_244 : memref<1x4x8x1024xf32, #tpu.memory_space<vmem>> -> memref<4x8x1024xf32, #tpu.memory_space<vmem>>
    %dma_start3A_246 = arith.constant 0 : i32
    %dma_start3A_247 = arith.constant 0 : i32
    %dma_start3A_248 = tpu.memref_slice %arg2[%dma_start3A_246, %add3A_226, %dma_start3A_247] : memref<4x4096x1024xf32, #tpu.memory_space<hbm>> -> memref<4x8x1024xf32, #tpu.memory_space<hbm>>
    %dma_start3A_249 = arith.constant 0 : i32
    %dma_start3A_250 = arith.constant 0 : i32
    %dma_start3A_251 = arith.constant 0 : i32
    %dma_start3A_252 = tpu.memref_slice %arg6[%dma_start3A_240, %dma_start3A_249, %dma_start3A_250, %dma_start3A_251] : memref<3x4x8x1024xf32, #tpu.memory_space<vmem>> -> memref<1x4x8x1024xf32, #tpu.memory_space<vmem>>
    %dma_start3A_253 = tpu.memref_squeeze %dma_start3A_252 : memref<1x4x8x1024xf32, #tpu.memory_space<vmem>> -> memref<4x8x1024xf32, #tpu.memory_space<vmem>>
    %dma_start3A_254 = arith.constant 0 : i32
    %dma_start3A_255 = arith.constant 0 : i32
    %dma_start3A_256 = tpu.memref_slice %arg2[%dma_start3A_254, %add3A_226, %dma_start3A_255] : memref<4x4096x1024xf32, #tpu.memory_space<hbm>> -> memref<4x8x1024xf32, #tpu.memory_space<hbm>>
    tpu.enqueue_dma source(%dma_start3A_256 : memref<4x8x1024xf32, #tpu.memory_space<hbm>>) target(%dma_start3A_253 : memref<4x8x1024xf32, #tpu.memory_space<vmem>>) target_semaphore(%arg7 : memref<!tpu.dma_semaphore, #tpu.memory_space<semaphore_mem>>)
    %dma_wait3A_257 = arith.constant 2 : i32
    %dma_wait3A_258 = arith.constant 0 : i32
    %dma_wait3A_259 = arith.constant 0 : i32
    %dma_wait3A_260 = tpu.memref_slice %arg5[%dma_wait3A_257, %dma_wait3A_258, %dma_wait3A_259] : memref<3x8x1024xf32, #tpu.memory_space<vmem>> -> memref<1x8x1024xf32, #tpu.memory_space<vmem>>
    %dma_wait3A_261 = tpu.memref_squeeze %dma_wait3A_260 : memref<1x8x1024xf32, #tpu.memory_space<vmem>> -> memref<8x1024xf32, #tpu.memory_space<vmem>>
    %dma_wait3A_262 = arith.constant 0 : i32
    %dma_wait3A_263 = tpu.memref_slice %arg3[%add3A_121, %dma_wait3A_262] : memref<8192x1024xf32, #tpu.memory_space<hbm>> -> memref<8x1024xf32, #tpu.memory_space<hbm>>
    %dma_wait3A_264 = arith.constant 0 : i32
    %dma_wait3A_265 = arith.constant 0 : i32
    %dma_wait3A_266 = tpu.memref_slice %arg5[%dma_wait3A_257, %dma_wait3A_264, %dma_wait3A_265] : memref<3x8x1024xf32, #tpu.memory_space<vmem>> -> memref<1x8x1024xf32, #tpu.memory_space<vmem>>
    %dma_wait3A_267 = tpu.memref_squeeze %dma_wait3A_266 : memref<1x8x1024xf32, #tpu.memory_space<vmem>> -> memref<8x1024xf32, #tpu.memory_space<vmem>>
    %dma_wait3A_268 = arith.constant 0 : i32
    %dma_wait3A_269 = tpu.memref_slice %arg3[%add3A_121, %dma_wait3A_268] : memref<8192x1024xf32, #tpu.memory_space<hbm>> -> memref<8x1024xf32, #tpu.memory_space<hbm>>
    tpu.wait_dma2 semaphore(%arg9 : memref<!tpu.dma_semaphore, #tpu.memory_space<semaphore_mem>>) src(%dma_wait3A_269 : memref<8x1024xf32, #tpu.memory_space<hbm>>) dst(%dma_wait3A_267 : memref<8x1024xf32, #tpu.memory_space<vmem>>)
    %dma_wait3A_270 = arith.constant 2 : i32
    %dma_wait3A_271 = arith.constant 0 : i32
    %dma_wait3A_272 = arith.constant 0 : i32
    %dma_wait3A_273 = arith.constant 0 : i32
    %dma_wait3A_274 = tpu.memref_slice %arg6[%dma_wait3A_270, %dma_wait3A_271, %dma_wait3A_272, %dma_wait3A_273] : memref<3x4x8x1024xf32, #tpu.memory_space<vmem>> -> memref<1x4x8x1024xf32, #tpu.memory_space<vmem>>
    %dma_wait3A_275 = tpu.memref_squeeze %dma_wait3A_274 : memref<1x4x8x1024xf32, #tpu.memory_space<vmem>> -> memref<4x8x1024xf32, #tpu.memory_space<vmem>>
    %dma_wait3A_276 = arith.constant 0 : i32
    %dma_wait3A_277 = arith.constant 0 : i32
    %dma_wait3A_278 = tpu.memref_slice %arg2[%dma_wait3A_276, %add3A_121, %dma_wait3A_277] : memref<4x4096x1024xf32, #tpu.memory_space<hbm>> -> memref<4x8x1024xf32, #tpu.memory_space<hbm>>
    %dma_wait3A_279 = arith.constant 0 : i32
    %dma_wait3A_280 = arith.constant 0 : i32
    %dma_wait3A_281 = arith.constant 0 : i32
    %dma_wait3A_282 = tpu.memref_slice %arg6[%dma_wait3A_270, %dma_wait3A_279, %dma_wait3A_280, %dma_wait3A_281] : memref<3x4x8x1024xf32, #tpu.memory_space<vmem>> -> memref<1x4x8x1024xf32, #tpu.memory_space<vmem>>
    %dma_wait3A_283 = tpu.memref_squeeze %dma_wait3A_282 : memref<1x4x8x1024xf32, #tpu.memory_space<vmem>> -> memref<4x8x1024xf32, #tpu.memory_space<vmem>>
    %dma_wait3A_284 = arith.constant 0 : i32
    %dma_wait3A_285 = arith.constant 0 : i32
    %dma_wait3A_286 = tpu.memref_slice %arg2[%dma_wait3A_284, %add3A_121, %dma_wait3A_285] : memref<4x4096x1024xf32, #tpu.memory_space<hbm>> -> memref<4x8x1024xf32, #tpu.memory_space<hbm>>
    tpu.wait_dma2 semaphore(%arg9 : memref<!tpu.dma_semaphore, #tpu.memory_space<semaphore_mem>>) src(%dma_wait3A_286 : memref<4x8x1024xf32, #tpu.memory_space<hbm>>) dst(%dma_wait3A_283 : memref<4x8x1024xf32, #tpu.memory_space<vmem>>)
    %scan3A_287 = arith.constant 0 : i32
    %scan3A_288 = arith.constant 0 : i32
    %scan3A_289 = arith.constant 8 : i32
    %scan3A_290 = arith.addi %scan3A_288, %scan3A_289 : i32
    %scan3A_291 = arith.constant 1 : i32
    %scan3A_292 = scf.for %scan3A_1680 = %scan3A_288 to %scan3A_290 step %scan3A_291 iter_args(%scan3A_1681 = %scan3A_287) -> (i32)  : i32 {
      %parallel_loop3A = arith.constant 0 : i32
      %parallel_loop3A_1682 = arith.constant 1024 : i32
      %parallel_loop3A_1683 = arith.constant 16 : i32
      scf.for %parallel_loop3A_1685 = %parallel_loop3A to %parallel_loop3A_1682 step %parallel_loop3A_1683  : i32 {
        %parallel_loop3A_1686 = arith.constant 2 : i32
        %parallel_loop3A_1687 = arith.index_cast %parallel_loop3A_1686 : i32 to index
        %parallel_loop3A_1688 = arith.index_cast %scan3A_1680 : i32 to index
        %parallel_loop3A_1689 = arith.index_cast %parallel_loop3A_1685 : i32 to index
        %parallel_loop3A_1690 = tpu.vector_load %arg5[%parallel_loop3A_1687, %parallel_loop3A_1688, %parallel_loop3A_1689] {strides = array<i32>} : memref<3x8x1024xf32, #tpu.memory_space<vmem>>, vector<1x1x16xf32>,
        %parallel_loop3A_1691 = vector.shape_cast %parallel_loop3A_1690 : vector<1x1x16xf32> to vector<16xf32>
        %parallel_loop3A_1692 = arith.constant 2 : i32
        %parallel_loop3A_1693 = arith.constant 0 : i32
        %parallel_loop3A_1694 = arith.index_cast %parallel_loop3A_1692 : i32 to index
        %parallel_loop3A_1695 = arith.index_cast %parallel_loop3A_1693 : i32 to index
        %parallel_loop3A_1696 = arith.index_cast %scan3A_1680 : i32 to index
        %parallel_loop3A_1697 = arith.index_cast %parallel_loop3A_1685 : i32 to index
        %parallel_loop3A_1698 = tpu.vector_load %arg6[%parallel_loop3A_1694, %parallel_loop3A_1695, %parallel_loop3A_1696, %parallel_loop3A_1697] {strides = array<i32>} : memref<3x4x8x1024xf32, #tpu.memory_space<vmem>>, vector<1x1x1x16xf32>,
        %parallel_loop3A_1699 = vector.shape_cast %parallel_loop3A_1698 : vector<1x1x1x16xf32> to vector<16xf32>
        %parallel_loop3A_1700 = vector.shape_cast %parallel_loop3A_1691 : vector<16xf32> to vector<1x1x1x16xf32>
        tpu.vector_store %arg6[%parallel_loop3A_1694, %parallel_loop3A_1695, %parallel_loop3A_1696, %parallel_loop3A_1697], %parallel_loop3A_1700 {add = true, strides = array<i32>} : memref<3x4x8x1024xf32, #tpu.memory_space<vmem>>, vector<1x1x1x16xf32>,
        %parallel_loop3A_1701 = arith.constant 2 : i32
        %parallel_loop3A_1702 = arith.constant 1 : i32
        %parallel_loop3A_1703 = arith.index_cast %parallel_loop3A_1701 : i32 to index
        %parallel_loop3A_1704 = arith.index_cast %parallel_loop3A_1702 : i32 to index
        %parallel_loop3A_1705 = arith.index_cast %scan3A_1680 : i32 to index
        %parallel_loop3A_1706 = arith.index_cast %parallel_loop3A_1685 : i32 to index
        %parallel_loop3A_1707 = tpu.vector_load %arg6[%parallel_loop3A_1703, %parallel_loop3A_1704, %parallel_loop3A_1705, %parallel_loop3A_1706] {strides = array<i32>} : memref<3x4x8x1024xf32, #tpu.memory_space<vmem>>, vector<1x1x1x16xf32>,
        %parallel_loop3A_1708 = vector.shape_cast %parallel_loop3A_1707 : vector<1x1x1x16xf32> to vector<16xf32>
        %parallel_loop3A_1709 = vector.shape_cast %parallel_loop3A_1691 : vector<16xf32> to vector<1x1x1x16xf32>
        tpu.vector_store %arg6[%parallel_loop3A_1703, %parallel_loop3A_1704, %parallel_loop3A_1705, %parallel_loop3A_1706], %parallel_loop3A_1709 {add = true, strides = array<i32>} : memref<3x4x8x1024xf32, #tpu.memory_space<vmem>>, vector<1x1x1x16xf32>,
        %parallel_loop3A_1710 = arith.constant 2 : i32
        %parallel_loop3A_1711 = arith.constant 2 : i32
        %parallel_loop3A_1712 = arith.index_cast %parallel_loop3A_1710 : i32 to index
        %parallel_loop3A_1713 = arith.index_cast %parallel_loop3A_1711 : i32 to index
        %parallel_loop3A_1714 = arith.index_cast %scan3A_1680 : i32 to index
        %parallel_loop3A_1715 = arith.index_cast %parallel_loop3A_1685 : i32 to index
        %parallel_loop3A_1716 = tpu.vector_load %arg6[%parallel_loop3A_1712, %parallel_loop3A_1713, %parallel_loop3A_1714, %parallel_loop3A_1715] {strides = array<i32>} : memref<3x4x8x1024xf32, #tpu.memory_space<vmem>>, vector<1x1x1x16xf32>,
        %parallel_loop3A_1717 = vector.shape_cast %parallel_loop3A_1716 : vector<1x1x1x16xf32> to vector<16xf32>
        %parallel_loop3A_1718 = vector.shape_cast %parallel_loop3A_1691 : vector<16xf32> to vector<1x1x1x16xf32>
        tpu.vector_store %arg6[%parallel_loop3A_1712, %parallel_loop3A_1713, %parallel_loop3A_1714, %parallel_loop3A_1715], %parallel_loop3A_1718 {add = true, strides = array<i32>} : memref<3x4x8x1024xf32, #tpu.memory_space<vmem>>, vector<1x1x1x16xf32>,
        %parallel_loop3A_1719 = arith.constant 2 : i32
        %parallel_loop3A_1720 = arith.constant 3 : i32
        %parallel_loop3A_1721 = arith.index_cast %parallel_loop3A_1719 : i32 to index
        %parallel_loop3A_1722 = arith.index_cast %parallel_loop3A_1720 : i32 to index
        %parallel_loop3A_1723 = arith.index_cast %scan3A_1680 : i32 to index
        %parallel_loop3A_1724 = arith.index_cast %parallel_loop3A_1685 : i32 to index
        %parallel_loop3A_1725 = tpu.vector_load %arg6[%parallel_loop3A_1721, %parallel_loop3A_1722, %parallel_loop3A_1723, %parallel_loop3A_1724] {strides = array<i32>} : memref<3x4x8x1024xf32, #tpu.memory_space<vmem>>, vector<1x1x1x16xf32>,
        %parallel_loop3A_1726 = vector.shape_cast %parallel_loop3A_1725 : vector<1x1x1x16xf32> to vector<16xf32>
        %parallel_loop3A_1727 = vector.shape_cast %parallel_loop3A_1691 : vector<16xf32> to vector<1x1x1x16xf32>
        tpu.vector_store %arg6[%parallel_loop3A_1721, %parallel_loop3A_1722, %parallel_loop3A_1723, %parallel_loop3A_1724], %parallel_loop3A_1727 {add = true, strides = array<i32>} : memref<3x4x8x1024xf32, #tpu.memory_space<vmem>>, vector<1x1x1x16xf32>,
      } {sc.loop_unroll_factor = 8 : i64, sc.parallel_access}
      %scan3A_1684 = arith.constant 0 : i32
      scf.yield %scan3A_1684 : i32
    }
    %scan3A_293 = arith.constant 8 : i32
    %add3A_294 = arith.constant 16 : i32
    %add3A_295 = arith.addi %mul3A_2, %add3A_294 : i32
    %dma_start3A_296 = arith.constant 2 : i32
    %dma_start3A_297 = arith.constant 0 : i32
    %dma_start3A_298 = arith.constant 0 : i32
    %dma_start3A_299 = arith.constant 0 : i32
    %dma_start3A_300 = tpu.memref_slice %arg6[%dma_start3A_296, %dma_start3A_297, %dma_start3A_298, %dma_start3A_299] : memref<3x4x8x1024xf32, #tpu.memory_space<vmem>> -> memref<1x4x8x1024xf32, #tpu.memory_space<vmem>>
    %dma_start3A_301 = tpu.memref_squeeze %dma_start3A_300 : memref<1x4x8x1024xf32, #tpu.memory_space<vmem>> -> memref<4x8x1024xf32, #tpu.memory_space<vmem>>
    %dma_start3A_302 = arith.constant 0 : i32
    %dma_start3A_303 = arith.constant 0 : i32
    %dma_start3A_304 = tpu.memref_slice %arg4[%dma_start3A_302, %add3A_295, %dma_start3A_303] : memref<4x4096x1024xf32, #tpu.memory_space<hbm>> -> memref<4x8x1024xf32, #tpu.memory_space<hbm>>
    %dma_start3A_305 = arith.constant 0 : i32
    %dma_start3A_306 = arith.constant 0 : i32
    %dma_start3A_307 = tpu.memref_slice %arg4[%dma_start3A_305, %add3A_295, %dma_start3A_306] : memref<4x4096x1024xf32, #tpu.memory_space<hbm>> -> memref<4x8x1024xf32, #tpu.memory_space<hbm>>
    %dma_start3A_308 = arith.constant 0 : i32
    %dma_start3A_309 = arith.constant 0 : i32
    %dma_start3A_310 = arith.constant 0 : i32
    %dma_start3A_311 = tpu.memref_slice %arg6[%dma_start3A_296, %dma_start3A_308, %dma_start3A_309, %dma_start3A_310] : memref<3x4x8x1024xf32, #tpu.memory_space<vmem>> -> memref<1x4x8x1024xf32, #tpu.memory_space<vmem>>
    %dma_start3A_312 = tpu.memref_squeeze %dma_start3A_311 : memref<1x4x8x1024xf32, #tpu.memory_space<vmem>> -> memref<4x8x1024xf32, #tpu.memory_space<vmem>>
    tpu.enqueue_dma source(%dma_start3A_312 : memref<4x8x1024xf32, #tpu.memory_space<vmem>>) target(%dma_start3A_307 : memref<4x8x1024xf32, #tpu.memory_space<hbm>>) target_semaphore(%arg12 : memref<!tpu.dma_semaphore, #tpu.memory_space<semaphore_mem>>)
    %dma_wait3A_313 = arith.constant 1 : i32
    %dma_wait3A_314 = arith.constant 0 : i32
    %dma_wait3A_315 = arith.constant 0 : i32
    %dma_wait3A_316 = arith.constant 0 : i32
    %dma_wait3A_317 = tpu.memref_slice %arg6[%dma_wait3A_313, %dma_wait3A_314, %dma_wait3A_315, %dma_wait3A_316] : memref<3x4x8x1024xf32, #tpu.memory_space<vmem>> -> memref<1x4x8x1024xf32, #tpu.memory_space<vmem>>
    %dma_wait3A_318 = tpu.memref_squeeze %dma_wait3A_317 : memref<1x4x8x1024xf32, #tpu.memory_space<vmem>> -> memref<4x8x1024xf32, #tpu.memory_space<vmem>>
    %dma_wait3A_319 = arith.constant 0 : i32
    %dma_wait3A_320 = arith.constant 0 : i32
    %dma_wait3A_321 = tpu.memref_slice %arg4[%dma_wait3A_319, %add3A_190, %dma_wait3A_320] : memref<4x4096x1024xf32, #tpu.memory_space<hbm>> -> memref<4x8x1024xf32, #tpu.memory_space<hbm>>
    %dma_wait3A_322 = arith.constant 0 : i32
    %dma_wait3A_323 = arith.constant 0 : i32
    %dma_wait3A_324 = tpu.memref_slice %arg4[%dma_wait3A_322, %add3A_190, %dma_wait3A_323] : memref<4x4096x1024xf32, #tpu.memory_space<hbm>> -> memref<4x8x1024xf32, #tpu.memory_space<hbm>>
    %dma_wait3A_325 = arith.constant 0 : i32
    %dma_wait3A_326 = arith.constant 0 : i32
    %dma_wait3A_327 = arith.constant 0 : i32
    %dma_wait3A_328 = tpu.memref_slice %arg6[%dma_wait3A_313, %dma_wait3A_325, %dma_wait3A_326, %dma_wait3A_327] : memref<3x4x8x1024xf32, #tpu.memory_space<vmem>> -> memref<1x4x8x1024xf32, #tpu.memory_space<vmem>>
    %dma_wait3A_329 = tpu.memref_squeeze %dma_wait3A_328 : memref<1x4x8x1024xf32, #tpu.memory_space<vmem>> -> memref<4x8x1024xf32, #tpu.memory_space<vmem>>
    tpu.wait_dma2 semaphore(%arg11 : memref<!tpu.dma_semaphore, #tpu.memory_space<semaphore_mem>>) src(%dma_wait3A_329 : memref<4x8x1024xf32, #tpu.memory_space<vmem>>) dst(%dma_wait3A_324 : memref<4x8x1024xf32, #tpu.memory_space<hbm>>)
    %add3A_330 = arith.constant 32 : i32
    %add3A_331 = arith.addi %mul3A_2, %add3A_330 : i32
    %dma_start3A_332 = arith.constant 1 : i32
    %dma_start3A_333 = arith.constant 0 : i32
    %dma_start3A_334 = arith.constant 0 : i32
    %dma_start3A_335 = tpu.memref_slice %arg5[%dma_start3A_332, %dma_start3A_333, %dma_start3A_334] : memref<3x8x1024xf32, #tpu.memory_space<vmem>> -> memref<1x8x1024xf32, #tpu.memory_space<vmem>>
    %dma_start3A_336 = tpu.memref_squeeze %dma_start3A_335 : memref<1x8x1024xf32, #tpu.memory_space<vmem>> -> memref<8x1024xf32, #tpu.memory_space<vmem>>
    %dma_start3A_337 = arith.constant 0 : i32
    %dma_start3A_338 = tpu.memref_slice %arg3[%add3A_331, %dma_start3A_337] : memref<8192x1024xf32, #tpu.memory_space<hbm>> -> memref<8x1024xf32, #tpu.memory_space<hbm>>
    %dma_start3A_339 = arith.constant 0 : i32
    %dma_start3A_340 = arith.constant 0 : i32
    %dma_start3A_341 = tpu.memref_slice %arg5[%dma_start3A_332, %dma_start3A_339, %dma_start3A_340] : memref<3x8x1024xf32, #tpu.memory_space<vmem>> -> memref<1x8x1024xf32, #tpu.memory_space<vmem>>
    %dma_start3A_342 = tpu.memref_squeeze %dma_start3A_341 : memref<1x8x1024xf32, #tpu.memory_space<vmem>> -> memref<8x1024xf32, #tpu.memory_space<vmem>>
    %dma_start3A_343 = arith.constant 0 : i32
    %dma_start3A_344 = tpu.memref_slice %arg3[%add3A_331, %dma_start3A_343] : memref<8192x1024xf32, #tpu.memory_space<hbm>> -> memref<8x1024xf32, #tpu.memory_space<hbm>>
    tpu.enqueue_dma source(%dma_start3A_344 : memref<8x1024xf32, #tpu.memory_space<hbm>>) target(%dma_start3A_342 : memref<8x1024xf32, #tpu.memory_space<vmem>>) target_semaphore(%arg8 : memref<!tpu.dma_semaphore, #tpu.memory_space<semaphore_mem>>)
    %dma_start3A_345 = arith.constant 1 : i32
    %dma_start3A_346 = arith.constant 0 : i32
    %dma_start3A_347 = arith.constant 0 : i32
    %dma_start3A_348 = arith.constant 0 : i32
    %dma_start3A_349 = tpu.memref_slice %arg6[%dma_start3A_345, %dma_start3A_346, %dma_start3A_347, %dma_start3A_348] : memref<3x4x8x1024xf32, #tpu.memory_space<vmem>> -> memref<1x4x8x1024xf32, #tpu.memory_space<vmem>>
    %dma_start3A_350 = tpu.memref_squeeze %dma_start3A_349 : memref<1x4x8x1024xf32, #tpu.memory_space<vmem>> -> memref<4x8x1024xf32, #tpu.memory_space<vmem>>
    %dma_start3A_351 = arith.constant 0 : i32
    %dma_start3A_352 = arith.constant 0 : i32
    %dma_start3A_353 = tpu.memref_slice %arg2[%dma_start3A_351, %add3A_331, %dma_start3A_352] : memref<4x4096x1024xf32, #tpu.memory_space<hbm>> -> memref<4x8x1024xf32, #tpu.memory_space<hbm>>
    %dma_start3A_354 = arith.constant 0 : i32
    %dma_start3A_355 = arith.constant 0 : i32
    %dma_start3A_356 = arith.constant 0 : i32
    %dma_start3A_357 = tpu.memref_slice %arg6[%dma_start3A_345, %dma_start3A_354, %dma_start3A_355, %dma_start3A_356] : memref<3x4x8x1024xf32, #tpu.memory_space<vmem>> -> memref<1x4x8x1024xf32, #tpu.memory_space<vmem>>
    %dma_start3A_358 = tpu.memref_squeeze %dma_start3A_357 : memref<1x4x8x1024xf32, #tpu.memory_space<vmem>> -> memref<4x8x1024xf32, #tpu.memory_space<vmem>>
    %dma_start3A_359 = arith.constant 0 : i32
    %dma_start3A_360 = arith.constant 0 : i32
    %dma_start3A_361 = tpu.memref_slice %arg2[%dma_start3A_359, %add3A_331, %dma_start3A_360] : memref<4x4096x1024xf32, #tpu.memory_space<hbm>> -> memref<4x8x1024xf32, #tpu.memory_space<hbm>>
    tpu.enqueue_dma source(%dma_start3A_361 : memref<4x8x1024xf32, #tpu.memory_space<hbm>>) target(%dma_start3A_358 : memref<4x8x1024xf32, #tpu.memory_space<vmem>>) target_semaphore(%arg8 : memref<!tpu.dma_semaphore, #tpu.memory_space<semaphore_mem>>)
    %dma_wait3A_362 = arith.constant 0 : i32
    %dma_wait3A_363 = arith.constant 0 : i32
    %dma_wait3A_364 = arith.constant 0 : i32
    %dma_wait3A_365 = tpu.memref_slice %arg5[%dma_wait3A_362, %dma_wait3A_363, %dma_wait3A_364] : memref<3x8x1024xf32, #tpu.memory_space<vmem>> -> memref<1x8x1024xf32, #tpu.memory_space<vmem>>
    %dma_wait3A_366 = tpu.memref_squeeze %dma_wait3A_365 : memref<1x8x1024xf32, #tpu.memory_space<vmem>> -> memref<8x1024xf32, #tpu.memory_space<vmem>>
    %dma_wait3A_367 = arith.constant 0 : i32
    %dma_wait3A_368 = tpu.memref_slice %arg3[%add3A_226, %dma_wait3A_367] : memref<8192x1024xf32, #tpu.memory_space<hbm>> -> memref<8x1024xf32, #tpu.memory_space<hbm>>
    %dma_wait3A_369 = arith.constant 0 : i32
    %dma_wait3A_370 = arith.constant 0 : i32
    %dma_wait3A_371 = tpu.memref_slice %arg5[%dma_wait3A_362, %dma_wait3A_369, %dma_wait3A_370] : memref<3x8x1024xf32, #tpu.memory_space<vmem>> -> memref<1x8x1024xf32, #tpu.memory_space<vmem>>
    %dma_wait3A_372 = tpu.memref_squeeze %dma_wait3A_371 : memref<1x8x1024xf32, #tpu.memory_space<vmem>> -> memref<8x1024xf32, #tpu.memory_space<vmem>>
    %dma_wait3A_373 = arith.constant 0 : i32
    %dma_wait3A_374 = tpu.memref_slice %arg3[%add3A_226, %dma_wait3A_373] : memref<8192x1024xf32, #tpu.memory_space<hbm>> -> memref<8x1024xf32, #tpu.memory_space<hbm>>
    tpu.wait_dma2 semaphore(%arg7 : memref<!tpu.dma_semaphore, #tpu.memory_space<semaphore_mem>>) src(%dma_wait3A_374 : memref<8x1024xf32, #tpu.memory_space<hbm>>) dst(%dma_wait3A_372 : memref<8x1024xf32, #tpu.memory_space<vmem>>)
    %dma_wait3A_375 = arith.constant 0 : i32
    %dma_wait3A_376 = arith.constant 0 : i32
    %dma_wait3A_377 = arith.constant 0 : i32
    %dma_wait3A_378 = arith.constant 0 : i32
    %dma_wait3A_379 = tpu.memref_slice %arg6[%dma_wait3A_375, %dma_wait3A_376, %dma_wait3A_377, %dma_wait3A_378] : memref<3x4x8x1024xf32, #tpu.memory_space<vmem>> -> memref<1x4x8x1024xf32, #tpu.memory_space<vmem>>
    %dma_wait3A_380 = tpu.memref_squeeze %dma_wait3A_379 : memref<1x4x8x1024xf32, #tpu.memory_space<vmem>> -> memref<4x8x1024xf32, #tpu.memory_space<vmem>>
    %dma_wait3A_381 = arith.constant 0 : i32
    %dma_wait3A_382 = arith.constant 0 : i32
    %dma_wait3A_383 = tpu.memref_slice %arg2[%dma_wait3A_381, %add3A_226, %dma_wait3A_382] : memref<4x4096x1024xf32, #tpu.memory_space<hbm>> -> memref<4x8x1024xf32, #tpu.memory_space<hbm>>
    %dma_wait3A_384 = arith.constant 0 : i32
    %dma_wait3A_385 = arith.constant 0 : i32
    %dma_wait3A_386 = arith.constant 0 : i32
    %dma_wait3A_387 = tpu.memref_slice %arg6[%dma_wait3A_375, %dma_wait3A_384, %dma_wait3A_385, %dma_wait3A_386] : memref<3x4x8x1024xf32, #tpu.memory_space<vmem>> -> memref<1x4x8x1024xf32, #tpu.memory_space<vmem>>
    %dma_wait3A_388 = tpu.memref_squeeze %dma_wait3A_387 : memref<1x4x8x1024xf32, #tpu.memory_space<vmem>> -> memref<4x8x1024xf32, #tpu.memory_space<vmem>>
    %dma_wait3A_389 = arith.constant 0 : i32
    %dma_wait3A_390 = arith.constant 0 : i32
    %dma_wait3A_391 = tpu.memref_slice %arg2[%dma_wait3A_389, %add3A_226, %dma_wait3A_390] : memref<4x4096x1024xf32, #tpu.memory_space<hbm>> -> memref<4x8x1024xf32, #tpu.memory_space<hbm>>
    tpu.wait_dma2 semaphore(%arg7 : memref<!tpu.dma_semaphore, #tpu.memory_space<semaphore_mem>>) src(%dma_wait3A_391 : memref<4x8x1024xf32, #tpu.memory_space<hbm>>) dst(%dma_wait3A_388 : memref<4x8x1024xf32, #tpu.memory_space<vmem>>)
    %scan3A_392 = arith.constant 0 : i32
    %scan3A_393 = arith.constant 0 : i32
    %scan3A_394 = arith.constant 8 : i32
    %scan3A_395 = arith.addi %scan3A_393, %scan3A_394 : i32
    %scan3A_396 = arith.constant 1 : i32
    %scan3A_397 = scf.for %scan3A_1680 = %scan3A_393 to %scan3A_395 step %scan3A_396 iter_args(%scan3A_1681 = %scan3A_392) -> (i32)  : i32 {
      %parallel_loop3A = arith.constant 0 : i32
      %parallel_loop3A_1682 = arith.constant 1024 : i32
      %parallel_loop3A_1683 = arith.constant 16 : i32
      scf.for %parallel_loop3A_1685 = %parallel_loop3A to %parallel_loop3A_1682 step %parallel_loop3A_1683  : i32 {
        %parallel_loop3A_1686 = arith.constant 0 : i32
        %parallel_loop3A_1687 = arith.index_cast %parallel_loop3A_1686 : i32 to index
        %parallel_loop3A_1688 = arith.index_cast %scan3A_1680 : i32 to index
        %parallel_loop3A_1689 = arith.index_cast %parallel_loop3A_1685 : i32 to index
        %parallel_loop3A_1690 = tpu.vector_load %arg5[%parallel_loop3A_1687, %parallel_loop3A_1688, %parallel_loop3A_1689] {strides = array<i32>} : memref<3x8x1024xf32, #tpu.memory_space<vmem>>, vector<1x1x16xf32>,
        %parallel_loop3A_1691 = vector.shape_cast %parallel_loop3A_1690 : vector<1x1x16xf32> to vector<16xf32>
        %parallel_loop3A_1692 = arith.constant 0 : i32
        %parallel_loop3A_1693 = arith.constant 0 : i32
        %parallel_loop3A_1694 = arith.index_cast %parallel_loop3A_1692 : i32 to index
        %parallel_loop3A_1695 = arith.index_cast %parallel_loop3A_1693 : i32 to index
        %parallel_loop3A_1696 = arith.index_cast %scan3A_1680 : i32 to index
        %parallel_loop3A_1697 = arith.index_cast %parallel_loop3A_1685 : i32 to index
        %parallel_loop3A_1698 = tpu.vector_load %arg6[%parallel_loop3A_1694, %parallel_loop3A_1695, %parallel_loop3A_1696, %parallel_loop3A_1697] {strides = array<i32>} : memref<3x4x8x1024xf32, #tpu.memory_space<vmem>>, vector<1x1x1x16xf32>,
        %parallel_loop3A_1699 = vector.shape_cast %parallel_loop3A_1698 : vector<1x1x1x16xf32> to vector<16xf32>
        %parallel_loop3A_1700 = vector.shape_cast %parallel_loop3A_1691 : vector<16xf32> to vector<1x1x1x16xf32>
        tpu.vector_store %arg6[%parallel_loop3A_1694, %parallel_loop3A_1695, %parallel_loop3A_1696, %parallel_loop3A_1697], %parallel_loop3A_1700 {add = true, strides = array<i32>} : memref<3x4x8x1024xf32, #tpu.memory_space<vmem>>, vector<1x1x1x16xf32>,
        %parallel_loop3A_1701 = arith.constant 0 : i32
        %parallel_loop3A_1702 = arith.constant 1 : i32
        %parallel_loop3A_1703 = arith.index_cast %parallel_loop3A_1701 : i32 to index
        %parallel_loop3A_1704 = arith.index_cast %parallel_loop3A_1702 : i32 to index
        %parallel_loop3A_1705 = arith.index_cast %scan3A_1680 : i32 to index
        %parallel_loop3A_1706 = arith.index_cast %parallel_loop3A_1685 : i32 to index
        %parallel_loop3A_1707 = tpu.vector_load %arg6[%parallel_loop3A_1703, %parallel_loop3A_1704, %parallel_loop3A_1705, %parallel_loop3A_1706] {strides = array<i32>} : memref<3x4x8x1024xf32, #tpu.memory_space<vmem>>, vector<1x1x1x16xf32>,
        %parallel_loop3A_1708 = vector.shape_cast %parallel_loop3A_1707 : vector<1x1x1x16xf32> to vector<16xf32>
        %parallel_loop3A_1709 = vector.shape_cast %parallel_loop3A_1691 : vector<16xf32> to vector<1x1x1x16xf32>
        tpu.vector_store %arg6[%parallel_loop3A_1703, %parallel_loop3A_1704, %parallel_loop3A_1705, %parallel_loop3A_1706], %parallel_loop3A_1709 {add = true, strides = array<i32>} : memref<3x4x8x1024xf32, #tpu.memory_space<vmem>>, vector<1x1x1x16xf32>,
        %parallel_loop3A_1710 = arith.constant 0 : i32
        %parallel_loop3A_1711 = arith.constant 2 : i32
        %parallel_loop3A_1712 = arith.index_cast %parallel_loop3A_1710 : i32 to index
        %parallel_loop3A_1713 = arith.index_cast %parallel_loop3A_1711 : i32 to index
        %parallel_loop3A_1714 = arith.index_cast %scan3A_1680 : i32 to index
        %parallel_loop3A_1715 = arith.index_cast %parallel_loop3A_1685 : i32 to index
        %parallel_loop3A_1716 = tpu.vector_load %arg6[%parallel_loop3A_1712, %parallel_loop3A_1713, %parallel_loop3A_1714, %parallel_loop3A_1715] {strides = array<i32>} : memref<3x4x8x1024xf32, #tpu.memory_space<vmem>>, vector<1x1x1x16xf32>,
        %parallel_loop3A_1717 = vector.shape_cast %parallel_loop3A_1716 : vector<1x1x1x16xf32> to vector<16xf32>
        %parallel_loop3A_1718 = vector.shape_cast %parallel_loop3A_1691 : vector<16xf32> to vector<1x1x1x16xf32>
        tpu.vector_store %arg6[%parallel_loop3A_1712, %parallel_loop3A_1713, %parallel_loop3A_1714, %parallel_loop3A_1715], %parallel_loop3A_1718 {add = true, strides = array<i32>} : memref<3x4x8x1024xf32, #tpu.memory_space<vmem>>, vector<1x1x1x16xf32>,
        %parallel_loop3A_1719 = arith.constant 0 : i32
        %parallel_loop3A_1720 = arith.constant 3 : i32
        %parallel_loop3A_1721 = arith.index_cast %parallel_loop3A_1719 : i32 to index
        %parallel_loop3A_1722 = arith.index_cast %parallel_loop3A_1720 : i32 to index
        %parallel_loop3A_1723 = arith.index_cast %scan3A_1680 : i32 to index
        %parallel_loop3A_1724 = arith.index_cast %parallel_loop3A_1685 : i32 to index
        %parallel_loop3A_1725 = tpu.vector_load %arg6[%parallel_loop3A_1721, %parallel_loop3A_1722, %parallel_loop3A_1723, %parallel_loop3A_1724] {strides = array<i32>} : memref<3x4x8x1024xf32, #tpu.memory_space<vmem>>, vector<1x1x1x16xf32>,
        %parallel_loop3A_1726 = vector.shape_cast %parallel_loop3A_1725 : vector<1x1x1x16xf32> to vector<16xf32>
        %parallel_loop3A_1727 = vector.shape_cast %parallel_loop3A_1691 : vector<16xf32> to vector<1x1x1x16xf32>
        tpu.vector_store %arg6[%parallel_loop3A_1721, %parallel_loop3A_1722, %parallel_loop3A_1723, %parallel_loop3A_1724], %parallel_loop3A_1727 {add = true, strides = array<i32>} : memref<3x4x8x1024xf32, #tpu.memory_space<vmem>>, vector<1x1x1x16xf32>,
      } {sc.loop_unroll_factor = 8 : i64, sc.parallel_access}
      %scan3A_1684 = arith.constant 0 : i32
      scf.yield %scan3A_1684 : i32
    }
    %scan3A_398 = arith.constant 8 : i32
    %add3A_399 = arith.constant 24 : i32
    %add3A_400 = arith.addi %mul3A_2, %add3A_399 : i32
    %dma_start3A_401 = arith.constant 0 : i32
    %dma_start3A_402 = arith.constant 0 : i32
    %dma_start3A_403 = arith.constant 0 : i32
    %dma_start3A_404 = arith.constant 0 : i32
    %dma_start3A_405 = tpu.memref_slice %arg6[%dma_start3A_401, %dma_start3A_402, %dma_start3A_403, %dma_start3A_404] : memref<3x4x8x1024xf32, #tpu.memory_space<vmem>> -> memref<1x4x8x1024xf32, #tpu.memory_space<vmem>>
    %dma_start3A_406 = tpu.memref_squeeze %dma_start3A_405 : memref<1x4x8x1024xf32, #tpu.memory_space<vmem>> -> memref<4x8x1024xf32, #tpu.memory_space<vmem>>
    %dma_start3A_407 = arith.constant 0 : i32
    %dma_start3A_408 = arith.constant 0 : i32
    %dma_start3A_409 = tpu.memref_slice %arg4[%dma_start3A_407, %add3A_400, %dma_start3A_408] : memref<4x4096x1024xf32, #tpu.memory_space<hbm>> -> memref<4x8x1024xf32, #tpu.memory_space<hbm>>
    %dma_start3A_410 = arith.constant 0 : i32
    %dma_start3A_411 = arith.constant 0 : i32
    %dma_start3A_412 = tpu.memref_slice %arg4[%dma_start3A_410, %add3A_400, %dma_start3A_411] : memref<4x4096x1024xf32, #tpu.memory_space<hbm>> -> memref<4x8x1024xf32, #tpu.memory_space<hbm>>
    %dma_start3A_413 = arith.constant 0 : i32
    %dma_start3A_414 = arith.constant 0 : i32
    %dma_start3A_415 = arith.constant 0 : i32
    %dma_start3A_416 = tpu.memref_slice %arg6[%dma_start3A_401, %dma_start3A_413, %dma_start3A_414, %dma_start3A_415] : memref<3x4x8x1024xf32, #tpu.memory_space<vmem>> -> memref<1x4x8x1024xf32, #tpu.memory_space<vmem>>
    %dma_start3A_417 = tpu.memref_squeeze %dma_start3A_416 : memref<1x4x8x1024xf32, #tpu.memory_space<vmem>> -> memref<4x8x1024xf32, #tpu.memory_space<vmem>>
    tpu.enqueue_dma source(%dma_start3A_417 : memref<4x8x1024xf32, #tpu.memory_space<vmem>>) target(%dma_start3A_412 : memref<4x8x1024xf32, #tpu.memory_space<hbm>>) target_semaphore(%arg10 : memref<!tpu.dma_semaphore, #tpu.memory_space<semaphore_mem>>)
    %dma_wait3A_418 = arith.constant 2 : i32
    %dma_wait3A_419 = arith.constant 0 : i32
    %dma_wait3A_420 = arith.constant 0 : i32
    %dma_wait3A_421 = arith.constant 0 : i32
    %dma_wait3A_422 = tpu.memref_slice %arg6[%dma_wait3A_418, %dma_wait3A_419, %dma_wait3A_420, %dma_wait3A_421] : memref<3x4x8x1024xf32, #tpu.memory_space<vmem>> -> memref<1x4x8x1024xf32, #tpu.memory_space<vmem>>
    %dma_wait3A_423 = tpu.memref_squeeze %dma_wait3A_422 : memref<1x4x8x1024xf32, #tpu.memory_space<vmem>> -> memref<4x8x1024xf32, #tpu.memory_space<vmem>>
    %dma_wait3A_424 = arith.constant 0 : i32
    %dma_wait3A_425 = arith.constant 0 : i32
    %dma_wait3A_426 = tpu.memref_slice %arg4[%dma_wait3A_424, %add3A_295, %dma_wait3A_425] : memref<4x4096x1024xf32, #tpu.memory_space<hbm>> -> memref<4x8x1024xf32, #tpu.memory_space<hbm>>
    %dma_wait3A_427 = arith.constant 0 : i32
    %dma_wait3A_428 = arith.constant 0 : i32
    %dma_wait3A_429 = tpu.memref_slice %arg4[%dma_wait3A_427, %add3A_295, %dma_wait3A_428] : memref<4x4096x1024xf32, #tpu.memory_space<hbm>> -> memref<4x8x1024xf32, #tpu.memory_space<hbm>>
    %dma_wait3A_430 = arith.constant 0 : i32
    %dma_wait3A_431 = arith.constant 0 : i32
    %dma_wait3A_432 = arith.constant 0 : i32
    %dma_wait3A_433 = tpu.memref_slice %arg6[%dma_wait3A_418, %dma_wait3A_430, %dma_wait3A_431, %dma_wait3A_432] : memref<3x4x8x1024xf32, #tpu.memory_space<vmem>> -> memref<1x4x8x1024xf32, #tpu.memory_space<vmem>>
    %dma_wait3A_434 = tpu.memref_squeeze %dma_wait3A_433 : memref<1x4x8x1024xf32, #tpu.memory_space<vmem>> -> memref<4x8x1024xf32, #tpu.memory_space<vmem>>
    tpu.wait_dma2 semaphore(%arg12 : memref<!tpu.dma_semaphore, #tpu.memory_space<semaphore_mem>>) src(%dma_wait3A_434 : memref<4x8x1024xf32, #tpu.memory_space<vmem>>) dst(%dma_wait3A_429 : memref<4x8x1024xf32, #tpu.memory_space<hbm>>)
    %add3A_435 = arith.constant 40 : i32
    %add3A_436 = arith.addi %mul3A_2, %add3A_435 : i32
    %dma_start3A_437 = arith.constant 2 : i32
    %dma_start3A_438 = arith.constant 0 : i32
    %dma_start3A_439 = arith.constant 0 : i32
    %dma_start3A_440 = tpu.memref_slice %arg5[%dma_start3A_437, %dma_start3A_438, %dma_start3A_439] : memref<3x8x1024xf32, #tpu.memory_space<vmem>> -> memref<1x8x1024xf32, #tpu.memory_space<vmem>>
    %dma_start3A_441 = tpu.memref_squeeze %dma_start3A_440 : memref<1x8x1024xf32, #tpu.memory_space<vmem>> -> memref<8x1024xf32, #tpu.memory_space<vmem>>
    %dma_start3A_442 = arith.constant 0 : i32
    %dma_start3A_443 = tpu.memref_slice %arg3[%add3A_436, %dma_start3A_442] : memref<8192x1024xf32, #tpu.memory_space<hbm>> -> memref<8x1024xf32, #tpu.memory_space<hbm>>
    %dma_start3A_444 = arith.constant 0 : i32
    %dma_start3A_445 = arith.constant 0 : i32
    %dma_start3A_446 = tpu.memref_slice %arg5[%dma_start3A_437, %dma_start3A_444, %dma_start3A_445] : memref<3x8x1024xf32, #tpu.memory_space<vmem>> -> memref<1x8x1024xf32, #tpu.memory_space<vmem>>
    %dma_start3A_447 = tpu.memref_squeeze %dma_start3A_446 : memref<1x8x1024xf32, #tpu.memory_space<vmem>> -> memref<8x1024xf32, #tpu.memory_space<vmem>>
    %dma_start3A_448 = arith.constant 0 : i32
    %dma_start3A_449 = tpu.memref_slice %arg3[%add3A_436, %dma_start3A_448] : memref<8192x1024xf32, #tpu.memory_space<hbm>> -> memref<8x1024xf32, #tpu.memory_space<hbm>>
    tpu.enqueue_dma source(%dma_start3A_449 : memref<8x1024xf32, #tpu.memory_space<hbm>>) target(%dma_start3A_447 : memref<8x1024xf32, #tpu.memory_space<vmem>>) target_semaphore(%arg9 : memref<!tpu.dma_semaphore, #tpu.memory_space<semaphore_mem>>)
    %dma_start3A_450 = arith.constant 2 : i32
    %dma_start3A_451 = arith.constant 0 : i32
    %dma_start3A_452 = arith.constant 0 : i32
    %dma_start3A_453 = arith.constant 0 : i32
    %dma_start3A_454 = tpu.memref_slice %arg6[%dma_start3A_450, %dma_start3A_451, %dma_start3A_452, %dma_start3A_453] : memref<3x4x8x1024xf32, #tpu.memory_space<vmem>> -> memref<1x4x8x1024xf32, #tpu.memory_space<vmem>>
    %dma_start3A_455 = tpu.memref_squeeze %dma_start3A_454 : memref<1x4x8x1024xf32, #tpu.memory_space<vmem>> -> memref<4x8x1024xf32, #tpu.memory_space<vmem>>
    %dma_start3A_456 = arith.constant 0 : i32
    %dma_start3A_457 = arith.constant 0 : i32
    %dma_start3A_458 = tpu.memref_slice %arg2[%dma_start3A_456, %add3A_436, %dma_start3A_457] : memref<4x4096x1024xf32, #tpu.memory_space<hbm>> -> memref<4x8x1024xf32, #tpu.memory_space<hbm>>
    %dma_start3A_459 = arith.constant 0 : i32
    %dma_start3A_460 = arith.constant 0 : i32
    %dma_start3A_461 = arith.constant 0 : i32
    %dma_start3A_462 = tpu.memref_slice %arg6[%dma_start3A_450, %dma_start3A_459, %dma_start3A_460, %dma_start3A_461] : memref<3x4x8x1024xf32, #tpu.memory_space<vmem>> -> memref<1x4x8x1024xf32, #tpu.memory_space<vmem>>
    %dma_start3A_463 = tpu.memref_squeeze %dma_start3A_462 : memref<1x4x8x1024xf32, #tpu.memory_space<vmem>> -> memref<4x8x1024xf32, #tpu.memory_space<vmem>>
    %dma_start3A_464 = arith.constant 0 : i32
    %dma_start3A_465 = arith.constant 0 : i32
    %dma_start3A_466 = tpu.memref_slice %arg2[%dma_start3A_464, %add3A_436, %dma_start3A_465] : memref<4x4096x1024xf32, #tpu.memory_space<hbm>> -> memref<4x8x1024xf32, #tpu.memory_space<hbm>>
    tpu.enqueue_dma source(%dma_start3A_466 : memref<4x8x1024xf32, #tpu.memory_space<hbm>>) target(%dma_start3A_463 : memref<4x8x1024xf32, #tpu.memory_space<vmem>>) target_semaphore(%arg9 : memref<!tpu.dma_semaphore, #tpu.memory_space<semaphore_mem>>)
    %dma_wait3A_467 = arith.constant 1 : i32
    %dma_wait3A_468 = arith.constant 0 : i32
    %dma_wait3A_469 = arith.constant 0 : i32
    %dma_wait3A_470 = tpu.memref_slice %arg5[%dma_wait3A_467, %dma_wait3A_468, %dma_wait3A_469] : memref<3x8x1024xf32, #tpu.memory_space<vmem>> -> memref<1x8x1024xf32, #tpu.memory_space<vmem>>
    %dma_wait3A_471 = tpu.memref_squeeze %dma_wait3A_470 : memref<1x8x1024xf32, #tpu.memory_space<vmem>> -> memref<8x1024xf32, #tpu.memory_space<vmem>>
    %dma_wait3A_472 = arith.constant 0 : i32
    %dma_wait3A_473 = tpu.memref_slice %arg3[%add3A_331, %dma_wait3A_472] : memref<8192x1024xf32, #tpu.memory_space<hbm>> -> memref<8x1024xf32, #tpu.memory_space<hbm>>
    %dma_wait3A_474 = arith.constant 0 : i32
    %dma_wait3A_475 = arith.constant 0 : i32
    %dma_wait3A_476 = tpu.memref_slice %arg5[%dma_wait3A_467, %dma_wait3A_474, %dma_wait3A_475] : memref<3x8x1024xf32, #tpu.memory_space<vmem>> -> memref<1x8x1024xf32, #tpu.memory_space<vmem>>
    %dma_wait3A_477 = tpu.memref_squeeze %dma_wait3A_476 : memref<1x8x1024xf32, #tpu.memory_space<vmem>> -> memref<8x1024xf32, #tpu.memory_space<vmem>>
    %dma_wait3A_478 = arith.constant 0 : i32
    %dma_wait3A_479 = tpu.memref_slice %arg3[%add3A_331, %dma_wait3A_478] : memref<8192x1024xf32, #tpu.memory_space<hbm>> -> memref<8x1024xf32, #tpu.memory_space<hbm>>
    tpu.wait_dma2 semaphore(%arg8 : memref<!tpu.dma_semaphore, #tpu.memory_space<semaphore_mem>>) src(%dma_wait3A_479 : memref<8x1024xf32, #tpu.memory_space<hbm>>) dst(%dma_wait3A_477 : memref<8x1024xf32, #tpu.memory_space<vmem>>)
    %dma_wait3A_480 = arith.constant 1 : i32
    %dma_wait3A_481 = arith.constant 0 : i32
    %dma_wait3A_482 = arith.constant 0 : i32
    %dma_wait3A_483 = arith.constant 0 : i32
    %dma_wait3A_484 = tpu.memref_slice %arg6[%dma_wait3A_480, %dma_wait3A_481, %dma_wait3A_482, %dma_wait3A_483] : memref<3x4x8x1024xf32, #tpu.memory_space<vmem>> -> memref<1x4x8x1024xf32, #tpu.memory_space<vmem>>
    %dma_wait3A_485 = tpu.memref_squeeze %dma_wait3A_484 : memref<1x4x8x1024xf32, #tpu.memory_space<vmem>> -> memref<4x8x1024xf32, #tpu.memory_space<vmem>>
    %dma_wait3A_486 = arith.constant 0 : i32
    %dma_wait3A_487 = arith.constant 0 : i32
    %dma_wait3A_488 = tpu.memref_slice %arg2[%dma_wait3A_486, %add3A_331, %dma_wait3A_487] : memref<4x4096x1024xf32, #tpu.memory_space<hbm>> -> memref<4x8x1024xf32, #tpu.memory_space<hbm>>
    %dma_wait3A_489 = arith.constant 0 : i32
    %dma_wait3A_490 = arith.constant 0 : i32
    %dma_wait3A_491 = arith.constant 0 : i32
    %dma_wait3A_492 = tpu.memref_slice %arg6[%dma_wait3A_480, %dma_wait3A_489, %dma_wait3A_490, %dma_wait3A_491] : memref<3x4x8x1024xf32, #tpu.memory_space<vmem>> -> memref<1x4x8x1024xf32, #tpu.memory_space<vmem>>
    %dma_wait3A_493 = tpu.memref_squeeze %dma_wait3A_492 : memref<1x4x8x1024xf32, #tpu.memory_space<vmem>> -> memref<4x8x1024xf32, #tpu.memory_space<vmem>>
    %dma_wait3A_494 = arith.constant 0 : i32
    %dma_wait3A_495 = arith.constant 0 : i32
    %dma_wait3A_496 = tpu.memref_slice %arg2[%dma_wait3A_494, %add3A_331, %dma_wait3A_495] : memref<4x4096x1024xf32, #tpu.memory_space<hbm>> -> memref<4x8x1024xf32, #tpu.memory_space<hbm>>
    tpu.wait_dma2 semaphore(%arg8 : memref<!tpu.dma_semaphore, #tpu.memory_space<semaphore_mem>>) src(%dma_wait3A_496 : memref<4x8x1024xf32, #tpu.memory_space<hbm>>) dst(%dma_wait3A_493 : memref<4x8x1024xf32, #tpu.memory_space<vmem>>)
    %scan3A_497 = arith.constant 0 : i32
    %scan3A_498 = arith.constant 0 : i32
    %scan3A_499 = arith.constant 8 : i32
    %scan3A_500 = arith.addi %scan3A_498, %scan3A_499 : i32
    %scan3A_501 = arith.constant 1 : i32
    %scan3A_502 = scf.for %scan3A_1680 = %scan3A_498 to %scan3A_500 step %scan3A_501 iter_args(%scan3A_1681 = %scan3A_497) -> (i32)  : i32 {
      %parallel_loop3A = arith.constant 0 : i32
      %parallel_loop3A_1682 = arith.constant 1024 : i32
      %parallel_loop3A_1683 = arith.constant 16 : i32
      scf.for %parallel_loop3A_1685 = %parallel_loop3A to %parallel_loop3A_1682 step %parallel_loop3A_1683  : i32 {
        %parallel_loop3A_1686 = arith.constant 1 : i32
        %parallel_loop3A_1687 = arith.index_cast %parallel_loop3A_1686 : i32 to index
        %parallel_loop3A_1688 = arith.index_cast %scan3A_1680 : i32 to index
        %parallel_loop3A_1689 = arith.index_cast %parallel_loop3A_1685 : i32 to index
        %parallel_loop3A_1690 = tpu.vector_load %arg5[%parallel_loop3A_1687, %parallel_loop3A_1688, %parallel_loop3A_1689] {strides = array<i32>} : memref<3x8x1024xf32, #tpu.memory_space<vmem>>, vector<1x1x16xf32>,
        %parallel_loop3A_1691 = vector.shape_cast %parallel_loop3A_1690 : vector<1x1x16xf32> to vector<16xf32>
        %parallel_loop3A_1692 = arith.constant 1 : i32
        %parallel_loop3A_1693 = arith.constant 0 : i32
        %parallel_loop3A_1694 = arith.index_cast %parallel_loop3A_1692 : i32 to index
        %parallel_loop3A_1695 = arith.index_cast %parallel_loop3A_1693 : i32 to index
        %parallel_loop3A_1696 = arith.index_cast %scan3A_1680 : i32 to index
        %parallel_loop3A_1697 = arith.index_cast %parallel_loop3A_1685 : i32 to index
        %parallel_loop3A_1698 = tpu.vector_load %arg6[%parallel_loop3A_1694, %parallel_loop3A_1695, %parallel_loop3A_1696, %parallel_loop3A_1697] {strides = array<i32>} : memref<3x4x8x1024xf32, #tpu.memory_space<vmem>>, vector<1x1x1x16xf32>,
        %parallel_loop3A_1699 = vector.shape_cast %parallel_loop3A_1698 : vector<1x1x1x16xf32> to vector<16xf32>
        %parallel_loop3A_1700 = vector.shape_cast %parallel_loop3A_1691 : vector<16xf32> to vector<1x1x1x16xf32>
        tpu.vector_store %arg6[%parallel_loop3A_1694, %parallel_loop3A_1695, %parallel_loop3A_1696, %parallel_loop3A_1697], %parallel_loop3A_1700 {add = true, strides = array<i32>} : memref<3x4x8x1024xf32, #tpu.memory_space<vmem>>, vector<1x1x1x16xf32>,
        %parallel_loop3A_1701 = arith.constant 1 : i32
        %parallel_loop3A_1702 = arith.constant 1 : i32
        %parallel_loop3A_1703 = arith.index_cast %parallel_loop3A_1701 : i32 to index
        %parallel_loop3A_1704 = arith.index_cast %parallel_loop3A_1702 : i32 to index
        %parallel_loop3A_1705 = arith.index_cast %scan3A_1680 : i32 to index
        %parallel_loop3A_1706 = arith.index_cast %parallel_loop3A_1685 : i32 to index
        %parallel_loop3A_1707 = tpu.vector_load %arg6[%parallel_loop3A_1703, %parallel_loop3A_1704, %parallel_loop3A_1705, %parallel_loop3A_1706] {strides = array<i32>} : memref<3x4x8x1024xf32, #tpu.memory_space<vmem>>, vector<1x1x1x16xf32>,
        %parallel_loop3A_1708 = vector.shape_cast %parallel_loop3A_1707 : vector<1x1x1x16xf32> to vector<16xf32>
        %parallel_loop3A_1709 = vector.shape_cast %parallel_loop3A_1691 : vector<16xf32> to vector<1x1x1x16xf32>
        tpu.vector_store %arg6[%parallel_loop3A_1703, %parallel_loop3A_1704, %parallel_loop3A_1705, %parallel_loop3A_1706], %parallel_loop3A_1709 {add = true, strides = array<i32>} : memref<3x4x8x1024xf32, #tpu.memory_space<vmem>>, vector<1x1x1x16xf32>,
        %parallel_loop3A_1710 = arith.constant 1 : i32
        %parallel_loop3A_1711 = arith.constant 2 : i32
        %parallel_loop3A_1712 = arith.index_cast %parallel_loop3A_1710 : i32 to index
        %parallel_loop3A_1713 = arith.index_cast %parallel_loop3A_1711 : i32 to index
        %parallel_loop3A_1714 = arith.index_cast %scan3A_1680 : i32 to index
        %parallel_loop3A_1715 = arith.index_cast %parallel_loop3A_1685 : i32 to index
        %parallel_loop3A_1716 = tpu.vector_load %arg6[%parallel_loop3A_1712, %parallel_loop3A_1713, %parallel_loop3A_1714, %parallel_loop3A_1715] {strides = array<i32>} : memref<3x4x8x1024xf32, #tpu.memory_space<vmem>>, vector<1x1x1x16xf32>,
        %parallel_loop3A_1717 = vector.shape_cast %parallel_loop3A_1716 : vector<1x1x1x16xf32> to vector<16xf32>
        %parallel_loop3A_1718 = vector.shape_cast %parallel_loop3A_1691 : vector<16xf32> to vector<1x1x1x16xf32>
        tpu.vector_store %arg6[%parallel_loop3A_1712, %parallel_loop3A_1713, %parallel_loop3A_1714, %parallel_loop3A_1715], %parallel_loop3A_1718 {add = true, strides = array<i32>} : memref<3x4x8x1024xf32, #tpu.memory_space<vmem>>, vector<1x1x1x16xf32>,
        %parallel_loop3A_1719 = arith.constant 1 : i32
        %parallel_loop3A_1720 = arith.constant 3 : i32
        %parallel_loop3A_1721 = arith.index_cast %parallel_loop3A_1719 : i32 to index
        %parallel_loop3A_1722 = arith.index_cast %parallel_loop3A_1720 : i32 to index
        %parallel_loop3A_1723 = arith.index_cast %scan3A_1680 : i32 to index
        %parallel_loop3A_1724 = arith.index_cast %parallel_loop3A_1685 : i32 to index
        %parallel_loop3A_1725 = tpu.vector_load %arg6[%parallel_loop3A_1721, %parallel_loop3A_1722, %parallel_loop3A_1723, %parallel_loop3A_1724] {strides = array<i32>} : memref<3x4x8x1024xf32, #tpu.memory_space<vmem>>, vector<1x1x1x16xf32>,
        %parallel_loop3A_1726 = vector.shape_cast %parallel_loop3A_1725 : vector<1x1x1x16xf32> to vector<16xf32>
        %parallel_loop3A_1727 = vector.shape_cast %parallel_loop3A_1691 : vector<16xf32> to vector<1x1x1x16xf32>
        tpu.vector_store %arg6[%parallel_loop3A_1721, %parallel_loop3A_1722, %parallel_loop3A_1723, %parallel_loop3A_1724], %parallel_loop3A_1727 {add = true, strides = array<i32>} : memref<3x4x8x1024xf32, #tpu.memory_space<vmem>>, vector<1x1x1x16xf32>,
      } {sc.loop_unroll_factor = 8 : i64, sc.parallel_access}
      %scan3A_1684 = arith.constant 0 : i32
      scf.yield %scan3A_1684 : i32
    }
    %scan3A_503 = arith.constant 8 : i32
    %add3A_504 = arith.constant 32 : i32
    %add3A_505 = arith.addi %mul3A_2, %add3A_504 : i32
    %dma_start3A_506 = arith.constant 1 : i32
    %dma_start3A_507 = arith.constant 0 : i32
    %dma_start3A_508 = arith.constant 0 : i32
    %dma_start3A_509 = arith.constant 0 : i32
    %dma_start3A_510 = tpu.memref_slice %arg6[%dma_start3A_506, %dma_start3A_507, %dma_start3A_508, %dma_start3A_509] : memref<3x4x8x1024xf32, #tpu.memory_space<vmem>> -> memref<1x4x8x1024xf32, #tpu.memory_space<vmem>>
    %dma_start3A_511 = tpu.memref_squeeze %dma_start3A_510 : memref<1x4x8x1024xf32, #tpu.memory_space<vmem>> -> memref<4x8x1024xf32, #tpu.memory_space<vmem>>
    %dma_start3A_512 = arith.constant 0 : i32
    %dma_start3A_513 = arith.constant 0 : i32
    %dma_start3A_514 = tpu.memref_slice %arg4[%dma_start3A_512, %add3A_505, %dma_start3A_513] : memref<4x4096x1024xf32, #tpu.memory_space<hbm>> -> memref<4x8x1024xf32, #tpu.memory_space<hbm>>
    %dma_start3A_515 = arith.constant 0 : i32
    %dma_start3A_516 = arith.constant 0 : i32
    %dma_start3A_517 = tpu.memref_slice %arg4[%dma_start3A_515, %add3A_505, %dma_start3A_516] : memref<4x4096x1024xf32, #tpu.memory_space<hbm>> -> memref<4x8x1024xf32, #tpu.memory_space<hbm>>
    %dma_start3A_518 = arith.constant 0 : i32
    %dma_start3A_519 = arith.constant 0 : i32
    %dma_start3A_520 = arith.constant 0 : i32
    %dma_start3A_521 = tpu.memref_slice %arg6[%dma_start3A_506, %dma_start3A_518, %dma_start3A_519, %dma_start3A_520] : memref<3x4x8x1024xf32, #tpu.memory_space<vmem>> -> memref<1x4x8x1024xf32, #tpu.memory_space<vmem>>
    %dma_start3A_522 = tpu.memref_squeeze %dma_start3A_521 : memref<1x4x8x1024xf32, #tpu.memory_space<vmem>> -> memref<4x8x1024xf32, #tpu.memory_space<vmem>>
    tpu.enqueue_dma source(%dma_start3A_522 : memref<4x8x1024xf32, #tpu.memory_space<vmem>>) target(%dma_start3A_517 : memref<4x8x1024xf32, #tpu.memory_space<hbm>>) target_semaphore(%arg11 : memref<!tpu.dma_semaphore, #tpu.memory_space<semaphore_mem>>)
    %dma_wait3A_523 = arith.constant 0 : i32
    %dma_wait3A_524 = arith.constant 0 : i32
    %dma_wait3A_525 = arith.constant 0 : i32
    %dma_wait3A_526 = arith.constant 0 : i32
    %dma_wait3A_527 = tpu.memref_slice %arg6[%dma_wait3A_523, %dma_wait3A_524, %dma_wait3A_525, %dma_wait3A_526] : memref<3x4x8x1024xf32, #tpu.memory_space<vmem>> -> memref<1x4x8x1024xf32, #tpu.memory_space<vmem>>
    %dma_wait3A_528 = tpu.memref_squeeze %dma_wait3A_527 : memref<1x4x8x1024xf32, #tpu.memory_space<vmem>> -> memref<4x8x1024xf32, #tpu.memory_space<vmem>>
    %dma_wait3A_529 = arith.constant 0 : i32
    %dma_wait3A_530 = arith.constant 0 : i32
    %dma_wait3A_531 = tpu.memref_slice %arg4[%dma_wait3A_529, %add3A_400, %dma_wait3A_530] : memref<4x4096x1024xf32, #tpu.memory_space<hbm>> -> memref<4x8x1024xf32, #tpu.memory_space<hbm>>
    %dma_wait3A_532 = arith.constant 0 : i32
    %dma_wait3A_533 = arith.constant 0 : i32
    %dma_wait3A_534 = tpu.memref_slice %arg4[%dma_wait3A_532, %add3A_400, %dma_wait3A_533] : memref<4x4096x1024xf32, #tpu.memory_space<hbm>> -> memref<4x8x1024xf32, #tpu.memory_space<hbm>>
    %dma_wait3A_535 = arith.constant 0 : i32
    %dma_wait3A_536 = arith.constant 0 : i32
    %dma_wait3A_537 = arith.constant 0 : i32
    %dma_wait3A_538 = tpu.memref_slice %arg6[%dma_wait3A_523, %dma_wait3A_535, %dma_wait3A_536, %dma_wait3A_537] : memref<3x4x8x1024xf32, #tpu.memory_space<vmem>> -> memref<1x4x8x1024xf32, #tpu.memory_space<vmem>>
    %dma_wait3A_539 = tpu.memref_squeeze %dma_wait3A_538 : memref<1x4x8x1024xf32, #tpu.memory_space<vmem>> -> memref<4x8x1024xf32, #tpu.memory_space<vmem>>
    tpu.wait_dma2 semaphore(%arg10 : memref<!tpu.dma_semaphore, #tpu.memory_space<semaphore_mem>>) src(%dma_wait3A_539 : memref<4x8x1024xf32, #tpu.memory_space<vmem>>) dst(%dma_wait3A_534 : memref<4x8x1024xf32, #tpu.memory_space<hbm>>)
    %add3A_540 = arith.constant 48 : i32
    %add3A_541 = arith.addi %mul3A_2, %add3A_540 : i32
    %dma_start3A_542 = arith.constant 0 : i32
    %dma_start3A_543 = arith.constant 0 : i32
    %dma_start3A_544 = arith.constant 0 : i32
    %dma_start3A_545 = tpu.memref_slice %arg5[%dma_start3A_542, %dma_start3A_543, %dma_start3A_544] : memref<3x8x1024xf32, #tpu.memory_space<vmem>> -> memref<1x8x1024xf32, #tpu.memory_space<vmem>>
    %dma_start3A_546 = tpu.memref_squeeze %dma_start3A_545 : memref<1x8x1024xf32, #tpu.memory_space<vmem>> -> memref<8x1024xf32, #tpu.memory_space<vmem>>
    %dma_start3A_547 = arith.constant 0 : i32
    %dma_start3A_548 = tpu.memref_slice %arg3[%add3A_541, %dma_start3A_547] : memref<8192x1024xf32, #tpu.memory_space<hbm>> -> memref<8x1024xf32, #tpu.memory_space<hbm>>
    %dma_start3A_549 = arith.constant 0 : i32
    %dma_start3A_550 = arith.constant 0 : i32
    %dma_start3A_551 = tpu.memref_slice %arg5[%dma_start3A_542, %dma_start3A_549, %dma_start3A_550] : memref<3x8x1024xf32, #tpu.memory_space<vmem>> -> memref<1x8x1024xf32, #tpu.memory_space<vmem>>
    %dma_start3A_552 = tpu.memref_squeeze %dma_start3A_551 : memref<1x8x1024xf32, #tpu.memory_space<vmem>> -> memref<8x1024xf32, #tpu.memory_space<vmem>>
    %dma_start3A_553 = arith.constant 0 : i32
    %dma_start3A_554 = tpu.memref_slice %arg3[%add3A_541, %dma_start3A_553] : memref<8192x1024xf32, #tpu.memory_space<hbm>> -> memref<8x1024xf32, #tpu.memory_space<hbm>>
    tpu.enqueue_dma source(%dma_start3A_554 : memref<8x1024xf32, #tpu.memory_space<hbm>>) target(%dma_start3A_552 : memref<8x1024xf32, #tpu.memory_space<vmem>>) target_semaphore(%arg7 : memref<!tpu.dma_semaphore, #tpu.memory_space<semaphore_mem>>)
    %dma_start3A_555 = arith.constant 0 : i32
    %dma_start3A_556 = arith.constant 0 : i32
    %dma_start3A_557 = arith.constant 0 : i32
    %dma_start3A_558 = arith.constant 0 : i32
    %dma_start3A_559 = tpu.memref_slice %arg6[%dma_start3A_555, %dma_start3A_556, %dma_start3A_557, %dma_start3A_558] : memref<3x4x8x1024xf32, #tpu.memory_space<vmem>> -> memref<1x4x8x1024xf32, #tpu.memory_space<vmem>>
    %dma_start3A_560 = tpu.memref_squeeze %dma_start3A_559 : memref<1x4x8x1024xf32, #tpu.memory_space<vmem>> -> memref<4x8x1024xf32, #tpu.memory_space<vmem>>
    %dma_start3A_561 = arith.constant 0 : i32
    %dma_start3A_562 = arith.constant 0 : i32
    %dma_start3A_563 = tpu.memref_slice %arg2[%dma_start3A_561, %add3A_541, %dma_start3A_562] : memref<4x4096x1024xf32, #tpu.memory_space<hbm>> -> memref<4x8x1024xf32, #tpu.memory_space<hbm>>
    %dma_start3A_564 = arith.constant 0 : i32
    %dma_start3A_565 = arith.constant 0 : i32
    %dma_start3A_566 = arith.constant 0 : i32
    %dma_start3A_567 = tpu.memref_slice %arg6[%dma_start3A_555, %dma_start3A_564, %dma_start3A_565, %dma_start3A_566] : memref<3x4x8x1024xf32, #tpu.memory_space<vmem>> -> memref<1x4x8x1024xf32, #tpu.memory_space<vmem>>
    %dma_start3A_568 = tpu.memref_squeeze %dma_start3A_567 : memref<1x4x8x1024xf32, #tpu.memory_space<vmem>> -> memref<4x8x1024xf32, #tpu.memory_space<vmem>>
    %dma_start3A_569 = arith.constant 0 : i32
    %dma_start3A_570 = arith.constant 0 : i32
    %dma_start3A_571 = tpu.memref_slice %arg2[%dma_start3A_569, %add3A_541, %dma_start3A_570] : memref<4x4096x1024xf32, #tpu.memory_space<hbm>> -> memref<4x8x1024xf32, #tpu.memory_space<hbm>>
    tpu.enqueue_dma source(%dma_start3A_571 : memref<4x8x1024xf32, #tpu.memory_space<hbm>>) target(%dma_start3A_568 : memref<4x8x1024xf32, #tpu.memory_space<vmem>>) target_semaphore(%arg7 : memref<!tpu.dma_semaphore, #tpu.memory_space<semaphore_mem>>)
    %dma_wait3A_572 = arith.constant 2 : i32
    %dma_wait3A_573 = arith.constant 0 : i32
    %dma_wait3A_574 = arith.constant 0 : i32
    %dma_wait3A_575 = tpu.memref_slice %arg5[%dma_wait3A_572, %dma_wait3A_573, %dma_wait3A_574] : memref<3x8x1024xf32, #tpu.memory_space<vmem>> -> memref<1x8x1024xf32, #tpu.memory_space<vmem>>
    %dma_wait3A_576 = tpu.memref_squeeze %dma_wait3A_575 : memref<1x8x1024xf32, #tpu.memory_space<vmem>> -> memref<8x1024xf32, #tpu.memory_space<vmem>>
    %dma_wait3A_577 = arith.constant 0 : i32
    %dma_wait3A_578 = tpu.memref_slice %arg3[%add3A_436, %dma_wait3A_577] : memref<8192x1024xf32, #tpu.memory_space<hbm>> -> memref<8x1024xf32, #tpu.memory_space<hbm>>
    %dma_wait3A_579 = arith.constant 0 : i32
    %dma_wait3A_580 = arith.constant 0 : i32
    %dma_wait3A_581 = tpu.memref_slice %arg5[%dma_wait3A_572, %dma_wait3A_579, %dma_wait3A_580] : memref<3x8x1024xf32, #tpu.memory_space<vmem>> -> memref<1x8x1024xf32, #tpu.memory_space<vmem>>
    %dma_wait3A_582 = tpu.memref_squeeze %dma_wait3A_581 : memref<1x8x1024xf32, #tpu.memory_space<vmem>> -> memref<8x1024xf32, #tpu.memory_space<vmem>>
    %dma_wait3A_583 = arith.constant 0 : i32
    %dma_wait3A_584 = tpu.memref_slice %arg3[%add3A_436, %dma_wait3A_583] : memref<8192x1024xf32, #tpu.memory_space<hbm>> -> memref<8x1024xf32, #tpu.memory_space<hbm>>
    tpu.wait_dma2 semaphore(%arg9 : memref<!tpu.dma_semaphore, #tpu.memory_space<semaphore_mem>>) src(%dma_wait3A_584 : memref<8x1024xf32, #tpu.memory_space<hbm>>) dst(%dma_wait3A_582 : memref<8x1024xf32, #tpu.memory_space<vmem>>)
    %dma_wait3A_585 = arith.constant 2 : i32
    %dma_wait3A_586 = arith.constant 0 : i32
    %dma_wait3A_587 = arith.constant 0 : i32
    %dma_wait3A_588 = arith.constant 0 : i32
    %dma_wait3A_589 = tpu.memref_slice %arg6[%dma_wait3A_585, %dma_wait3A_586, %dma_wait3A_587, %dma_wait3A_588] : memref<3x4x8x1024xf32, #tpu.memory_space<vmem>> -> memref<1x4x8x1024xf32, #tpu.memory_space<vmem>>
    %dma_wait3A_590 = tpu.memref_squeeze %dma_wait3A_589 : memref<1x4x8x1024xf32, #tpu.memory_space<vmem>> -> memref<4x8x1024xf32, #tpu.memory_space<vmem>>
    %dma_wait3A_591 = arith.constant 0 : i32
    %dma_wait3A_592 = arith.constant 0 : i32
    %dma_wait3A_593 = tpu.memref_slice %arg2[%dma_wait3A_591, %add3A_436, %dma_wait3A_592] : memref<4x4096x1024xf32, #tpu.memory_space<hbm>> -> memref<4x8x1024xf32, #tpu.memory_space<hbm>>
    %dma_wait3A_594 = arith.constant 0 : i32
    %dma_wait3A_595 = arith.constant 0 : i32
    %dma_wait3A_596 = arith.constant 0 : i32
    %dma_wait3A_597 = tpu.memref_slice %arg6[%dma_wait3A_585, %dma_wait3A_594, %dma_wait3A_595, %dma_wait3A_596] : memref<3x4x8x1024xf32, #tpu.memory_space<vmem>> -> memref<1x4x8x1024xf32, #tpu.memory_space<vmem>>
    %dma_wait3A_598 = tpu.memref_squeeze %dma_wait3A_597 : memref<1x4x8x1024xf32, #tpu.memory_space<vmem>> -> memref<4x8x1024xf32, #tpu.memory_space<vmem>>
    %dma_wait3A_599 = arith.constant 0 : i32
    %dma_wait3A_600 = arith.constant 0 : i32
    %dma_wait3A_601 = tpu.memref_slice %arg2[%dma_wait3A_599, %add3A_436, %dma_wait3A_600] : memref<4x4096x1024xf32, #tpu.memory_space<hbm>> -> memref<4x8x1024xf32, #tpu.memory_space<hbm>>
    tpu.wait_dma2 semaphore(%arg9 : memref<!tpu.dma_semaphore, #tpu.memory_space<semaphore_mem>>) src(%dma_wait3A_601 : memref<4x8x1024xf32, #tpu.memory_space<hbm>>) dst(%dma_wait3A_598 : memref<4x8x1024xf32, #tpu.memory_space<vmem>>)
    %scan3A_602 = arith.constant 0 : i32
    %scan3A_603 = arith.constant 0 : i32
    %scan3A_604 = arith.constant 8 : i32
    %scan3A_605 = arith.addi %scan3A_603, %scan3A_604 : i32
    %scan3A_606 = arith.constant 1 : i32
    %scan3A_607 = scf.for %scan3A_1680 = %scan3A_603 to %scan3A_605 step %scan3A_606 iter_args(%scan3A_1681 = %scan3A_602) -> (i32)  : i32 {
      %parallel_loop3A = arith.constant 0 : i32
      %parallel_loop3A_1682 = arith.constant 1024 : i32
      %parallel_loop3A_1683 = arith.constant 16 : i32
      scf.for %parallel_loop3A_1685 = %parallel_loop3A to %parallel_loop3A_1682 step %parallel_loop3A_1683  : i32 {
        %parallel_loop3A_1686 = arith.constant 2 : i32
        %parallel_loop3A_1687 = arith.index_cast %parallel_loop3A_1686 : i32 to index
        %parallel_loop3A_1688 = arith.index_cast %scan3A_1680 : i32 to index
        %parallel_loop3A_1689 = arith.index_cast %parallel_loop3A_1685 : i32 to index
        %parallel_loop3A_1690 = tpu.vector_load %arg5[%parallel_loop3A_1687, %parallel_loop3A_1688, %parallel_loop3A_1689] {strides = array<i32>} : memref<3x8x1024xf32, #tpu.memory_space<vmem>>, vector<1x1x16xf32>,
        %parallel_loop3A_1691 = vector.shape_cast %parallel_loop3A_1690 : vector<1x1x16xf32> to vector<16xf32>
        %parallel_loop3A_1692 = arith.constant 2 : i32
        %parallel_loop3A_1693 = arith.constant 0 : i32
        %parallel_loop3A_1694 = arith.index_cast %parallel_loop3A_1692 : i32 to index
        %parallel_loop3A_1695 = arith.index_cast %parallel_loop3A_1693 : i32 to index
        %parallel_loop3A_1696 = arith.index_cast %scan3A_1680 : i32 to index
        %parallel_loop3A_1697 = arith.index_cast %parallel_loop3A_1685 : i32 to index
        %parallel_loop3A_1698 = tpu.vector_load %arg6[%parallel_loop3A_1694, %parallel_loop3A_1695, %parallel_loop3A_1696, %parallel_loop3A_1697] {strides = array<i32>} : memref<3x4x8x1024xf32, #tpu.memory_space<vmem>>, vector<1x1x1x16xf32>,
        %parallel_loop3A_1699 = vector.shape_cast %parallel_loop3A_1698 : vector<1x1x1x16xf32> to vector<16xf32>
        %parallel_loop3A_1700 = vector.shape_cast %parallel_loop3A_1691 : vector<16xf32> to vector<1x1x1x16xf32>
        tpu.vector_store %arg6[%parallel_loop3A_1694, %parallel_loop3A_1695, %parallel_loop3A_1696, %parallel_loop3A_1697], %parallel_loop3A_1700 {add = true, strides = array<i32>} : memref<3x4x8x1024xf32, #tpu.memory_space<vmem>>, vector<1x1x1x16xf32>,
        %parallel_loop3A_1701 = arith.constant 2 : i32
        %parallel_loop3A_1702 = arith.constant 1 : i32
        %parallel_loop3A_1703 = arith.index_cast %parallel_loop3A_1701 : i32 to index
        %parallel_loop3A_1704 = arith.index_cast %parallel_loop3A_1702 : i32 to index
        %parallel_loop3A_1705 = arith.index_cast %scan3A_1680 : i32 to index
        %parallel_loop3A_1706 = arith.index_cast %parallel_loop3A_1685 : i32 to index
        %parallel_loop3A_1707 = tpu.vector_load %arg6[%parallel_loop3A_1703, %parallel_loop3A_1704, %parallel_loop3A_1705, %parallel_loop3A_1706] {strides = array<i32>} : memref<3x4x8x1024xf32, #tpu.memory_space<vmem>>, vector<1x1x1x16xf32>,
        %parallel_loop3A_1708 = vector.shape_cast %parallel_loop3A_1707 : vector<1x1x1x16xf32> to vector<16xf32>
        %parallel_loop3A_1709 = vector.shape_cast %parallel_loop3A_1691 : vector<16xf32> to vector<1x1x1x16xf32>
        tpu.vector_store %arg6[%parallel_loop3A_1703, %parallel_loop3A_1704, %parallel_loop3A_1705, %parallel_loop3A_1706], %parallel_loop3A_1709 {add = true, strides = array<i32>} : memref<3x4x8x1024xf32, #tpu.memory_space<vmem>>, vector<1x1x1x16xf32>,
        %parallel_loop3A_1710 = arith.constant 2 : i32
        %parallel_loop3A_1711 = arith.constant 2 : i32
        %parallel_loop3A_1712 = arith.index_cast %parallel_loop3A_1710 : i32 to index
        %parallel_loop3A_1713 = arith.index_cast %parallel_loop3A_1711 : i32 to index
        %parallel_loop3A_1714 = arith.index_cast %scan3A_1680 : i32 to index
        %parallel_loop3A_1715 = arith.index_cast %parallel_loop3A_1685 : i32 to index
        %parallel_loop3A_1716 = tpu.vector_load %arg6[%parallel_loop3A_1712, %parallel_loop3A_1713, %parallel_loop3A_1714, %parallel_loop3A_1715] {strides = array<i32>} : memref<3x4x8x1024xf32, #tpu.memory_space<vmem>>, vector<1x1x1x16xf32>,
        %parallel_loop3A_1717 = vector.shape_cast %parallel_loop3A_1716 : vector<1x1x1x16xf32> to vector<16xf32>
        %parallel_loop3A_1718 = vector.shape_cast %parallel_loop3A_1691 : vector<16xf32> to vector<1x1x1x16xf32>
        tpu.vector_store %arg6[%parallel_loop3A_1712, %parallel_loop3A_1713, %parallel_loop3A_1714, %parallel_loop3A_1715], %parallel_loop3A_1718 {add = true, strides = array<i32>} : memref<3x4x8x1024xf32, #tpu.memory_space<vmem>>, vector<1x1x1x16xf32>,
        %parallel_loop3A_1719 = arith.constant 2 : i32
        %parallel_loop3A_1720 = arith.constant 3 : i32
        %parallel_loop3A_1721 = arith.index_cast %parallel_loop3A_1719 : i32 to index
        %parallel_loop3A_1722 = arith.index_cast %parallel_loop3A_1720 : i32 to index
        %parallel_loop3A_1723 = arith.index_cast %scan3A_1680 : i32 to index
        %parallel_loop3A_1724 = arith.index_cast %parallel_loop3A_1685 : i32 to index
        %parallel_loop3A_1725 = tpu.vector_load %arg6[%parallel_loop3A_1721, %parallel_loop3A_1722, %parallel_loop3A_1723, %parallel_loop3A_1724] {strides = array<i32>} : memref<3x4x8x1024xf32, #tpu.memory_space<vmem>>, vector<1x1x1x16xf32>,
        %parallel_loop3A_1726 = vector.shape_cast %parallel_loop3A_1725 : vector<1x1x1x16xf32> to vector<16xf32>
        %parallel_loop3A_1727 = vector.shape_cast %parallel_loop3A_1691 : vector<16xf32> to vector<1x1x1x16xf32>
        tpu.vector_store %arg6[%parallel_loop3A_1721, %parallel_loop3A_1722, %parallel_loop3A_1723, %parallel_loop3A_1724], %parallel_loop3A_1727 {add = true, strides = array<i32>} : memref<3x4x8x1024xf32, #tpu.memory_space<vmem>>, vector<1x1x1x16xf32>,
      } {sc.loop_unroll_factor = 8 : i64, sc.parallel_access}
      %scan3A_1684 = arith.constant 0 : i32
      scf.yield %scan3A_1684 : i32
    }
    %scan3A_608 = arith.constant 8 : i32
    %add3A_609 = arith.constant 40 : i32
    %add3A_610 = arith.addi %mul3A_2, %add3A_609 : i32
    %dma_start3A_611 = arith.constant 2 : i32
    %dma_start3A_612 = arith.constant 0 : i32
    %dma_start3A_613 = arith.constant 0 : i32
    %dma_start3A_614 = arith.constant 0 : i32
    %dma_start3A_615 = tpu.memref_slice %arg6[%dma_start3A_611, %dma_start3A_612, %dma_start3A_613, %dma_start3A_614] : memref<3x4x8x1024xf32, #tpu.memory_space<vmem>> -> memref<1x4x8x1024xf32, #tpu.memory_space<vmem>>
    %dma_start3A_616 = tpu.memref_squeeze %dma_start3A_615 : memref<1x4x8x1024xf32, #tpu.memory_space<vmem>> -> memref<4x8x1024xf32, #tpu.memory_space<vmem>>
    %dma_start3A_617 = arith.constant 0 : i32
    %dma_start3A_618 = arith.constant 0 : i32
    %dma_start3A_619 = tpu.memref_slice %arg4[%dma_start3A_617, %add3A_610, %dma_start3A_618] : memref<4x4096x1024xf32, #tpu.memory_space<hbm>> -> memref<4x8x1024xf32, #tpu.memory_space<hbm>>
    %dma_start3A_620 = arith.constant 0 : i32
    %dma_start3A_621 = arith.constant 0 : i32
    %dma_start3A_622 = tpu.memref_slice %arg4[%dma_start3A_620, %add3A_610, %dma_start3A_621] : memref<4x4096x1024xf32, #tpu.memory_space<hbm>> -> memref<4x8x1024xf32, #tpu.memory_space<hbm>>
    %dma_start3A_623 = arith.constant 0 : i32
    %dma_start3A_624 = arith.constant 0 : i32
    %dma_start3A_625 = arith.constant 0 : i32
    %dma_start3A_626 = tpu.memref_slice %arg6[%dma_start3A_611, %dma_start3A_623, %dma_start3A_624, %dma_start3A_625] : memref<3x4x8x1024xf32, #tpu.memory_space<vmem>> -> memref<1x4x8x1024xf32, #tpu.memory_space<vmem>>
    %dma_start3A_627 = tpu.memref_squeeze %dma_start3A_626 : memref<1x4x8x1024xf32, #tpu.memory_space<vmem>> -> memref<4x8x1024xf32, #tpu.memory_space<vmem>>
    tpu.enqueue_dma source(%dma_start3A_627 : memref<4x8x1024xf32, #tpu.memory_space<vmem>>) target(%dma_start3A_622 : memref<4x8x1024xf32, #tpu.memory_space<hbm>>) target_semaphore(%arg12 : memref<!tpu.dma_semaphore, #tpu.memory_space<semaphore_mem>>)
    %dma_wait3A_628 = arith.constant 1 : i32
    %dma_wait3A_629 = arith.constant 0 : i32
    %dma_wait3A_630 = arith.constant 0 : i32
    %dma_wait3A_631 = arith.constant 0 : i32
    %dma_wait3A_632 = tpu.memref_slice %arg6[%dma_wait3A_628, %dma_wait3A_629, %dma_wait3A_630, %dma_wait3A_631] : memref<3x4x8x1024xf32, #tpu.memory_space<vmem>> -> memref<1x4x8x1024xf32, #tpu.memory_space<vmem>>
    %dma_wait3A_633 = tpu.memref_squeeze %dma_wait3A_632 : memref<1x4x8x1024xf32, #tpu.memory_space<vmem>> -> memref<4x8x1024xf32, #tpu.memory_space<vmem>>
    %dma_wait3A_634 = arith.constant 0 : i32
    %dma_wait3A_635 = arith.constant 0 : i32
    %dma_wait3A_636 = tpu.memref_slice %arg4[%dma_wait3A_634, %add3A_505, %dma_wait3A_635] : memref<4x4096x1024xf32, #tpu.memory_space<hbm>> -> memref<4x8x1024xf32, #tpu.memory_space<hbm>>
    %dma_wait3A_637 = arith.constant 0 : i32
    %dma_wait3A_638 = arith.constant 0 : i32
    %dma_wait3A_639 = tpu.memref_slice %arg4[%dma_wait3A_637, %add3A_505, %dma_wait3A_638] : memref<4x4096x1024xf32, #tpu.memory_space<hbm>> -> memref<4x8x1024xf32, #tpu.memory_space<hbm>>
    %dma_wait3A_640 = arith.constant 0 : i32
    %dma_wait3A_641 = arith.constant 0 : i32
    %dma_wait3A_642 = arith.constant 0 : i32
    %dma_wait3A_643 = tpu.memref_slice %arg6[%dma_wait3A_628, %dma_wait3A_640, %dma_wait3A_641, %dma_wait3A_642] : memref<3x4x8x1024xf32, #tpu.memory_space<vmem>> -> memref<1x4x8x1024xf32, #tpu.memory_space<vmem>>
    %dma_wait3A_644 = tpu.memref_squeeze %dma_wait3A_643 : memref<1x4x8x1024xf32, #tpu.memory_space<vmem>> -> memref<4x8x1024xf32, #tpu.memory_space<vmem>>
    tpu.wait_dma2 semaphore(%arg11 : memref<!tpu.dma_semaphore, #tpu.memory_space<semaphore_mem>>) src(%dma_wait3A_644 : memref<4x8x1024xf32, #tpu.memory_space<vmem>>) dst(%dma_wait3A_639 : memref<4x8x1024xf32, #tpu.memory_space<hbm>>)
    %add3A_645 = arith.constant 56 : i32
    %add3A_646 = arith.addi %mul3A_2, %add3A_645 : i32
    %dma_start3A_647 = arith.constant 1 : i32
    %dma_start3A_648 = arith.constant 0 : i32
    %dma_start3A_649 = arith.constant 0 : i32
    %dma_start3A_650 = tpu.memref_slice %arg5[%dma_start3A_647, %dma_start3A_648, %dma_start3A_649] : memref<3x8x1024xf32, #tpu.memory_space<vmem>> -> memref<1x8x1024xf32, #tpu.memory_space<vmem>>
    %dma_start3A_651 = tpu.memref_squeeze %dma_start3A_650 : memref<1x8x1024xf32, #tpu.memory_space<vmem>> -> memref<8x1024xf32, #tpu.memory_space<vmem>>
    %dma_start3A_652 = arith.constant 0 : i32
    %dma_start3A_653 = tpu.memref_slice %arg3[%add3A_646, %dma_start3A_652] : memref<8192x1024xf32, #tpu.memory_space<hbm>> -> memref<8x1024xf32, #tpu.memory_space<hbm>>
    %dma_start3A_654 = arith.constant 0 : i32
    %dma_start3A_655 = arith.constant 0 : i32
    %dma_start3A_656 = tpu.memref_slice %arg5[%dma_start3A_647, %dma_start3A_654, %dma_start3A_655] : memref<3x8x1024xf32, #tpu.memory_space<vmem>> -> memref<1x8x1024xf32, #tpu.memory_space<vmem>>
    %dma_start3A_657 = tpu.memref_squeeze %dma_start3A_656 : memref<1x8x1024xf32, #tpu.memory_space<vmem>> -> memref<8x1024xf32, #tpu.memory_space<vmem>>
    %dma_start3A_658 = arith.constant 0 : i32
    %dma_start3A_659 = tpu.memref_slice %arg3[%add3A_646, %dma_start3A_658] : memref<8192x1024xf32, #tpu.memory_space<hbm>> -> memref<8x1024xf32, #tpu.memory_space<hbm>>
    tpu.enqueue_dma source(%dma_start3A_659 : memref<8x1024xf32, #tpu.memory_space<hbm>>) target(%dma_start3A_657 : memref<8x1024xf32, #tpu.memory_space<vmem>>) target_semaphore(%arg8 : memref<!tpu.dma_semaphore, #tpu.memory_space<semaphore_mem>>)
    %dma_start3A_660 = arith.constant 1 : i32
    %dma_start3A_661 = arith.constant 0 : i32
    %dma_start3A_662 = arith.constant 0 : i32
    %dma_start3A_663 = arith.constant 0 : i32
    %dma_start3A_664 = tpu.memref_slice %arg6[%dma_start3A_660, %dma_start3A_661, %dma_start3A_662, %dma_start3A_663] : memref<3x4x8x1024xf32, #tpu.memory_space<vmem>> -> memref<1x4x8x1024xf32, #tpu.memory_space<vmem>>
    %dma_start3A_665 = tpu.memref_squeeze %dma_start3A_664 : memref<1x4x8x1024xf32, #tpu.memory_space<vmem>> -> memref<4x8x1024xf32, #tpu.memory_space<vmem>>
    %dma_start3A_666 = arith.constant 0 : i32
    %dma_start3A_667 = arith.constant 0 : i32
    %dma_start3A_668 = tpu.memref_slice %arg2[%dma_start3A_666, %add3A_646, %dma_start3A_667] : memref<4x4096x1024xf32, #tpu.memory_space<hbm>> -> memref<4x8x1024xf32, #tpu.memory_space<hbm>>
    %dma_start3A_669 = arith.constant 0 : i32
    %dma_start3A_670 = arith.constant 0 : i32
    %dma_start3A_671 = arith.constant 0 : i32
    %dma_start3A_672 = tpu.memref_slice %arg6[%dma_start3A_660, %dma_start3A_669, %dma_start3A_670, %dma_start3A_671] : memref<3x4x8x1024xf32, #tpu.memory_space<vmem>> -> memref<1x4x8x1024xf32, #tpu.memory_space<vmem>>
    %dma_start3A_673 = tpu.memref_squeeze %dma_start3A_672 : memref<1x4x8x1024xf32, #tpu.memory_space<vmem>> -> memref<4x8x1024xf32, #tpu.memory_space<vmem>>
    %dma_start3A_674 = arith.constant 0 : i32
    %dma_start3A_675 = arith.constant 0 : i32
    %dma_start3A_676 = tpu.memref_slice %arg2[%dma_start3A_674, %add3A_646, %dma_start3A_675] : memref<4x4096x1024xf32, #tpu.memory_space<hbm>> -> memref<4x8x1024xf32, #tpu.memory_space<hbm>>
    tpu.enqueue_dma source(%dma_start3A_676 : memref<4x8x1024xf32, #tpu.memory_space<hbm>>) target(%dma_start3A_673 : memref<4x8x1024xf32, #tpu.memory_space<vmem>>) target_semaphore(%arg8 : memref<!tpu.dma_semaphore, #tpu.memory_space<semaphore_mem>>)
    %dma_wait3A_677 = arith.constant 0 : i32
    %dma_wait3A_678 = arith.constant 0 : i32
    %dma_wait3A_679 = arith.constant 0 : i32
    %dma_wait3A_680 = tpu.memref_slice %arg5[%dma_wait3A_677, %dma_wait3A_678, %dma_wait3A_679] : memref<3x8x1024xf32, #tpu.memory_space<vmem>> -> memref<1x8x1024xf32, #tpu.memory_space<vmem>>
    %dma_wait3A_681 = tpu.memref_squeeze %dma_wait3A_680 : memref<1x8x1024xf32, #tpu.memory_space<vmem>> -> memref<8x1024xf32, #tpu.memory_space<vmem>>
    %dma_wait3A_682 = arith.constant 0 : i32
    %dma_wait3A_683 = tpu.memref_slice %arg3[%add3A_541, %dma_wait3A_682] : memref<8192x1024xf32, #tpu.memory_space<hbm>> -> memref<8x1024xf32, #tpu.memory_space<hbm>>
    %dma_wait3A_684 = arith.constant 0 : i32
    %dma_wait3A_685 = arith.constant 0 : i32
    %dma_wait3A_686 = tpu.memref_slice %arg5[%dma_wait3A_677, %dma_wait3A_684, %dma_wait3A_685] : memref<3x8x1024xf32, #tpu.memory_space<vmem>> -> memref<1x8x1024xf32, #tpu.memory_space<vmem>>
    %dma_wait3A_687 = tpu.memref_squeeze %dma_wait3A_686 : memref<1x8x1024xf32, #tpu.memory_space<vmem>> -> memref<8x1024xf32, #tpu.memory_space<vmem>>
    %dma_wait3A_688 = arith.constant 0 : i32
    %dma_wait3A_689 = tpu.memref_slice %arg3[%add3A_541, %dma_wait3A_688] : memref<8192x1024xf32, #tpu.memory_space<hbm>> -> memref<8x1024xf32, #tpu.memory_space<hbm>>
    tpu.wait_dma2 semaphore(%arg7 : memref<!tpu.dma_semaphore, #tpu.memory_space<semaphore_mem>>) src(%dma_wait3A_689 : memref<8x1024xf32, #tpu.memory_space<hbm>>) dst(%dma_wait3A_687 : memref<8x1024xf32, #tpu.memory_space<vmem>>)
    %dma_wait3A_690 = arith.constant 0 : i32
    %dma_wait3A_691 = arith.constant 0 : i32
    %dma_wait3A_692 = arith.constant 0 : i32
    %dma_wait3A_693 = arith.constant 0 : i32
    %dma_wait3A_694 = tpu.memref_slice %arg6[%dma_wait3A_690, %dma_wait3A_691, %dma_wait3A_692, %dma_wait3A_693] : memref<3x4x8x1024xf32, #tpu.memory_space<vmem>> -> memref<1x4x8x1024xf32, #tpu.memory_space<vmem>>
    %dma_wait3A_695 = tpu.memref_squeeze %dma_wait3A_694 : memref<1x4x8x1024xf32, #tpu.memory_space<vmem>> -> memref<4x8x1024xf32, #tpu.memory_space<vmem>>
    %dma_wait3A_696 = arith.constant 0 : i32
    %dma_wait3A_697 = arith.constant 0 : i32
    %dma_wait3A_698 = tpu.memref_slice %arg2[%dma_wait3A_696, %add3A_541, %dma_wait3A_697] : memref<4x4096x1024xf32, #tpu.memory_space<hbm>> -> memref<4x8x1024xf32, #tpu.memory_space<hbm>>
    %dma_wait3A_699 = arith.constant 0 : i32
    %dma_wait3A_700 = arith.constant 0 : i32
    %dma_wait3A_701 = arith.constant 0 : i32
    %dma_wait3A_702 = tpu.memref_slice %arg6[%dma_wait3A_690, %dma_wait3A_699, %dma_wait3A_700, %dma_wait3A_701] : memref<3x4x8x1024xf32, #tpu.memory_space<vmem>> -> memref<1x4x8x1024xf32, #tpu.memory_space<vmem>>
    %dma_wait3A_703 = tpu.memref_squeeze %dma_wait3A_702 : memref<1x4x8x1024xf32, #tpu.memory_space<vmem>> -> memref<4x8x1024xf32, #tpu.memory_space<vmem>>
    %dma_wait3A_704 = arith.constant 0 : i32
    %dma_wait3A_705 = arith.constant 0 : i32
    %dma_wait3A_706 = tpu.memref_slice %arg2[%dma_wait3A_704, %add3A_541, %dma_wait3A_705] : memref<4x4096x1024xf32, #tpu.memory_space<hbm>> -> memref<4x8x1024xf32, #tpu.memory_space<hbm>>
    tpu.wait_dma2 semaphore(%arg7 : memref<!tpu.dma_semaphore, #tpu.memory_space<semaphore_mem>>) src(%dma_wait3A_706 : memref<4x8x1024xf32, #tpu.memory_space<hbm>>) dst(%dma_wait3A_703 : memref<4x8x1024xf32, #tpu.memory_space<vmem>>)
    %scan3A_707 = arith.constant 0 : i32
    %scan3A_708 = arith.constant 0 : i32
    %scan3A_709 = arith.constant 8 : i32
    %scan3A_710 = arith.addi %scan3A_708, %scan3A_709 : i32
    %scan3A_711 = arith.constant 1 : i32
    %scan3A_712 = scf.for %scan3A_1680 = %scan3A_708 to %scan3A_710 step %scan3A_711 iter_args(%scan3A_1681 = %scan3A_707) -> (i32)  : i32 {
      %parallel_loop3A = arith.constant 0 : i32
      %parallel_loop3A_1682 = arith.constant 1024 : i32
      %parallel_loop3A_1683 = arith.constant 16 : i32
      scf.for %parallel_loop3A_1685 = %parallel_loop3A to %parallel_loop3A_1682 step %parallel_loop3A_1683  : i32 {
        %parallel_loop3A_1686 = arith.constant 0 : i32
        %parallel_loop3A_1687 = arith.index_cast %parallel_loop3A_1686 : i32 to index
        %parallel_loop3A_1688 = arith.index_cast %scan3A_1680 : i32 to index
        %parallel_loop3A_1689 = arith.index_cast %parallel_loop3A_1685 : i32 to index
        %parallel_loop3A_1690 = tpu.vector_load %arg5[%parallel_loop3A_1687, %parallel_loop3A_1688, %parallel_loop3A_1689] {strides = array<i32>} : memref<3x8x1024xf32, #tpu.memory_space<vmem>>, vector<1x1x16xf32>,
        %parallel_loop3A_1691 = vector.shape_cast %parallel_loop3A_1690 : vector<1x1x16xf32> to vector<16xf32>
        %parallel_loop3A_1692 = arith.constant 0 : i32
        %parallel_loop3A_1693 = arith.constant 0 : i32
        %parallel_loop3A_1694 = arith.index_cast %parallel_loop3A_1692 : i32 to index
        %parallel_loop3A_1695 = arith.index_cast %parallel_loop3A_1693 : i32 to index
        %parallel_loop3A_1696 = arith.index_cast %scan3A_1680 : i32 to index
        %parallel_loop3A_1697 = arith.index_cast %parallel_loop3A_1685 : i32 to index
        %parallel_loop3A_1698 = tpu.vector_load %arg6[%parallel_loop3A_1694, %parallel_loop3A_1695, %parallel_loop3A_1696, %parallel_loop3A_1697] {strides = array<i32>} : memref<3x4x8x1024xf32, #tpu.memory_space<vmem>>, vector<1x1x1x16xf32>,
        %parallel_loop3A_1699 = vector.shape_cast %parallel_loop3A_1698 : vector<1x1x1x16xf32> to vector<16xf32>
        %parallel_loop3A_1700 = vector.shape_cast %parallel_loop3A_1691 : vector<16xf32> to vector<1x1x1x16xf32>
        tpu.vector_store %arg6[%parallel_loop3A_1694, %parallel_loop3A_1695, %parallel_loop3A_1696, %parallel_loop3A_1697], %parallel_loop3A_1700 {add = true, strides = array<i32>} : memref<3x4x8x1024xf32, #tpu.memory_space<vmem>>, vector<1x1x1x16xf32>,
        %parallel_loop3A_1701 = arith.constant 0 : i32
        %parallel_loop3A_1702 = arith.constant 1 : i32
        %parallel_loop3A_1703 = arith.index_cast %parallel_loop3A_1701 : i32 to index
        %parallel_loop3A_1704 = arith.index_cast %parallel_loop3A_1702 : i32 to index
        %parallel_loop3A_1705 = arith.index_cast %scan3A_1680 : i32 to index
        %parallel_loop3A_1706 = arith.index_cast %parallel_loop3A_1685 : i32 to index
        %parallel_loop3A_1707 = tpu.vector_load %arg6[%parallel_loop3A_1703, %parallel_loop3A_1704, %parallel_loop3A_1705, %parallel_loop3A_1706] {strides = array<i32>} : memref<3x4x8x1024xf32, #tpu.memory_space<vmem>>, vector<1x1x1x16xf32>,
        %parallel_loop3A_1708 = vector.shape_cast %parallel_loop3A_1707 : vector<1x1x1x16xf32> to vector<16xf32>
        %parallel_loop3A_1709 = vector.shape_cast %parallel_loop3A_1691 : vector<16xf32> to vector<1x1x1x16xf32>
        tpu.vector_store %arg6[%parallel_loop3A_1703, %parallel_loop3A_1704, %parallel_loop3A_1705, %parallel_loop3A_1706], %parallel_loop3A_1709 {add = true, strides = array<i32>} : memref<3x4x8x1024xf32, #tpu.memory_space<vmem>>, vector<1x1x1x16xf32>,
        %parallel_loop3A_1710 = arith.constant 0 : i32
        %parallel_loop3A_1711 = arith.constant 2 : i32
        %parallel_loop3A_1712 = arith.index_cast %parallel_loop3A_1710 : i32 to index
        %parallel_loop3A_1713 = arith.index_cast %parallel_loop3A_1711 : i32 to index
        %parallel_loop3A_1714 = arith.index_cast %scan3A_1680 : i32 to index
        %parallel_loop3A_1715 = arith.index_cast %parallel_loop3A_1685 : i32 to index
        %parallel_loop3A_1716 = tpu.vector_load %arg6[%parallel_loop3A_1712, %parallel_loop3A_1713, %parallel_loop3A_1714, %parallel_loop3A_1715] {strides = array<i32>} : memref<3x4x8x1024xf32, #tpu.memory_space<vmem>>, vector<1x1x1x16xf32>,
        %parallel_loop3A_1717 = vector.shape_cast %parallel_loop3A_1716 : vector<1x1x1x16xf32> to vector<16xf32>
        %parallel_loop3A_1718 = vector.shape_cast %parallel_loop3A_1691 : vector<16xf32> to vector<1x1x1x16xf32>
        tpu.vector_store %arg6[%parallel_loop3A_1712, %parallel_loop3A_1713, %parallel_loop3A_1714, %parallel_loop3A_1715], %parallel_loop3A_1718 {add = true, strides = array<i32>} : memref<3x4x8x1024xf32, #tpu.memory_space<vmem>>, vector<1x1x1x16xf32>,
        %parallel_loop3A_1719 = arith.constant 0 : i32
        %parallel_loop3A_1720 = arith.constant 3 : i32
        %parallel_loop3A_1721 = arith.index_cast %parallel_loop3A_1719 : i32 to index
        %parallel_loop3A_1722 = arith.index_cast %parallel_loop3A_1720 : i32 to index
        %parallel_loop3A_1723 = arith.index_cast %scan3A_1680 : i32 to index
        %parallel_loop3A_1724 = arith.index_cast %parallel_loop3A_1685 : i32 to index
        %parallel_loop3A_1725 = tpu.vector_load %arg6[%parallel_loop3A_1721, %parallel_loop3A_1722, %parallel_loop3A_1723, %parallel_loop3A_1724] {strides = array<i32>} : memref<3x4x8x1024xf32, #tpu.memory_space<vmem>>, vector<1x1x1x16xf32>,
        %parallel_loop3A_1726 = vector.shape_cast %parallel_loop3A_1725 : vector<1x1x1x16xf32> to vector<16xf32>
        %parallel_loop3A_1727 = vector.shape_cast %parallel_loop3A_1691 : vector<16xf32> to vector<1x1x1x16xf32>
        tpu.vector_store %arg6[%parallel_loop3A_1721, %parallel_loop3A_1722, %parallel_loop3A_1723, %parallel_loop3A_1724], %parallel_loop3A_1727 {add = true, strides = array<i32>} : memref<3x4x8x1024xf32, #tpu.memory_space<vmem>>, vector<1x1x1x16xf32>,
      } {sc.loop_unroll_factor = 8 : i64, sc.parallel_access}
      %scan3A_1684 = arith.constant 0 : i32
      scf.yield %scan3A_1684 : i32
    }
    %scan3A_713 = arith.constant 8 : i32
    %add3A_714 = arith.constant 48 : i32
    %add3A_715 = arith.addi %mul3A_2, %add3A_714 : i32
    %dma_start3A_716 = arith.constant 0 : i32
    %dma_start3A_717 = arith.constant 0 : i32
    %dma_start3A_718 = arith.constant 0 : i32
    %dma_start3A_719 = arith.constant 0 : i32
    %dma_start3A_720 = tpu.memref_slice %arg6[%dma_start3A_716, %dma_start3A_717, %dma_start3A_718, %dma_start3A_719] : memref<3x4x8x1024xf32, #tpu.memory_space<vmem>> -> memref<1x4x8x1024xf32, #tpu.memory_space<vmem>>
    %dma_start3A_721 = tpu.memref_squeeze %dma_start3A_720 : memref<1x4x8x1024xf32, #tpu.memory_space<vmem>> -> memref<4x8x1024xf32, #tpu.memory_space<vmem>>
    %dma_start3A_722 = arith.constant 0 : i32
    %dma_start3A_723 = arith.constant 0 : i32
    %dma_start3A_724 = tpu.memref_slice %arg4[%dma_start3A_722, %add3A_715, %dma_start3A_723] : memref<4x4096x1024xf32, #tpu.memory_space<hbm>> -> memref<4x8x1024xf32, #tpu.memory_space<hbm>>
    %dma_start3A_725 = arith.constant 0 : i32
    %dma_start3A_726 = arith.constant 0 : i32
    %dma_start3A_727 = tpu.memref_slice %arg4[%dma_start3A_725, %add3A_715, %dma_start3A_726] : memref<4x4096x1024xf32, #tpu.memory_space<hbm>> -> memref<4x8x1024xf32, #tpu.memory_space<hbm>>
    %dma_start3A_728 = arith.constant 0 : i32
    %dma_start3A_729 = arith.constant 0 : i32
    %dma_start3A_730 = arith.constant 0 : i32
    %dma_start3A_731 = tpu.memref_slice %arg6[%dma_start3A_716, %dma_start3A_728, %dma_start3A_729, %dma_start3A_730] : memref<3x4x8x1024xf32, #tpu.memory_space<vmem>> -> memref<1x4x8x1024xf32, #tpu.memory_space<vmem>>
    %dma_start3A_732 = tpu.memref_squeeze %dma_start3A_731 : memref<1x4x8x1024xf32, #tpu.memory_space<vmem>> -> memref<4x8x1024xf32, #tpu.memory_space<vmem>>
    tpu.enqueue_dma source(%dma_start3A_732 : memref<4x8x1024xf32, #tpu.memory_space<vmem>>) target(%dma_start3A_727 : memref<4x8x1024xf32, #tpu.memory_space<hbm>>) target_semaphore(%arg10 : memref<!tpu.dma_semaphore, #tpu.memory_space<semaphore_mem>>)
    %dma_wait3A_733 = arith.constant 2 : i32
    %dma_wait3A_734 = arith.constant 0 : i32
    %dma_wait3A_735 = arith.constant 0 : i32
    %dma_wait3A_736 = arith.constant 0 : i32
    %dma_wait3A_737 = tpu.memref_slice %arg6[%dma_wait3A_733, %dma_wait3A_734, %dma_wait3A_735, %dma_wait3A_736] : memref<3x4x8x1024xf32, #tpu.memory_space<vmem>> -> memref<1x4x8x1024xf32, #tpu.memory_space<vmem>>
    %dma_wait3A_738 = tpu.memref_squeeze %dma_wait3A_737 : memref<1x4x8x1024xf32, #tpu.memory_space<vmem>> -> memref<4x8x1024xf32, #tpu.memory_space<vmem>>
    %dma_wait3A_739 = arith.constant 0 : i32
    %dma_wait3A_740 = arith.constant 0 : i32
    %dma_wait3A_741 = tpu.memref_slice %arg4[%dma_wait3A_739, %add3A_610, %dma_wait3A_740] : memref<4x4096x1024xf32, #tpu.memory_space<hbm>> -> memref<4x8x1024xf32, #tpu.memory_space<hbm>>
    %dma_wait3A_742 = arith.constant 0 : i32
    %dma_wait3A_743 = arith.constant 0 : i32
    %dma_wait3A_744 = tpu.memref_slice %arg4[%dma_wait3A_742, %add3A_610, %dma_wait3A_743] : memref<4x4096x1024xf32, #tpu.memory_space<hbm>> -> memref<4x8x1024xf32, #tpu.memory_space<hbm>>
    %dma_wait3A_745 = arith.constant 0 : i32
    %dma_wait3A_746 = arith.constant 0 : i32
    %dma_wait3A_747 = arith.constant 0 : i32
    %dma_wait3A_748 = tpu.memref_slice %arg6[%dma_wait3A_733, %dma_wait3A_745, %dma_wait3A_746, %dma_wait3A_747] : memref<3x4x8x1024xf32, #tpu.memory_space<vmem>> -> memref<1x4x8x1024xf32, #tpu.memory_space<vmem>>
    %dma_wait3A_749 = tpu.memref_squeeze %dma_wait3A_748 : memref<1x4x8x1024xf32, #tpu.memory_space<vmem>> -> memref<4x8x1024xf32, #tpu.memory_space<vmem>>
    tpu.wait_dma2 semaphore(%arg12 : memref<!tpu.dma_semaphore, #tpu.memory_space<semaphore_mem>>) src(%dma_wait3A_749 : memref<4x8x1024xf32, #tpu.memory_space<vmem>>) dst(%dma_wait3A_744 : memref<4x8x1024xf32, #tpu.memory_space<hbm>>)
    %add3A_750 = arith.constant 64 : i32
    %add3A_751 = arith.addi %mul3A_2, %add3A_750 : i32
    %dma_start3A_752 = arith.constant 2 : i32
    %dma_start3A_753 = arith.constant 0 : i32
    %dma_start3A_754 = arith.constant 0 : i32
    %dma_start3A_755 = tpu.memref_slice %arg5[%dma_start3A_752, %dma_start3A_753, %dma_start3A_754] : memref<3x8x1024xf32, #tpu.memory_space<vmem>> -> memref<1x8x1024xf32, #tpu.memory_space<vmem>>
    %dma_start3A_756 = tpu.memref_squeeze %dma_start3A_755 : memref<1x8x1024xf32, #tpu.memory_space<vmem>> -> memref<8x1024xf32, #tpu.memory_space<vmem>>
    %dma_start3A_757 = arith.constant 0 : i32
    %dma_start3A_758 = tpu.memref_slice %arg3[%add3A_751, %dma_start3A_757] : memref<8192x1024xf32, #tpu.memory_space<hbm>> -> memref<8x1024xf32, #tpu.memory_space<hbm>>
    %dma_start3A_759 = arith.constant 0 : i32
    %dma_start3A_760 = arith.constant 0 : i32
    %dma_start3A_761 = tpu.memref_slice %arg5[%dma_start3A_752, %dma_start3A_759, %dma_start3A_760] : memref<3x8x1024xf32, #tpu.memory_space<vmem>> -> memref<1x8x1024xf32, #tpu.memory_space<vmem>>
    %dma_start3A_762 = tpu.memref_squeeze %dma_start3A_761 : memref<1x8x1024xf32, #tpu.memory_space<vmem>> -> memref<8x1024xf32, #tpu.memory_space<vmem>>
    %dma_start3A_763 = arith.constant 0 : i32
    %dma_start3A_764 = tpu.memref_slice %arg3[%add3A_751, %dma_start3A_763] : memref<8192x1024xf32, #tpu.memory_space<hbm>> -> memref<8x1024xf32, #tpu.memory_space<hbm>>
    tpu.enqueue_dma source(%dma_start3A_764 : memref<8x1024xf32, #tpu.memory_space<hbm>>) target(%dma_start3A_762 : memref<8x1024xf32, #tpu.memory_space<vmem>>) target_semaphore(%arg9 : memref<!tpu.dma_semaphore, #tpu.memory_space<semaphore_mem>>)
    %dma_start3A_765 = arith.constant 2 : i32
    %dma_start3A_766 = arith.constant 0 : i32
    %dma_start3A_767 = arith.constant 0 : i32
    %dma_start3A_768 = arith.constant 0 : i32
    %dma_start3A_769 = tpu.memref_slice %arg6[%dma_start3A_765, %dma_start3A_766, %dma_start3A_767, %dma_start3A_768] : memref<3x4x8x1024xf32, #tpu.memory_space<vmem>> -> memref<1x4x8x1024xf32, #tpu.memory_space<vmem>>
    %dma_start3A_770 = tpu.memref_squeeze %dma_start3A_769 : memref<1x4x8x1024xf32, #tpu.memory_space<vmem>> -> memref<4x8x1024xf32, #tpu.memory_space<vmem>>
    %dma_start3A_771 = arith.constant 0 : i32
    %dma_start3A_772 = arith.constant 0 : i32
    %dma_start3A_773 = tpu.memref_slice %arg2[%dma_start3A_771, %add3A_751, %dma_start3A_772] : memref<4x4096x1024xf32, #tpu.memory_space<hbm>> -> memref<4x8x1024xf32, #tpu.memory_space<hbm>>
    %dma_start3A_774 = arith.constant 0 : i32
    %dma_start3A_775 = arith.constant 0 : i32
    %dma_start3A_776 = arith.constant 0 : i32
    %dma_start3A_777 = tpu.memref_slice %arg6[%dma_start3A_765, %dma_start3A_774, %dma_start3A_775, %dma_start3A_776] : memref<3x4x8x1024xf32, #tpu.memory_space<vmem>> -> memref<1x4x8x1024xf32, #tpu.memory_space<vmem>>
    %dma_start3A_778 = tpu.memref_squeeze %dma_start3A_777 : memref<1x4x8x1024xf32, #tpu.memory_space<vmem>> -> memref<4x8x1024xf32, #tpu.memory_space<vmem>>
    %dma_start3A_779 = arith.constant 0 : i32
    %dma_start3A_780 = arith.constant 0 : i32
    %dma_start3A_781 = tpu.memref_slice %arg2[%dma_start3A_779, %add3A_751, %dma_start3A_780] : memref<4x4096x1024xf32, #tpu.memory_space<hbm>> -> memref<4x8x1024xf32, #tpu.memory_space<hbm>>
    tpu.enqueue_dma source(%dma_start3A_781 : memref<4x8x1024xf32, #tpu.memory_space<hbm>>) target(%dma_start3A_778 : memref<4x8x1024xf32, #tpu.memory_space<vmem>>) target_semaphore(%arg9 : memref<!tpu.dma_semaphore, #tpu.memory_space<semaphore_mem>>)
    %dma_wait3A_782 = arith.constant 1 : i32
    %dma_wait3A_783 = arith.constant 0 : i32
    %dma_wait3A_784 = arith.constant 0 : i32
    %dma_wait3A_785 = tpu.memref_slice %arg5[%dma_wait3A_782, %dma_wait3A_783, %dma_wait3A_784] : memref<3x8x1024xf32, #tpu.memory_space<vmem>> -> memref<1x8x1024xf32, #tpu.memory_space<vmem>>
    %dma_wait3A_786 = tpu.memref_squeeze %dma_wait3A_785 : memref<1x8x1024xf32, #tpu.memory_space<vmem>> -> memref<8x1024xf32, #tpu.memory_space<vmem>>
    %dma_wait3A_787 = arith.constant 0 : i32
    %dma_wait3A_788 = tpu.memref_slice %arg3[%add3A_646, %dma_wait3A_787] : memref<8192x1024xf32, #tpu.memory_space<hbm>> -> memref<8x1024xf32, #tpu.memory_space<hbm>>
    %dma_wait3A_789 = arith.constant 0 : i32
    %dma_wait3A_790 = arith.constant 0 : i32
    %dma_wait3A_791 = tpu.memref_slice %arg5[%dma_wait3A_782, %dma_wait3A_789, %dma_wait3A_790] : memref<3x8x1024xf32, #tpu.memory_space<vmem>> -> memref<1x8x1024xf32, #tpu.memory_space<vmem>>
    %dma_wait3A_792 = tpu.memref_squeeze %dma_wait3A_791 : memref<1x8x1024xf32, #tpu.memory_space<vmem>> -> memref<8x1024xf32, #tpu.memory_space<vmem>>
    %dma_wait3A_793 = arith.constant 0 : i32
    %dma_wait3A_794 = tpu.memref_slice %arg3[%add3A_646, %dma_wait3A_793] : memref<8192x1024xf32, #tpu.memory_space<hbm>> -> memref<8x1024xf32, #tpu.memory_space<hbm>>
    tpu.wait_dma2 semaphore(%arg8 : memref<!tpu.dma_semaphore, #tpu.memory_space<semaphore_mem>>) src(%dma_wait3A_794 : memref<8x1024xf32, #tpu.memory_space<hbm>>) dst(%dma_wait3A_792 : memref<8x1024xf32, #tpu.memory_space<vmem>>)
    %dma_wait3A_795 = arith.constant 1 : i32
    %dma_wait3A_796 = arith.constant 0 : i32
    %dma_wait3A_797 = arith.constant 0 : i32
    %dma_wait3A_798 = arith.constant 0 : i32
    %dma_wait3A_799 = tpu.memref_slice %arg6[%dma_wait3A_795, %dma_wait3A_796, %dma_wait3A_797, %dma_wait3A_798] : memref<3x4x8x1024xf32, #tpu.memory_space<vmem>> -> memref<1x4x8x1024xf32, #tpu.memory_space<vmem>>
    %dma_wait3A_800 = tpu.memref_squeeze %dma_wait3A_799 : memref<1x4x8x1024xf32, #tpu.memory_space<vmem>> -> memref<4x8x1024xf32, #tpu.memory_space<vmem>>
    %dma_wait3A_801 = arith.constant 0 : i32
    %dma_wait3A_802 = arith.constant 0 : i32
    %dma_wait3A_803 = tpu.memref_slice %arg2[%dma_wait3A_801, %add3A_646, %dma_wait3A_802] : memref<4x4096x1024xf32, #tpu.memory_space<hbm>> -> memref<4x8x1024xf32, #tpu.memory_space<hbm>>
    %dma_wait3A_804 = arith.constant 0 : i32
    %dma_wait3A_805 = arith.constant 0 : i32
    %dma_wait3A_806 = arith.constant 0 : i32
    %dma_wait3A_807 = tpu.memref_slice %arg6[%dma_wait3A_795, %dma_wait3A_804, %dma_wait3A_805, %dma_wait3A_806] : memref<3x4x8x1024xf32, #tpu.memory_space<vmem>> -> memref<1x4x8x1024xf32, #tpu.memory_space<vmem>>
    %dma_wait3A_808 = tpu.memref_squeeze %dma_wait3A_807 : memref<1x4x8x1024xf32, #tpu.memory_space<vmem>> -> memref<4x8x1024xf32, #tpu.memory_space<vmem>>
    %dma_wait3A_809 = arith.constant 0 : i32
    %dma_wait3A_810 = arith.constant 0 : i32
    %dma_wait3A_811 = tpu.memref_slice %arg2[%dma_wait3A_809, %add3A_646, %dma_wait3A_810] : memref<4x4096x1024xf32, #tpu.memory_space<hbm>> -> memref<4x8x1024xf32, #tpu.memory_space<hbm>>
    tpu.wait_dma2 semaphore(%arg8 : memref<!tpu.dma_semaphore, #tpu.memory_space<semaphore_mem>>) src(%dma_wait3A_811 : memref<4x8x1024xf32, #tpu.memory_space<hbm>>) dst(%dma_wait3A_808 : memref<4x8x1024xf32, #tpu.memory_space<vmem>>)
    %scan3A_812 = arith.constant 0 : i32
    %scan3A_813 = arith.constant 0 : i32
    %scan3A_814 = arith.constant 8 : i32
    %scan3A_815 = arith.addi %scan3A_813, %scan3A_814 : i32
    %scan3A_816 = arith.constant 1 : i32
    %scan3A_817 = scf.for %scan3A_1680 = %scan3A_813 to %scan3A_815 step %scan3A_816 iter_args(%scan3A_1681 = %scan3A_812) -> (i32)  : i32 {
      %parallel_loop3A = arith.constant 0 : i32
      %parallel_loop3A_1682 = arith.constant 1024 : i32
      %parallel_loop3A_1683 = arith.constant 16 : i32
      scf.for %parallel_loop3A_1685 = %parallel_loop3A to %parallel_loop3A_1682 step %parallel_loop3A_1683  : i32 {
        %parallel_loop3A_1686 = arith.constant 1 : i32
        %parallel_loop3A_1687 = arith.index_cast %parallel_loop3A_1686 : i32 to index
        %parallel_loop3A_1688 = arith.index_cast %scan3A_1680 : i32 to index
        %parallel_loop3A_1689 = arith.index_cast %parallel_loop3A_1685 : i32 to index
        %parallel_loop3A_1690 = tpu.vector_load %arg5[%parallel_loop3A_1687, %parallel_loop3A_1688, %parallel_loop3A_1689] {strides = array<i32>} : memref<3x8x1024xf32, #tpu.memory_space<vmem>>, vector<1x1x16xf32>,
        %parallel_loop3A_1691 = vector.shape_cast %parallel_loop3A_1690 : vector<1x1x16xf32> to vector<16xf32>
        %parallel_loop3A_1692 = arith.constant 1 : i32
        %parallel_loop3A_1693 = arith.constant 0 : i32
        %parallel_loop3A_1694 = arith.index_cast %parallel_loop3A_1692 : i32 to index
        %parallel_loop3A_1695 = arith.index_cast %parallel_loop3A_1693 : i32 to index
        %parallel_loop3A_1696 = arith.index_cast %scan3A_1680 : i32 to index
        %parallel_loop3A_1697 = arith.index_cast %parallel_loop3A_1685 : i32 to index
        %parallel_loop3A_1698 = tpu.vector_load %arg6[%parallel_loop3A_1694, %parallel_loop3A_1695, %parallel_loop3A_1696, %parallel_loop3A_1697] {strides = array<i32>} : memref<3x4x8x1024xf32, #tpu.memory_space<vmem>>, vector<1x1x1x16xf32>,
        %parallel_loop3A_1699 = vector.shape_cast %parallel_loop3A_1698 : vector<1x1x1x16xf32> to vector<16xf32>
        %parallel_loop3A_1700 = vector.shape_cast %parallel_loop3A_1691 : vector<16xf32> to vector<1x1x1x16xf32>
        tpu.vector_store %arg6[%parallel_loop3A_1694, %parallel_loop3A_1695, %parallel_loop3A_1696, %parallel_loop3A_1697], %parallel_loop3A_1700 {add = true, strides = array<i32>} : memref<3x4x8x1024xf32, #tpu.memory_space<vmem>>, vector<1x1x1x16xf32>,
        %parallel_loop3A_1701 = arith.constant 1 : i32
        %parallel_loop3A_1702 = arith.constant 1 : i32
        %parallel_loop3A_1703 = arith.index_cast %parallel_loop3A_1701 : i32 to index
        %parallel_loop3A_1704 = arith.index_cast %parallel_loop3A_1702 : i32 to index
        %parallel_loop3A_1705 = arith.index_cast %scan3A_1680 : i32 to index
        %parallel_loop3A_1706 = arith.index_cast %parallel_loop3A_1685 : i32 to index
        %parallel_loop3A_1707 = tpu.vector_load %arg6[%parallel_loop3A_1703, %parallel_loop3A_1704, %parallel_loop3A_1705, %parallel_loop3A_1706] {strides = array<i32>} : memref<3x4x8x1024xf32, #tpu.memory_space<vmem>>, vector<1x1x1x16xf32>,
        %parallel_loop3A_1708 = vector.shape_cast %parallel_loop3A_1707 : vector<1x1x1x16xf32> to vector<16xf32>
        %parallel_loop3A_1709 = vector.shape_cast %parallel_loop3A_1691 : vector<16xf32> to vector<1x1x1x16xf32>
        tpu.vector_store %arg6[%parallel_loop3A_1703, %parallel_loop3A_1704, %parallel_loop3A_1705, %parallel_loop3A_1706], %parallel_loop3A_1709 {add = true, strides = array<i32>} : memref<3x4x8x1024xf32, #tpu.memory_space<vmem>>, vector<1x1x1x16xf32>,
        %parallel_loop3A_1710 = arith.constant 1 : i32
        %parallel_loop3A_1711 = arith.constant 2 : i32
        %parallel_loop3A_1712 = arith.index_cast %parallel_loop3A_1710 : i32 to index
        %parallel_loop3A_1713 = arith.index_cast %parallel_loop3A_1711 : i32 to index
        %parallel_loop3A_1714 = arith.index_cast %scan3A_1680 : i32 to index
        %parallel_loop3A_1715 = arith.index_cast %parallel_loop3A_1685 : i32 to index
        %parallel_loop3A_1716 = tpu.vector_load %arg6[%parallel_loop3A_1712, %parallel_loop3A_1713, %parallel_loop3A_1714, %parallel_loop3A_1715] {strides = array<i32>} : memref<3x4x8x1024xf32, #tpu.memory_space<vmem>>, vector<1x1x1x16xf32>,
        %parallel_loop3A_1717 = vector.shape_cast %parallel_loop3A_1716 : vector<1x1x1x16xf32> to vector<16xf32>
        %parallel_loop3A_1718 = vector.shape_cast %parallel_loop3A_1691 : vector<16xf32> to vector<1x1x1x16xf32>
        tpu.vector_store %arg6[%parallel_loop3A_1712, %parallel_loop3A_1713, %parallel_loop3A_1714, %parallel_loop3A_1715], %parallel_loop3A_1718 {add = true, strides = array<i32>} : memref<3x4x8x1024xf32, #tpu.memory_space<vmem>>, vector<1x1x1x16xf32>,
        %parallel_loop3A_1719 = arith.constant 1 : i32
        %parallel_loop3A_1720 = arith.constant 3 : i32
        %parallel_loop3A_1721 = arith.index_cast %parallel_loop3A_1719 : i32 to index
        %parallel_loop3A_1722 = arith.index_cast %parallel_loop3A_1720 : i32 to index
        %parallel_loop3A_1723 = arith.index_cast %scan3A_1680 : i32 to index
        %parallel_loop3A_1724 = arith.index_cast %parallel_loop3A_1685 : i32 to index
        %parallel_loop3A_1725 = tpu.vector_load %arg6[%parallel_loop3A_1721, %parallel_loop3A_1722, %parallel_loop3A_1723, %parallel_loop3A_1724] {strides = array<i32>} : memref<3x4x8x1024xf32, #tpu.memory_space<vmem>>, vector<1x1x1x16xf32>,
        %parallel_loop3A_1726 = vector.shape_cast %parallel_loop3A_1725 : vector<1x1x1x16xf32> to vector<16xf32>
        %parallel_loop3A_1727 = vector.shape_cast %parallel_loop3A_1691 : vector<16xf32> to vector<1x1x1x16xf32>
        tpu.vector_store %arg6[%parallel_loop3A_1721, %parallel_loop3A_1722, %parallel_loop3A_1723, %parallel_loop3A_1724], %parallel_loop3A_1727 {add = true, strides = array<i32>} : memref<3x4x8x1024xf32, #tpu.memory_space<vmem>>, vector<1x1x1x16xf32>,
      } {sc.loop_unroll_factor = 8 : i64, sc.parallel_access}
      %scan3A_1684 = arith.constant 0 : i32
      scf.yield %scan3A_1684 : i32
    }
    %scan3A_818 = arith.constant 8 : i32
    %add3A_819 = arith.constant 56 : i32
    %add3A_820 = arith.addi %mul3A_2, %add3A_819 : i32
    %dma_start3A_821 = arith.constant 1 : i32
    %dma_start3A_822 = arith.constant 0 : i32
    %dma_start3A_823 = arith.constant 0 : i32
    %dma_start3A_824 = arith.constant 0 : i32
    %dma_start3A_825 = tpu.memref_slice %arg6[%dma_start3A_821, %dma_start3A_822, %dma_start3A_823, %dma_start3A_824] : memref<3x4x8x1024xf32, #tpu.memory_space<vmem>> -> memref<1x4x8x1024xf32, #tpu.memory_space<vmem>>
    %dma_start3A_826 = tpu.memref_squeeze %dma_start3A_825 : memref<1x4x8x1024xf32, #tpu.memory_space<vmem>> -> memref<4x8x1024xf32, #tpu.memory_space<vmem>>
    %dma_start3A_827 = arith.constant 0 : i32
    %dma_start3A_828 = arith.constant 0 : i32
    %dma_start3A_829 = tpu.memref_slice %arg4[%dma_start3A_827, %add3A_820, %dma_start3A_828] : memref<4x4096x1024xf32, #tpu.memory_space<hbm>> -> memref<4x8x1024xf32, #tpu.memory_space<hbm>>
    %dma_start3A_830 = arith.constant 0 : i32
    %dma_start3A_831 = arith.constant 0 : i32
    %dma_start3A_832 = tpu.memref_slice %arg4[%dma_start3A_830, %add3A_820, %dma_start3A_831] : memref<4x4096x1024xf32, #tpu.memory_space<hbm>> -> memref<4x8x1024xf32, #tpu.memory_space<hbm>>
    %dma_start3A_833 = arith.constant 0 : i32
    %dma_start3A_834 = arith.constant 0 : i32
    %dma_start3A_835 = arith.constant 0 : i32
    %dma_start3A_836 = tpu.memref_slice %arg6[%dma_start3A_821, %dma_start3A_833, %dma_start3A_834, %dma_start3A_835] : memref<3x4x8x1024xf32, #tpu.memory_space<vmem>> -> memref<1x4x8x1024xf32, #tpu.memory_space<vmem>>
    %dma_start3A_837 = tpu.memref_squeeze %dma_start3A_836 : memref<1x4x8x1024xf32, #tpu.memory_space<vmem>> -> memref<4x8x1024xf32, #tpu.memory_space<vmem>>
    tpu.enqueue_dma source(%dma_start3A_837 : memref<4x8x1024xf32, #tpu.memory_space<vmem>>) target(%dma_start3A_832 : memref<4x8x1024xf32, #tpu.memory_space<hbm>>) target_semaphore(%arg11 : memref<!tpu.dma_semaphore, #tpu.memory_space<semaphore_mem>>)
    %dma_wait3A_838 = arith.constant 0 : i32
    %dma_wait3A_839 = arith.constant 0 : i32
    %dma_wait3A_840 = arith.constant 0 : i32
    %dma_wait3A_841 = arith.constant 0 : i32
    %dma_wait3A_842 = tpu.memref_slice %arg6[%dma_wait3A_838, %dma_wait3A_839, %dma_wait3A_840, %dma_wait3A_841] : memref<3x4x8x1024xf32, #tpu.memory_space<vmem>> -> memref<1x4x8x1024xf32, #tpu.memory_space<vmem>>
    %dma_wait3A_843 = tpu.memref_squeeze %dma_wait3A_842 : memref<1x4x8x1024xf32, #tpu.memory_space<vmem>> -> memref<4x8x1024xf32, #tpu.memory_space<vmem>>
    %dma_wait3A_844 = arith.constant 0 : i32
    %dma_wait3A_845 = arith.constant 0 : i32
    %dma_wait3A_846 = tpu.memref_slice %arg4[%dma_wait3A_844, %add3A_715, %dma_wait3A_845] : memref<4x4096x1024xf32, #tpu.memory_space<hbm>> -> memref<4x8x1024xf32, #tpu.memory_space<hbm>>
    %dma_wait3A_847 = arith.constant 0 : i32
    %dma_wait3A_848 = arith.constant 0 : i32
    %dma_wait3A_849 = tpu.memref_slice %arg4[%dma_wait3A_847, %add3A_715, %dma_wait3A_848] : memref<4x4096x1024xf32, #tpu.memory_space<hbm>> -> memref<4x8x1024xf32, #tpu.memory_space<hbm>>
    %dma_wait3A_850 = arith.constant 0 : i32
    %dma_wait3A_851 = arith.constant 0 : i32
    %dma_wait3A_852 = arith.constant 0 : i32
    %dma_wait3A_853 = tpu.memref_slice %arg6[%dma_wait3A_838, %dma_wait3A_850, %dma_wait3A_851, %dma_wait3A_852] : memref<3x4x8x1024xf32, #tpu.memory_space<vmem>> -> memref<1x4x8x1024xf32, #tpu.memory_space<vmem>>
    %dma_wait3A_854 = tpu.memref_squeeze %dma_wait3A_853 : memref<1x4x8x1024xf32, #tpu.memory_space<vmem>> -> memref<4x8x1024xf32, #tpu.memory_space<vmem>>
    tpu.wait_dma2 semaphore(%arg10 : memref<!tpu.dma_semaphore, #tpu.memory_space<semaphore_mem>>) src(%dma_wait3A_854 : memref<4x8x1024xf32, #tpu.memory_space<vmem>>) dst(%dma_wait3A_849 : memref<4x8x1024xf32, #tpu.memory_space<hbm>>)
    %add3A_855 = arith.constant 72 : i32
    %add3A_856 = arith.addi %mul3A_2, %add3A_855 : i32
    %dma_start3A_857 = arith.constant 0 : i32
    %dma_start3A_858 = arith.constant 0 : i32
    %dma_start3A_859 = arith.constant 0 : i32
    %dma_start3A_860 = tpu.memref_slice %arg5[%dma_start3A_857, %dma_start3A_858, %dma_start3A_859] : memref<3x8x1024xf32, #tpu.memory_space<vmem>> -> memref<1x8x1024xf32, #tpu.memory_space<vmem>>
    %dma_start3A_861 = tpu.memref_squeeze %dma_start3A_860 : memref<1x8x1024xf32, #tpu.memory_space<vmem>> -> memref<8x1024xf32, #tpu.memory_space<vmem>>
    %dma_start3A_862 = arith.constant 0 : i32
    %dma_start3A_863 = tpu.memref_slice %arg3[%add3A_856, %dma_start3A_862] : memref<8192x1024xf32, #tpu.memory_space<hbm>> -> memref<8x1024xf32, #tpu.memory_space<hbm>>
    %dma_start3A_864 = arith.constant 0 : i32
    %dma_start3A_865 = arith.constant 0 : i32
    %dma_start3A_866 = tpu.memref_slice %arg5[%dma_start3A_857, %dma_start3A_864, %dma_start3A_865] : memref<3x8x1024xf32, #tpu.memory_space<vmem>> -> memref<1x8x1024xf32, #tpu.memory_space<vmem>>
    %dma_start3A_867 = tpu.memref_squeeze %dma_start3A_866 : memref<1x8x1024xf32, #tpu.memory_space<vmem>> -> memref<8x1024xf32, #tpu.memory_space<vmem>>
    %dma_start3A_868 = arith.constant 0 : i32
    %dma_start3A_869 = tpu.memref_slice %arg3[%add3A_856, %dma_start3A_868] : memref<8192x1024xf32, #tpu.memory_space<hbm>> -> memref<8x1024xf32, #tpu.memory_space<hbm>>
    tpu.enqueue_dma source(%dma_start3A_869 : memref<8x1024xf32, #tpu.memory_space<hbm>>) target(%dma_start3A_867 : memref<8x1024xf32, #tpu.memory_space<vmem>>) target_semaphore(%arg7 : memref<!tpu.dma_semaphore, #tpu.memory_space<semaphore_mem>>)
    %dma_start3A_870 = arith.constant 0 : i32
    %dma_start3A_871 = arith.constant 0 : i32
    %dma_start3A_872 = arith.constant 0 : i32
    %dma_start3A_873 = arith.constant 0 : i32
    %dma_start3A_874 = tpu.memref_slice %arg6[%dma_start3A_870, %dma_start3A_871, %dma_start3A_872, %dma_start3A_873] : memref<3x4x8x1024xf32, #tpu.memory_space<vmem>> -> memref<1x4x8x1024xf32, #tpu.memory_space<vmem>>
    %dma_start3A_875 = tpu.memref_squeeze %dma_start3A_874 : memref<1x4x8x1024xf32, #tpu.memory_space<vmem>> -> memref<4x8x1024xf32, #tpu.memory_space<vmem>>
    %dma_start3A_876 = arith.constant 0 : i32
    %dma_start3A_877 = arith.constant 0 : i32
    %dma_start3A_878 = tpu.memref_slice %arg2[%dma_start3A_876, %add3A_856, %dma_start3A_877] : memref<4x4096x1024xf32, #tpu.memory_space<hbm>> -> memref<4x8x1024xf32, #tpu.memory_space<hbm>>
    %dma_start3A_879 = arith.constant 0 : i32
    %dma_start3A_880 = arith.constant 0 : i32
    %dma_start3A_881 = arith.constant 0 : i32
    %dma_start3A_882 = tpu.memref_slice %arg6[%dma_start3A_870, %dma_start3A_879, %dma_start3A_880, %dma_start3A_881] : memref<3x4x8x1024xf32, #tpu.memory_space<vmem>> -> memref<1x4x8x1024xf32, #tpu.memory_space<vmem>>
    %dma_start3A_883 = tpu.memref_squeeze %dma_start3A_882 : memref<1x4x8x1024xf32, #tpu.memory_space<vmem>> -> memref<4x8x1024xf32, #tpu.memory_space<vmem>>
    %dma_start3A_884 = arith.constant 0 : i32
    %dma_start3A_885 = arith.constant 0 : i32
    %dma_start3A_886 = tpu.memref_slice %arg2[%dma_start3A_884, %add3A_856, %dma_start3A_885] : memref<4x4096x1024xf32, #tpu.memory_space<hbm>> -> memref<4x8x1024xf32, #tpu.memory_space<hbm>>
    tpu.enqueue_dma source(%dma_start3A_886 : memref<4x8x1024xf32, #tpu.memory_space<hbm>>) target(%dma_start3A_883 : memref<4x8x1024xf32, #tpu.memory_space<vmem>>) target_semaphore(%arg7 : memref<!tpu.dma_semaphore, #tpu.memory_space<semaphore_mem>>)
    %dma_wait3A_887 = arith.constant 2 : i32
    %dma_wait3A_888 = arith.constant 0 : i32
    %dma_wait3A_889 = arith.constant 0 : i32
    %dma_wait3A_890 = tpu.memref_slice %arg5[%dma_wait3A_887, %dma_wait3A_888, %dma_wait3A_889] : memref<3x8x1024xf32, #tpu.memory_space<vmem>> -> memref<1x8x1024xf32, #tpu.memory_space<vmem>>
    %dma_wait3A_891 = tpu.memref_squeeze %dma_wait3A_890 : memref<1x8x1024xf32, #tpu.memory_space<vmem>> -> memref<8x1024xf32, #tpu.memory_space<vmem>>
    %dma_wait3A_892 = arith.constant 0 : i32
    %dma_wait3A_893 = tpu.memref_slice %arg3[%add3A_751, %dma_wait3A_892] : memref<8192x1024xf32, #tpu.memory_space<hbm>> -> memref<8x1024xf32, #tpu.memory_space<hbm>>
    %dma_wait3A_894 = arith.constant 0 : i32
    %dma_wait3A_895 = arith.constant 0 : i32
    %dma_wait3A_896 = tpu.memref_slice %arg5[%dma_wait3A_887, %dma_wait3A_894, %dma_wait3A_895] : memref<3x8x1024xf32, #tpu.memory_space<vmem>> -> memref<1x8x1024xf32, #tpu.memory_space<vmem>>
    %dma_wait3A_897 = tpu.memref_squeeze %dma_wait3A_896 : memref<1x8x1024xf32, #tpu.memory_space<vmem>> -> memref<8x1024xf32, #tpu.memory_space<vmem>>
    %dma_wait3A_898 = arith.constant 0 : i32
    %dma_wait3A_899 = tpu.memref_slice %arg3[%add3A_751, %dma_wait3A_898] : memref<8192x1024xf32, #tpu.memory_space<hbm>> -> memref<8x1024xf32, #tpu.memory_space<hbm>>
    tpu.wait_dma2 semaphore(%arg9 : memref<!tpu.dma_semaphore, #tpu.memory_space<semaphore_mem>>) src(%dma_wait3A_899 : memref<8x1024xf32, #tpu.memory_space<hbm>>) dst(%dma_wait3A_897 : memref<8x1024xf32, #tpu.memory_space<vmem>>)
    %dma_wait3A_900 = arith.constant 2 : i32
    %dma_wait3A_901 = arith.constant 0 : i32
    %dma_wait3A_902 = arith.constant 0 : i32
    %dma_wait3A_903 = arith.constant 0 : i32
    %dma_wait3A_904 = tpu.memref_slice %arg6[%dma_wait3A_900, %dma_wait3A_901, %dma_wait3A_902, %dma_wait3A_903] : memref<3x4x8x1024xf32, #tpu.memory_space<vmem>> -> memref<1x4x8x1024xf32, #tpu.memory_space<vmem>>
    %dma_wait3A_905 = tpu.memref_squeeze %dma_wait3A_904 : memref<1x4x8x1024xf32, #tpu.memory_space<vmem>> -> memref<4x8x1024xf32, #tpu.memory_space<vmem>>
    %dma_wait3A_906 = arith.constant 0 : i32
    %dma_wait3A_907 = arith.constant 0 : i32
    %dma_wait3A_908 = tpu.memref_slice %arg2[%dma_wait3A_906, %add3A_751, %dma_wait3A_907] : memref<4x4096x1024xf32, #tpu.memory_space<hbm>> -> memref<4x8x1024xf32, #tpu.memory_space<hbm>>
    %dma_wait3A_909 = arith.constant 0 : i32
    %dma_wait3A_910 = arith.constant 0 : i32
    %dma_wait3A_911 = arith.constant 0 : i32
    %dma_wait3A_912 = tpu.memref_slice %arg6[%dma_wait3A_900, %dma_wait3A_909, %dma_wait3A_910, %dma_wait3A_911] : memref<3x4x8x1024xf32, #tpu.memory_space<vmem>> -> memref<1x4x8x1024xf32, #tpu.memory_space<vmem>>
    %dma_wait3A_913 = tpu.memref_squeeze %dma_wait3A_912 : memref<1x4x8x1024xf32, #tpu.memory_space<vmem>> -> memref<4x8x1024xf32, #tpu.memory_space<vmem>>
    %dma_wait3A_914 = arith.constant 0 : i32
    %dma_wait3A_915 = arith.constant 0 : i32
    %dma_wait3A_916 = tpu.memref_slice %arg2[%dma_wait3A_914, %add3A_751, %dma_wait3A_915] : memref<4x4096x1024xf32, #tpu.memory_space<hbm>> -> memref<4x8x1024xf32, #tpu.memory_space<hbm>>
    tpu.wait_dma2 semaphore(%arg9 : memref<!tpu.dma_semaphore, #tpu.memory_space<semaphore_mem>>) src(%dma_wait3A_916 : memref<4x8x1024xf32, #tpu.memory_space<hbm>>) dst(%dma_wait3A_913 : memref<4x8x1024xf32, #tpu.memory_space<vmem>>)
    %scan3A_917 = arith.constant 0 : i32
    %scan3A_918 = arith.constant 0 : i32
    %scan3A_919 = arith.constant 8 : i32
    %scan3A_920 = arith.addi %scan3A_918, %scan3A_919 : i32
    %scan3A_921 = arith.constant 1 : i32
    %scan3A_922 = scf.for %scan3A_1680 = %scan3A_918 to %scan3A_920 step %scan3A_921 iter_args(%scan3A_1681 = %scan3A_917) -> (i32)  : i32 {
      %parallel_loop3A = arith.constant 0 : i32
      %parallel_loop3A_1682 = arith.constant 1024 : i32
      %parallel_loop3A_1683 = arith.constant 16 : i32
      scf.for %parallel_loop3A_1685 = %parallel_loop3A to %parallel_loop3A_1682 step %parallel_loop3A_1683  : i32 {
        %parallel_loop3A_1686 = arith.constant 2 : i32
        %parallel_loop3A_1687 = arith.index_cast %parallel_loop3A_1686 : i32 to index
        %parallel_loop3A_1688 = arith.index_cast %scan3A_1680 : i32 to index
        %parallel_loop3A_1689 = arith.index_cast %parallel_loop3A_1685 : i32 to index
        %parallel_loop3A_1690 = tpu.vector_load %arg5[%parallel_loop3A_1687, %parallel_loop3A_1688, %parallel_loop3A_1689] {strides = array<i32>} : memref<3x8x1024xf32, #tpu.memory_space<vmem>>, vector<1x1x16xf32>,
        %parallel_loop3A_1691 = vector.shape_cast %parallel_loop3A_1690 : vector<1x1x16xf32> to vector<16xf32>
        %parallel_loop3A_1692 = arith.constant 2 : i32
        %parallel_loop3A_1693 = arith.constant 0 : i32
        %parallel_loop3A_1694 = arith.index_cast %parallel_loop3A_1692 : i32 to index
        %parallel_loop3A_1695 = arith.index_cast %parallel_loop3A_1693 : i32 to index
        %parallel_loop3A_1696 = arith.index_cast %scan3A_1680 : i32 to index
        %parallel_loop3A_1697 = arith.index_cast %parallel_loop3A_1685 : i32 to index
        %parallel_loop3A_1698 = tpu.vector_load %arg6[%parallel_loop3A_1694, %parallel_loop3A_1695, %parallel_loop3A_1696, %parallel_loop3A_1697] {strides = array<i32>} : memref<3x4x8x1024xf32, #tpu.memory_space<vmem>>, vector<1x1x1x16xf32>,
        %parallel_loop3A_1699 = vector.shape_cast %parallel_loop3A_1698 : vector<1x1x1x16xf32> to vector<16xf32>
        %parallel_loop3A_1700 = vector.shape_cast %parallel_loop3A_1691 : vector<16xf32> to vector<1x1x1x16xf32>
        tpu.vector_store %arg6[%parallel_loop3A_1694, %parallel_loop3A_1695, %parallel_loop3A_1696, %parallel_loop3A_1697], %parallel_loop3A_1700 {add = true, strides = array<i32>} : memref<3x4x8x1024xf32, #tpu.memory_space<vmem>>, vector<1x1x1x16xf32>,
        %parallel_loop3A_1701 = arith.constant 2 : i32
        %parallel_loop3A_1702 = arith.constant 1 : i32
        %parallel_loop3A_1703 = arith.index_cast %parallel_loop3A_1701 : i32 to index
        %parallel_loop3A_1704 = arith.index_cast %parallel_loop3A_1702 : i32 to index
        %parallel_loop3A_1705 = arith.index_cast %scan3A_1680 : i32 to index
        %parallel_loop3A_1706 = arith.index_cast %parallel_loop3A_1685 : i32 to index
        %parallel_loop3A_1707 = tpu.vector_load %arg6[%parallel_loop3A_1703, %parallel_loop3A_1704, %parallel_loop3A_1705, %parallel_loop3A_1706] {strides = array<i32>} : memref<3x4x8x1024xf32, #tpu.memory_space<vmem>>, vector<1x1x1x16xf32>,
        %parallel_loop3A_1708 = vector.shape_cast %parallel_loop3A_1707 : vector<1x1x1x16xf32> to vector<16xf32>
        %parallel_loop3A_1709 = vector.shape_cast %parallel_loop3A_1691 : vector<16xf32> to vector<1x1x1x16xf32>
        tpu.vector_store %arg6[%parallel_loop3A_1703, %parallel_loop3A_1704, %parallel_loop3A_1705, %parallel_loop3A_1706], %parallel_loop3A_1709 {add = true, strides = array<i32>} : memref<3x4x8x1024xf32, #tpu.memory_space<vmem>>, vector<1x1x1x16xf32>,
        %parallel_loop3A_1710 = arith.constant 2 : i32
        %parallel_loop3A_1711 = arith.constant 2 : i32
        %parallel_loop3A_1712 = arith.index_cast %parallel_loop3A_1710 : i32 to index
        %parallel_loop3A_1713 = arith.index_cast %parallel_loop3A_1711 : i32 to index
        %parallel_loop3A_1714 = arith.index_cast %scan3A_1680 : i32 to index
        %parallel_loop3A_1715 = arith.index_cast %parallel_loop3A_1685 : i32 to index
        %parallel_loop3A_1716 = tpu.vector_load %arg6[%parallel_loop3A_1712, %parallel_loop3A_1713, %parallel_loop3A_1714, %parallel_loop3A_1715] {strides = array<i32>} : memref<3x4x8x1024xf32, #tpu.memory_space<vmem>>, vector<1x1x1x16xf32>,
        %parallel_loop3A_1717 = vector.shape_cast %parallel_loop3A_1716 : vector<1x1x1x16xf32> to vector<16xf32>
        %parallel_loop3A_1718 = vector.shape_cast %parallel_loop3A_1691 : vector<16xf32> to vector<1x1x1x16xf32>
        tpu.vector_store %arg6[%parallel_loop3A_1712, %parallel_loop3A_1713, %parallel_loop3A_1714, %parallel_loop3A_1715], %parallel_loop3A_1718 {add = true, strides = array<i32>} : memref<3x4x8x1024xf32, #tpu.memory_space<vmem>>, vector<1x1x1x16xf32>,
        %parallel_loop3A_1719 = arith.constant 2 : i32
        %parallel_loop3A_1720 = arith.constant 3 : i32
        %parallel_loop3A_1721 = arith.index_cast %parallel_loop3A_1719 : i32 to index
        %parallel_loop3A_1722 = arith.index_cast %parallel_loop3A_1720 : i32 to index
        %parallel_loop3A_1723 = arith.index_cast %scan3A_1680 : i32 to index
        %parallel_loop3A_1724 = arith.index_cast %parallel_loop3A_1685 : i32 to index
        %parallel_loop3A_1725 = tpu.vector_load %arg6[%parallel_loop3A_1721, %parallel_loop3A_1722, %parallel_loop3A_1723, %parallel_loop3A_1724] {strides = array<i32>} : memref<3x4x8x1024xf32, #tpu.memory_space<vmem>>, vector<1x1x1x16xf32>,
        %parallel_loop3A_1726 = vector.shape_cast %parallel_loop3A_1725 : vector<1x1x1x16xf32> to vector<16xf32>
        %parallel_loop3A_1727 = vector.shape_cast %parallel_loop3A_1691 : vector<16xf32> to vector<1x1x1x16xf32>
        tpu.vector_store %arg6[%parallel_loop3A_1721, %parallel_loop3A_1722, %parallel_loop3A_1723, %parallel_loop3A_1724], %parallel_loop3A_1727 {add = true, strides = array<i32>} : memref<3x4x8x1024xf32, #tpu.memory_space<vmem>>, vector<1x1x1x16xf32>,
      } {sc.loop_unroll_factor = 8 : i64, sc.parallel_access}
      %scan3A_1684 = arith.constant 0 : i32
      scf.yield %scan3A_1684 : i32
    }
    %scan3A_923 = arith.constant 8 : i32
    %add3A_924 = arith.constant 64 : i32
    %add3A_925 = arith.addi %mul3A_2, %add3A_924 : i32
    %dma_start3A_926 = arith.constant 2 : i32
    %dma_start3A_927 = arith.constant 0 : i32
    %dma_start3A_928 = arith.constant 0 : i32
    %dma_start3A_929 = arith.constant 0 : i32
    %dma_start3A_930 = tpu.memref_slice %arg6[%dma_start3A_926, %dma_start3A_927, %dma_start3A_928, %dma_start3A_929] : memref<3x4x8x1024xf32, #tpu.memory_space<vmem>> -> memref<1x4x8x1024xf32, #tpu.memory_space<vmem>>
    %dma_start3A_931 = tpu.memref_squeeze %dma_start3A_930 : memref<1x4x8x1024xf32, #tpu.memory_space<vmem>> -> memref<4x8x1024xf32, #tpu.memory_space<vmem>>
    %dma_start3A_932 = arith.constant 0 : i32
    %dma_start3A_933 = arith.constant 0 : i32
    %dma_start3A_934 = tpu.memref_slice %arg4[%dma_start3A_932, %add3A_925, %dma_start3A_933] : memref<4x4096x1024xf32, #tpu.memory_space<hbm>> -> memref<4x8x1024xf32, #tpu.memory_space<hbm>>
    %dma_start3A_935 = arith.constant 0 : i32
    %dma_start3A_936 = arith.constant 0 : i32
    %dma_start3A_937 = tpu.memref_slice %arg4[%dma_start3A_935, %add3A_925, %dma_start3A_936] : memref<4x4096x1024xf32, #tpu.memory_space<hbm>> -> memref<4x8x1024xf32, #tpu.memory_space<hbm>>
    %dma_start3A_938 = arith.constant 0 : i32
    %dma_start3A_939 = arith.constant 0 : i32
    %dma_start3A_940 = arith.constant 0 : i32
    %dma_start3A_941 = tpu.memref_slice %arg6[%dma_start3A_926, %dma_start3A_938, %dma_start3A_939, %dma_start3A_940] : memref<3x4x8x1024xf32, #tpu.memory_space<vmem>> -> memref<1x4x8x1024xf32, #tpu.memory_space<vmem>>
    %dma_start3A_942 = tpu.memref_squeeze %dma_start3A_941 : memref<1x4x8x1024xf32, #tpu.memory_space<vmem>> -> memref<4x8x1024xf32, #tpu.memory_space<vmem>>
    tpu.enqueue_dma source(%dma_start3A_942 : memref<4x8x1024xf32, #tpu.memory_space<vmem>>) target(%dma_start3A_937 : memref<4x8x1024xf32, #tpu.memory_space<hbm>>) target_semaphore(%arg12 : memref<!tpu.dma_semaphore, #tpu.memory_space<semaphore_mem>>)
    %dma_wait3A_943 = arith.constant 1 : i32
    %dma_wait3A_944 = arith.constant 0 : i32
    %dma_wait3A_945 = arith.constant 0 : i32
    %dma_wait3A_946 = arith.constant 0 : i32
    %dma_wait3A_947 = tpu.memref_slice %arg6[%dma_wait3A_943, %dma_wait3A_944, %dma_wait3A_945, %dma_wait3A_946] : memref<3x4x8x1024xf32, #tpu.memory_space<vmem>> -> memref<1x4x8x1024xf32, #tpu.memory_space<vmem>>
    %dma_wait3A_948 = tpu.memref_squeeze %dma_wait3A_947 : memref<1x4x8x1024xf32, #tpu.memory_space<vmem>> -> memref<4x8x1024xf32, #tpu.memory_space<vmem>>
    %dma_wait3A_949 = arith.constant 0 : i32
    %dma_wait3A_950 = arith.constant 0 : i32
    %dma_wait3A_951 = tpu.memref_slice %arg4[%dma_wait3A_949, %add3A_820, %dma_wait3A_950] : memref<4x4096x1024xf32, #tpu.memory_space<hbm>> -> memref<4x8x1024xf32, #tpu.memory_space<hbm>>
    %dma_wait3A_952 = arith.constant 0 : i32
    %dma_wait3A_953 = arith.constant 0 : i32
    %dma_wait3A_954 = tpu.memref_slice %arg4[%dma_wait3A_952, %add3A_820, %dma_wait3A_953] : memref<4x4096x1024xf32, #tpu.memory_space<hbm>> -> memref<4x8x1024xf32, #tpu.memory_space<hbm>>
    %dma_wait3A_955 = arith.constant 0 : i32
    %dma_wait3A_956 = arith.constant 0 : i32
    %dma_wait3A_957 = arith.constant 0 : i32
    %dma_wait3A_958 = tpu.memref_slice %arg6[%dma_wait3A_943, %dma_wait3A_955, %dma_wait3A_956, %dma_wait3A_957] : memref<3x4x8x1024xf32, #tpu.memory_space<vmem>> -> memref<1x4x8x1024xf32, #tpu.memory_space<vmem>>
    %dma_wait3A_959 = tpu.memref_squeeze %dma_wait3A_958 : memref<1x4x8x1024xf32, #tpu.memory_space<vmem>> -> memref<4x8x1024xf32, #tpu.memory_space<vmem>>
    tpu.wait_dma2 semaphore(%arg11 : memref<!tpu.dma_semaphore, #tpu.memory_space<semaphore_mem>>) src(%dma_wait3A_959 : memref<4x8x1024xf32, #tpu.memory_space<vmem>>) dst(%dma_wait3A_954 : memref<4x8x1024xf32, #tpu.memory_space<hbm>>)
    %add3A_960 = arith.constant 80 : i32
    %add3A_961 = arith.addi %mul3A_2, %add3A_960 : i32
    %dma_start3A_962 = arith.constant 1 : i32
    %dma_start3A_963 = arith.constant 0 : i32
    %dma_start3A_964 = arith.constant 0 : i32
    %dma_start3A_965 = tpu.memref_slice %arg5[%dma_start3A_962, %dma_start3A_963, %dma_start3A_964] : memref<3x8x1024xf32, #tpu.memory_space<vmem>> -> memref<1x8x1024xf32, #tpu.memory_space<vmem>>
    %dma_start3A_966 = tpu.memref_squeeze %dma_start3A_965 : memref<1x8x1024xf32, #tpu.memory_space<vmem>> -> memref<8x1024xf32, #tpu.memory_space<vmem>>
    %dma_start3A_967 = arith.constant 0 : i32
    %dma_start3A_968 = tpu.memref_slice %arg3[%add3A_961, %dma_start3A_967] : memref<8192x1024xf32, #tpu.memory_space<hbm>> -> memref<8x1024xf32, #tpu.memory_space<hbm>>
    %dma_start3A_969 = arith.constant 0 : i32
    %dma_start3A_970 = arith.constant 0 : i32
    %dma_start3A_971 = tpu.memref_slice %arg5[%dma_start3A_962, %dma_start3A_969, %dma_start3A_970] : memref<3x8x1024xf32, #tpu.memory_space<vmem>> -> memref<1x8x1024xf32, #tpu.memory_space<vmem>>
    %dma_start3A_972 = tpu.memref_squeeze %dma_start3A_971 : memref<1x8x1024xf32, #tpu.memory_space<vmem>> -> memref<8x1024xf32, #tpu.memory_space<vmem>>
    %dma_start3A_973 = arith.constant 0 : i32
    %dma_start3A_974 = tpu.memref_slice %arg3[%add3A_961, %dma_start3A_973] : memref<8192x1024xf32, #tpu.memory_space<hbm>> -> memref<8x1024xf32, #tpu.memory_space<hbm>>
    tpu.enqueue_dma source(%dma_start3A_974 : memref<8x1024xf32, #tpu.memory_space<hbm>>) target(%dma_start3A_972 : memref<8x1024xf32, #tpu.memory_space<vmem>>) target_semaphore(%arg8 : memref<!tpu.dma_semaphore, #tpu.memory_space<semaphore_mem>>)
    %dma_start3A_975 = arith.constant 1 : i32
    %dma_start3A_976 = arith.constant 0 : i32
    %dma_start3A_977 = arith.constant 0 : i32
    %dma_start3A_978 = arith.constant 0 : i32
    %dma_start3A_979 = tpu.memref_slice %arg6[%dma_start3A_975, %dma_start3A_976, %dma_start3A_977, %dma_start3A_978] : memref<3x4x8x1024xf32, #tpu.memory_space<vmem>> -> memref<1x4x8x1024xf32, #tpu.memory_space<vmem>>
    %dma_start3A_980 = tpu.memref_squeeze %dma_start3A_979 : memref<1x4x8x1024xf32, #tpu.memory_space<vmem>> -> memref<4x8x1024xf32, #tpu.memory_space<vmem>>
    %dma_start3A_981 = arith.constant 0 : i32
    %dma_start3A_982 = arith.constant 0 : i32
    %dma_start3A_983 = tpu.memref_slice %arg2[%dma_start3A_981, %add3A_961, %dma_start3A_982] : memref<4x4096x1024xf32, #tpu.memory_space<hbm>> -> memref<4x8x1024xf32, #tpu.memory_space<hbm>>
    %dma_start3A_984 = arith.constant 0 : i32
    %dma_start3A_985 = arith.constant 0 : i32
    %dma_start3A_986 = arith.constant 0 : i32
    %dma_start3A_987 = tpu.memref_slice %arg6[%dma_start3A_975, %dma_start3A_984, %dma_start3A_985, %dma_start3A_986] : memref<3x4x8x1024xf32, #tpu.memory_space<vmem>> -> memref<1x4x8x1024xf32, #tpu.memory_space<vmem>>
    %dma_start3A_988 = tpu.memref_squeeze %dma_start3A_987 : memref<1x4x8x1024xf32, #tpu.memory_space<vmem>> -> memref<4x8x1024xf32, #tpu.memory_space<vmem>>
    %dma_start3A_989 = arith.constant 0 : i32
    %dma_start3A_990 = arith.constant 0 : i32
    %dma_start3A_991 = tpu.memref_slice %arg2[%dma_start3A_989, %add3A_961, %dma_start3A_990] : memref<4x4096x1024xf32, #tpu.memory_space<hbm>> -> memref<4x8x1024xf32, #tpu.memory_space<hbm>>
    tpu.enqueue_dma source(%dma_start3A_991 : memref<4x8x1024xf32, #tpu.memory_space<hbm>>) target(%dma_start3A_988 : memref<4x8x1024xf32, #tpu.memory_space<vmem>>) target_semaphore(%arg8 : memref<!tpu.dma_semaphore, #tpu.memory_space<semaphore_mem>>)
    %dma_wait3A_992 = arith.constant 0 : i32
    %dma_wait3A_993 = arith.constant 0 : i32
    %dma_wait3A_994 = arith.constant 0 : i32
    %dma_wait3A_995 = tpu.memref_slice %arg5[%dma_wait3A_992, %dma_wait3A_993, %dma_wait3A_994] : memref<3x8x1024xf32, #tpu.memory_space<vmem>> -> memref<1x8x1024xf32, #tpu.memory_space<vmem>>
    %dma_wait3A_996 = tpu.memref_squeeze %dma_wait3A_995 : memref<1x8x1024xf32, #tpu.memory_space<vmem>> -> memref<8x1024xf32, #tpu.memory_space<vmem>>
    %dma_wait3A_997 = arith.constant 0 : i32
    %dma_wait3A_998 = tpu.memref_slice %arg3[%add3A_856, %dma_wait3A_997] : memref<8192x1024xf32, #tpu.memory_space<hbm>> -> memref<8x1024xf32, #tpu.memory_space<hbm>>
    %dma_wait3A_999 = arith.constant 0 : i32
    %dma_wait3A_1000 = arith.constant 0 : i32
    %dma_wait3A_1001 = tpu.memref_slice %arg5[%dma_wait3A_992, %dma_wait3A_999, %dma_wait3A_1000] : memref<3x8x1024xf32, #tpu.memory_space<vmem>> -> memref<1x8x1024xf32, #tpu.memory_space<vmem>>
    %dma_wait3A_1002 = tpu.memref_squeeze %dma_wait3A_1001 : memref<1x8x1024xf32, #tpu.memory_space<vmem>> -> memref<8x1024xf32, #tpu.memory_space<vmem>>
    %dma_wait3A_1003 = arith.constant 0 : i32
    %dma_wait3A_1004 = tpu.memref_slice %arg3[%add3A_856, %dma_wait3A_1003] : memref<8192x1024xf32, #tpu.memory_space<hbm>> -> memref<8x1024xf32, #tpu.memory_space<hbm>>
    tpu.wait_dma2 semaphore(%arg7 : memref<!tpu.dma_semaphore, #tpu.memory_space<semaphore_mem>>) src(%dma_wait3A_1004 : memref<8x1024xf32, #tpu.memory_space<hbm>>) dst(%dma_wait3A_1002 : memref<8x1024xf32, #tpu.memory_space<vmem>>)
    %dma_wait3A_1005 = arith.constant 0 : i32
    %dma_wait3A_1006 = arith.constant 0 : i32
    %dma_wait3A_1007 = arith.constant 0 : i32
    %dma_wait3A_1008 = arith.constant 0 : i32
    %dma_wait3A_1009 = tpu.memref_slice %arg6[%dma_wait3A_1005, %dma_wait3A_1006, %dma_wait3A_1007, %dma_wait3A_1008] : memref<3x4x8x1024xf32, #tpu.memory_space<vmem>> -> memref<1x4x8x1024xf32, #tpu.memory_space<vmem>>
    %dma_wait3A_1010 = tpu.memref_squeeze %dma_wait3A_1009 : memref<1x4x8x1024xf32, #tpu.memory_space<vmem>> -> memref<4x8x1024xf32, #tpu.memory_space<vmem>>
    %dma_wait3A_1011 = arith.constant 0 : i32
    %dma_wait3A_1012 = arith.constant 0 : i32
    %dma_wait3A_1013 = tpu.memref_slice %arg2[%dma_wait3A_1011, %add3A_856, %dma_wait3A_1012] : memref<4x4096x1024xf32, #tpu.memory_space<hbm>> -> memref<4x8x1024xf32, #tpu.memory_space<hbm>>
    %dma_wait3A_1014 = arith.constant 0 : i32
    %dma_wait3A_1015 = arith.constant 0 : i32
    %dma_wait3A_1016 = arith.constant 0 : i32
    %dma_wait3A_1017 = tpu.memref_slice %arg6[%dma_wait3A_1005, %dma_wait3A_1014, %dma_wait3A_1015, %dma_wait3A_1016] : memref<3x4x8x1024xf32, #tpu.memory_space<vmem>> -> memref<1x4x8x1024xf32, #tpu.memory_space<vmem>>
    %dma_wait3A_1018 = tpu.memref_squeeze %dma_wait3A_1017 : memref<1x4x8x1024xf32, #tpu.memory_space<vmem>> -> memref<4x8x1024xf32, #tpu.memory_space<vmem>>
    %dma_wait3A_1019 = arith.constant 0 : i32
    %dma_wait3A_1020 = arith.constant 0 : i32
    %dma_wait3A_1021 = tpu.memref_slice %arg2[%dma_wait3A_1019, %add3A_856, %dma_wait3A_1020] : memref<4x4096x1024xf32, #tpu.memory_space<hbm>> -> memref<4x8x1024xf32, #tpu.memory_space<hbm>>
    tpu.wait_dma2 semaphore(%arg7 : memref<!tpu.dma_semaphore, #tpu.memory_space<semaphore_mem>>) src(%dma_wait3A_1021 : memref<4x8x1024xf32, #tpu.memory_space<hbm>>) dst(%dma_wait3A_1018 : memref<4x8x1024xf32, #tpu.memory_space<vmem>>)
    %scan3A_1022 = arith.constant 0 : i32
    %scan3A_1023 = arith.constant 0 : i32
    %scan3A_1024 = arith.constant 8 : i32
    %scan3A_1025 = arith.addi %scan3A_1023, %scan3A_1024 : i32
    %scan3A_1026 = arith.constant 1 : i32
    %scan3A_1027 = scf.for %scan3A_1680 = %scan3A_1023 to %scan3A_1025 step %scan3A_1026 iter_args(%scan3A_1681 = %scan3A_1022) -> (i32)  : i32 {
      %parallel_loop3A = arith.constant 0 : i32
      %parallel_loop3A_1682 = arith.constant 1024 : i32
      %parallel_loop3A_1683 = arith.constant 16 : i32
      scf.for %parallel_loop3A_1685 = %parallel_loop3A to %parallel_loop3A_1682 step %parallel_loop3A_1683  : i32 {
        %parallel_loop3A_1686 = arith.constant 0 : i32
        %parallel_loop3A_1687 = arith.index_cast %parallel_loop3A_1686 : i32 to index
        %parallel_loop3A_1688 = arith.index_cast %scan3A_1680 : i32 to index
        %parallel_loop3A_1689 = arith.index_cast %parallel_loop3A_1685 : i32 to index
        %parallel_loop3A_1690 = tpu.vector_load %arg5[%parallel_loop3A_1687, %parallel_loop3A_1688, %parallel_loop3A_1689] {strides = array<i32>} : memref<3x8x1024xf32, #tpu.memory_space<vmem>>, vector<1x1x16xf32>,
        %parallel_loop3A_1691 = vector.shape_cast %parallel_loop3A_1690 : vector<1x1x16xf32> to vector<16xf32>
        %parallel_loop3A_1692 = arith.constant 0 : i32
        %parallel_loop3A_1693 = arith.constant 0 : i32
        %parallel_loop3A_1694 = arith.index_cast %parallel_loop3A_1692 : i32 to index
        %parallel_loop3A_1695 = arith.index_cast %parallel_loop3A_1693 : i32 to index
        %parallel_loop3A_1696 = arith.index_cast %scan3A_1680 : i32 to index
        %parallel_loop3A_1697 = arith.index_cast %parallel_loop3A_1685 : i32 to index
        %parallel_loop3A_1698 = tpu.vector_load %arg6[%parallel_loop3A_1694, %parallel_loop3A_1695, %parallel_loop3A_1696, %parallel_loop3A_1697] {strides = array<i32>} : memref<3x4x8x1024xf32, #tpu.memory_space<vmem>>, vector<1x1x1x16xf32>,
        %parallel_loop3A_1699 = vector.shape_cast %parallel_loop3A_1698 : vector<1x1x1x16xf32> to vector<16xf32>
        %parallel_loop3A_1700 = vector.shape_cast %parallel_loop3A_1691 : vector<16xf32> to vector<1x1x1x16xf32>
        tpu.vector_store %arg6[%parallel_loop3A_1694, %parallel_loop3A_1695, %parallel_loop3A_1696, %parallel_loop3A_1697], %parallel_loop3A_1700 {add = true, strides = array<i32>} : memref<3x4x8x1024xf32, #tpu.memory_space<vmem>>, vector<1x1x1x16xf32>,
        %parallel_loop3A_1701 = arith.constant 0 : i32
        %parallel_loop3A_1702 = arith.constant 1 : i32
        %parallel_loop3A_1703 = arith.index_cast %parallel_loop3A_1701 : i32 to index
        %parallel_loop3A_1704 = arith.index_cast %parallel_loop3A_1702 : i32 to index
        %parallel_loop3A_1705 = arith.index_cast %scan3A_1680 : i32 to index
        %parallel_loop3A_1706 = arith.index_cast %parallel_loop3A_1685 : i32 to index
        %parallel_loop3A_1707 = tpu.vector_load %arg6[%parallel_loop3A_1703, %parallel_loop3A_1704, %parallel_loop3A_1705, %parallel_loop3A_1706] {strides = array<i32>} : memref<3x4x8x1024xf32, #tpu.memory_space<vmem>>, vector<1x1x1x16xf32>,
        %parallel_loop3A_1708 = vector.shape_cast %parallel_loop3A_1707 : vector<1x1x1x16xf32> to vector<16xf32>
        %parallel_loop3A_1709 = vector.shape_cast %parallel_loop3A_1691 : vector<16xf32> to vector<1x1x1x16xf32>
        tpu.vector_store %arg6[%parallel_loop3A_1703, %parallel_loop3A_1704, %parallel_loop3A_1705, %parallel_loop3A_1706], %parallel_loop3A_1709 {add = true, strides = array<i32>} : memref<3x4x8x1024xf32, #tpu.memory_space<vmem>>, vector<1x1x1x16xf32>,
        %parallel_loop3A_1710 = arith.constant 0 : i32
        %parallel_loop3A_1711 = arith.constant 2 : i32
        %parallel_loop3A_1712 = arith.index_cast %parallel_loop3A_1710 : i32 to index
        %parallel_loop3A_1713 = arith.index_cast %parallel_loop3A_1711 : i32 to index
        %parallel_loop3A_1714 = arith.index_cast %scan3A_1680 : i32 to index
        %parallel_loop3A_1715 = arith.index_cast %parallel_loop3A_1685 : i32 to index
        %parallel_loop3A_1716 = tpu.vector_load %arg6[%parallel_loop3A_1712, %parallel_loop3A_1713, %parallel_loop3A_1714, %parallel_loop3A_1715] {strides = array<i32>} : memref<3x4x8x1024xf32, #tpu.memory_space<vmem>>, vector<1x1x1x16xf32>,
        %parallel_loop3A_1717 = vector.shape_cast %parallel_loop3A_1716 : vector<1x1x1x16xf32> to vector<16xf32>
        %parallel_loop3A_1718 = vector.shape_cast %parallel_loop3A_1691 : vector<16xf32> to vector<1x1x1x16xf32>
        tpu.vector_store %arg6[%parallel_loop3A_1712, %parallel_loop3A_1713, %parallel_loop3A_1714, %parallel_loop3A_1715], %parallel_loop3A_1718 {add = true, strides = array<i32>} : memref<3x4x8x1024xf32, #tpu.memory_space<vmem>>, vector<1x1x1x16xf32>,
        %parallel_loop3A_1719 = arith.constant 0 : i32
        %parallel_loop3A_1720 = arith.constant 3 : i32
        %parallel_loop3A_1721 = arith.index_cast %parallel_loop3A_1719 : i32 to index
        %parallel_loop3A_1722 = arith.index_cast %parallel_loop3A_1720 : i32 to index
        %parallel_loop3A_1723 = arith.index_cast %scan3A_1680 : i32 to index
        %parallel_loop3A_1724 = arith.index_cast %parallel_loop3A_1685 : i32 to index
        %parallel_loop3A_1725 = tpu.vector_load %arg6[%parallel_loop3A_1721, %parallel_loop3A_1722, %parallel_loop3A_1723, %parallel_loop3A_1724] {strides = array<i32>} : memref<3x4x8x1024xf32, #tpu.memory_space<vmem>>, vector<1x1x1x16xf32>,
        %parallel_loop3A_1726 = vector.shape_cast %parallel_loop3A_1725 : vector<1x1x1x16xf32> to vector<16xf32>
        %parallel_loop3A_1727 = vector.shape_cast %parallel_loop3A_1691 : vector<16xf32> to vector<1x1x1x16xf32>
        tpu.vector_store %arg6[%parallel_loop3A_1721, %parallel_loop3A_1722, %parallel_loop3A_1723, %parallel_loop3A_1724], %parallel_loop3A_1727 {add = true, strides = array<i32>} : memref<3x4x8x1024xf32, #tpu.memory_space<vmem>>, vector<1x1x1x16xf32>,
      } {sc.loop_unroll_factor = 8 : i64, sc.parallel_access}
      %scan3A_1684 = arith.constant 0 : i32
      scf.yield %scan3A_1684 : i32
    }
    %scan3A_1028 = arith.constant 8 : i32
    %add3A_1029 = arith.constant 72 : i32
    %add3A_1030 = arith.addi %mul3A_2, %add3A_1029 : i32
    %dma_start3A_1031 = arith.constant 0 : i32
    %dma_start3A_1032 = arith.constant 0 : i32
    %dma_start3A_1033 = arith.constant 0 : i32
    %dma_start3A_1034 = arith.constant 0 : i32
    %dma_start3A_1035 = tpu.memref_slice %arg6[%dma_start3A_1031, %dma_start3A_1032, %dma_start3A_1033, %dma_start3A_1034] : memref<3x4x8x1024xf32, #tpu.memory_space<vmem>> -> memref<1x4x8x1024xf32, #tpu.memory_space<vmem>>
    %dma_start3A_1036 = tpu.memref_squeeze %dma_start3A_1035 : memref<1x4x8x1024xf32, #tpu.memory_space<vmem>> -> memref<4x8x1024xf32, #tpu.memory_space<vmem>>
    %dma_start3A_1037 = arith.constant 0 : i32
    %dma_start3A_1038 = arith.constant 0 : i32
    %dma_start3A_1039 = tpu.memref_slice %arg4[%dma_start3A_1037, %add3A_1030, %dma_start3A_1038] : memref<4x4096x1024xf32, #tpu.memory_space<hbm>> -> memref<4x8x1024xf32, #tpu.memory_space<hbm>>
    %dma_start3A_1040 = arith.constant 0 : i32
    %dma_start3A_1041 = arith.constant 0 : i32
    %dma_start3A_1042 = tpu.memref_slice %arg4[%dma_start3A_1040, %add3A_1030, %dma_start3A_1041] : memref<4x4096x1024xf32, #tpu.memory_space<hbm>> -> memref<4x8x1024xf32, #tpu.memory_space<hbm>>
    %dma_start3A_1043 = arith.constant 0 : i32
    %dma_start3A_1044 = arith.constant 0 : i32
    %dma_start3A_1045 = arith.constant 0 : i32
    %dma_start3A_1046 = tpu.memref_slice %arg6[%dma_start3A_1031, %dma_start3A_1043, %dma_start3A_1044, %dma_start3A_1045] : memref<3x4x8x1024xf32, #tpu.memory_space<vmem>> -> memref<1x4x8x1024xf32, #tpu.memory_space<vmem>>
    %dma_start3A_1047 = tpu.memref_squeeze %dma_start3A_1046 : memref<1x4x8x1024xf32, #tpu.memory_space<vmem>> -> memref<4x8x1024xf32, #tpu.memory_space<vmem>>
    tpu.enqueue_dma source(%dma_start3A_1047 : memref<4x8x1024xf32, #tpu.memory_space<vmem>>) target(%dma_start3A_1042 : memref<4x8x1024xf32, #tpu.memory_space<hbm>>) target_semaphore(%arg10 : memref<!tpu.dma_semaphore, #tpu.memory_space<semaphore_mem>>)
    %dma_wait3A_1048 = arith.constant 2 : i32
    %dma_wait3A_1049 = arith.constant 0 : i32
    %dma_wait3A_1050 = arith.constant 0 : i32
    %dma_wait3A_1051 = arith.constant 0 : i32
    %dma_wait3A_1052 = tpu.memref_slice %arg6[%dma_wait3A_1048, %dma_wait3A_1049, %dma_wait3A_1050, %dma_wait3A_1051] : memref<3x4x8x1024xf32, #tpu.memory_space<vmem>> -> memref<1x4x8x1024xf32, #tpu.memory_space<vmem>>
    %dma_wait3A_1053 = tpu.memref_squeeze %dma_wait3A_1052 : memref<1x4x8x1024xf32, #tpu.memory_space<vmem>> -> memref<4x8x1024xf32, #tpu.memory_space<vmem>>
    %dma_wait3A_1054 = arith.constant 0 : i32
    %dma_wait3A_1055 = arith.constant 0 : i32
    %dma_wait3A_1056 = tpu.memref_slice %arg4[%dma_wait3A_1054, %add3A_925, %dma_wait3A_1055] : memref<4x4096x1024xf32, #tpu.memory_space<hbm>> -> memref<4x8x1024xf32, #tpu.memory_space<hbm>>
    %dma_wait3A_1057 = arith.constant 0 : i32
    %dma_wait3A_1058 = arith.constant 0 : i32
    %dma_wait3A_1059 = tpu.memref_slice %arg4[%dma_wait3A_1057, %add3A_925, %dma_wait3A_1058] : memref<4x4096x1024xf32, #tpu.memory_space<hbm>> -> memref<4x8x1024xf32, #tpu.memory_space<hbm>>
    %dma_wait3A_1060 = arith.constant 0 : i32
    %dma_wait3A_1061 = arith.constant 0 : i32
    %dma_wait3A_1062 = arith.constant 0 : i32
    %dma_wait3A_1063 = tpu.memref_slice %arg6[%dma_wait3A_1048, %dma_wait3A_1060, %dma_wait3A_1061, %dma_wait3A_1062] : memref<3x4x8x1024xf32, #tpu.memory_space<vmem>> -> memref<1x4x8x1024xf32, #tpu.memory_space<vmem>>
    %dma_wait3A_1064 = tpu.memref_squeeze %dma_wait3A_1063 : memref<1x4x8x1024xf32, #tpu.memory_space<vmem>> -> memref<4x8x1024xf32, #tpu.memory_space<vmem>>
    tpu.wait_dma2 semaphore(%arg12 : memref<!tpu.dma_semaphore, #tpu.memory_space<semaphore_mem>>) src(%dma_wait3A_1064 : memref<4x8x1024xf32, #tpu.memory_space<vmem>>) dst(%dma_wait3A_1059 : memref<4x8x1024xf32, #tpu.memory_space<hbm>>)
    %add3A_1065 = arith.constant 88 : i32
    %add3A_1066 = arith.addi %mul3A_2, %add3A_1065 : i32
    %dma_start3A_1067 = arith.constant 2 : i32
    %dma_start3A_1068 = arith.constant 0 : i32
    %dma_start3A_1069 = arith.constant 0 : i32
    %dma_start3A_1070 = tpu.memref_slice %arg5[%dma_start3A_1067, %dma_start3A_1068, %dma_start3A_1069] : memref<3x8x1024xf32, #tpu.memory_space<vmem>> -> memref<1x8x1024xf32, #tpu.memory_space<vmem>>
    %dma_start3A_1071 = tpu.memref_squeeze %dma_start3A_1070 : memref<1x8x1024xf32, #tpu.memory_space<vmem>> -> memref<8x1024xf32, #tpu.memory_space<vmem>>
    %dma_start3A_1072 = arith.constant 0 : i32
    %dma_start3A_1073 = tpu.memref_slice %arg3[%add3A_1066, %dma_start3A_1072] : memref<8192x1024xf32, #tpu.memory_space<hbm>> -> memref<8x1024xf32, #tpu.memory_space<hbm>>
    %dma_start3A_1074 = arith.constant 0 : i32
    %dma_start3A_1075 = arith.constant 0 : i32
    %dma_start3A_1076 = tpu.memref_slice %arg5[%dma_start3A_1067, %dma_start3A_1074, %dma_start3A_1075] : memref<3x8x1024xf32, #tpu.memory_space<vmem>> -> memref<1x8x1024xf32, #tpu.memory_space<vmem>>
    %dma_start3A_1077 = tpu.memref_squeeze %dma_start3A_1076 : memref<1x8x1024xf32, #tpu.memory_space<vmem>> -> memref<8x1024xf32, #tpu.memory_space<vmem>>
    %dma_start3A_1078 = arith.constant 0 : i32
    %dma_start3A_1079 = tpu.memref_slice %arg3[%add3A_1066, %dma_start3A_1078] : memref<8192x1024xf32, #tpu.memory_space<hbm>> -> memref<8x1024xf32, #tpu.memory_space<hbm>>
    tpu.enqueue_dma source(%dma_start3A_1079 : memref<8x1024xf32, #tpu.memory_space<hbm>>) target(%dma_start3A_1077 : memref<8x1024xf32, #tpu.memory_space<vmem>>) target_semaphore(%arg9 : memref<!tpu.dma_semaphore, #tpu.memory_space<semaphore_mem>>)
    %dma_start3A_1080 = arith.constant 2 : i32
    %dma_start3A_1081 = arith.constant 0 : i32
    %dma_start3A_1082 = arith.constant 0 : i32
    %dma_start3A_1083 = arith.constant 0 : i32
    %dma_start3A_1084 = tpu.memref_slice %arg6[%dma_start3A_1080, %dma_start3A_1081, %dma_start3A_1082, %dma_start3A_1083] : memref<3x4x8x1024xf32, #tpu.memory_space<vmem>> -> memref<1x4x8x1024xf32, #tpu.memory_space<vmem>>
    %dma_start3A_1085 = tpu.memref_squeeze %dma_start3A_1084 : memref<1x4x8x1024xf32, #tpu.memory_space<vmem>> -> memref<4x8x1024xf32, #tpu.memory_space<vmem>>
    %dma_start3A_1086 = arith.constant 0 : i32
    %dma_start3A_1087 = arith.constant 0 : i32
    %dma_start3A_1088 = tpu.memref_slice %arg2[%dma_start3A_1086, %add3A_1066, %dma_start3A_1087] : memref<4x4096x1024xf32, #tpu.memory_space<hbm>> -> memref<4x8x1024xf32, #tpu.memory_space<hbm>>
    %dma_start3A_1089 = arith.constant 0 : i32
    %dma_start3A_1090 = arith.constant 0 : i32
    %dma_start3A_1091 = arith.constant 0 : i32
    %dma_start3A_1092 = tpu.memref_slice %arg6[%dma_start3A_1080, %dma_start3A_1089, %dma_start3A_1090, %dma_start3A_1091] : memref<3x4x8x1024xf32, #tpu.memory_space<vmem>> -> memref<1x4x8x1024xf32, #tpu.memory_space<vmem>>
    %dma_start3A_1093 = tpu.memref_squeeze %dma_start3A_1092 : memref<1x4x8x1024xf32, #tpu.memory_space<vmem>> -> memref<4x8x1024xf32, #tpu.memory_space<vmem>>
    %dma_start3A_1094 = arith.constant 0 : i32
    %dma_start3A_1095 = arith.constant 0 : i32
    %dma_start3A_1096 = tpu.memref_slice %arg2[%dma_start3A_1094, %add3A_1066, %dma_start3A_1095] : memref<4x4096x1024xf32, #tpu.memory_space<hbm>> -> memref<4x8x1024xf32, #tpu.memory_space<hbm>>
    tpu.enqueue_dma source(%dma_start3A_1096 : memref<4x8x1024xf32, #tpu.memory_space<hbm>>) target(%dma_start3A_1093 : memref<4x8x1024xf32, #tpu.memory_space<vmem>>) target_semaphore(%arg9 : memref<!tpu.dma_semaphore, #tpu.memory_space<semaphore_mem>>)
    %dma_wait3A_1097 = arith.constant 1 : i32
    %dma_wait3A_1098 = arith.constant 0 : i32
    %dma_wait3A_1099 = arith.constant 0 : i32
    %dma_wait3A_1100 = tpu.memref_slice %arg5[%dma_wait3A_1097, %dma_wait3A_1098, %dma_wait3A_1099] : memref<3x8x1024xf32, #tpu.memory_space<vmem>> -> memref<1x8x1024xf32, #tpu.memory_space<vmem>>
    %dma_wait3A_1101 = tpu.memref_squeeze %dma_wait3A_1100 : memref<1x8x1024xf32, #tpu.memory_space<vmem>> -> memref<8x1024xf32, #tpu.memory_space<vmem>>
    %dma_wait3A_1102 = arith.constant 0 : i32
    %dma_wait3A_1103 = tpu.memref_slice %arg3[%add3A_961, %dma_wait3A_1102] : memref<8192x1024xf32, #tpu.memory_space<hbm>> -> memref<8x1024xf32, #tpu.memory_space<hbm>>
    %dma_wait3A_1104 = arith.constant 0 : i32
    %dma_wait3A_1105 = arith.constant 0 : i32
    %dma_wait3A_1106 = tpu.memref_slice %arg5[%dma_wait3A_1097, %dma_wait3A_1104, %dma_wait3A_1105] : memref<3x8x1024xf32, #tpu.memory_space<vmem>> -> memref<1x8x1024xf32, #tpu.memory_space<vmem>>
    %dma_wait3A_1107 = tpu.memref_squeeze %dma_wait3A_1106 : memref<1x8x1024xf32, #tpu.memory_space<vmem>> -> memref<8x1024xf32, #tpu.memory_space<vmem>>
    %dma_wait3A_1108 = arith.constant 0 : i32
    %dma_wait3A_1109 = tpu.memref_slice %arg3[%add3A_961, %dma_wait3A_1108] : memref<8192x1024xf32, #tpu.memory_space<hbm>> -> memref<8x1024xf32, #tpu.memory_space<hbm>>
    tpu.wait_dma2 semaphore(%arg8 : memref<!tpu.dma_semaphore, #tpu.memory_space<semaphore_mem>>) src(%dma_wait3A_1109 : memref<8x1024xf32, #tpu.memory_space<hbm>>) dst(%dma_wait3A_1107 : memref<8x1024xf32, #tpu.memory_space<vmem>>)
    %dma_wait3A_1110 = arith.constant 1 : i32
    %dma_wait3A_1111 = arith.constant 0 : i32
    %dma_wait3A_1112 = arith.constant 0 : i32
    %dma_wait3A_1113 = arith.constant 0 : i32
    %dma_wait3A_1114 = tpu.memref_slice %arg6[%dma_wait3A_1110, %dma_wait3A_1111, %dma_wait3A_1112, %dma_wait3A_1113] : memref<3x4x8x1024xf32, #tpu.memory_space<vmem>> -> memref<1x4x8x1024xf32, #tpu.memory_space<vmem>>
    %dma_wait3A_1115 = tpu.memref_squeeze %dma_wait3A_1114 : memref<1x4x8x1024xf32, #tpu.memory_space<vmem>> -> memref<4x8x1024xf32, #tpu.memory_space<vmem>>
    %dma_wait3A_1116 = arith.constant 0 : i32
    %dma_wait3A_1117 = arith.constant 0 : i32
    %dma_wait3A_1118 = tpu.memref_slice %arg2[%dma_wait3A_1116, %add3A_961, %dma_wait3A_1117] : memref<4x4096x1024xf32, #tpu.memory_space<hbm>> -> memref<4x8x1024xf32, #tpu.memory_space<hbm>>
    %dma_wait3A_1119 = arith.constant 0 : i32
    %dma_wait3A_1120 = arith.constant 0 : i32
    %dma_wait3A_1121 = arith.constant 0 : i32
    %dma_wait3A_1122 = tpu.memref_slice %arg6[%dma_wait3A_1110, %dma_wait3A_1119, %dma_wait3A_1120, %dma_wait3A_1121] : memref<3x4x8x1024xf32, #tpu.memory_space<vmem>> -> memref<1x4x8x1024xf32, #tpu.memory_space<vmem>>
    %dma_wait3A_1123 = tpu.memref_squeeze %dma_wait3A_1122 : memref<1x4x8x1024xf32, #tpu.memory_space<vmem>> -> memref<4x8x1024xf32, #tpu.memory_space<vmem>>
    %dma_wait3A_1124 = arith.constant 0 : i32
    %dma_wait3A_1125 = arith.constant 0 : i32
    %dma_wait3A_1126 = tpu.memref_slice %arg2[%dma_wait3A_1124, %add3A_961, %dma_wait3A_1125] : memref<4x4096x1024xf32, #tpu.memory_space<hbm>> -> memref<4x8x1024xf32, #tpu.memory_space<hbm>>
    tpu.wait_dma2 semaphore(%arg8 : memref<!tpu.dma_semaphore, #tpu.memory_space<semaphore_mem>>) src(%dma_wait3A_1126 : memref<4x8x1024xf32, #tpu.memory_space<hbm>>) dst(%dma_wait3A_1123 : memref<4x8x1024xf32, #tpu.memory_space<vmem>>)
    %scan3A_1127 = arith.constant 0 : i32
    %scan3A_1128 = arith.constant 0 : i32
    %scan3A_1129 = arith.constant 8 : i32
    %scan3A_1130 = arith.addi %scan3A_1128, %scan3A_1129 : i32
    %scan3A_1131 = arith.constant 1 : i32
    %scan3A_1132 = scf.for %scan3A_1680 = %scan3A_1128 to %scan3A_1130 step %scan3A_1131 iter_args(%scan3A_1681 = %scan3A_1127) -> (i32)  : i32 {
      %parallel_loop3A = arith.constant 0 : i32
      %parallel_loop3A_1682 = arith.constant 1024 : i32
      %parallel_loop3A_1683 = arith.constant 16 : i32
      scf.for %parallel_loop3A_1685 = %parallel_loop3A to %parallel_loop3A_1682 step %parallel_loop3A_1683  : i32 {
        %parallel_loop3A_1686 = arith.constant 1 : i32
        %parallel_loop3A_1687 = arith.index_cast %parallel_loop3A_1686 : i32 to index
        %parallel_loop3A_1688 = arith.index_cast %scan3A_1680 : i32 to index
        %parallel_loop3A_1689 = arith.index_cast %parallel_loop3A_1685 : i32 to index
        %parallel_loop3A_1690 = tpu.vector_load %arg5[%parallel_loop3A_1687, %parallel_loop3A_1688, %parallel_loop3A_1689] {strides = array<i32>} : memref<3x8x1024xf32, #tpu.memory_space<vmem>>, vector<1x1x16xf32>,
        %parallel_loop3A_1691 = vector.shape_cast %parallel_loop3A_1690 : vector<1x1x16xf32> to vector<16xf32>
        %parallel_loop3A_1692 = arith.constant 1 : i32
        %parallel_loop3A_1693 = arith.constant 0 : i32
        %parallel_loop3A_1694 = arith.index_cast %parallel_loop3A_1692 : i32 to index
        %parallel_loop3A_1695 = arith.index_cast %parallel_loop3A_1693 : i32 to index
        %parallel_loop3A_1696 = arith.index_cast %scan3A_1680 : i32 to index
        %parallel_loop3A_1697 = arith.index_cast %parallel_loop3A_1685 : i32 to index
        %parallel_loop3A_1698 = tpu.vector_load %arg6[%parallel_loop3A_1694, %parallel_loop3A_1695, %parallel_loop3A_1696, %parallel_loop3A_1697] {strides = array<i32>} : memref<3x4x8x1024xf32, #tpu.memory_space<vmem>>, vector<1x1x1x16xf32>,
        %parallel_loop3A_1699 = vector.shape_cast %parallel_loop3A_1698 : vector<1x1x1x16xf32> to vector<16xf32>
        %parallel_loop3A_1700 = vector.shape_cast %parallel_loop3A_1691 : vector<16xf32> to vector<1x1x1x16xf32>
        tpu.vector_store %arg6[%parallel_loop3A_1694, %parallel_loop3A_1695, %parallel_loop3A_1696, %parallel_loop3A_1697], %parallel_loop3A_1700 {add = true, strides = array<i32>} : memref<3x4x8x1024xf32, #tpu.memory_space<vmem>>, vector<1x1x1x16xf32>,
        %parallel_loop3A_1701 = arith.constant 1 : i32
        %parallel_loop3A_1702 = arith.constant 1 : i32
        %parallel_loop3A_1703 = arith.index_cast %parallel_loop3A_1701 : i32 to index
        %parallel_loop3A_1704 = arith.index_cast %parallel_loop3A_1702 : i32 to index
        %parallel_loop3A_1705 = arith.index_cast %scan3A_1680 : i32 to index
        %parallel_loop3A_1706 = arith.index_cast %parallel_loop3A_1685 : i32 to index
        %parallel_loop3A_1707 = tpu.vector_load %arg6[%parallel_loop3A_1703, %parallel_loop3A_1704, %parallel_loop3A_1705, %parallel_loop3A_1706] {strides = array<i32>} : memref<3x4x8x1024xf32, #tpu.memory_space<vmem>>, vector<1x1x1x16xf32>,
        %parallel_loop3A_1708 = vector.shape_cast %parallel_loop3A_1707 : vector<1x1x1x16xf32> to vector<16xf32>
        %parallel_loop3A_1709 = vector.shape_cast %parallel_loop3A_1691 : vector<16xf32> to vector<1x1x1x16xf32>
        tpu.vector_store %arg6[%parallel_loop3A_1703, %parallel_loop3A_1704, %parallel_loop3A_1705, %parallel_loop3A_1706], %parallel_loop3A_1709 {add = true, strides = array<i32>} : memref<3x4x8x1024xf32, #tpu.memory_space<vmem>>, vector<1x1x1x16xf32>,
        %parallel_loop3A_1710 = arith.constant 1 : i32
        %parallel_loop3A_1711 = arith.constant 2 : i32
        %parallel_loop3A_1712 = arith.index_cast %parallel_loop3A_1710 : i32 to index
        %parallel_loop3A_1713 = arith.index_cast %parallel_loop3A_1711 : i32 to index
        %parallel_loop3A_1714 = arith.index_cast %scan3A_1680 : i32 to index
        %parallel_loop3A_1715 = arith.index_cast %parallel_loop3A_1685 : i32 to index
        %parallel_loop3A_1716 = tpu.vector_load %arg6[%parallel_loop3A_1712, %parallel_loop3A_1713, %parallel_loop3A_1714, %parallel_loop3A_1715] {strides = array<i32>} : memref<3x4x8x1024xf32, #tpu.memory_space<vmem>>, vector<1x1x1x16xf32>,
        %parallel_loop3A_1717 = vector.shape_cast %parallel_loop3A_1716 : vector<1x1x1x16xf32> to vector<16xf32>
        %parallel_loop3A_1718 = vector.shape_cast %parallel_loop3A_1691 : vector<16xf32> to vector<1x1x1x16xf32>
        tpu.vector_store %arg6[%parallel_loop3A_1712, %parallel_loop3A_1713, %parallel_loop3A_1714, %parallel_loop3A_1715], %parallel_loop3A_1718 {add = true, strides = array<i32>} : memref<3x4x8x1024xf32, #tpu.memory_space<vmem>>, vector<1x1x1x16xf32>,
        %parallel_loop3A_1719 = arith.constant 1 : i32
        %parallel_loop3A_1720 = arith.constant 3 : i32
        %parallel_loop3A_1721 = arith.index_cast %parallel_loop3A_1719 : i32 to index
        %parallel_loop3A_1722 = arith.index_cast %parallel_loop3A_1720 : i32 to index
        %parallel_loop3A_1723 = arith.index_cast %scan3A_1680 : i32 to index
        %parallel_loop3A_1724 = arith.index_cast %parallel_loop3A_1685 : i32 to index
        %parallel_loop3A_1725 = tpu.vector_load %arg6[%parallel_loop3A_1721, %parallel_loop3A_1722, %parallel_loop3A_1723, %parallel_loop3A_1724] {strides = array<i32>} : memref<3x4x8x1024xf32, #tpu.memory_space<vmem>>, vector<1x1x1x16xf32>,
        %parallel_loop3A_1726 = vector.shape_cast %parallel_loop3A_1725 : vector<1x1x1x16xf32> to vector<16xf32>
        %parallel_loop3A_1727 = vector.shape_cast %parallel_loop3A_1691 : vector<16xf32> to vector<1x1x1x16xf32>
        tpu.vector_store %arg6[%parallel_loop3A_1721, %parallel_loop3A_1722, %parallel_loop3A_1723, %parallel_loop3A_1724], %parallel_loop3A_1727 {add = true, strides = array<i32>} : memref<3x4x8x1024xf32, #tpu.memory_space<vmem>>, vector<1x1x1x16xf32>,
      } {sc.loop_unroll_factor = 8 : i64, sc.parallel_access}
      %scan3A_1684 = arith.constant 0 : i32
      scf.yield %scan3A_1684 : i32
    }
    %scan3A_1133 = arith.constant 8 : i32
    %add3A_1134 = arith.constant 80 : i32
    %add3A_1135 = arith.addi %mul3A_2, %add3A_1134 : i32
    %dma_start3A_1136 = arith.constant 1 : i32
    %dma_start3A_1137 = arith.constant 0 : i32
    %dma_start3A_1138 = arith.constant 0 : i32
    %dma_start3A_1139 = arith.constant 0 : i32
    %dma_start3A_1140 = tpu.memref_slice %arg6[%dma_start3A_1136, %dma_start3A_1137, %dma_start3A_1138, %dma_start3A_1139] : memref<3x4x8x1024xf32, #tpu.memory_space<vmem>> -> memref<1x4x8x1024xf32, #tpu.memory_space<vmem>>
    %dma_start3A_1141 = tpu.memref_squeeze %dma_start3A_1140 : memref<1x4x8x1024xf32, #tpu.memory_space<vmem>> -> memref<4x8x1024xf32, #tpu.memory_space<vmem>>
    %dma_start3A_1142 = arith.constant 0 : i32
    %dma_start3A_1143 = arith.constant 0 : i32
    %dma_start3A_1144 = tpu.memref_slice %arg4[%dma_start3A_1142, %add3A_1135, %dma_start3A_1143] : memref<4x4096x1024xf32, #tpu.memory_space<hbm>> -> memref<4x8x1024xf32, #tpu.memory_space<hbm>>
    %dma_start3A_1145 = arith.constant 0 : i32
    %dma_start3A_1146 = arith.constant 0 : i32
    %dma_start3A_1147 = tpu.memref_slice %arg4[%dma_start3A_1145, %add3A_1135, %dma_start3A_1146] : memref<4x4096x1024xf32, #tpu.memory_space<hbm>> -> memref<4x8x1024xf32, #tpu.memory_space<hbm>>
    %dma_start3A_1148 = arith.constant 0 : i32
    %dma_start3A_1149 = arith.constant 0 : i32
    %dma_start3A_1150 = arith.constant 0 : i32
    %dma_start3A_1151 = tpu.memref_slice %arg6[%dma_start3A_1136, %dma_start3A_1148, %dma_start3A_1149, %dma_start3A_1150] : memref<3x4x8x1024xf32, #tpu.memory_space<vmem>> -> memref<1x4x8x1024xf32, #tpu.memory_space<vmem>>
    %dma_start3A_1152 = tpu.memref_squeeze %dma_start3A_1151 : memref<1x4x8x1024xf32, #tpu.memory_space<vmem>> -> memref<4x8x1024xf32, #tpu.memory_space<vmem>>
    tpu.enqueue_dma source(%dma_start3A_1152 : memref<4x8x1024xf32, #tpu.memory_space<vmem>>) target(%dma_start3A_1147 : memref<4x8x1024xf32, #tpu.memory_space<hbm>>) target_semaphore(%arg11 : memref<!tpu.dma_semaphore, #tpu.memory_space<semaphore_mem>>)
    %dma_wait3A_1153 = arith.constant 0 : i32
    %dma_wait3A_1154 = arith.constant 0 : i32
    %dma_wait3A_1155 = arith.constant 0 : i32
    %dma_wait3A_1156 = arith.constant 0 : i32
    %dma_wait3A_1157 = tpu.memref_slice %arg6[%dma_wait3A_1153, %dma_wait3A_1154, %dma_wait3A_1155, %dma_wait3A_1156] : memref<3x4x8x1024xf32, #tpu.memory_space<vmem>> -> memref<1x4x8x1024xf32, #tpu.memory_space<vmem>>
    %dma_wait3A_1158 = tpu.memref_squeeze %dma_wait3A_1157 : memref<1x4x8x1024xf32, #tpu.memory_space<vmem>> -> memref<4x8x1024xf32, #tpu.memory_space<vmem>>
    %dma_wait3A_1159 = arith.constant 0 : i32
    %dma_wait3A_1160 = arith.constant 0 : i32
    %dma_wait3A_1161 = tpu.memref_slice %arg4[%dma_wait3A_1159, %add3A_1030, %dma_wait3A_1160] : memref<4x4096x1024xf32, #tpu.memory_space<hbm>> -> memref<4x8x1024xf32, #tpu.memory_space<hbm>>
    %dma_wait3A_1162 = arith.constant 0 : i32
    %dma_wait3A_1163 = arith.constant 0 : i32
    %dma_wait3A_1164 = tpu.memref_slice %arg4[%dma_wait3A_1162, %add3A_1030, %dma_wait3A_1163] : memref<4x4096x1024xf32, #tpu.memory_space<hbm>> -> memref<4x8x1024xf32, #tpu.memory_space<hbm>>
    %dma_wait3A_1165 = arith.constant 0 : i32
    %dma_wait3A_1166 = arith.constant 0 : i32
    %dma_wait3A_1167 = arith.constant 0 : i32
    %dma_wait3A_1168 = tpu.memref_slice %arg6[%dma_wait3A_1153, %dma_wait3A_1165, %dma_wait3A_1166, %dma_wait3A_1167] : memref<3x4x8x1024xf32, #tpu.memory_space<vmem>> -> memref<1x4x8x1024xf32, #tpu.memory_space<vmem>>
    %dma_wait3A_1169 = tpu.memref_squeeze %dma_wait3A_1168 : memref<1x4x8x1024xf32, #tpu.memory_space<vmem>> -> memref<4x8x1024xf32, #tpu.memory_space<vmem>>
    tpu.wait_dma2 semaphore(%arg10 : memref<!tpu.dma_semaphore, #tpu.memory_space<semaphore_mem>>) src(%dma_wait3A_1169 : memref<4x8x1024xf32, #tpu.memory_space<vmem>>) dst(%dma_wait3A_1164 : memref<4x8x1024xf32, #tpu.memory_space<hbm>>)
    %add3A_1170 = arith.constant 96 : i32
    %add3A_1171 = arith.addi %mul3A_2, %add3A_1170 : i32
    %dma_start3A_1172 = arith.constant 0 : i32
    %dma_start3A_1173 = arith.constant 0 : i32
    %dma_start3A_1174 = arith.constant 0 : i32
    %dma_start3A_1175 = tpu.memref_slice %arg5[%dma_start3A_1172, %dma_start3A_1173, %dma_start3A_1174] : memref<3x8x1024xf32, #tpu.memory_space<vmem>> -> memref<1x8x1024xf32, #tpu.memory_space<vmem>>
    %dma_start3A_1176 = tpu.memref_squeeze %dma_start3A_1175 : memref<1x8x1024xf32, #tpu.memory_space<vmem>> -> memref<8x1024xf32, #tpu.memory_space<vmem>>
    %dma_start3A_1177 = arith.constant 0 : i32
    %dma_start3A_1178 = tpu.memref_slice %arg3[%add3A_1171, %dma_start3A_1177] : memref<8192x1024xf32, #tpu.memory_space<hbm>> -> memref<8x1024xf32, #tpu.memory_space<hbm>>
    %dma_start3A_1179 = arith.constant 0 : i32
    %dma_start3A_1180 = arith.constant 0 : i32
    %dma_start3A_1181 = tpu.memref_slice %arg5[%dma_start3A_1172, %dma_start3A_1179, %dma_start3A_1180] : memref<3x8x1024xf32, #tpu.memory_space<vmem>> -> memref<1x8x1024xf32, #tpu.memory_space<vmem>>
    %dma_start3A_1182 = tpu.memref_squeeze %dma_start3A_1181 : memref<1x8x1024xf32, #tpu.memory_space<vmem>> -> memref<8x1024xf32, #tpu.memory_space<vmem>>
    %dma_start3A_1183 = arith.constant 0 : i32
    %dma_start3A_1184 = tpu.memref_slice %arg3[%add3A_1171, %dma_start3A_1183] : memref<8192x1024xf32, #tpu.memory_space<hbm>> -> memref<8x1024xf32, #tpu.memory_space<hbm>>
    tpu.enqueue_dma source(%dma_start3A_1184 : memref<8x1024xf32, #tpu.memory_space<hbm>>) target(%dma_start3A_1182 : memref<8x1024xf32, #tpu.memory_space<vmem>>) target_semaphore(%arg7 : memref<!tpu.dma_semaphore, #tpu.memory_space<semaphore_mem>>)
    %dma_start3A_1185 = arith.constant 0 : i32
    %dma_start3A_1186 = arith.constant 0 : i32
    %dma_start3A_1187 = arith.constant 0 : i32
    %dma_start3A_1188 = arith.constant 0 : i32
    %dma_start3A_1189 = tpu.memref_slice %arg6[%dma_start3A_1185, %dma_start3A_1186, %dma_start3A_1187, %dma_start3A_1188] : memref<3x4x8x1024xf32, #tpu.memory_space<vmem>> -> memref<1x4x8x1024xf32, #tpu.memory_space<vmem>>
    %dma_start3A_1190 = tpu.memref_squeeze %dma_start3A_1189 : memref<1x4x8x1024xf32, #tpu.memory_space<vmem>> -> memref<4x8x1024xf32, #tpu.memory_space<vmem>>
    %dma_start3A_1191 = arith.constant 0 : i32
    %dma_start3A_1192 = arith.constant 0 : i32
    %dma_start3A_1193 = tpu.memref_slice %arg2[%dma_start3A_1191, %add3A_1171, %dma_start3A_1192] : memref<4x4096x1024xf32, #tpu.memory_space<hbm>> -> memref<4x8x1024xf32, #tpu.memory_space<hbm>>
    %dma_start3A_1194 = arith.constant 0 : i32
    %dma_start3A_1195 = arith.constant 0 : i32
    %dma_start3A_1196 = arith.constant 0 : i32
    %dma_start3A_1197 = tpu.memref_slice %arg6[%dma_start3A_1185, %dma_start3A_1194, %dma_start3A_1195, %dma_start3A_1196] : memref<3x4x8x1024xf32, #tpu.memory_space<vmem>> -> memref<1x4x8x1024xf32, #tpu.memory_space<vmem>>
    %dma_start3A_1198 = tpu.memref_squeeze %dma_start3A_1197 : memref<1x4x8x1024xf32, #tpu.memory_space<vmem>> -> memref<4x8x1024xf32, #tpu.memory_space<vmem>>
    %dma_start3A_1199 = arith.constant 0 : i32
    %dma_start3A_1200 = arith.constant 0 : i32
    %dma_start3A_1201 = tpu.memref_slice %arg2[%dma_start3A_1199, %add3A_1171, %dma_start3A_1200] : memref<4x4096x1024xf32, #tpu.memory_space<hbm>> -> memref<4x8x1024xf32, #tpu.memory_space<hbm>>
    tpu.enqueue_dma source(%dma_start3A_1201 : memref<4x8x1024xf32, #tpu.memory_space<hbm>>) target(%dma_start3A_1198 : memref<4x8x1024xf32, #tpu.memory_space<vmem>>) target_semaphore(%arg7 : memref<!tpu.dma_semaphore, #tpu.memory_space<semaphore_mem>>)
    %dma_wait3A_1202 = arith.constant 2 : i32
    %dma_wait3A_1203 = arith.constant 0 : i32
    %dma_wait3A_1204 = arith.constant 0 : i32
    %dma_wait3A_1205 = tpu.memref_slice %arg5[%dma_wait3A_1202, %dma_wait3A_1203, %dma_wait3A_1204] : memref<3x8x1024xf32, #tpu.memory_space<vmem>> -> memref<1x8x1024xf32, #tpu.memory_space<vmem>>
    %dma_wait3A_1206 = tpu.memref_squeeze %dma_wait3A_1205 : memref<1x8x1024xf32, #tpu.memory_space<vmem>> -> memref<8x1024xf32, #tpu.memory_space<vmem>>
    %dma_wait3A_1207 = arith.constant 0 : i32
    %dma_wait3A_1208 = tpu.memref_slice %arg3[%add3A_1066, %dma_wait3A_1207] : memref<8192x1024xf32, #tpu.memory_space<hbm>> -> memref<8x1024xf32, #tpu.memory_space<hbm>>
    %dma_wait3A_1209 = arith.constant 0 : i32
    %dma_wait3A_1210 = arith.constant 0 : i32
    %dma_wait3A_1211 = tpu.memref_slice %arg5[%dma_wait3A_1202, %dma_wait3A_1209, %dma_wait3A_1210] : memref<3x8x1024xf32, #tpu.memory_space<vmem>> -> memref<1x8x1024xf32, #tpu.memory_space<vmem>>
    %dma_wait3A_1212 = tpu.memref_squeeze %dma_wait3A_1211 : memref<1x8x1024xf32, #tpu.memory_space<vmem>> -> memref<8x1024xf32, #tpu.memory_space<vmem>>
    %dma_wait3A_1213 = arith.constant 0 : i32
    %dma_wait3A_1214 = tpu.memref_slice %arg3[%add3A_1066, %dma_wait3A_1213] : memref<8192x1024xf32, #tpu.memory_space<hbm>> -> memref<8x1024xf32, #tpu.memory_space<hbm>>
    tpu.wait_dma2 semaphore(%arg9 : memref<!tpu.dma_semaphore, #tpu.memory_space<semaphore_mem>>) src(%dma_wait3A_1214 : memref<8x1024xf32, #tpu.memory_space<hbm>>) dst(%dma_wait3A_1212 : memref<8x1024xf32, #tpu.memory_space<vmem>>)
    %dma_wait3A_1215 = arith.constant 2 : i32
    %dma_wait3A_1216 = arith.constant 0 : i32
    %dma_wait3A_1217 = arith.constant 0 : i32
    %dma_wait3A_1218 = arith.constant 0 : i32
    %dma_wait3A_1219 = tpu.memref_slice %arg6[%dma_wait3A_1215, %dma_wait3A_1216, %dma_wait3A_1217, %dma_wait3A_1218] : memref<3x4x8x1024xf32, #tpu.memory_space<vmem>> -> memref<1x4x8x1024xf32, #tpu.memory_space<vmem>>
    %dma_wait3A_1220 = tpu.memref_squeeze %dma_wait3A_1219 : memref<1x4x8x1024xf32, #tpu.memory_space<vmem>> -> memref<4x8x1024xf32, #tpu.memory_space<vmem>>
    %dma_wait3A_1221 = arith.constant 0 : i32
    %dma_wait3A_1222 = arith.constant 0 : i32
    %dma_wait3A_1223 = tpu.memref_slice %arg2[%dma_wait3A_1221, %add3A_1066, %dma_wait3A_1222] : memref<4x4096x1024xf32, #tpu.memory_space<hbm>> -> memref<4x8x1024xf32, #tpu.memory_space<hbm>>
    %dma_wait3A_1224 = arith.constant 0 : i32
    %dma_wait3A_1225 = arith.constant 0 : i32
    %dma_wait3A_1226 = arith.constant 0 : i32
    %dma_wait3A_1227 = tpu.memref_slice %arg6[%dma_wait3A_1215, %dma_wait3A_1224, %dma_wait3A_1225, %dma_wait3A_1226] : memref<3x4x8x1024xf32, #tpu.memory_space<vmem>> -> memref<1x4x8x1024xf32, #tpu.memory_space<vmem>>
    %dma_wait3A_1228 = tpu.memref_squeeze %dma_wait3A_1227 : memref<1x4x8x1024xf32, #tpu.memory_space<vmem>> -> memref<4x8x1024xf32, #tpu.memory_space<vmem>>
    %dma_wait3A_1229 = arith.constant 0 : i32
    %dma_wait3A_1230 = arith.constant 0 : i32
    %dma_wait3A_1231 = tpu.memref_slice %arg2[%dma_wait3A_1229, %add3A_1066, %dma_wait3A_1230] : memref<4x4096x1024xf32, #tpu.memory_space<hbm>> -> memref<4x8x1024xf32, #tpu.memory_space<hbm>>
    tpu.wait_dma2 semaphore(%arg9 : memref<!tpu.dma_semaphore, #tpu.memory_space<semaphore_mem>>) src(%dma_wait3A_1231 : memref<4x8x1024xf32, #tpu.memory_space<hbm>>) dst(%dma_wait3A_1228 : memref<4x8x1024xf32, #tpu.memory_space<vmem>>)
    %scan3A_1232 = arith.constant 0 : i32
    %scan3A_1233 = arith.constant 0 : i32
    %scan3A_1234 = arith.constant 8 : i32
    %scan3A_1235 = arith.addi %scan3A_1233, %scan3A_1234 : i32
    %scan3A_1236 = arith.constant 1 : i32
    %scan3A_1237 = scf.for %scan3A_1680 = %scan3A_1233 to %scan3A_1235 step %scan3A_1236 iter_args(%scan3A_1681 = %scan3A_1232) -> (i32)  : i32 {
      %parallel_loop3A = arith.constant 0 : i32
      %parallel_loop3A_1682 = arith.constant 1024 : i32
      %parallel_loop3A_1683 = arith.constant 16 : i32
      scf.for %parallel_loop3A_1685 = %parallel_loop3A to %parallel_loop3A_1682 step %parallel_loop3A_1683  : i32 {
        %parallel_loop3A_1686 = arith.constant 2 : i32
        %parallel_loop3A_1687 = arith.index_cast %parallel_loop3A_1686 : i32 to index
        %parallel_loop3A_1688 = arith.index_cast %scan3A_1680 : i32 to index
        %parallel_loop3A_1689 = arith.index_cast %parallel_loop3A_1685 : i32 to index
        %parallel_loop3A_1690 = tpu.vector_load %arg5[%parallel_loop3A_1687, %parallel_loop3A_1688, %parallel_loop3A_1689] {strides = array<i32>} : memref<3x8x1024xf32, #tpu.memory_space<vmem>>, vector<1x1x16xf32>,
        %parallel_loop3A_1691 = vector.shape_cast %parallel_loop3A_1690 : vector<1x1x16xf32> to vector<16xf32>
        %parallel_loop3A_1692 = arith.constant 2 : i32
        %parallel_loop3A_1693 = arith.constant 0 : i32
        %parallel_loop3A_1694 = arith.index_cast %parallel_loop3A_1692 : i32 to index
        %parallel_loop3A_1695 = arith.index_cast %parallel_loop3A_1693 : i32 to index
        %parallel_loop3A_1696 = arith.index_cast %scan3A_1680 : i32 to index
        %parallel_loop3A_1697 = arith.index_cast %parallel_loop3A_1685 : i32 to index
        %parallel_loop3A_1698 = tpu.vector_load %arg6[%parallel_loop3A_1694, %parallel_loop3A_1695, %parallel_loop3A_1696, %parallel_loop3A_1697] {strides = array<i32>} : memref<3x4x8x1024xf32, #tpu.memory_space<vmem>>, vector<1x1x1x16xf32>,
        %parallel_loop3A_1699 = vector.shape_cast %parallel_loop3A_1698 : vector<1x1x1x16xf32> to vector<16xf32>
        %parallel_loop3A_1700 = vector.shape_cast %parallel_loop3A_1691 : vector<16xf32> to vector<1x1x1x16xf32>
        tpu.vector_store %arg6[%parallel_loop3A_1694, %parallel_loop3A_1695, %parallel_loop3A_1696, %parallel_loop3A_1697], %parallel_loop3A_1700 {add = true, strides = array<i32>} : memref<3x4x8x1024xf32, #tpu.memory_space<vmem>>, vector<1x1x1x16xf32>,
        %parallel_loop3A_1701 = arith.constant 2 : i32
        %parallel_loop3A_1702 = arith.constant 1 : i32
        %parallel_loop3A_1703 = arith.index_cast %parallel_loop3A_1701 : i32 to index
        %parallel_loop3A_1704 = arith.index_cast %parallel_loop3A_1702 : i32 to index
        %parallel_loop3A_1705 = arith.index_cast %scan3A_1680 : i32 to index
        %parallel_loop3A_1706 = arith.index_cast %parallel_loop3A_1685 : i32 to index
        %parallel_loop3A_1707 = tpu.vector_load %arg6[%parallel_loop3A_1703, %parallel_loop3A_1704, %parallel_loop3A_1705, %parallel_loop3A_1706] {strides = array<i32>} : memref<3x4x8x1024xf32, #tpu.memory_space<vmem>>, vector<1x1x1x16xf32>,
        %parallel_loop3A_1708 = vector.shape_cast %parallel_loop3A_1707 : vector<1x1x1x16xf32> to vector<16xf32>
        %parallel_loop3A_1709 = vector.shape_cast %parallel_loop3A_1691 : vector<16xf32> to vector<1x1x1x16xf32>
        tpu.vector_store %arg6[%parallel_loop3A_1703, %parallel_loop3A_1704, %parallel_loop3A_1705, %parallel_loop3A_1706], %parallel_loop3A_1709 {add = true, strides = array<i32>} : memref<3x4x8x1024xf32, #tpu.memory_space<vmem>>, vector<1x1x1x16xf32>,
        %parallel_loop3A_1710 = arith.constant 2 : i32
        %parallel_loop3A_1711 = arith.constant 2 : i32
        %parallel_loop3A_1712 = arith.index_cast %parallel_loop3A_1710 : i32 to index
        %parallel_loop3A_1713 = arith.index_cast %parallel_loop3A_1711 : i32 to index
        %parallel_loop3A_1714 = arith.index_cast %scan3A_1680 : i32 to index
        %parallel_loop3A_1715 = arith.index_cast %parallel_loop3A_1685 : i32 to index
        %parallel_loop3A_1716 = tpu.vector_load %arg6[%parallel_loop3A_1712, %parallel_loop3A_1713, %parallel_loop3A_1714, %parallel_loop3A_1715] {strides = array<i32>} : memref<3x4x8x1024xf32, #tpu.memory_space<vmem>>, vector<1x1x1x16xf32>,
        %parallel_loop3A_1717 = vector.shape_cast %parallel_loop3A_1716 : vector<1x1x1x16xf32> to vector<16xf32>
        %parallel_loop3A_1718 = vector.shape_cast %parallel_loop3A_1691 : vector<16xf32> to vector<1x1x1x16xf32>
        tpu.vector_store %arg6[%parallel_loop3A_1712, %parallel_loop3A_1713, %parallel_loop3A_1714, %parallel_loop3A_1715], %parallel_loop3A_1718 {add = true, strides = array<i32>} : memref<3x4x8x1024xf32, #tpu.memory_space<vmem>>, vector<1x1x1x16xf32>,
        %parallel_loop3A_1719 = arith.constant 2 : i32
        %parallel_loop3A_1720 = arith.constant 3 : i32
        %parallel_loop3A_1721 = arith.index_cast %parallel_loop3A_1719 : i32 to index
        %parallel_loop3A_1722 = arith.index_cast %parallel_loop3A_1720 : i32 to index
        %parallel_loop3A_1723 = arith.index_cast %scan3A_1680 : i32 to index
        %parallel_loop3A_1724 = arith.index_cast %parallel_loop3A_1685 : i32 to index
        %parallel_loop3A_1725 = tpu.vector_load %arg6[%parallel_loop3A_1721, %parallel_loop3A_1722, %parallel_loop3A_1723, %parallel_loop3A_1724] {strides = array<i32>} : memref<3x4x8x1024xf32, #tpu.memory_space<vmem>>, vector<1x1x1x16xf32>,
        %parallel_loop3A_1726 = vector.shape_cast %parallel_loop3A_1725 : vector<1x1x1x16xf32> to vector<16xf32>
        %parallel_loop3A_1727 = vector.shape_cast %parallel_loop3A_1691 : vector<16xf32> to vector<1x1x1x16xf32>
        tpu.vector_store %arg6[%parallel_loop3A_1721, %parallel_loop3A_1722, %parallel_loop3A_1723, %parallel_loop3A_1724], %parallel_loop3A_1727 {add = true, strides = array<i32>} : memref<3x4x8x1024xf32, #tpu.memory_space<vmem>>, vector<1x1x1x16xf32>,
      } {sc.loop_unroll_factor = 8 : i64, sc.parallel_access}
      %scan3A_1684 = arith.constant 0 : i32
      scf.yield %scan3A_1684 : i32
    }
    %scan3A_1238 = arith.constant 8 : i32
    %add3A_1239 = arith.constant 88 : i32
    %add3A_1240 = arith.addi %mul3A_2, %add3A_1239 : i32
    %dma_start3A_1241 = arith.constant 2 : i32
    %dma_start3A_1242 = arith.constant 0 : i32
    %dma_start3A_1243 = arith.constant 0 : i32
    %dma_start3A_1244 = arith.constant 0 : i32
    %dma_start3A_1245 = tpu.memref_slice %arg6[%dma_start3A_1241, %dma_start3A_1242, %dma_start3A_1243, %dma_start3A_1244] : memref<3x4x8x1024xf32, #tpu.memory_space<vmem>> -> memref<1x4x8x1024xf32, #tpu.memory_space<vmem>>
    %dma_start3A_1246 = tpu.memref_squeeze %dma_start3A_1245 : memref<1x4x8x1024xf32, #tpu.memory_space<vmem>> -> memref<4x8x1024xf32, #tpu.memory_space<vmem>>
    %dma_start3A_1247 = arith.constant 0 : i32
    %dma_start3A_1248 = arith.constant 0 : i32
    %dma_start3A_1249 = tpu.memref_slice %arg4[%dma_start3A_1247, %add3A_1240, %dma_start3A_1248] : memref<4x4096x1024xf32, #tpu.memory_space<hbm>> -> memref<4x8x1024xf32, #tpu.memory_space<hbm>>
    %dma_start3A_1250 = arith.constant 0 : i32
    %dma_start3A_1251 = arith.constant 0 : i32
    %dma_start3A_1252 = tpu.memref_slice %arg4[%dma_start3A_1250, %add3A_1240, %dma_start3A_1251] : memref<4x4096x1024xf32, #tpu.memory_space<hbm>> -> memref<4x8x1024xf32, #tpu.memory_space<hbm>>
    %dma_start3A_1253 = arith.constant 0 : i32
    %dma_start3A_1254 = arith.constant 0 : i32
    %dma_start3A_1255 = arith.constant 0 : i32
    %dma_start3A_1256 = tpu.memref_slice %arg6[%dma_start3A_1241, %dma_start3A_1253, %dma_start3A_1254, %dma_start3A_1255] : memref<3x4x8x1024xf32, #tpu.memory_space<vmem>> -> memref<1x4x8x1024xf32, #tpu.memory_space<vmem>>
    %dma_start3A_1257 = tpu.memref_squeeze %dma_start3A_1256 : memref<1x4x8x1024xf32, #tpu.memory_space<vmem>> -> memref<4x8x1024xf32, #tpu.memory_space<vmem>>
    tpu.enqueue_dma source(%dma_start3A_1257 : memref<4x8x1024xf32, #tpu.memory_space<vmem>>) target(%dma_start3A_1252 : memref<4x8x1024xf32, #tpu.memory_space<hbm>>) target_semaphore(%arg12 : memref<!tpu.dma_semaphore, #tpu.memory_space<semaphore_mem>>)
    %dma_wait3A_1258 = arith.constant 1 : i32
    %dma_wait3A_1259 = arith.constant 0 : i32
    %dma_wait3A_1260 = arith.constant 0 : i32
    %dma_wait3A_1261 = arith.constant 0 : i32
    %dma_wait3A_1262 = tpu.memref_slice %arg6[%dma_wait3A_1258, %dma_wait3A_1259, %dma_wait3A_1260, %dma_wait3A_1261] : memref<3x4x8x1024xf32, #tpu.memory_space<vmem>> -> memref<1x4x8x1024xf32, #tpu.memory_space<vmem>>
    %dma_wait3A_1263 = tpu.memref_squeeze %dma_wait3A_1262 : memref<1x4x8x1024xf32, #tpu.memory_space<vmem>> -> memref<4x8x1024xf32, #tpu.memory_space<vmem>>
    %dma_wait3A_1264 = arith.constant 0 : i32
    %dma_wait3A_1265 = arith.constant 0 : i32
    %dma_wait3A_1266 = tpu.memref_slice %arg4[%dma_wait3A_1264, %add3A_1135, %dma_wait3A_1265] : memref<4x4096x1024xf32, #tpu.memory_space<hbm>> -> memref<4x8x1024xf32, #tpu.memory_space<hbm>>
    %dma_wait3A_1267 = arith.constant 0 : i32
    %dma_wait3A_1268 = arith.constant 0 : i32
    %dma_wait3A_1269 = tpu.memref_slice %arg4[%dma_wait3A_1267, %add3A_1135, %dma_wait3A_1268] : memref<4x4096x1024xf32, #tpu.memory_space<hbm>> -> memref<4x8x1024xf32, #tpu.memory_space<hbm>>
    %dma_wait3A_1270 = arith.constant 0 : i32
    %dma_wait3A_1271 = arith.constant 0 : i32
    %dma_wait3A_1272 = arith.constant 0 : i32
    %dma_wait3A_1273 = tpu.memref_slice %arg6[%dma_wait3A_1258, %dma_wait3A_1270, %dma_wait3A_1271, %dma_wait3A_1272] : memref<3x4x8x1024xf32, #tpu.memory_space<vmem>> -> memref<1x4x8x1024xf32, #tpu.memory_space<vmem>>
    %dma_wait3A_1274 = tpu.memref_squeeze %dma_wait3A_1273 : memref<1x4x8x1024xf32, #tpu.memory_space<vmem>> -> memref<4x8x1024xf32, #tpu.memory_space<vmem>>
    tpu.wait_dma2 semaphore(%arg11 : memref<!tpu.dma_semaphore, #tpu.memory_space<semaphore_mem>>) src(%dma_wait3A_1274 : memref<4x8x1024xf32, #tpu.memory_space<vmem>>) dst(%dma_wait3A_1269 : memref<4x8x1024xf32, #tpu.memory_space<hbm>>)
    %add3A_1275 = arith.constant 104 : i32
    %add3A_1276 = arith.addi %mul3A_2, %add3A_1275 : i32
    %dma_start3A_1277 = arith.constant 1 : i32
    %dma_start3A_1278 = arith.constant 0 : i32
    %dma_start3A_1279 = arith.constant 0 : i32
    %dma_start3A_1280 = tpu.memref_slice %arg5[%dma_start3A_1277, %dma_start3A_1278, %dma_start3A_1279] : memref<3x8x1024xf32, #tpu.memory_space<vmem>> -> memref<1x8x1024xf32, #tpu.memory_space<vmem>>
    %dma_start3A_1281 = tpu.memref_squeeze %dma_start3A_1280 : memref<1x8x1024xf32, #tpu.memory_space<vmem>> -> memref<8x1024xf32, #tpu.memory_space<vmem>>
    %dma_start3A_1282 = arith.constant 0 : i32
    %dma_start3A_1283 = tpu.memref_slice %arg3[%add3A_1276, %dma_start3A_1282] : memref<8192x1024xf32, #tpu.memory_space<hbm>> -> memref<8x1024xf32, #tpu.memory_space<hbm>>
    %dma_start3A_1284 = arith.constant 0 : i32
    %dma_start3A_1285 = arith.constant 0 : i32
    %dma_start3A_1286 = tpu.memref_slice %arg5[%dma_start3A_1277, %dma_start3A_1284, %dma_start3A_1285] : memref<3x8x1024xf32, #tpu.memory_space<vmem>> -> memref<1x8x1024xf32, #tpu.memory_space<vmem>>
    %dma_start3A_1287 = tpu.memref_squeeze %dma_start3A_1286 : memref<1x8x1024xf32, #tpu.memory_space<vmem>> -> memref<8x1024xf32, #tpu.memory_space<vmem>>
    %dma_start3A_1288 = arith.constant 0 : i32
    %dma_start3A_1289 = tpu.memref_slice %arg3[%add3A_1276, %dma_start3A_1288] : memref<8192x1024xf32, #tpu.memory_space<hbm>> -> memref<8x1024xf32, #tpu.memory_space<hbm>>
    tpu.enqueue_dma source(%dma_start3A_1289 : memref<8x1024xf32, #tpu.memory_space<hbm>>) target(%dma_start3A_1287 : memref<8x1024xf32, #tpu.memory_space<vmem>>) target_semaphore(%arg8 : memref<!tpu.dma_semaphore, #tpu.memory_space<semaphore_mem>>)
    %dma_start3A_1290 = arith.constant 1 : i32
    %dma_start3A_1291 = arith.constant 0 : i32
    %dma_start3A_1292 = arith.constant 0 : i32
    %dma_start3A_1293 = arith.constant 0 : i32
    %dma_start3A_1294 = tpu.memref_slice %arg6[%dma_start3A_1290, %dma_start3A_1291, %dma_start3A_1292, %dma_start3A_1293] : memref<3x4x8x1024xf32, #tpu.memory_space<vmem>> -> memref<1x4x8x1024xf32, #tpu.memory_space<vmem>>
    %dma_start3A_1295 = tpu.memref_squeeze %dma_start3A_1294 : memref<1x4x8x1024xf32, #tpu.memory_space<vmem>> -> memref<4x8x1024xf32, #tpu.memory_space<vmem>>
    %dma_start3A_1296 = arith.constant 0 : i32
    %dma_start3A_1297 = arith.constant 0 : i32
    %dma_start3A_1298 = tpu.memref_slice %arg2[%dma_start3A_1296, %add3A_1276, %dma_start3A_1297] : memref<4x4096x1024xf32, #tpu.memory_space<hbm>> -> memref<4x8x1024xf32, #tpu.memory_space<hbm>>
    %dma_start3A_1299 = arith.constant 0 : i32
    %dma_start3A_1300 = arith.constant 0 : i32
    %dma_start3A_1301 = arith.constant 0 : i32
    %dma_start3A_1302 = tpu.memref_slice %arg6[%dma_start3A_1290, %dma_start3A_1299, %dma_start3A_1300, %dma_start3A_1301] : memref<3x4x8x1024xf32, #tpu.memory_space<vmem>> -> memref<1x4x8x1024xf32, #tpu.memory_space<vmem>>
    %dma_start3A_1303 = tpu.memref_squeeze %dma_start3A_1302 : memref<1x4x8x1024xf32, #tpu.memory_space<vmem>> -> memref<4x8x1024xf32, #tpu.memory_space<vmem>>
    %dma_start3A_1304 = arith.constant 0 : i32
    %dma_start3A_1305 = arith.constant 0 : i32
    %dma_start3A_1306 = tpu.memref_slice %arg2[%dma_start3A_1304, %add3A_1276, %dma_start3A_1305] : memref<4x4096x1024xf32, #tpu.memory_space<hbm>> -> memref<4x8x1024xf32, #tpu.memory_space<hbm>>
    tpu.enqueue_dma source(%dma_start3A_1306 : memref<4x8x1024xf32, #tpu.memory_space<hbm>>) target(%dma_start3A_1303 : memref<4x8x1024xf32, #tpu.memory_space<vmem>>) target_semaphore(%arg8 : memref<!tpu.dma_semaphore, #tpu.memory_space<semaphore_mem>>)
    %dma_wait3A_1307 = arith.constant 0 : i32
    %dma_wait3A_1308 = arith.constant 0 : i32
    %dma_wait3A_1309 = arith.constant 0 : i32
    %dma_wait3A_1310 = tpu.memref_slice %arg5[%dma_wait3A_1307, %dma_wait3A_1308, %dma_wait3A_1309] : memref<3x8x1024xf32, #tpu.memory_space<vmem>> -> memref<1x8x1024xf32, #tpu.memory_space<vmem>>
    %dma_wait3A_1311 = tpu.memref_squeeze %dma_wait3A_1310 : memref<1x8x1024xf32, #tpu.memory_space<vmem>> -> memref<8x1024xf32, #tpu.memory_space<vmem>>
    %dma_wait3A_1312 = arith.constant 0 : i32
    %dma_wait3A_1313 = tpu.memref_slice %arg3[%add3A_1171, %dma_wait3A_1312] : memref<8192x1024xf32, #tpu.memory_space<hbm>> -> memref<8x1024xf32, #tpu.memory_space<hbm>>
    %dma_wait3A_1314 = arith.constant 0 : i32
    %dma_wait3A_1315 = arith.constant 0 : i32
    %dma_wait3A_1316 = tpu.memref_slice %arg5[%dma_wait3A_1307, %dma_wait3A_1314, %dma_wait3A_1315] : memref<3x8x1024xf32, #tpu.memory_space<vmem>> -> memref<1x8x1024xf32, #tpu.memory_space<vmem>>
    %dma_wait3A_1317 = tpu.memref_squeeze %dma_wait3A_1316 : memref<1x8x1024xf32, #tpu.memory_space<vmem>> -> memref<8x1024xf32, #tpu.memory_space<vmem>>
    %dma_wait3A_1318 = arith.constant 0 : i32
    %dma_wait3A_1319 = tpu.memref_slice %arg3[%add3A_1171, %dma_wait3A_1318] : memref<8192x1024xf32, #tpu.memory_space<hbm>> -> memref<8x1024xf32, #tpu.memory_space<hbm>>
    tpu.wait_dma2 semaphore(%arg7 : memref<!tpu.dma_semaphore, #tpu.memory_space<semaphore_mem>>) src(%dma_wait3A_1319 : memref<8x1024xf32, #tpu.memory_space<hbm>>) dst(%dma_wait3A_1317 : memref<8x1024xf32, #tpu.memory_space<vmem>>)
    %dma_wait3A_1320 = arith.constant 0 : i32
    %dma_wait3A_1321 = arith.constant 0 : i32
    %dma_wait3A_1322 = arith.constant 0 : i32
    %dma_wait3A_1323 = arith.constant 0 : i32
    %dma_wait3A_1324 = tpu.memref_slice %arg6[%dma_wait3A_1320, %dma_wait3A_1321, %dma_wait3A_1322, %dma_wait3A_1323] : memref<3x4x8x1024xf32, #tpu.memory_space<vmem>> -> memref<1x4x8x1024xf32, #tpu.memory_space<vmem>>
    %dma_wait3A_1325 = tpu.memref_squeeze %dma_wait3A_1324 : memref<1x4x8x1024xf32, #tpu.memory_space<vmem>> -> memref<4x8x1024xf32, #tpu.memory_space<vmem>>
    %dma_wait3A_1326 = arith.constant 0 : i32
    %dma_wait3A_1327 = arith.constant 0 : i32
    %dma_wait3A_1328 = tpu.memref_slice %arg2[%dma_wait3A_1326, %add3A_1171, %dma_wait3A_1327] : memref<4x4096x1024xf32, #tpu.memory_space<hbm>> -> memref<4x8x1024xf32, #tpu.memory_space<hbm>>
    %dma_wait3A_1329 = arith.constant 0 : i32
    %dma_wait3A_1330 = arith.constant 0 : i32
    %dma_wait3A_1331 = arith.constant 0 : i32
    %dma_wait3A_1332 = tpu.memref_slice %arg6[%dma_wait3A_1320, %dma_wait3A_1329, %dma_wait3A_1330, %dma_wait3A_1331] : memref<3x4x8x1024xf32, #tpu.memory_space<vmem>> -> memref<1x4x8x1024xf32, #tpu.memory_space<vmem>>
    %dma_wait3A_1333 = tpu.memref_squeeze %dma_wait3A_1332 : memref<1x4x8x1024xf32, #tpu.memory_space<vmem>> -> memref<4x8x1024xf32, #tpu.memory_space<vmem>>
    %dma_wait3A_1334 = arith.constant 0 : i32
    %dma_wait3A_1335 = arith.constant 0 : i32
    %dma_wait3A_1336 = tpu.memref_slice %arg2[%dma_wait3A_1334, %add3A_1171, %dma_wait3A_1335] : memref<4x4096x1024xf32, #tpu.memory_space<hbm>> -> memref<4x8x1024xf32, #tpu.memory_space<hbm>>
    tpu.wait_dma2 semaphore(%arg7 : memref<!tpu.dma_semaphore, #tpu.memory_space<semaphore_mem>>) src(%dma_wait3A_1336 : memref<4x8x1024xf32, #tpu.memory_space<hbm>>) dst(%dma_wait3A_1333 : memref<4x8x1024xf32, #tpu.memory_space<vmem>>)
    %scan3A_1337 = arith.constant 0 : i32
    %scan3A_1338 = arith.constant 0 : i32
    %scan3A_1339 = arith.constant 8 : i32
    %scan3A_1340 = arith.addi %scan3A_1338, %scan3A_1339 : i32
    %scan3A_1341 = arith.constant 1 : i32
    %scan3A_1342 = scf.for %scan3A_1680 = %scan3A_1338 to %scan3A_1340 step %scan3A_1341 iter_args(%scan3A_1681 = %scan3A_1337) -> (i32)  : i32 {
      %parallel_loop3A = arith.constant 0 : i32
      %parallel_loop3A_1682 = arith.constant 1024 : i32
      %parallel_loop3A_1683 = arith.constant 16 : i32
      scf.for %parallel_loop3A_1685 = %parallel_loop3A to %parallel_loop3A_1682 step %parallel_loop3A_1683  : i32 {
        %parallel_loop3A_1686 = arith.constant 0 : i32
        %parallel_loop3A_1687 = arith.index_cast %parallel_loop3A_1686 : i32 to index
        %parallel_loop3A_1688 = arith.index_cast %scan3A_1680 : i32 to index
        %parallel_loop3A_1689 = arith.index_cast %parallel_loop3A_1685 : i32 to index
        %parallel_loop3A_1690 = tpu.vector_load %arg5[%parallel_loop3A_1687, %parallel_loop3A_1688, %parallel_loop3A_1689] {strides = array<i32>} : memref<3x8x1024xf32, #tpu.memory_space<vmem>>, vector<1x1x16xf32>,
        %parallel_loop3A_1691 = vector.shape_cast %parallel_loop3A_1690 : vector<1x1x16xf32> to vector<16xf32>
        %parallel_loop3A_1692 = arith.constant 0 : i32
        %parallel_loop3A_1693 = arith.constant 0 : i32
        %parallel_loop3A_1694 = arith.index_cast %parallel_loop3A_1692 : i32 to index
        %parallel_loop3A_1695 = arith.index_cast %parallel_loop3A_1693 : i32 to index
        %parallel_loop3A_1696 = arith.index_cast %scan3A_1680 : i32 to index
        %parallel_loop3A_1697 = arith.index_cast %parallel_loop3A_1685 : i32 to index
        %parallel_loop3A_1698 = tpu.vector_load %arg6[%parallel_loop3A_1694, %parallel_loop3A_1695, %parallel_loop3A_1696, %parallel_loop3A_1697] {strides = array<i32>} : memref<3x4x8x1024xf32, #tpu.memory_space<vmem>>, vector<1x1x1x16xf32>,
        %parallel_loop3A_1699 = vector.shape_cast %parallel_loop3A_1698 : vector<1x1x1x16xf32> to vector<16xf32>
        %parallel_loop3A_1700 = vector.shape_cast %parallel_loop3A_1691 : vector<16xf32> to vector<1x1x1x16xf32>
        tpu.vector_store %arg6[%parallel_loop3A_1694, %parallel_loop3A_1695, %parallel_loop3A_1696, %parallel_loop3A_1697], %parallel_loop3A_1700 {add = true, strides = array<i32>} : memref<3x4x8x1024xf32, #tpu.memory_space<vmem>>, vector<1x1x1x16xf32>,
        %parallel_loop3A_1701 = arith.constant 0 : i32
        %parallel_loop3A_1702 = arith.constant 1 : i32
        %parallel_loop3A_1703 = arith.index_cast %parallel_loop3A_1701 : i32 to index
        %parallel_loop3A_1704 = arith.index_cast %parallel_loop3A_1702 : i32 to index
        %parallel_loop3A_1705 = arith.index_cast %scan3A_1680 : i32 to index
        %parallel_loop3A_1706 = arith.index_cast %parallel_loop3A_1685 : i32 to index
        %parallel_loop3A_1707 = tpu.vector_load %arg6[%parallel_loop3A_1703, %parallel_loop3A_1704, %parallel_loop3A_1705, %parallel_loop3A_1706] {strides = array<i32>} : memref<3x4x8x1024xf32, #tpu.memory_space<vmem>>, vector<1x1x1x16xf32>,
        %parallel_loop3A_1708 = vector.shape_cast %parallel_loop3A_1707 : vector<1x1x1x16xf32> to vector<16xf32>
        %parallel_loop3A_1709 = vector.shape_cast %parallel_loop3A_1691 : vector<16xf32> to vector<1x1x1x16xf32>
        tpu.vector_store %arg6[%parallel_loop3A_1703, %parallel_loop3A_1704, %parallel_loop3A_1705, %parallel_loop3A_1706], %parallel_loop3A_1709 {add = true, strides = array<i32>} : memref<3x4x8x1024xf32, #tpu.memory_space<vmem>>, vector<1x1x1x16xf32>,
        %parallel_loop3A_1710 = arith.constant 0 : i32
        %parallel_loop3A_1711 = arith.constant 2 : i32
        %parallel_loop3A_1712 = arith.index_cast %parallel_loop3A_1710 : i32 to index
        %parallel_loop3A_1713 = arith.index_cast %parallel_loop3A_1711 : i32 to index
        %parallel_loop3A_1714 = arith.index_cast %scan3A_1680 : i32 to index
        %parallel_loop3A_1715 = arith.index_cast %parallel_loop3A_1685 : i32 to index
        %parallel_loop3A_1716 = tpu.vector_load %arg6[%parallel_loop3A_1712, %parallel_loop3A_1713, %parallel_loop3A_1714, %parallel_loop3A_1715] {strides = array<i32>} : memref<3x4x8x1024xf32, #tpu.memory_space<vmem>>, vector<1x1x1x16xf32>,
        %parallel_loop3A_1717 = vector.shape_cast %parallel_loop3A_1716 : vector<1x1x1x16xf32> to vector<16xf32>
        %parallel_loop3A_1718 = vector.shape_cast %parallel_loop3A_1691 : vector<16xf32> to vector<1x1x1x16xf32>
        tpu.vector_store %arg6[%parallel_loop3A_1712, %parallel_loop3A_1713, %parallel_loop3A_1714, %parallel_loop3A_1715], %parallel_loop3A_1718 {add = true, strides = array<i32>} : memref<3x4x8x1024xf32, #tpu.memory_space<vmem>>, vector<1x1x1x16xf32>,
        %parallel_loop3A_1719 = arith.constant 0 : i32
        %parallel_loop3A_1720 = arith.constant 3 : i32
        %parallel_loop3A_1721 = arith.index_cast %parallel_loop3A_1719 : i32 to index
        %parallel_loop3A_1722 = arith.index_cast %parallel_loop3A_1720 : i32 to index
        %parallel_loop3A_1723 = arith.index_cast %scan3A_1680 : i32 to index
        %parallel_loop3A_1724 = arith.index_cast %parallel_loop3A_1685 : i32 to index
        %parallel_loop3A_1725 = tpu.vector_load %arg6[%parallel_loop3A_1721, %parallel_loop3A_1722, %parallel_loop3A_1723, %parallel_loop3A_1724] {strides = array<i32>} : memref<3x4x8x1024xf32, #tpu.memory_space<vmem>>, vector<1x1x1x16xf32>,
        %parallel_loop3A_1726 = vector.shape_cast %parallel_loop3A_1725 : vector<1x1x1x16xf32> to vector<16xf32>
        %parallel_loop3A_1727 = vector.shape_cast %parallel_loop3A_1691 : vector<16xf32> to vector<1x1x1x16xf32>
        tpu.vector_store %arg6[%parallel_loop3A_1721, %parallel_loop3A_1722, %parallel_loop3A_1723, %parallel_loop3A_1724], %parallel_loop3A_1727 {add = true, strides = array<i32>} : memref<3x4x8x1024xf32, #tpu.memory_space<vmem>>, vector<1x1x1x16xf32>,
      } {sc.loop_unroll_factor = 8 : i64, sc.parallel_access}
      %scan3A_1684 = arith.constant 0 : i32
      scf.yield %scan3A_1684 : i32
    }
    %scan3A_1343 = arith.constant 8 : i32
    %add3A_1344 = arith.constant 96 : i32
    %add3A_1345 = arith.addi %mul3A_2, %add3A_1344 : i32
    %dma_start3A_1346 = arith.constant 0 : i32
    %dma_start3A_1347 = arith.constant 0 : i32
    %dma_start3A_1348 = arith.constant 0 : i32
    %dma_start3A_1349 = arith.constant 0 : i32
    %dma_start3A_1350 = tpu.memref_slice %arg6[%dma_start3A_1346, %dma_start3A_1347, %dma_start3A_1348, %dma_start3A_1349] : memref<3x4x8x1024xf32, #tpu.memory_space<vmem>> -> memref<1x4x8x1024xf32, #tpu.memory_space<vmem>>
    %dma_start3A_1351 = tpu.memref_squeeze %dma_start3A_1350 : memref<1x4x8x1024xf32, #tpu.memory_space<vmem>> -> memref<4x8x1024xf32, #tpu.memory_space<vmem>>
    %dma_start3A_1352 = arith.constant 0 : i32
    %dma_start3A_1353 = arith.constant 0 : i32
    %dma_start3A_1354 = tpu.memref_slice %arg4[%dma_start3A_1352, %add3A_1345, %dma_start3A_1353] : memref<4x4096x1024xf32, #tpu.memory_space<hbm>> -> memref<4x8x1024xf32, #tpu.memory_space<hbm>>
    %dma_start3A_1355 = arith.constant 0 : i32
    %dma_start3A_1356 = arith.constant 0 : i32
    %dma_start3A_1357 = tpu.memref_slice %arg4[%dma_start3A_1355, %add3A_1345, %dma_start3A_1356] : memref<4x4096x1024xf32, #tpu.memory_space<hbm>> -> memref<4x8x1024xf32, #tpu.memory_space<hbm>>
    %dma_start3A_1358 = arith.constant 0 : i32
    %dma_start3A_1359 = arith.constant 0 : i32
    %dma_start3A_1360 = arith.constant 0 : i32
    %dma_start3A_1361 = tpu.memref_slice %arg6[%dma_start3A_1346, %dma_start3A_1358, %dma_start3A_1359, %dma_start3A_1360] : memref<3x4x8x1024xf32, #tpu.memory_space<vmem>> -> memref<1x4x8x1024xf32, #tpu.memory_space<vmem>>
    %dma_start3A_1362 = tpu.memref_squeeze %dma_start3A_1361 : memref<1x4x8x1024xf32, #tpu.memory_space<vmem>> -> memref<4x8x1024xf32, #tpu.memory_space<vmem>>
    tpu.enqueue_dma source(%dma_start3A_1362 : memref<4x8x1024xf32, #tpu.memory_space<vmem>>) target(%dma_start3A_1357 : memref<4x8x1024xf32, #tpu.memory_space<hbm>>) target_semaphore(%arg10 : memref<!tpu.dma_semaphore, #tpu.memory_space<semaphore_mem>>)
    %dma_wait3A_1363 = arith.constant 2 : i32
    %dma_wait3A_1364 = arith.constant 0 : i32
    %dma_wait3A_1365 = arith.constant 0 : i32
    %dma_wait3A_1366 = arith.constant 0 : i32
    %dma_wait3A_1367 = tpu.memref_slice %arg6[%dma_wait3A_1363, %dma_wait3A_1364, %dma_wait3A_1365, %dma_wait3A_1366] : memref<3x4x8x1024xf32, #tpu.memory_space<vmem>> -> memref<1x4x8x1024xf32, #tpu.memory_space<vmem>>
    %dma_wait3A_1368 = tpu.memref_squeeze %dma_wait3A_1367 : memref<1x4x8x1024xf32, #tpu.memory_space<vmem>> -> memref<4x8x1024xf32, #tpu.memory_space<vmem>>
    %dma_wait3A_1369 = arith.constant 0 : i32
    %dma_wait3A_1370 = arith.constant 0 : i32
    %dma_wait3A_1371 = tpu.memref_slice %arg4[%dma_wait3A_1369, %add3A_1240, %dma_wait3A_1370] : memref<4x4096x1024xf32, #tpu.memory_space<hbm>> -> memref<4x8x1024xf32, #tpu.memory_space<hbm>>
    %dma_wait3A_1372 = arith.constant 0 : i32
    %dma_wait3A_1373 = arith.constant 0 : i32
    %dma_wait3A_1374 = tpu.memref_slice %arg4[%dma_wait3A_1372, %add3A_1240, %dma_wait3A_1373] : memref<4x4096x1024xf32, #tpu.memory_space<hbm>> -> memref<4x8x1024xf32, #tpu.memory_space<hbm>>
    %dma_wait3A_1375 = arith.constant 0 : i32
    %dma_wait3A_1376 = arith.constant 0 : i32
    %dma_wait3A_1377 = arith.constant 0 : i32
    %dma_wait3A_1378 = tpu.memref_slice %arg6[%dma_wait3A_1363, %dma_wait3A_1375, %dma_wait3A_1376, %dma_wait3A_1377] : memref<3x4x8x1024xf32, #tpu.memory_space<vmem>> -> memref<1x4x8x1024xf32, #tpu.memory_space<vmem>>
    %dma_wait3A_1379 = tpu.memref_squeeze %dma_wait3A_1378 : memref<1x4x8x1024xf32, #tpu.memory_space<vmem>> -> memref<4x8x1024xf32, #tpu.memory_space<vmem>>
    tpu.wait_dma2 semaphore(%arg12 : memref<!tpu.dma_semaphore, #tpu.memory_space<semaphore_mem>>) src(%dma_wait3A_1379 : memref<4x8x1024xf32, #tpu.memory_space<vmem>>) dst(%dma_wait3A_1374 : memref<4x8x1024xf32, #tpu.memory_space<hbm>>)
    %add3A_1380 = arith.constant 112 : i32
    %add3A_1381 = arith.addi %mul3A_2, %add3A_1380 : i32
    %dma_start3A_1382 = arith.constant 2 : i32
    %dma_start3A_1383 = arith.constant 0 : i32
    %dma_start3A_1384 = arith.constant 0 : i32
    %dma_start3A_1385 = tpu.memref_slice %arg5[%dma_start3A_1382, %dma_start3A_1383, %dma_start3A_1384] : memref<3x8x1024xf32, #tpu.memory_space<vmem>> -> memref<1x8x1024xf32, #tpu.memory_space<vmem>>
    %dma_start3A_1386 = tpu.memref_squeeze %dma_start3A_1385 : memref<1x8x1024xf32, #tpu.memory_space<vmem>> -> memref<8x1024xf32, #tpu.memory_space<vmem>>
    %dma_start3A_1387 = arith.constant 0 : i32
    %dma_start3A_1388 = tpu.memref_slice %arg3[%add3A_1381, %dma_start3A_1387] : memref<8192x1024xf32, #tpu.memory_space<hbm>> -> memref<8x1024xf32, #tpu.memory_space<hbm>>
    %dma_start3A_1389 = arith.constant 0 : i32
    %dma_start3A_1390 = arith.constant 0 : i32
    %dma_start3A_1391 = tpu.memref_slice %arg5[%dma_start3A_1382, %dma_start3A_1389, %dma_start3A_1390] : memref<3x8x1024xf32, #tpu.memory_space<vmem>> -> memref<1x8x1024xf32, #tpu.memory_space<vmem>>
    %dma_start3A_1392 = tpu.memref_squeeze %dma_start3A_1391 : memref<1x8x1024xf32, #tpu.memory_space<vmem>> -> memref<8x1024xf32, #tpu.memory_space<vmem>>
    %dma_start3A_1393 = arith.constant 0 : i32
    %dma_start3A_1394 = tpu.memref_slice %arg3[%add3A_1381, %dma_start3A_1393] : memref<8192x1024xf32, #tpu.memory_space<hbm>> -> memref<8x1024xf32, #tpu.memory_space<hbm>>
    tpu.enqueue_dma source(%dma_start3A_1394 : memref<8x1024xf32, #tpu.memory_space<hbm>>) target(%dma_start3A_1392 : memref<8x1024xf32, #tpu.memory_space<vmem>>) target_semaphore(%arg9 : memref<!tpu.dma_semaphore, #tpu.memory_space<semaphore_mem>>)
    %dma_start3A_1395 = arith.constant 2 : i32
    %dma_start3A_1396 = arith.constant 0 : i32
    %dma_start3A_1397 = arith.constant 0 : i32
    %dma_start3A_1398 = arith.constant 0 : i32
    %dma_start3A_1399 = tpu.memref_slice %arg6[%dma_start3A_1395, %dma_start3A_1396, %dma_start3A_1397, %dma_start3A_1398] : memref<3x4x8x1024xf32, #tpu.memory_space<vmem>> -> memref<1x4x8x1024xf32, #tpu.memory_space<vmem>>
    %dma_start3A_1400 = tpu.memref_squeeze %dma_start3A_1399 : memref<1x4x8x1024xf32, #tpu.memory_space<vmem>> -> memref<4x8x1024xf32, #tpu.memory_space<vmem>>
    %dma_start3A_1401 = arith.constant 0 : i32
    %dma_start3A_1402 = arith.constant 0 : i32
    %dma_start3A_1403 = tpu.memref_slice %arg2[%dma_start3A_1401, %add3A_1381, %dma_start3A_1402] : memref<4x4096x1024xf32, #tpu.memory_space<hbm>> -> memref<4x8x1024xf32, #tpu.memory_space<hbm>>
    %dma_start3A_1404 = arith.constant 0 : i32
    %dma_start3A_1405 = arith.constant 0 : i32
    %dma_start3A_1406 = arith.constant 0 : i32
    %dma_start3A_1407 = tpu.memref_slice %arg6[%dma_start3A_1395, %dma_start3A_1404, %dma_start3A_1405, %dma_start3A_1406] : memref<3x4x8x1024xf32, #tpu.memory_space<vmem>> -> memref<1x4x8x1024xf32, #tpu.memory_space<vmem>>
    %dma_start3A_1408 = tpu.memref_squeeze %dma_start3A_1407 : memref<1x4x8x1024xf32, #tpu.memory_space<vmem>> -> memref<4x8x1024xf32, #tpu.memory_space<vmem>>
    %dma_start3A_1409 = arith.constant 0 : i32
    %dma_start3A_1410 = arith.constant 0 : i32
    %dma_start3A_1411 = tpu.memref_slice %arg2[%dma_start3A_1409, %add3A_1381, %dma_start3A_1410] : memref<4x4096x1024xf32, #tpu.memory_space<hbm>> -> memref<4x8x1024xf32, #tpu.memory_space<hbm>>
    tpu.enqueue_dma source(%dma_start3A_1411 : memref<4x8x1024xf32, #tpu.memory_space<hbm>>) target(%dma_start3A_1408 : memref<4x8x1024xf32, #tpu.memory_space<vmem>>) target_semaphore(%arg9 : memref<!tpu.dma_semaphore, #tpu.memory_space<semaphore_mem>>)
    %dma_wait3A_1412 = arith.constant 1 : i32
    %dma_wait3A_1413 = arith.constant 0 : i32
    %dma_wait3A_1414 = arith.constant 0 : i32
    %dma_wait3A_1415 = tpu.memref_slice %arg5[%dma_wait3A_1412, %dma_wait3A_1413, %dma_wait3A_1414] : memref<3x8x1024xf32, #tpu.memory_space<vmem>> -> memref<1x8x1024xf32, #tpu.memory_space<vmem>>
    %dma_wait3A_1416 = tpu.memref_squeeze %dma_wait3A_1415 : memref<1x8x1024xf32, #tpu.memory_space<vmem>> -> memref<8x1024xf32, #tpu.memory_space<vmem>>
    %dma_wait3A_1417 = arith.constant 0 : i32
    %dma_wait3A_1418 = tpu.memref_slice %arg3[%add3A_1276, %dma_wait3A_1417] : memref<8192x1024xf32, #tpu.memory_space<hbm>> -> memref<8x1024xf32, #tpu.memory_space<hbm>>
    %dma_wait3A_1419 = arith.constant 0 : i32
    %dma_wait3A_1420 = arith.constant 0 : i32
    %dma_wait3A_1421 = tpu.memref_slice %arg5[%dma_wait3A_1412, %dma_wait3A_1419, %dma_wait3A_1420] : memref<3x8x1024xf32, #tpu.memory_space<vmem>> -> memref<1x8x1024xf32, #tpu.memory_space<vmem>>
    %dma_wait3A_1422 = tpu.memref_squeeze %dma_wait3A_1421 : memref<1x8x1024xf32, #tpu.memory_space<vmem>> -> memref<8x1024xf32, #tpu.memory_space<vmem>>
    %dma_wait3A_1423 = arith.constant 0 : i32
    %dma_wait3A_1424 = tpu.memref_slice %arg3[%add3A_1276, %dma_wait3A_1423] : memref<8192x1024xf32, #tpu.memory_space<hbm>> -> memref<8x1024xf32, #tpu.memory_space<hbm>>
    tpu.wait_dma2 semaphore(%arg8 : memref<!tpu.dma_semaphore, #tpu.memory_space<semaphore_mem>>) src(%dma_wait3A_1424 : memref<8x1024xf32, #tpu.memory_space<hbm>>) dst(%dma_wait3A_1422 : memref<8x1024xf32, #tpu.memory_space<vmem>>)
    %dma_wait3A_1425 = arith.constant 1 : i32
    %dma_wait3A_1426 = arith.constant 0 : i32
    %dma_wait3A_1427 = arith.constant 0 : i32
    %dma_wait3A_1428 = arith.constant 0 : i32
    %dma_wait3A_1429 = tpu.memref_slice %arg6[%dma_wait3A_1425, %dma_wait3A_1426, %dma_wait3A_1427, %dma_wait3A_1428] : memref<3x4x8x1024xf32, #tpu.memory_space<vmem>> -> memref<1x4x8x1024xf32, #tpu.memory_space<vmem>>
    %dma_wait3A_1430 = tpu.memref_squeeze %dma_wait3A_1429 : memref<1x4x8x1024xf32, #tpu.memory_space<vmem>> -> memref<4x8x1024xf32, #tpu.memory_space<vmem>>
    %dma_wait3A_1431 = arith.constant 0 : i32
    %dma_wait3A_1432 = arith.constant 0 : i32
    %dma_wait3A_1433 = tpu.memref_slice %arg2[%dma_wait3A_1431, %add3A_1276, %dma_wait3A_1432] : memref<4x4096x1024xf32, #tpu.memory_space<hbm>> -> memref<4x8x1024xf32, #tpu.memory_space<hbm>>
    %dma_wait3A_1434 = arith.constant 0 : i32
    %dma_wait3A_1435 = arith.constant 0 : i32
    %dma_wait3A_1436 = arith.constant 0 : i32
    %dma_wait3A_1437 = tpu.memref_slice %arg6[%dma_wait3A_1425, %dma_wait3A_1434, %dma_wait3A_1435, %dma_wait3A_1436] : memref<3x4x8x1024xf32, #tpu.memory_space<vmem>> -> memref<1x4x8x1024xf32, #tpu.memory_space<vmem>>
    %dma_wait3A_1438 = tpu.memref_squeeze %dma_wait3A_1437 : memref<1x4x8x1024xf32, #tpu.memory_space<vmem>> -> memref<4x8x1024xf32, #tpu.memory_space<vmem>>
    %dma_wait3A_1439 = arith.constant 0 : i32
    %dma_wait3A_1440 = arith.constant 0 : i32
    %dma_wait3A_1441 = tpu.memref_slice %arg2[%dma_wait3A_1439, %add3A_1276, %dma_wait3A_1440] : memref<4x4096x1024xf32, #tpu.memory_space<hbm>> -> memref<4x8x1024xf32, #tpu.memory_space<hbm>>
    tpu.wait_dma2 semaphore(%arg8 : memref<!tpu.dma_semaphore, #tpu.memory_space<semaphore_mem>>) src(%dma_wait3A_1441 : memref<4x8x1024xf32, #tpu.memory_space<hbm>>) dst(%dma_wait3A_1438 : memref<4x8x1024xf32, #tpu.memory_space<vmem>>)
    %scan3A_1442 = arith.constant 0 : i32
    %scan3A_1443 = arith.constant 0 : i32
    %scan3A_1444 = arith.constant 8 : i32
    %scan3A_1445 = arith.addi %scan3A_1443, %scan3A_1444 : i32
    %scan3A_1446 = arith.constant 1 : i32
    %scan3A_1447 = scf.for %scan3A_1680 = %scan3A_1443 to %scan3A_1445 step %scan3A_1446 iter_args(%scan3A_1681 = %scan3A_1442) -> (i32)  : i32 {
      %parallel_loop3A = arith.constant 0 : i32
      %parallel_loop3A_1682 = arith.constant 1024 : i32
      %parallel_loop3A_1683 = arith.constant 16 : i32
      scf.for %parallel_loop3A_1685 = %parallel_loop3A to %parallel_loop3A_1682 step %parallel_loop3A_1683  : i32 {
        %parallel_loop3A_1686 = arith.constant 1 : i32
        %parallel_loop3A_1687 = arith.index_cast %parallel_loop3A_1686 : i32 to index
        %parallel_loop3A_1688 = arith.index_cast %scan3A_1680 : i32 to index
        %parallel_loop3A_1689 = arith.index_cast %parallel_loop3A_1685 : i32 to index
        %parallel_loop3A_1690 = tpu.vector_load %arg5[%parallel_loop3A_1687, %parallel_loop3A_1688, %parallel_loop3A_1689] {strides = array<i32>} : memref<3x8x1024xf32, #tpu.memory_space<vmem>>, vector<1x1x16xf32>,
        %parallel_loop3A_1691 = vector.shape_cast %parallel_loop3A_1690 : vector<1x1x16xf32> to vector<16xf32>
        %parallel_loop3A_1692 = arith.constant 1 : i32
        %parallel_loop3A_1693 = arith.constant 0 : i32
        %parallel_loop3A_1694 = arith.index_cast %parallel_loop3A_1692 : i32 to index
        %parallel_loop3A_1695 = arith.index_cast %parallel_loop3A_1693 : i32 to index
        %parallel_loop3A_1696 = arith.index_cast %scan3A_1680 : i32 to index
        %parallel_loop3A_1697 = arith.index_cast %parallel_loop3A_1685 : i32 to index
        %parallel_loop3A_1698 = tpu.vector_load %arg6[%parallel_loop3A_1694, %parallel_loop3A_1695, %parallel_loop3A_1696, %parallel_loop3A_1697] {strides = array<i32>} : memref<3x4x8x1024xf32, #tpu.memory_space<vmem>>, vector<1x1x1x16xf32>,
        %parallel_loop3A_1699 = vector.shape_cast %parallel_loop3A_1698 : vector<1x1x1x16xf32> to vector<16xf32>
        %parallel_loop3A_1700 = vector.shape_cast %parallel_loop3A_1691 : vector<16xf32> to vector<1x1x1x16xf32>
        tpu.vector_store %arg6[%parallel_loop3A_1694, %parallel_loop3A_1695, %parallel_loop3A_1696, %parallel_loop3A_1697], %parallel_loop3A_1700 {add = true, strides = array<i32>} : memref<3x4x8x1024xf32, #tpu.memory_space<vmem>>, vector<1x1x1x16xf32>,
        %parallel_loop3A_1701 = arith.constant 1 : i32
        %parallel_loop3A_1702 = arith.constant 1 : i32
        %parallel_loop3A_1703 = arith.index_cast %parallel_loop3A_1701 : i32 to index
        %parallel_loop3A_1704 = arith.index_cast %parallel_loop3A_1702 : i32 to index
        %parallel_loop3A_1705 = arith.index_cast %scan3A_1680 : i32 to index
        %parallel_loop3A_1706 = arith.index_cast %parallel_loop3A_1685 : i32 to index
        %parallel_loop3A_1707 = tpu.vector_load %arg6[%parallel_loop3A_1703, %parallel_loop3A_1704, %parallel_loop3A_1705, %parallel_loop3A_1706] {strides = array<i32>} : memref<3x4x8x1024xf32, #tpu.memory_space<vmem>>, vector<1x1x1x16xf32>,
        %parallel_loop3A_1708 = vector.shape_cast %parallel_loop3A_1707 : vector<1x1x1x16xf32> to vector<16xf32>
        %parallel_loop3A_1709 = vector.shape_cast %parallel_loop3A_1691 : vector<16xf32> to vector<1x1x1x16xf32>
        tpu.vector_store %arg6[%parallel_loop3A_1703, %parallel_loop3A_1704, %parallel_loop3A_1705, %parallel_loop3A_1706], %parallel_loop3A_1709 {add = true, strides = array<i32>} : memref<3x4x8x1024xf32, #tpu.memory_space<vmem>>, vector<1x1x1x16xf32>,
        %parallel_loop3A_1710 = arith.constant 1 : i32
        %parallel_loop3A_1711 = arith.constant 2 : i32
        %parallel_loop3A_1712 = arith.index_cast %parallel_loop3A_1710 : i32 to index
        %parallel_loop3A_1713 = arith.index_cast %parallel_loop3A_1711 : i32 to index
        %parallel_loop3A_1714 = arith.index_cast %scan3A_1680 : i32 to index
        %parallel_loop3A_1715 = arith.index_cast %parallel_loop3A_1685 : i32 to index
        %parallel_loop3A_1716 = tpu.vector_load %arg6[%parallel_loop3A_1712, %parallel_loop3A_1713, %parallel_loop3A_1714, %parallel_loop3A_1715] {strides = array<i32>} : memref<3x4x8x1024xf32, #tpu.memory_space<vmem>>, vector<1x1x1x16xf32>,
        %parallel_loop3A_1717 = vector.shape_cast %parallel_loop3A_1716 : vector<1x1x1x16xf32> to vector<16xf32>
        %parallel_loop3A_1718 = vector.shape_cast %parallel_loop3A_1691 : vector<16xf32> to vector<1x1x1x16xf32>
        tpu.vector_store %arg6[%parallel_loop3A_1712, %parallel_loop3A_1713, %parallel_loop3A_1714, %parallel_loop3A_1715], %parallel_loop3A_1718 {add = true, strides = array<i32>} : memref<3x4x8x1024xf32, #tpu.memory_space<vmem>>, vector<1x1x1x16xf32>,
        %parallel_loop3A_1719 = arith.constant 1 : i32
        %parallel_loop3A_1720 = arith.constant 3 : i32
        %parallel_loop3A_1721 = arith.index_cast %parallel_loop3A_1719 : i32 to index
        %parallel_loop3A_1722 = arith.index_cast %parallel_loop3A_1720 : i32 to index
        %parallel_loop3A_1723 = arith.index_cast %scan3A_1680 : i32 to index
        %parallel_loop3A_1724 = arith.index_cast %parallel_loop3A_1685 : i32 to index
        %parallel_loop3A_1725 = tpu.vector_load %arg6[%parallel_loop3A_1721, %parallel_loop3A_1722, %parallel_loop3A_1723, %parallel_loop3A_1724] {strides = array<i32>} : memref<3x4x8x1024xf32, #tpu.memory_space<vmem>>, vector<1x1x1x16xf32>,
        %parallel_loop3A_1726 = vector.shape_cast %parallel_loop3A_1725 : vector<1x1x1x16xf32> to vector<16xf32>
        %parallel_loop3A_1727 = vector.shape_cast %parallel_loop3A_1691 : vector<16xf32> to vector<1x1x1x16xf32>
        tpu.vector_store %arg6[%parallel_loop3A_1721, %parallel_loop3A_1722, %parallel_loop3A_1723, %parallel_loop3A_1724], %parallel_loop3A_1727 {add = true, strides = array<i32>} : memref<3x4x8x1024xf32, #tpu.memory_space<vmem>>, vector<1x1x1x16xf32>,
      } {sc.loop_unroll_factor = 8 : i64, sc.parallel_access}
      %scan3A_1684 = arith.constant 0 : i32
      scf.yield %scan3A_1684 : i32
    }
    %scan3A_1448 = arith.constant 8 : i32
    %add3A_1449 = arith.constant 104 : i32
    %add3A_1450 = arith.addi %mul3A_2, %add3A_1449 : i32
    %dma_start3A_1451 = arith.constant 1 : i32
    %dma_start3A_1452 = arith.constant 0 : i32
    %dma_start3A_1453 = arith.constant 0 : i32
    %dma_start3A_1454 = arith.constant 0 : i32
    %dma_start3A_1455 = tpu.memref_slice %arg6[%dma_start3A_1451, %dma_start3A_1452, %dma_start3A_1453, %dma_start3A_1454] : memref<3x4x8x1024xf32, #tpu.memory_space<vmem>> -> memref<1x4x8x1024xf32, #tpu.memory_space<vmem>>
    %dma_start3A_1456 = tpu.memref_squeeze %dma_start3A_1455 : memref<1x4x8x1024xf32, #tpu.memory_space<vmem>> -> memref<4x8x1024xf32, #tpu.memory_space<vmem>>
    %dma_start3A_1457 = arith.constant 0 : i32
    %dma_start3A_1458 = arith.constant 0 : i32
    %dma_start3A_1459 = tpu.memref_slice %arg4[%dma_start3A_1457, %add3A_1450, %dma_start3A_1458] : memref<4x4096x1024xf32, #tpu.memory_space<hbm>> -> memref<4x8x1024xf32, #tpu.memory_space<hbm>>
    %dma_start3A_1460 = arith.constant 0 : i32
    %dma_start3A_1461 = arith.constant 0 : i32
    %dma_start3A_1462 = tpu.memref_slice %arg4[%dma_start3A_1460, %add3A_1450, %dma_start3A_1461] : memref<4x4096x1024xf32, #tpu.memory_space<hbm>> -> memref<4x8x1024xf32, #tpu.memory_space<hbm>>
    %dma_start3A_1463 = arith.constant 0 : i32
    %dma_start3A_1464 = arith.constant 0 : i32
    %dma_start3A_1465 = arith.constant 0 : i32
    %dma_start3A_1466 = tpu.memref_slice %arg6[%dma_start3A_1451, %dma_start3A_1463, %dma_start3A_1464, %dma_start3A_1465] : memref<3x4x8x1024xf32, #tpu.memory_space<vmem>> -> memref<1x4x8x1024xf32, #tpu.memory_space<vmem>>
    %dma_start3A_1467 = tpu.memref_squeeze %dma_start3A_1466 : memref<1x4x8x1024xf32, #tpu.memory_space<vmem>> -> memref<4x8x1024xf32, #tpu.memory_space<vmem>>
    tpu.enqueue_dma source(%dma_start3A_1467 : memref<4x8x1024xf32, #tpu.memory_space<vmem>>) target(%dma_start3A_1462 : memref<4x8x1024xf32, #tpu.memory_space<hbm>>) target_semaphore(%arg11 : memref<!tpu.dma_semaphore, #tpu.memory_space<semaphore_mem>>)
    %dma_wait3A_1468 = arith.constant 0 : i32
    %dma_wait3A_1469 = arith.constant 0 : i32
    %dma_wait3A_1470 = arith.constant 0 : i32
    %dma_wait3A_1471 = arith.constant 0 : i32
    %dma_wait3A_1472 = tpu.memref_slice %arg6[%dma_wait3A_1468, %dma_wait3A_1469, %dma_wait3A_1470, %dma_wait3A_1471] : memref<3x4x8x1024xf32, #tpu.memory_space<vmem>> -> memref<1x4x8x1024xf32, #tpu.memory_space<vmem>>
    %dma_wait3A_1473 = tpu.memref_squeeze %dma_wait3A_1472 : memref<1x4x8x1024xf32, #tpu.memory_space<vmem>> -> memref<4x8x1024xf32, #tpu.memory_space<vmem>>
    %dma_wait3A_1474 = arith.constant 0 : i32
    %dma_wait3A_1475 = arith.constant 0 : i32
    %dma_wait3A_1476 = tpu.memref_slice %arg4[%dma_wait3A_1474, %add3A_1345, %dma_wait3A_1475] : memref<4x4096x1024xf32, #tpu.memory_space<hbm>> -> memref<4x8x1024xf32, #tpu.memory_space<hbm>>
    %dma_wait3A_1477 = arith.constant 0 : i32
    %dma_wait3A_1478 = arith.constant 0 : i32
    %dma_wait3A_1479 = tpu.memref_slice %arg4[%dma_wait3A_1477, %add3A_1345, %dma_wait3A_1478] : memref<4x4096x1024xf32, #tpu.memory_space<hbm>> -> memref<4x8x1024xf32, #tpu.memory_space<hbm>>
    %dma_wait3A_1480 = arith.constant 0 : i32
    %dma_wait3A_1481 = arith.constant 0 : i32
    %dma_wait3A_1482 = arith.constant 0 : i32
    %dma_wait3A_1483 = tpu.memref_slice %arg6[%dma_wait3A_1468, %dma_wait3A_1480, %dma_wait3A_1481, %dma_wait3A_1482] : memref<3x4x8x1024xf32, #tpu.memory_space<vmem>> -> memref<1x4x8x1024xf32, #tpu.memory_space<vmem>>
    %dma_wait3A_1484 = tpu.memref_squeeze %dma_wait3A_1483 : memref<1x4x8x1024xf32, #tpu.memory_space<vmem>> -> memref<4x8x1024xf32, #tpu.memory_space<vmem>>
    tpu.wait_dma2 semaphore(%arg10 : memref<!tpu.dma_semaphore, #tpu.memory_space<semaphore_mem>>) src(%dma_wait3A_1484 : memref<4x8x1024xf32, #tpu.memory_space<vmem>>) dst(%dma_wait3A_1479 : memref<4x8x1024xf32, #tpu.memory_space<hbm>>)
    %add3A_1485 = arith.constant 120 : i32
    %add3A_1486 = arith.addi %mul3A_2, %add3A_1485 : i32
    %dma_start3A_1487 = arith.constant 0 : i32
    %dma_start3A_1488 = arith.constant 0 : i32
    %dma_start3A_1489 = arith.constant 0 : i32
    %dma_start3A_1490 = tpu.memref_slice %arg5[%dma_start3A_1487, %dma_start3A_1488, %dma_start3A_1489] : memref<3x8x1024xf32, #tpu.memory_space<vmem>> -> memref<1x8x1024xf32, #tpu.memory_space<vmem>>
    %dma_start3A_1491 = tpu.memref_squeeze %dma_start3A_1490 : memref<1x8x1024xf32, #tpu.memory_space<vmem>> -> memref<8x1024xf32, #tpu.memory_space<vmem>>
    %dma_start3A_1492 = arith.constant 0 : i32
    %dma_start3A_1493 = tpu.memref_slice %arg3[%add3A_1486, %dma_start3A_1492] : memref<8192x1024xf32, #tpu.memory_space<hbm>> -> memref<8x1024xf32, #tpu.memory_space<hbm>>
    %dma_start3A_1494 = arith.constant 0 : i32
    %dma_start3A_1495 = arith.constant 0 : i32
    %dma_start3A_1496 = tpu.memref_slice %arg5[%dma_start3A_1487, %dma_start3A_1494, %dma_start3A_1495] : memref<3x8x1024xf32, #tpu.memory_space<vmem>> -> memref<1x8x1024xf32, #tpu.memory_space<vmem>>
    %dma_start3A_1497 = tpu.memref_squeeze %dma_start3A_1496 : memref<1x8x1024xf32, #tpu.memory_space<vmem>> -> memref<8x1024xf32, #tpu.memory_space<vmem>>
    %dma_start3A_1498 = arith.constant 0 : i32
    %dma_start3A_1499 = tpu.memref_slice %arg3[%add3A_1486, %dma_start3A_1498] : memref<8192x1024xf32, #tpu.memory_space<hbm>> -> memref<8x1024xf32, #tpu.memory_space<hbm>>
    tpu.enqueue_dma source(%dma_start3A_1499 : memref<8x1024xf32, #tpu.memory_space<hbm>>) target(%dma_start3A_1497 : memref<8x1024xf32, #tpu.memory_space<vmem>>) target_semaphore(%arg7 : memref<!tpu.dma_semaphore, #tpu.memory_space<semaphore_mem>>)
    %dma_start3A_1500 = arith.constant 0 : i32
    %dma_start3A_1501 = arith.constant 0 : i32
    %dma_start3A_1502 = arith.constant 0 : i32
    %dma_start3A_1503 = arith.constant 0 : i32
    %dma_start3A_1504 = tpu.memref_slice %arg6[%dma_start3A_1500, %dma_start3A_1501, %dma_start3A_1502, %dma_start3A_1503] : memref<3x4x8x1024xf32, #tpu.memory_space<vmem>> -> memref<1x4x8x1024xf32, #tpu.memory_space<vmem>>
    %dma_start3A_1505 = tpu.memref_squeeze %dma_start3A_1504 : memref<1x4x8x1024xf32, #tpu.memory_space<vmem>> -> memref<4x8x1024xf32, #tpu.memory_space<vmem>>
    %dma_start3A_1506 = arith.constant 0 : i32
    %dma_start3A_1507 = arith.constant 0 : i32
    %dma_start3A_1508 = tpu.memref_slice %arg2[%dma_start3A_1506, %add3A_1486, %dma_start3A_1507] : memref<4x4096x1024xf32, #tpu.memory_space<hbm>> -> memref<4x8x1024xf32, #tpu.memory_space<hbm>>
    %dma_start3A_1509 = arith.constant 0 : i32
    %dma_start3A_1510 = arith.constant 0 : i32
    %dma_start3A_1511 = arith.constant 0 : i32
    %dma_start3A_1512 = tpu.memref_slice %arg6[%dma_start3A_1500, %dma_start3A_1509, %dma_start3A_1510, %dma_start3A_1511] : memref<3x4x8x1024xf32, #tpu.memory_space<vmem>> -> memref<1x4x8x1024xf32, #tpu.memory_space<vmem>>
    %dma_start3A_1513 = tpu.memref_squeeze %dma_start3A_1512 : memref<1x4x8x1024xf32, #tpu.memory_space<vmem>> -> memref<4x8x1024xf32, #tpu.memory_space<vmem>>
    %dma_start3A_1514 = arith.constant 0 : i32
    %dma_start3A_1515 = arith.constant 0 : i32
    %dma_start3A_1516 = tpu.memref_slice %arg2[%dma_start3A_1514, %add3A_1486, %dma_start3A_1515] : memref<4x4096x1024xf32, #tpu.memory_space<hbm>> -> memref<4x8x1024xf32, #tpu.memory_space<hbm>>
    tpu.enqueue_dma source(%dma_start3A_1516 : memref<4x8x1024xf32, #tpu.memory_space<hbm>>) target(%dma_start3A_1513 : memref<4x8x1024xf32, #tpu.memory_space<vmem>>) target_semaphore(%arg7 : memref<!tpu.dma_semaphore, #tpu.memory_space<semaphore_mem>>)
    %dma_wait3A_1517 = arith.constant 2 : i32
    %dma_wait3A_1518 = arith.constant 0 : i32
    %dma_wait3A_1519 = arith.constant 0 : i32
    %dma_wait3A_1520 = tpu.memref_slice %arg5[%dma_wait3A_1517, %dma_wait3A_1518, %dma_wait3A_1519] : memref<3x8x1024xf32, #tpu.memory_space<vmem>> -> memref<1x8x1024xf32, #tpu.memory_space<vmem>>
    %dma_wait3A_1521 = tpu.memref_squeeze %dma_wait3A_1520 : memref<1x8x1024xf32, #tpu.memory_space<vmem>> -> memref<8x1024xf32, #tpu.memory_space<vmem>>
    %dma_wait3A_1522 = arith.constant 0 : i32
    %dma_wait3A_1523 = tpu.memref_slice %arg3[%add3A_1381, %dma_wait3A_1522] : memref<8192x1024xf32, #tpu.memory_space<hbm>> -> memref<8x1024xf32, #tpu.memory_space<hbm>>
    %dma_wait3A_1524 = arith.constant 0 : i32
    %dma_wait3A_1525 = arith.constant 0 : i32
    %dma_wait3A_1526 = tpu.memref_slice %arg5[%dma_wait3A_1517, %dma_wait3A_1524, %dma_wait3A_1525] : memref<3x8x1024xf32, #tpu.memory_space<vmem>> -> memref<1x8x1024xf32, #tpu.memory_space<vmem>>
    %dma_wait3A_1527 = tpu.memref_squeeze %dma_wait3A_1526 : memref<1x8x1024xf32, #tpu.memory_space<vmem>> -> memref<8x1024xf32, #tpu.memory_space<vmem>>
    %dma_wait3A_1528 = arith.constant 0 : i32
    %dma_wait3A_1529 = tpu.memref_slice %arg3[%add3A_1381, %dma_wait3A_1528] : memref<8192x1024xf32, #tpu.memory_space<hbm>> -> memref<8x1024xf32, #tpu.memory_space<hbm>>
    tpu.wait_dma2 semaphore(%arg9 : memref<!tpu.dma_semaphore, #tpu.memory_space<semaphore_mem>>) src(%dma_wait3A_1529 : memref<8x1024xf32, #tpu.memory_space<hbm>>) dst(%dma_wait3A_1527 : memref<8x1024xf32, #tpu.memory_space<vmem>>)
    %dma_wait3A_1530 = arith.constant 2 : i32
    %dma_wait3A_1531 = arith.constant 0 : i32
    %dma_wait3A_1532 = arith.constant 0 : i32
    %dma_wait3A_1533 = arith.constant 0 : i32
    %dma_wait3A_1534 = tpu.memref_slice %arg6[%dma_wait3A_1530, %dma_wait3A_1531, %dma_wait3A_1532, %dma_wait3A_1533] : memref<3x4x8x1024xf32, #tpu.memory_space<vmem>> -> memref<1x4x8x1024xf32, #tpu.memory_space<vmem>>
    %dma_wait3A_1535 = tpu.memref_squeeze %dma_wait3A_1534 : memref<1x4x8x1024xf32, #tpu.memory_space<vmem>> -> memref<4x8x1024xf32, #tpu.memory_space<vmem>>
    %dma_wait3A_1536 = arith.constant 0 : i32
    %dma_wait3A_1537 = arith.constant 0 : i32
    %dma_wait3A_1538 = tpu.memref_slice %arg2[%dma_wait3A_1536, %add3A_1381, %dma_wait3A_1537] : memref<4x4096x1024xf32, #tpu.memory_space<hbm>> -> memref<4x8x1024xf32, #tpu.memory_space<hbm>>
    %dma_wait3A_1539 = arith.constant 0 : i32
    %dma_wait3A_1540 = arith.constant 0 : i32
    %dma_wait3A_1541 = arith.constant 0 : i32
    %dma_wait3A_1542 = tpu.memref_slice %arg6[%dma_wait3A_1530, %dma_wait3A_1539, %dma_wait3A_1540, %dma_wait3A_1541] : memref<3x4x8x1024xf32, #tpu.memory_space<vmem>> -> memref<1x4x8x1024xf32, #tpu.memory_space<vmem>>
    %dma_wait3A_1543 = tpu.memref_squeeze %dma_wait3A_1542 : memref<1x4x8x1024xf32, #tpu.memory_space<vmem>> -> memref<4x8x1024xf32, #tpu.memory_space<vmem>>
    %dma_wait3A_1544 = arith.constant 0 : i32
    %dma_wait3A_1545 = arith.constant 0 : i32
    %dma_wait3A_1546 = tpu.memref_slice %arg2[%dma_wait3A_1544, %add3A_1381, %dma_wait3A_1545] : memref<4x4096x1024xf32, #tpu.memory_space<hbm>> -> memref<4x8x1024xf32, #tpu.memory_space<hbm>>
    tpu.wait_dma2 semaphore(%arg9 : memref<!tpu.dma_semaphore, #tpu.memory_space<semaphore_mem>>) src(%dma_wait3A_1546 : memref<4x8x1024xf32, #tpu.memory_space<hbm>>) dst(%dma_wait3A_1543 : memref<4x8x1024xf32, #tpu.memory_space<vmem>>)
    %scan3A_1547 = arith.constant 0 : i32
    %scan3A_1548 = arith.constant 0 : i32
    %scan3A_1549 = arith.constant 8 : i32
    %scan3A_1550 = arith.addi %scan3A_1548, %scan3A_1549 : i32
    %scan3A_1551 = arith.constant 1 : i32
    %scan3A_1552 = scf.for %scan3A_1680 = %scan3A_1548 to %scan3A_1550 step %scan3A_1551 iter_args(%scan3A_1681 = %scan3A_1547) -> (i32)  : i32 {
      %parallel_loop3A = arith.constant 0 : i32
      %parallel_loop3A_1682 = arith.constant 1024 : i32
      %parallel_loop3A_1683 = arith.constant 16 : i32
      scf.for %parallel_loop3A_1685 = %parallel_loop3A to %parallel_loop3A_1682 step %parallel_loop3A_1683  : i32 {
        %parallel_loop3A_1686 = arith.constant 2 : i32
        %parallel_loop3A_1687 = arith.index_cast %parallel_loop3A_1686 : i32 to index
        %parallel_loop3A_1688 = arith.index_cast %scan3A_1680 : i32 to index
        %parallel_loop3A_1689 = arith.index_cast %parallel_loop3A_1685 : i32 to index
        %parallel_loop3A_1690 = tpu.vector_load %arg5[%parallel_loop3A_1687, %parallel_loop3A_1688, %parallel_loop3A_1689] {strides = array<i32>} : memref<3x8x1024xf32, #tpu.memory_space<vmem>>, vector<1x1x16xf32>,
        %parallel_loop3A_1691 = vector.shape_cast %parallel_loop3A_1690 : vector<1x1x16xf32> to vector<16xf32>
        %parallel_loop3A_1692 = arith.constant 2 : i32
        %parallel_loop3A_1693 = arith.constant 0 : i32
        %parallel_loop3A_1694 = arith.index_cast %parallel_loop3A_1692 : i32 to index
        %parallel_loop3A_1695 = arith.index_cast %parallel_loop3A_1693 : i32 to index
        %parallel_loop3A_1696 = arith.index_cast %scan3A_1680 : i32 to index
        %parallel_loop3A_1697 = arith.index_cast %parallel_loop3A_1685 : i32 to index
        %parallel_loop3A_1698 = tpu.vector_load %arg6[%parallel_loop3A_1694, %parallel_loop3A_1695, %parallel_loop3A_1696, %parallel_loop3A_1697] {strides = array<i32>} : memref<3x4x8x1024xf32, #tpu.memory_space<vmem>>, vector<1x1x1x16xf32>,
        %parallel_loop3A_1699 = vector.shape_cast %parallel_loop3A_1698 : vector<1x1x1x16xf32> to vector<16xf32>
        %parallel_loop3A_1700 = vector.shape_cast %parallel_loop3A_1691 : vector<16xf32> to vector<1x1x1x16xf32>
        tpu.vector_store %arg6[%parallel_loop3A_1694, %parallel_loop3A_1695, %parallel_loop3A_1696, %parallel_loop3A_1697], %parallel_loop3A_1700 {add = true, strides = array<i32>} : memref<3x4x8x1024xf32, #tpu.memory_space<vmem>>, vector<1x1x1x16xf32>,
        %parallel_loop3A_1701 = arith.constant 2 : i32
        %parallel_loop3A_1702 = arith.constant 1 : i32
        %parallel_loop3A_1703 = arith.index_cast %parallel_loop3A_1701 : i32 to index
        %parallel_loop3A_1704 = arith.index_cast %parallel_loop3A_1702 : i32 to index
        %parallel_loop3A_1705 = arith.index_cast %scan3A_1680 : i32 to index
        %parallel_loop3A_1706 = arith.index_cast %parallel_loop3A_1685 : i32 to index
        %parallel_loop3A_1707 = tpu.vector_load %arg6[%parallel_loop3A_1703, %parallel_loop3A_1704, %parallel_loop3A_1705, %parallel_loop3A_1706] {strides = array<i32>} : memref<3x4x8x1024xf32, #tpu.memory_space<vmem>>, vector<1x1x1x16xf32>,
        %parallel_loop3A_1708 = vector.shape_cast %parallel_loop3A_1707 : vector<1x1x1x16xf32> to vector<16xf32>
        %parallel_loop3A_1709 = vector.shape_cast %parallel_loop3A_1691 : vector<16xf32> to vector<1x1x1x16xf32>
        tpu.vector_store %arg6[%parallel_loop3A_1703, %parallel_loop3A_1704, %parallel_loop3A_1705, %parallel_loop3A_1706], %parallel_loop3A_1709 {add = true, strides = array<i32>} : memref<3x4x8x1024xf32, #tpu.memory_space<vmem>>, vector<1x1x1x16xf32>,
        %parallel_loop3A_1710 = arith.constant 2 : i32
        %parallel_loop3A_1711 = arith.constant 2 : i32
        %parallel_loop3A_1712 = arith.index_cast %parallel_loop3A_1710 : i32 to index
        %parallel_loop3A_1713 = arith.index_cast %parallel_loop3A_1711 : i32 to index
        %parallel_loop3A_1714 = arith.index_cast %scan3A_1680 : i32 to index
        %parallel_loop3A_1715 = arith.index_cast %parallel_loop3A_1685 : i32 to index
        %parallel_loop3A_1716 = tpu.vector_load %arg6[%parallel_loop3A_1712, %parallel_loop3A_1713, %parallel_loop3A_1714, %parallel_loop3A_1715] {strides = array<i32>} : memref<3x4x8x1024xf32, #tpu.memory_space<vmem>>, vector<1x1x1x16xf32>,
        %parallel_loop3A_1717 = vector.shape_cast %parallel_loop3A_1716 : vector<1x1x1x16xf32> to vector<16xf32>
        %parallel_loop3A_1718 = vector.shape_cast %parallel_loop3A_1691 : vector<16xf32> to vector<1x1x1x16xf32>
        tpu.vector_store %arg6[%parallel_loop3A_1712, %parallel_loop3A_1713, %parallel_loop3A_1714, %parallel_loop3A_1715], %parallel_loop3A_1718 {add = true, strides = array<i32>} : memref<3x4x8x1024xf32, #tpu.memory_space<vmem>>, vector<1x1x1x16xf32>,
        %parallel_loop3A_1719 = arith.constant 2 : i32
        %parallel_loop3A_1720 = arith.constant 3 : i32
        %parallel_loop3A_1721 = arith.index_cast %parallel_loop3A_1719 : i32 to index
        %parallel_loop3A_1722 = arith.index_cast %parallel_loop3A_1720 : i32 to index
        %parallel_loop3A_1723 = arith.index_cast %scan3A_1680 : i32 to index
        %parallel_loop3A_1724 = arith.index_cast %parallel_loop3A_1685 : i32 to index
        %parallel_loop3A_1725 = tpu.vector_load %arg6[%parallel_loop3A_1721, %parallel_loop3A_1722, %parallel_loop3A_1723, %parallel_loop3A_1724] {strides = array<i32>} : memref<3x4x8x1024xf32, #tpu.memory_space<vmem>>, vector<1x1x1x16xf32>,
        %parallel_loop3A_1726 = vector.shape_cast %parallel_loop3A_1725 : vector<1x1x1x16xf32> to vector<16xf32>
        %parallel_loop3A_1727 = vector.shape_cast %parallel_loop3A_1691 : vector<16xf32> to vector<1x1x1x16xf32>
        tpu.vector_store %arg6[%parallel_loop3A_1721, %parallel_loop3A_1722, %parallel_loop3A_1723, %parallel_loop3A_1724], %parallel_loop3A_1727 {add = true, strides = array<i32>} : memref<3x4x8x1024xf32, #tpu.memory_space<vmem>>, vector<1x1x1x16xf32>,
      } {sc.loop_unroll_factor = 8 : i64, sc.parallel_access}
      %scan3A_1684 = arith.constant 0 : i32
      scf.yield %scan3A_1684 : i32
    }
    %scan3A_1553 = arith.constant 8 : i32
    %add3A_1554 = arith.constant 112 : i32
    %add3A_1555 = arith.addi %mul3A_2, %add3A_1554 : i32
    %dma_start3A_1556 = arith.constant 2 : i32
    %dma_start3A_1557 = arith.constant 0 : i32
    %dma_start3A_1558 = arith.constant 0 : i32
    %dma_start3A_1559 = arith.constant 0 : i32
    %dma_start3A_1560 = tpu.memref_slice %arg6[%dma_start3A_1556, %dma_start3A_1557, %dma_start3A_1558, %dma_start3A_1559] : memref<3x4x8x1024xf32, #tpu.memory_space<vmem>> -> memref<1x4x8x1024xf32, #tpu.memory_space<vmem>>
    %dma_start3A_1561 = tpu.memref_squeeze %dma_start3A_1560 : memref<1x4x8x1024xf32, #tpu.memory_space<vmem>> -> memref<4x8x1024xf32, #tpu.memory_space<vmem>>
    %dma_start3A_1562 = arith.constant 0 : i32
    %dma_start3A_1563 = arith.constant 0 : i32
    %dma_start3A_1564 = tpu.memref_slice %arg4[%dma_start3A_1562, %add3A_1555, %dma_start3A_1563] : memref<4x4096x1024xf32, #tpu.memory_space<hbm>> -> memref<4x8x1024xf32, #tpu.memory_space<hbm>>
    %dma_start3A_1565 = arith.constant 0 : i32
    %dma_start3A_1566 = arith.constant 0 : i32
    %dma_start3A_1567 = tpu.memref_slice %arg4[%dma_start3A_1565, %add3A_1555, %dma_start3A_1566] : memref<4x4096x1024xf32, #tpu.memory_space<hbm>> -> memref<4x8x1024xf32, #tpu.memory_space<hbm>>
    %dma_start3A_1568 = arith.constant 0 : i32
    %dma_start3A_1569 = arith.constant 0 : i32
    %dma_start3A_1570 = arith.constant 0 : i32
    %dma_start3A_1571 = tpu.memref_slice %arg6[%dma_start3A_1556, %dma_start3A_1568, %dma_start3A_1569, %dma_start3A_1570] : memref<3x4x8x1024xf32, #tpu.memory_space<vmem>> -> memref<1x4x8x1024xf32, #tpu.memory_space<vmem>>
    %dma_start3A_1572 = tpu.memref_squeeze %dma_start3A_1571 : memref<1x4x8x1024xf32, #tpu.memory_space<vmem>> -> memref<4x8x1024xf32, #tpu.memory_space<vmem>>
    tpu.enqueue_dma source(%dma_start3A_1572 : memref<4x8x1024xf32, #tpu.memory_space<vmem>>) target(%dma_start3A_1567 : memref<4x8x1024xf32, #tpu.memory_space<hbm>>) target_semaphore(%arg12 : memref<!tpu.dma_semaphore, #tpu.memory_space<semaphore_mem>>)
    %dma_wait3A_1573 = arith.constant 0 : i32
    %dma_wait3A_1574 = arith.constant 0 : i32
    %dma_wait3A_1575 = arith.constant 0 : i32
    %dma_wait3A_1576 = tpu.memref_slice %arg5[%dma_wait3A_1573, %dma_wait3A_1574, %dma_wait3A_1575] : memref<3x8x1024xf32, #tpu.memory_space<vmem>> -> memref<1x8x1024xf32, #tpu.memory_space<vmem>>
    %dma_wait3A_1577 = tpu.memref_squeeze %dma_wait3A_1576 : memref<1x8x1024xf32, #tpu.memory_space<vmem>> -> memref<8x1024xf32, #tpu.memory_space<vmem>>
    %dma_wait3A_1578 = arith.constant 0 : i32
    %dma_wait3A_1579 = tpu.memref_slice %arg3[%add3A_1486, %dma_wait3A_1578] : memref<8192x1024xf32, #tpu.memory_space<hbm>> -> memref<8x1024xf32, #tpu.memory_space<hbm>>
    %dma_wait3A_1580 = arith.constant 0 : i32
    %dma_wait3A_1581 = arith.constant 0 : i32
    %dma_wait3A_1582 = tpu.memref_slice %arg5[%dma_wait3A_1573, %dma_wait3A_1580, %dma_wait3A_1581] : memref<3x8x1024xf32, #tpu.memory_space<vmem>> -> memref<1x8x1024xf32, #tpu.memory_space<vmem>>
    %dma_wait3A_1583 = tpu.memref_squeeze %dma_wait3A_1582 : memref<1x8x1024xf32, #tpu.memory_space<vmem>> -> memref<8x1024xf32, #tpu.memory_space<vmem>>
    %dma_wait3A_1584 = arith.constant 0 : i32
    %dma_wait3A_1585 = tpu.memref_slice %arg3[%add3A_1486, %dma_wait3A_1584] : memref<8192x1024xf32, #tpu.memory_space<hbm>> -> memref<8x1024xf32, #tpu.memory_space<hbm>>
    tpu.wait_dma2 semaphore(%arg7 : memref<!tpu.dma_semaphore, #tpu.memory_space<semaphore_mem>>) src(%dma_wait3A_1585 : memref<8x1024xf32, #tpu.memory_space<hbm>>) dst(%dma_wait3A_1583 : memref<8x1024xf32, #tpu.memory_space<vmem>>)
    %dma_wait3A_1586 = arith.constant 0 : i32
    %dma_wait3A_1587 = arith.constant 0 : i32
    %dma_wait3A_1588 = arith.constant 0 : i32
    %dma_wait3A_1589 = arith.constant 0 : i32
    %dma_wait3A_1590 = tpu.memref_slice %arg6[%dma_wait3A_1586, %dma_wait3A_1587, %dma_wait3A_1588, %dma_wait3A_1589] : memref<3x4x8x1024xf32, #tpu.memory_space<vmem>> -> memref<1x4x8x1024xf32, #tpu.memory_space<vmem>>
    %dma_wait3A_1591 = tpu.memref_squeeze %dma_wait3A_1590 : memref<1x4x8x1024xf32, #tpu.memory_space<vmem>> -> memref<4x8x1024xf32, #tpu.memory_space<vmem>>
    %dma_wait3A_1592 = arith.constant 0 : i32
    %dma_wait3A_1593 = arith.constant 0 : i32
    %dma_wait3A_1594 = tpu.memref_slice %arg2[%dma_wait3A_1592, %add3A_1486, %dma_wait3A_1593] : memref<4x4096x1024xf32, #tpu.memory_space<hbm>> -> memref<4x8x1024xf32, #tpu.memory_space<hbm>>
    %dma_wait3A_1595 = arith.constant 0 : i32
    %dma_wait3A_1596 = arith.constant 0 : i32
    %dma_wait3A_1597 = arith.constant 0 : i32
    %dma_wait3A_1598 = tpu.memref_slice %arg6[%dma_wait3A_1586, %dma_wait3A_1595, %dma_wait3A_1596, %dma_wait3A_1597] : memref<3x4x8x1024xf32, #tpu.memory_space<vmem>> -> memref<1x4x8x1024xf32, #tpu.memory_space<vmem>>
    %dma_wait3A_1599 = tpu.memref_squeeze %dma_wait3A_1598 : memref<1x4x8x1024xf32, #tpu.memory_space<vmem>> -> memref<4x8x1024xf32, #tpu.memory_space<vmem>>
    %dma_wait3A_1600 = arith.constant 0 : i32
    %dma_wait3A_1601 = arith.constant 0 : i32
    %dma_wait3A_1602 = tpu.memref_slice %arg2[%dma_wait3A_1600, %add3A_1486, %dma_wait3A_1601] : memref<4x4096x1024xf32, #tpu.memory_space<hbm>> -> memref<4x8x1024xf32, #tpu.memory_space<hbm>>
    tpu.wait_dma2 semaphore(%arg7 : memref<!tpu.dma_semaphore, #tpu.memory_space<semaphore_mem>>) src(%dma_wait3A_1602 : memref<4x8x1024xf32, #tpu.memory_space<hbm>>) dst(%dma_wait3A_1599 : memref<4x8x1024xf32, #tpu.memory_space<vmem>>)
    %scan3A_1603 = arith.constant 0 : i32
    %scan3A_1604 = arith.constant 0 : i32
    %scan3A_1605 = arith.constant 8 : i32
    %scan3A_1606 = arith.addi %scan3A_1604, %scan3A_1605 : i32
    %scan3A_1607 = arith.constant 1 : i32
    %scan3A_1608 = scf.for %scan3A_1680 = %scan3A_1604 to %scan3A_1606 step %scan3A_1607 iter_args(%scan3A_1681 = %scan3A_1603) -> (i32)  : i32 {
      %parallel_loop3A = arith.constant 0 : i32
      %parallel_loop3A_1682 = arith.constant 1024 : i32
      %parallel_loop3A_1683 = arith.constant 16 : i32
      scf.for %parallel_loop3A_1685 = %parallel_loop3A to %parallel_loop3A_1682 step %parallel_loop3A_1683  : i32 {
        %parallel_loop3A_1686 = arith.constant 0 : i32
        %parallel_loop3A_1687 = arith.index_cast %parallel_loop3A_1686 : i32 to index
        %parallel_loop3A_1688 = arith.index_cast %scan3A_1680 : i32 to index
        %parallel_loop3A_1689 = arith.index_cast %parallel_loop3A_1685 : i32 to index
        %parallel_loop3A_1690 = tpu.vector_load %arg5[%parallel_loop3A_1687, %parallel_loop3A_1688, %parallel_loop3A_1689] {strides = array<i32>} : memref<3x8x1024xf32, #tpu.memory_space<vmem>>, vector<1x1x16xf32>,
        %parallel_loop3A_1691 = vector.shape_cast %parallel_loop3A_1690 : vector<1x1x16xf32> to vector<16xf32>
        %parallel_loop3A_1692 = arith.constant 0 : i32
        %parallel_loop3A_1693 = arith.constant 0 : i32
        %parallel_loop3A_1694 = arith.index_cast %parallel_loop3A_1692 : i32 to index
        %parallel_loop3A_1695 = arith.index_cast %parallel_loop3A_1693 : i32 to index
        %parallel_loop3A_1696 = arith.index_cast %scan3A_1680 : i32 to index
        %parallel_loop3A_1697 = arith.index_cast %parallel_loop3A_1685 : i32 to index
        %parallel_loop3A_1698 = tpu.vector_load %arg6[%parallel_loop3A_1694, %parallel_loop3A_1695, %parallel_loop3A_1696, %parallel_loop3A_1697] {strides = array<i32>} : memref<3x4x8x1024xf32, #tpu.memory_space<vmem>>, vector<1x1x1x16xf32>,
        %parallel_loop3A_1699 = vector.shape_cast %parallel_loop3A_1698 : vector<1x1x1x16xf32> to vector<16xf32>
        %parallel_loop3A_1700 = vector.shape_cast %parallel_loop3A_1691 : vector<16xf32> to vector<1x1x1x16xf32>
        tpu.vector_store %arg6[%parallel_loop3A_1694, %parallel_loop3A_1695, %parallel_loop3A_1696, %parallel_loop3A_1697], %parallel_loop3A_1700 {add = true, strides = array<i32>} : memref<3x4x8x1024xf32, #tpu.memory_space<vmem>>, vector<1x1x1x16xf32>,
        %parallel_loop3A_1701 = arith.constant 0 : i32
        %parallel_loop3A_1702 = arith.constant 1 : i32
        %parallel_loop3A_1703 = arith.index_cast %parallel_loop3A_1701 : i32 to index
        %parallel_loop3A_1704 = arith.index_cast %parallel_loop3A_1702 : i32 to index
        %parallel_loop3A_1705 = arith.index_cast %scan3A_1680 : i32 to index
        %parallel_loop3A_1706 = arith.index_cast %parallel_loop3A_1685 : i32 to index
        %parallel_loop3A_1707 = tpu.vector_load %arg6[%parallel_loop3A_1703, %parallel_loop3A_1704, %parallel_loop3A_1705, %parallel_loop3A_1706] {strides = array<i32>} : memref<3x4x8x1024xf32, #tpu.memory_space<vmem>>, vector<1x1x1x16xf32>,
        %parallel_loop3A_1708 = vector.shape_cast %parallel_loop3A_1707 : vector<1x1x1x16xf32> to vector<16xf32>
        %parallel_loop3A_1709 = vector.shape_cast %parallel_loop3A_1691 : vector<16xf32> to vector<1x1x1x16xf32>
        tpu.vector_store %arg6[%parallel_loop3A_1703, %parallel_loop3A_1704, %parallel_loop3A_1705, %parallel_loop3A_1706], %parallel_loop3A_1709 {add = true, strides = array<i32>} : memref<3x4x8x1024xf32, #tpu.memory_space<vmem>>, vector<1x1x1x16xf32>,
        %parallel_loop3A_1710 = arith.constant 0 : i32
        %parallel_loop3A_1711 = arith.constant 2 : i32
        %parallel_loop3A_1712 = arith.index_cast %parallel_loop3A_1710 : i32 to index
        %parallel_loop3A_1713 = arith.index_cast %parallel_loop3A_1711 : i32 to index
        %parallel_loop3A_1714 = arith.index_cast %scan3A_1680 : i32 to index
        %parallel_loop3A_1715 = arith.index_cast %parallel_loop3A_1685 : i32 to index
        %parallel_loop3A_1716 = tpu.vector_load %arg6[%parallel_loop3A_1712, %parallel_loop3A_1713, %parallel_loop3A_1714, %parallel_loop3A_1715] {strides = array<i32>} : memref<3x4x8x1024xf32, #tpu.memory_space<vmem>>, vector<1x1x1x16xf32>,
        %parallel_loop3A_1717 = vector.shape_cast %parallel_loop3A_1716 : vector<1x1x1x16xf32> to vector<16xf32>
        %parallel_loop3A_1718 = vector.shape_cast %parallel_loop3A_1691 : vector<16xf32> to vector<1x1x1x16xf32>
        tpu.vector_store %arg6[%parallel_loop3A_1712, %parallel_loop3A_1713, %parallel_loop3A_1714, %parallel_loop3A_1715], %parallel_loop3A_1718 {add = true, strides = array<i32>} : memref<3x4x8x1024xf32, #tpu.memory_space<vmem>>, vector<1x1x1x16xf32>,
        %parallel_loop3A_1719 = arith.constant 0 : i32
        %parallel_loop3A_1720 = arith.constant 3 : i32
        %parallel_loop3A_1721 = arith.index_cast %parallel_loop3A_1719 : i32 to index
        %parallel_loop3A_1722 = arith.index_cast %parallel_loop3A_1720 : i32 to index
        %parallel_loop3A_1723 = arith.index_cast %scan3A_1680 : i32 to index
        %parallel_loop3A_1724 = arith.index_cast %parallel_loop3A_1685 : i32 to index
        %parallel_loop3A_1725 = tpu.vector_load %arg6[%parallel_loop3A_1721, %parallel_loop3A_1722, %parallel_loop3A_1723, %parallel_loop3A_1724] {strides = array<i32>} : memref<3x4x8x1024xf32, #tpu.memory_space<vmem>>, vector<1x1x1x16xf32>,
        %parallel_loop3A_1726 = vector.shape_cast %parallel_loop3A_1725 : vector<1x1x1x16xf32> to vector<16xf32>
        %parallel_loop3A_1727 = vector.shape_cast %parallel_loop3A_1691 : vector<16xf32> to vector<1x1x1x16xf32>
        tpu.vector_store %arg6[%parallel_loop3A_1721, %parallel_loop3A_1722, %parallel_loop3A_1723, %parallel_loop3A_1724], %parallel_loop3A_1727 {add = true, strides = array<i32>} : memref<3x4x8x1024xf32, #tpu.memory_space<vmem>>, vector<1x1x1x16xf32>,
      } {sc.loop_unroll_factor = 8 : i64, sc.parallel_access}
      %scan3A_1684 = arith.constant 0 : i32
      scf.yield %scan3A_1684 : i32
    }
    %scan3A_1609 = arith.constant 8 : i32
    %add3A_1610 = arith.constant 120 : i32
    %add3A_1611 = arith.addi %mul3A_2, %add3A_1610 : i32
    %dma_start3A_1612 = arith.constant 0 : i32
    %dma_start3A_1613 = arith.constant 0 : i32
    %dma_start3A_1614 = arith.constant 0 : i32
    %dma_start3A_1615 = arith.constant 0 : i32
    %dma_start3A_1616 = tpu.memref_slice %arg6[%dma_start3A_1612, %dma_start3A_1613, %dma_start3A_1614, %dma_start3A_1615] : memref<3x4x8x1024xf32, #tpu.memory_space<vmem>> -> memref<1x4x8x1024xf32, #tpu.memory_space<vmem>>
    %dma_start3A_1617 = tpu.memref_squeeze %dma_start3A_1616 : memref<1x4x8x1024xf32, #tpu.memory_space<vmem>> -> memref<4x8x1024xf32, #tpu.memory_space<vmem>>
    %dma_start3A_1618 = arith.constant 0 : i32
    %dma_start3A_1619 = arith.constant 0 : i32
    %dma_start3A_1620 = tpu.memref_slice %arg4[%dma_start3A_1618, %add3A_1611, %dma_start3A_1619] : memref<4x4096x1024xf32, #tpu.memory_space<hbm>> -> memref<4x8x1024xf32, #tpu.memory_space<hbm>>
    %dma_start3A_1621 = arith.constant 0 : i32
    %dma_start3A_1622 = arith.constant 0 : i32
    %dma_start3A_1623 = tpu.memref_slice %arg4[%dma_start3A_1621, %add3A_1611, %dma_start3A_1622] : memref<4x4096x1024xf32, #tpu.memory_space<hbm>> -> memref<4x8x1024xf32, #tpu.memory_space<hbm>>
    %dma_start3A_1624 = arith.constant 0 : i32
    %dma_start3A_1625 = arith.constant 0 : i32
    %dma_start3A_1626 = arith.constant 0 : i32
    %dma_start3A_1627 = tpu.memref_slice %arg6[%dma_start3A_1612, %dma_start3A_1624, %dma_start3A_1625, %dma_start3A_1626] : memref<3x4x8x1024xf32, #tpu.memory_space<vmem>> -> memref<1x4x8x1024xf32, #tpu.memory_space<vmem>>
    %dma_start3A_1628 = tpu.memref_squeeze %dma_start3A_1627 : memref<1x4x8x1024xf32, #tpu.memory_space<vmem>> -> memref<4x8x1024xf32, #tpu.memory_space<vmem>>
    tpu.enqueue_dma source(%dma_start3A_1628 : memref<4x8x1024xf32, #tpu.memory_space<vmem>>) target(%dma_start3A_1623 : memref<4x8x1024xf32, #tpu.memory_space<hbm>>) target_semaphore(%arg10 : memref<!tpu.dma_semaphore, #tpu.memory_space<semaphore_mem>>)
    %dma_wait3A_1629 = arith.constant 1 : i32
    %dma_wait3A_1630 = arith.constant 0 : i32
    %dma_wait3A_1631 = arith.constant 0 : i32
    %dma_wait3A_1632 = arith.constant 0 : i32
    %dma_wait3A_1633 = tpu.memref_slice %arg6[%dma_wait3A_1629, %dma_wait3A_1630, %dma_wait3A_1631, %dma_wait3A_1632] : memref<3x4x8x1024xf32, #tpu.memory_space<vmem>> -> memref<1x4x8x1024xf32, #tpu.memory_space<vmem>>
    %dma_wait3A_1634 = tpu.memref_squeeze %dma_wait3A_1633 : memref<1x4x8x1024xf32, #tpu.memory_space<vmem>> -> memref<4x8x1024xf32, #tpu.memory_space<vmem>>
    %dma_wait3A_1635 = arith.constant 0 : i32
    %dma_wait3A_1636 = arith.constant 0 : i32
    %dma_wait3A_1637 = tpu.memref_slice %arg4[%dma_wait3A_1635, %add3A_1450, %dma_wait3A_1636] : memref<4x4096x1024xf32, #tpu.memory_space<hbm>> -> memref<4x8x1024xf32, #tpu.memory_space<hbm>>
    %dma_wait3A_1638 = arith.constant 0 : i32
    %dma_wait3A_1639 = arith.constant 0 : i32
    %dma_wait3A_1640 = tpu.memref_slice %arg4[%dma_wait3A_1638, %add3A_1450, %dma_wait3A_1639] : memref<4x4096x1024xf32, #tpu.memory_space<hbm>> -> memref<4x8x1024xf32, #tpu.memory_space<hbm>>
    %dma_wait3A_1641 = arith.constant 0 : i32
    %dma_wait3A_1642 = arith.constant 0 : i32
    %dma_wait3A_1643 = arith.constant 0 : i32
    %dma_wait3A_1644 = tpu.memref_slice %arg6[%dma_wait3A_1629, %dma_wait3A_1641, %dma_wait3A_1642, %dma_wait3A_1643] : memref<3x4x8x1024xf32, #tpu.memory_space<vmem>> -> memref<1x4x8x1024xf32, #tpu.memory_space<vmem>>
    %dma_wait3A_1645 = tpu.memref_squeeze %dma_wait3A_1644 : memref<1x4x8x1024xf32, #tpu.memory_space<vmem>> -> memref<4x8x1024xf32, #tpu.memory_space<vmem>>
    tpu.wait_dma2 semaphore(%arg11 : memref<!tpu.dma_semaphore, #tpu.memory_space<semaphore_mem>>) src(%dma_wait3A_1645 : memref<4x8x1024xf32, #tpu.memory_space<vmem>>) dst(%dma_wait3A_1640 : memref<4x8x1024xf32, #tpu.memory_space<hbm>>)
    %dma_wait3A_1646 = arith.constant 2 : i32
    %dma_wait3A_1647 = arith.constant 0 : i32
    %dma_wait3A_1648 = arith.constant 0 : i32
    %dma_wait3A_1649 = arith.constant 0 : i32
    %dma_wait3A_1650 = tpu.memref_slice %arg6[%dma_wait3A_1646, %dma_wait3A_1647, %dma_wait3A_1648, %dma_wait3A_1649] : memref<3x4x8x1024xf32, #tpu.memory_space<vmem>> -> memref<1x4x8x1024xf32, #tpu.memory_space<vmem>>
    %dma_wait3A_1651 = tpu.memref_squeeze %dma_wait3A_1650 : memref<1x4x8x1024xf32, #tpu.memory_space<vmem>> -> memref<4x8x1024xf32, #tpu.memory_space<vmem>>
    %dma_wait3A_1652 = arith.constant 0 : i32
    %dma_wait3A_1653 = arith.constant 0 : i32
    %dma_wait3A_1654 = tpu.memref_slice %arg4[%dma_wait3A_1652, %add3A_1555, %dma_wait3A_1653] : memref<4x4096x1024xf32, #tpu.memory_space<hbm>> -> memref<4x8x1024xf32, #tpu.memory_space<hbm>>
    %dma_wait3A_1655 = arith.constant 0 : i32
    %dma_wait3A_1656 = arith.constant 0 : i32
    %dma_wait3A_1657 = tpu.memref_slice %arg4[%dma_wait3A_1655, %add3A_1555, %dma_wait3A_1656] : memref<4x4096x1024xf32, #tpu.memory_space<hbm>> -> memref<4x8x1024xf32, #tpu.memory_space<hbm>>
    %dma_wait3A_1658 = arith.constant 0 : i32
    %dma_wait3A_1659 = arith.constant 0 : i32
    %dma_wait3A_1660 = arith.constant 0 : i32
    %dma_wait3A_1661 = tpu.memref_slice %arg6[%dma_wait3A_1646, %dma_wait3A_1658, %dma_wait3A_1659, %dma_wait3A_1660] : memref<3x4x8x1024xf32, #tpu.memory_space<vmem>> -> memref<1x4x8x1024xf32, #tpu.memory_space<vmem>>
    %dma_wait3A_1662 = tpu.memref_squeeze %dma_wait3A_1661 : memref<1x4x8x1024xf32, #tpu.memory_space<vmem>> -> memref<4x8x1024xf32, #tpu.memory_space<vmem>>
    tpu.wait_dma2 semaphore(%arg12 : memref<!tpu.dma_semaphore, #tpu.memory_space<semaphore_mem>>) src(%dma_wait3A_1662 : memref<4x8x1024xf32, #tpu.memory_space<vmem>>) dst(%dma_wait3A_1657 : memref<4x8x1024xf32, #tpu.memory_space<hbm>>)
    %dma_wait3A_1663 = arith.constant 0 : i32
    %dma_wait3A_1664 = arith.constant 0 : i32
    %dma_wait3A_1665 = arith.constant 0 : i32
    %dma_wait3A_1666 = arith.constant 0 : i32
    %dma_wait3A_1667 = tpu.memref_slice %arg6[%dma_wait3A_1663, %dma_wait3A_1664, %dma_wait3A_1665, %dma_wait3A_1666] : memref<3x4x8x1024xf32, #tpu.memory_space<vmem>> -> memref<1x4x8x1024xf32, #tpu.memory_space<vmem>>
    %dma_wait3A_1668 = tpu.memref_squeeze %dma_wait3A_1667 : memref<1x4x8x1024xf32, #tpu.memory_space<vmem>> -> memref<4x8x1024xf32, #tpu.memory_space<vmem>>
    %dma_wait3A_1669 = arith.constant 0 : i32
    %dma_wait3A_1670 = arith.constant 0 : i32
    %dma_wait3A_1671 = tpu.memref_slice %arg4[%dma_wait3A_1669, %add3A_1611, %dma_wait3A_1670] : memref<4x4096x1024xf32, #tpu.memory_space<hbm>> -> memref<4x8x1024xf32, #tpu.memory_space<hbm>>
    %dma_wait3A_1672 = arith.constant 0 : i32
    %dma_wait3A_1673 = arith.constant 0 : i32
    %dma_wait3A_1674 = tpu.memref_slice %arg4[%dma_wait3A_1672, %add3A_1611, %dma_wait3A_1673] : memref<4x4096x1024xf32, #tpu.memory_space<hbm>> -> memref<4x8x1024xf32, #tpu.memory_space<hbm>>
    %dma_wait3A_1675 = arith.constant 0 : i32
    %dma_wait3A_1676 = arith.constant 0 : i32
    %dma_wait3A_1677 = arith.constant 0 : i32
    %dma_wait3A_1678 = tpu.memref_slice %arg6[%dma_wait3A_1663, %dma_wait3A_1675, %dma_wait3A_1676, %dma_wait3A_1677] : memref<3x4x8x1024xf32, #tpu.memory_space<vmem>> -> memref<1x4x8x1024xf32, #tpu.memory_space<vmem>>
    %dma_wait3A_1679 = tpu.memref_squeeze %dma_wait3A_1678 : memref<1x4x8x1024xf32, #tpu.memory_space<vmem>> -> memref<4x8x1024xf32, #tpu.memory_space<vmem>>
    tpu.wait_dma2 semaphore(%arg10 : memref<!tpu.dma_semaphore, #tpu.memory_space<semaphore_mem>>) src(%dma_wait3A_1679 : memref<4x8x1024xf32, #tpu.memory_space<vmem>>) dst(%dma_wait3A_1674 : memref<4x8x1024xf32, #tpu.memory_space<hbm>>)
    return
  }
}

</mosaic_0001>

<sc_bundles>
// kernel: kernel.3.cloned.1.call-start
scs
__scs_entry_jumppad:
0x0: {  	(pc) =	sbr.rel $0x88, $3  }
0x1: {  	(tag) =	ssettag $0x0;
	lr =	simm.s32 $0x1  }
0x2: {  	[smem:$0x3F9F] =	sst lr;
	_ =	strace $0xD0000000  }
0x3: {  	_ = 	snop  }
0x4: {  	_ = 	snop  }
0x5: {  	_ = 	snop  }
0x6: {  	_ = 	snop  }
0x7: {  	_ = 	snop  }
__scs_overlays_trampoline_lowered:
0x8: {  	[smem:$0x3FAE] =	sst s0  }
0x9: {  	[smem:$0x3FAF] =	sst s1  }
0xa: {  	[smem:$0x3FB0] =	sst s2  }
0xb: {  	[smem:$0x3FB1] =	sst s3  }
0xc: {  	[smem:$0x3FB2] =	sst s4  }
0xd: {  	[smem:$0x3FB3] =	sst s5  }
0xe: {  	[smem:$0x3FB4] =	sst s6  }
0xf: {  	[smem:$0x3FB5] =	sst s7  }
0x10: {  	[smem:$0x3FB6] =	sst s8  }
0x11: {  	[smem:$0x3FB7] =	sst s9;
	s0 =	simm.s32 @!p0 $0x0  }
0x12: {  	s1 =	sld [smem:$0x3F9D];
	s0 =	simm.s32 @p0 $0x1  }
0x13: {  	[smem:$0x3FB8] =	sst s0;
	s0 =	simm.s32 @!p1 $0x0  }
0x14: {  	s2 =	sld [smem:$0x3F9C];
	s0 =	simm.s32 @p1 $0x1  }
0x15: {  	[smem:$0x3FB9] =	sst s0;
	s0 =	simm.s32 @!p2 $0x0  }
0x16: {  	s3 =	sld [smem:$0x3FDB];
	s0 =	simm.s32 @p2 $0x1  }
0x17: {  	s4 =	simm.s32 $0x1BF5;
	[smem:$0x3FBB] =	sst s0  }
0x18: {  	s0 =	sld [smem:$0x3F9E];
	_ =	swait.ge [sflag:s4], $0x0  }
0x19: {  	s7 =	sld [smem:$0x3F9F]  }
0x1a: {  	s8 =	sadd.s32 $0xFFFFE003, lr  }
0x1b: {  	s9 =	sadd.s32 $0xFFFFFEF7, lr;
	s5 =	simm.s32 $0xFFFFFFFF;
	p2 =	slt.u32 s8, $0xFFFFF086  }
0x1c: {  	p1 =	slt.u32 s9, $0xF7A;
	s5 =	simm.s32 @!p2 $0x0  }
0x1d: {  	s5 =	simm.s32 @p1 $0x1;
	p0 =	seq.s32 s7, s2  }
0x1e: {  	s7 =	smul.u32 @!p0 $0xF7A, s2;
	p2 =	seq.s32 @!p0 s5, $0x0  }
0x1f: {  	s9 =	smul.u32 $0xF7A, s1;
	s8 =	simm.s32 @!p0 $0x1BF5;
	p2 =	por !p2, p0  }
0x20: {  	[sflag:s8] =	ssyncset.s32 @!p0 $0xFFFFF086;
	s6 =	sadd.s32 @!p0 s3, s7;
	s7 =	simm.s32 @!p0 $0x108  }
0x21: {  	s3 =	sadd.s32 s3, s9;
	s6 =	sadd.s32 @!p0 $0x88, s6;
	s7 =	simm.s32 @p2 $0x1082  }
0x22: {  	[simem:s7], [sflag:s8] =	dma.local @!p0 [hbm:s6], $0xF7A  }
0x23: {  	s9 =	sor.u32 $0xD0000000, s2;
	s6 =	simm.s32 $0x108;
	_ =	swait.ge @!p0 [sflag:s8], $0x0  }
0x24: {  	s3 =	sadd.s32 $0x88, s3;
	s6 =	simm.s32 @!p1 $0x1082;
	[sflag:s4] =	ssyncset.s32 $0xFFFFF086  }
0x25: {  	[simem:s6], [sflag:s4] =	dma.local [hbm:s3], $0xF7A  }
0x26: {  	[smem:$0x3F9F] =	sst s1;
	(tag) =	ssettag s2;
	_ =	strace s9  }
0x27: {  	s1 =	sld [smem:$0x3FAF]  }
0x28: {  	s2 =	sld [smem:$0x3FB0]  }
0x29: {  	s4 =	sld [smem:$0x3FB2]  }
0x2a: {  	p0 =	seq.s32 s5, $0x0;
	s5 =	sld [smem:$0x3FB3]  }
0x2b: {  	s6 =	sld [smem:$0x3FB4]  }
0x2c: {  	s7 =	sld [smem:$0x3FB5]  }
0x2d: {  	s3 =	simm.s32 $0x108;
	s8 =	sld [smem:$0x3FB6]  }
0x2e: {  	s3 =	simm.s32 @!p0 $0x1082;
	s9 =	sld [smem:$0x3FB7]  }
0x2f: {  	lr =	sadd.s32 s0, s3;
	s0 =	sld [smem:$0x3FAE]  }
0x30: {  	s3 =	sld [smem:$0x3FB1]  }
0x31: {  	[smem:$0x3FBA] =	sst s10  }
0x32: {  	s10 =	sld [smem:$0x3FB8];
	_ =	sdelay $0x3  }
0x33: {  	p0 =	seq.s32 s10, $0x1;
	s10 =	sld [smem:$0x3FBA];
	_ =	sdelay $0x3  }
0x34: {  	[smem:$0x3FBA] =	sst s10  }
0x35: {  	s10 =	sld [smem:$0x3FB9];
	_ =	sdelay $0x3  }
0x36: {  	p1 =	seq.s32 s10, $0x1;
	s10 =	sld [smem:$0x3FBA];
	_ =	sdelay $0x3  }
0x37: {  	[smem:$0x3FBA] =	sst s10  }
0x38: {  	s10 =	sld [smem:$0x3FBB]  }
0x39: {  	_ = 	snop;
	(pc) =	sbr.ind lr, $3  }
0x3a: {  	_ = 	snop  }
0x3b: {  	_ = 	snop  }
0x3c: {  	p2 =	seq.s32 s10, $0x1;
	s10 =	sld [smem:$0x3FBA]  }
0x3d: {  	_ =	shalt  }
0x3e: {  	_ =	shalt  }
0x3f: {  	_ =	shalt  }
0x40: {  	_ =	shalt  }
0x41: {  	_ =	shalt  }
0x42: {  	_ =	shalt  }
0x43: {  	_ =	shalt  }
0x44: {  	_ =	shalt  }
0x45: {  	_ =	shalt  }
0x46: {  	_ =	shalt  }
0x47: {  	_ =	shalt  }
0x48: {  	_ =	shalt  }
0x49: {  	_ =	shalt  }
0x4a: {  	_ =	shalt  }
0x4b: {  	_ =	shalt  }
0x4c: {  	_ =	shalt  }
0x4d: {  	_ =	shalt  }
0x4e: {  	_ =	shalt  }
0x4f: {  	_ =	shalt  }
0x50: {  	_ =	shalt  }
0x51: {  	_ =	shalt  }
0x52: {  	_ =	shalt  }
0x53: {  	_ =	shalt  }
0x54: {  	_ =	shalt  }
0x55: {  	_ =	shalt  }
0x56: {  	_ =	shalt  }
0x57: {  	_ =	shalt  }
0x58: {  	_ =	shalt  }
0x59: {  	_ =	shalt  }
0x5a: {  	_ =	shalt  }
0x5b: {  	_ =	shalt  }
0x5c: {  	_ =	shalt  }
0x5d: {  	_ =	shalt  }
0x5e: {  	_ =	shalt  }
0x5f: {  	_ =	shalt  }
0x60: {  	_ =	shalt  }
0x61: {  	_ =	shalt  }
0x62: {  	_ =	shalt  }
0x63: {  	_ =	shalt  }
0x64: {  	_ =	shalt  }
0x65: {  	_ =	shalt  }
0x66: {  	_ =	shalt  }
0x67: {  	_ =	shalt  }
0x68: {  	_ =	shalt  }
0x69: {  	_ =	shalt  }
0x6a: {  	_ =	shalt  }
0x6b: {  	_ =	shalt  }
0x6c: {  	_ =	shalt  }
0x6d: {  	_ =	shalt  }
0x6e: {  	_ =	shalt  }
0x6f: {  	_ =	shalt  }
0x70: {  	_ =	shalt  }
0x71: {  	_ =	shalt  }
0x72: {  	_ =	shalt  }
0x73: {  	_ =	shalt  }
0x74: {  	_ =	shalt  }
0x75: {  	_ =	shalt  }
0x76: {  	_ =	shalt  }
0x77: {  	_ =	shalt  }
0x78: {  	_ =	shalt  }
0x79: {  	_ =	shalt  }
0x7a: {  	_ =	shalt  }
0x7b: {  	_ =	shalt  }
0x7c: {  	_ =	shalt  }
0x7d: {  	_ =	shalt  }
0x7e: {  	_ =	shalt  }
0x7f: {  	_ =	shalt  }
0x80: {  	_ =	shalt  }
0x81: {  	_ =	shalt  }
0x82: {  	_ =	shalt  }
0x83: {  	_ =	shalt  }
0x84: {  	_ =	shalt  }
0x85: {  	_ =	shalt  }
0x86: {  	_ =	shalt  }
0x87: {  	_ =	shalt  }
.Lfunc_end0:
.L_simem_size_0:
called_computation_lowered:
.L_overlay_start_0:
0x88: {  	s2 =	sld [smem:$0x3FD9]  }
0x89: {  	s3 =	sld [smem:$0x3FFE];
	_ =	sdelay $0x1  }
0x8a: {  	s1 =	srdreg.scid  }
0x8b: {  	s0 =	sand.u32 $0x1, s1  }
0x8c: {  	s18 =	sshll.u32 s0, $0xA;
	s2 =	sadd.s32 s3, s2  }
0x8d: {  	s2 =	sadd.s32 s2, s18  }
0x8e: {  	[smem:$0x3FC6] =	sst s2  }
0x8f: {  	_ = 	snop  }
0x90: {  	s2 =	sld [smem:$0x3FC9]  }
0x91: {  	s19 =	sld [smem:$0x3FC8]  }
0x92: {  	s4 =	sld [smem:$0x3FD0];
	(tm) =	ssettm $0x1  }
0x93: {  	s5 =	sld [smem:$0x3FFB];
	_ =	sdelay $0x3  }
0x94: {  	_ =	strace s5  }
0x95: {  	s5 =	sld [smem:$0x3FFC];
	_ =	sdelay $0x3  }
0x96: {  	_ =	strace s5  }
0x97: {  	s5 =	sld [smem:$0x3FFD];
	_ =	sdelay $0x3  }
0x98: {  	_ =	strace s5  }
0x99: {  	_ =	strace $0x8FFFFFFF  }
0x9a: {  	s20 =	sld [smem:$0x3FDB];
	_ =	sdelay $0x1  }
0x9b: {  	s6 =	simm.s32 $_scs_section_size  }
0x9c: {  	s7 =	simm.s32 $_size__tile_overlayer_lowered;
	s8 =	simm.s32 $_tile_overlayer_lowered  }
0x9d: {  	s23 =	simm.s32 $0x1BFF;
	s22 =	sshll.u32 s8, $0x1;
	s5 =	sadd.s32 s6, s20  }
0x9e: {  	s9 =	simm.s32 $0x0;
	s21 =	sshll.u32 s7, $0x1;
	s7 =	sadd.s32 s22, s5  }
0x9f: {  	[timem:s9], [sflag:s23] =	dma.local [hbm:s7], s21  }
0xa0: {  	_ =	swait.ge [sflag:s23], s21  }
0xa1: {  	s6 =	ssub.s32 $0x0, s21;
	[sflag:s23] =	ssyncset.done $0x0  }
0xa2: {  	[sflag:s23] =	ssyncadd.s32 s6;
	_ =	sdelay $0x1  }
0xa3: {  	s24 =	simm.s32 $0x1B8B  }
0xa4: {  	_ =	swait.ge [sflag:s24], $0x1  }
0xa5: {  	[sflag:s24] =	ssyncset.done $0x0  }
0xa6: {  	s25 =	simm.s32 $0x1B8E;
	[sflag:s24] =	ssyncadd.s32 $0xFFFFFFFF  }
0xa7: {  	s26 =	simm.s32 $execute0_lowered;
	[smem:$0x3FD2] =	sst s25  }
0xa8: {  	s6 =	sshll.u32 s26, $0x1;
	_ =	strace $0x80000046;
	[dreg:$0x1] =	wrdreg $0xFFFFFFFF  }
0xa9: {  	s28 =	simm.s32 $_size_execute0_lowered;
	s5 =	sadd.s32 s5, s6;
	[dreg:$0x0] =	wrdreg $0x0  }
0xaa: {  	s6 =	sshll.u32 s28, $0x1;
	[dreg:$0x2] =	wrdreg s5  }
0xab: {  	[dreg:$0x3] =	wrdreg s6  }
0xac: {  	[dreg:$0x4] =	wrdreg $0xC0  }
0xad: {  	_ =	task [dreg:s9], $0x5FFFF  }
0xae: {  	[dreg:$0x1] =	wrdreg $0xFFFFFFFF  }
0xaf: {  	[dreg:$0x0] =	wrdreg $0x60  }
0xb0: {  	[dreg:$0x2] =	wrdreg s2  }
0xb1: {  	[dreg:$0x3] =	wrdreg s19  }
0xb2: {  	[dreg:$0x4] =	wrdreg s4  }
0xb3: {  	[dreg:$0x5] =	wrdreg $0x9  }
0xb4: {  	_ =	task.clear_ibuf [dreg:s9], $0x6FFFF;
	_ =	strace $0x90000046  }
0xb5: {  	s29 =	simm.s32 $0x9;
	_ =	strace $0x80000048  }
0xb6: {  	_ =	swait.ge [sflag:s29], $0x1  }
0xb7: {  	[sflag:s29] =	ssyncadd.s32 $0xFFFFFFFF  }
0xb8: {  	_ =	strace $0x90000048  }
0xb9: {  	_ =	sfence  }
0xba: {  	s30 =	sld [smem:$0x0];
	_ =	sdelay $0x2  }
0xbb: {  	s31 =	sshll.u32 s1, $0xD;
	s1 =	sshrl.u32 s1, $0x2  }
0xbc: {  	s3 =	sand.u32 $0x4000, s31;
	s1 =	sadd.s32 s1, s30  }
0xbd: {  	s0 =	sor.u32 s3, s0;
	s1 =	sshll.u32 s1, $0x11  }
0xbe: {  	s0 =	sor.u32 s1, s0  }
0xbf: {  	s0 =	sadd.s32 $0x8F2B, s0  }
0xc0: {  	[sflag:s0] =	ssyncadd.remote.s32 $0x1  }
0xc1: {  	_ =	sfence.sel $0xFFFF  }
0xc2: {  	[dreg:$0x0] =	wrdreg $0xFFFFFFFF;
	(pc) =	sbr.abs _section_cstart, $3  }
0xc3: {  	[dreg:$0x1] =	wrdreg $0xFFFFFFFF  }
0xc4: {  	_ =	task.clear_ibuf [dreg:s9], $0x2FFFF;
	_ =	strace $0x9FFFFFFF  }
0xc5: {  	(tm) =	ssettm $0x7FFFFFFF  }
tec
execute0_lowered:
.L_overlay_start_1:
0x0: {  	(tag) =	ssettag $0x1  }
0x1: {  	s3 =	srdreg.scid  }
0x2: {  	s0 =	rddreg [dreg:$0x0];
	s5 =	stileid.u32;
	s3 =	sand.u32 $0x1, s3  }
0x3: {  	s5 =	sshll.u32 s5, $0xF;
	s4 =	ssub.s32 $0x2, s3;
	s3 =	sshll.u32 s3, $0xE  }
0x4: {  	s2 =	rddreg [dreg:$0x1];
	s5 =	sor.u32 s3, s5  }
0x5: {  	s1 =	rddreg [dreg:$0x2];
	s7 =	simm.s32 $0x0;
	s26 =	sor.u32 $0x400, s5  }
0x6: {  	[smem:$0x7FF] =	sst s7;
	s8 =	sadd.s32 s2, s26  }
0x7: {  	s10 =	sor.u32 $0x800, s5;
	s9 =	sadd.s32 s0, s26;
	[dreg:$0x4] =	wrdreg s8  }
0x8: {  	s6 =	sshrl.u32 s4, $0x1;
	s11 =	sadd.s32 s2, s10;
	[dreg:$0x5] =	wrdreg s9  }
0x9: {  	s3 =	ssub.s32 s4, s6;
	s12 =	sadd.s32 s0, s10;
	[dreg:$0x6] =	wrdreg s11  }
0xa: {  	s13 =	sor.u32 $0xC00, s5;
	s4 =	sadd.s32 s1, s26;
	[dreg:$0x7] =	wrdreg s12  }
0xb: {  	s14 =	sadd.s32 s2, s13;
	[dreg:$0x8] =	wrdreg s4  }
0xc: {  	s15 =	sor.u32 $0x1000, s5;
	s6 =	sadd.s32 s1, s10;
	[dreg:$0x9] =	wrdreg s14  }
0xd: {  	s16 =	sadd.s32 s2, s15;
	[dreg:$0xb] =	wrdreg s6  }
0xe: {  	s17 =	sadd.s32 s0, s15;
	[dreg:$0xc] =	wrdreg s16  }
0xf: {  	s19 =	sor.u32 $0x1400, s5;
	s18 =	sadd.s32 s1, s13;
	[dreg:$0xd] =	wrdreg s17  }
0x10: {  	s20 =	sadd.s32 s2, s19;
	[dreg:$0xe] =	wrdreg s18  }
0x11: {  	s22 =	sor.u32 $0x1800, s5;
	s21 =	sadd.s32 s0, s19;
	[dreg:$0xf] =	wrdreg s20  }
0x12: {  	s23 =	sadd.s32 s2, s22;
	[dreg:$0x10] =	wrdreg s21  }
0x13: {  	s24 =	sadd.s32 s0, s22;
	[dreg:$0x12] =	wrdreg s23  }
0x14: {  	s28 =	simm.s32 $0x2;
	s25 =	sadd.s32 s1, s19;
	[dreg:$0x13] =	wrdreg s24  }
0x15: {  	s29 =	simm.s32 $0x4;
	s7 =	sadd.s32 s1, s22;
	[dreg:$0x14] =	wrdreg s25  }
0x16: {  	s30 =	simm.s32 $0x3;
	s8 =	sadd.s32 s0, s13;
	[dreg:$0x15] =	wrdreg s7  }
0x17: {  	s26 =	sor.u32 $0x1C00, s5;
	s4 =	sadd.s32 s1, s15;
	[dreg:$0xa] =	wrdreg s8  }
0x18: {  	s10 =	sor.u32 $0x2000, s5;
	s9 =	sadd.s32 s0, s26;
	[dreg:$0x11] =	wrdreg s4  }
0x19: {  	s31 =	simm.s32 $0x5;
	s11 =	sadd.s32 s2, s10;
	[dreg:$0x17] =	wrdreg s9  }
0x1a: {  	s19 =	sor.u32 $0x2C00, s5;
	s13 =	sadd.s32 s0, s10;
	[dreg:$0x19] =	wrdreg s11  }
0x1b: {  	s12 =	sor.u32 $0x2400, s5;
	s6 =	sadd.s32 s1, s10;
	[dreg:$0x1a] =	wrdreg s13  }
0x1c: {  	s16 =	sor.u32 $0x2800, s5;
	s20 =	sadd.s32 s2, s19;
	[dreg:$0x1b] =	wrdreg s6  }
0x1d: {  	s21 =	sor.u32 $0x3000, s5;
	s22 =	sadd.s32 s0, s19;
	[smem:$0x7F8] =	sst s20  }
0x1e: {  	s25 =	sor.u32 $0x3400, s5;
	s8 =	sadd.s32 s2, s26;
	[smem:$0x7F9] =	sst s22  }
0x1f: {  	s10 =	sadd.s32 s2, s5;
	s4 =	sadd.s32 s1, s26;
	[dreg:$0x16] =	wrdreg s8  }
0x20: {  	s14 =	sadd.s32 s2, s12;
	s15 =	sadd.s32 s0, s12;
	[dreg:$0x18] =	wrdreg s4  }
0x21: {  	s17 =	sadd.s32 s2, s16;
	s18 =	sadd.s32 s0, s16;
	[dreg:$0x1c] =	wrdreg s14  }
0x22: {  	s6 =	sadd.s32 s1, s19;
	s23 =	sadd.s32 s2, s21;
	[dreg:$0x1d] =	wrdreg s15  }
0x23: {  	s24 =	sadd.s32 s0, s21;
	s7 =	sadd.s32 s2, s25;
	[dreg:$0x1f] =	wrdreg s17  }
0x24: {  	s9 =	sadd.s32 s1, s25;
	s11 =	sadd.s32 s0, s5;
	[smem:$0x7F6] =	sst s18  }
0x25: {  	s26 =	sor.u32 $0x3800, s5;
	s19 =	smax.u32 s3, $0x1;
	[smem:$0x7FA] =	sst s6  }
0x26: {  	s20 =	simm.s32 $0x2000;
	s22 =	simm.s32 $0x6000;
	[smem:$0x7FB] =	sst s23  }
0x27: {  	s4 =	sadd.s32 s1, s12;
	[smem:$0x7FC] =	sst s24;
	s8 =	sadd.s32 s0, s25  }
0x28: {  	s12 =	sadd.s32 s1, s5;
	s5 =	sor.u32 $0x3C00, s5;
	s13 =	sadd.s32 s2, s26  }
0x29: {  	s15 =	sadd.s32 s0, s26;
	s17 =	sadd.s32 s1, s26;
	s23 =	simm.s32 $0xE000  }
0x2a: {  	s24 =	simm.s32 $0x1;
	s25 =	simm.s32 $0x4000;
	s26 =	simm.s32 $0x16000  }
0x2b: {  	[dreg:$0x1e] =	wrdreg s4;
	s4 =	sadd.s32 s1, s16;
	s14 =	sadd.s32 s2, s5  }
0x2c: {  	s16 =	sadd.s32 s0, s5;
	[smem:$0x7F7] =	sst s4;
	s4 =	sadd.s32 s1, s21  }
0x2d: {  	s18 =	sadd.s32 s1, s5;
	s0 =	simm.s32 $0x6;
	[smem:$0x7FD] =	sst s4  }
0x2e: {  	s21 =	simm.s32 $0x400000;
	s1 =	simm.s32 $0x0;
	_ =	strace $0x80000047  }
.LBB2_1:
0x2f: {  	s2 =	simm.s32 $0x0  }
0x30: {  	[tilespmem:s2], [sflag:$0x1] =	stream.linear.gather [hbm4b:s10+s2], $0x2000, $0x38;
	[tilespmem:$0x1E000] =	vst v63  }
0x31: {  	_ = 	snop  }
0x32: {  	[tilespmem:s22], [sflag:$0x1] =	stream.strided.gather [hbm4b:s11+s20], $0x8000, s21, s20, $0x38;
	[tilespmem:$0x1E000] =	vst v63  }
0x33: {  	s3 =	rddreg [dreg:$0x4]  }
0x34: {  	[tilespmem:s20], [sflag:$0x2] =	stream.linear.gather [hbm4b:s3+s2], $0x2000, $0x38;
	[tilespmem:$0x1E000] =	vst v63  }
0x35: {  	s6 =	rddreg [dreg:$0x5]  }
0x36: {  	[tilespmem:s23], [sflag:$0x2] =	stream.strided.gather [hbm4b:s6+s20], $0x8000, s21, s20, $0x38;
	[tilespmem:$0x1E000] =	vst v63  }
0x37: {  	_ =	swait.ge [sflag:s24], $0x2000  }
0x38: {  	[sflag:s24] =	ssyncset.done $0x0  }
0x39: {  	[sflag:s24] =	ssyncadd.s32 $0xFFFFE000  }
0x3a: {  	_ =	swait.ge [sflag:s24], $0x8000  }
0x3b: {  	[sflag:s24] =	ssyncset.done $0x0  }
0x3c: {  	s2 =	simm.s32 $0x0;
	s3 =	simm.s32 $0x0;
	[sflag:s24] =	ssyncadd.s32 $0xFFFF8000  }
.LBB2_2:
0x3d: {  	s4 =	sshra.s32 s2, $0x2  }
0x3e: {  	v0 =	vld [tilespmem:s4+$0x70]  }
0x3f: {  	v1 =	vld [tilespmem:s4+$0x0]  }
0x40: {  	v2 =	vld [tilespmem:s4+$0x10]  }
0x41: {  	v3 =	vld [tilespmem:s4+$0x20]  }
0x42: {  	v4 =	vld [tilespmem:s4+$0x30]  }
0x43: {  	v5 =	vld [tilespmem:s4+$0x40]  }
0x44: {  	v6 =	vld [tilespmem:s4+$0x50]  }
0x45: {  	v7 =	vld [tilespmem:s4+$0x60]  }
0x46: {  	[tilespmem:s4+$0xC070] =	vst.add.f32.msk $0xffff, v0  }
0x47: {  	[tilespmem:s4+$0x6000] =	vst.add.f32.msk $0xffff, v1  }
0x48: {  	[tilespmem:s4+$0x8000] =	vst.add.f32.msk $0xffff, v1  }
0x49: {  	[tilespmem:s4+$0xA000] =	vst.add.f32.msk $0xffff, v1  }
0x4a: {  	[tilespmem:s4+$0xC000] =	vst.add.f32.msk $0xffff, v1  }
0x4b: {  	[tilespmem:s4+$0x6010] =	vst.add.f32.msk $0xffff, v2  }
0x4c: {  	[tilespmem:s4+$0x8010] =	vst.add.f32.msk $0xffff, v2  }
0x4d: {  	[tilespmem:s4+$0xA010] =	vst.add.f32.msk $0xffff, v2  }
0x4e: {  	[tilespmem:s4+$0xC010] =	vst.add.f32.msk $0xffff, v2  }
0x4f: {  	[tilespmem:s4+$0x6020] =	vst.add.f32.msk $0xffff, v3  }
0x50: {  	[tilespmem:s4+$0x8020] =	vst.add.f32.msk $0xffff, v3  }
0x51: {  	[tilespmem:s4+$0xA020] =	vst.add.f32.msk $0xffff, v3  }
0x52: {  	[tilespmem:s4+$0xC020] =	vst.add.f32.msk $0xffff, v3  }
0x53: {  	[tilespmem:s4+$0x6030] =	vst.add.f32.msk $0xffff, v4  }
0x54: {  	[tilespmem:s4+$0x8030] =	vst.add.f32.msk $0xffff, v4  }
0x55: {  	[tilespmem:s4+$0xA030] =	vst.add.f32.msk $0xffff, v4  }
0x56: {  	[tilespmem:s4+$0xC030] =	vst.add.f32.msk $0xffff, v4  }
0x57: {  	[tilespmem:s4+$0x6040] =	vst.add.f32.msk $0xffff, v5  }
0x58: {  	[tilespmem:s4+$0x8040] =	vst.add.f32.msk $0xffff, v5  }
0x59: {  	[tilespmem:s4+$0xA040] =	vst.add.f32.msk $0xffff, v5  }
0x5a: {  	[tilespmem:s4+$0xC040] =	vst.add.f32.msk $0xffff, v5  }
0x5b: {  	[tilespmem:s4+$0x6050] =	vst.add.f32.msk $0xffff, v6  }
0x5c: {  	[tilespmem:s4+$0x8050] =	vst.add.f32.msk $0xffff, v6  }
0x5d: {  	[tilespmem:s4+$0xA050] =	vst.add.f32.msk $0xffff, v6  }
0x5e: {  	[tilespmem:s4+$0xC050] =	vst.add.f32.msk $0xffff, v6  }
0x5f: {  	[tilespmem:s4+$0x6060] =	vst.add.f32.msk $0xffff, v7  }
0x60: {  	[tilespmem:s4+$0x8060] =	vst.add.f32.msk $0xffff, v7  }
0x61: {  	[tilespmem:s4+$0xA060] =	vst.add.f32.msk $0xffff, v7  }
0x62: {  	[tilespmem:s4+$0xC060] =	vst.add.f32.msk $0xffff, v7  }
0x63: {  	[tilespmem:s4+$0x6070] =	vst.add.f32.msk $0xffff, v0  }
0x64: {  	s5 =	simm.s32 $0x0;
	s6 =	sadd.s32 $0x1000, s2;
	[tilespmem:s4+$0x8070] =	vst.add.f32.msk $0xffff, v0  }
.LBB2_3:
0x65: {  	s5 =	sadd.s32 $0x80, s5;
	[tilespmem:s4+$0xA070] =	vst.add.f32.msk $0xffff, v0;
	s4 =	sshra.s32 s6, $0x2  }
0x66: {  	v0 =	vld [tilespmem:s4+$0x70];
	p0 =	slt.u32 s5, $0x380  }
0x67: {  	v1 =	vld [tilespmem:s4+$0x0]  }
0x68: {  	v2 =	vld [tilespmem:s4+$0x10]  }
0x69: {  	v3 =	vld [tilespmem:s4+$0x20]  }
0x6a: {  	v4 =	vld [tilespmem:s4+$0x30]  }
0x6b: {  	[tilespmem:s4+$0xC070] =	vst.add.f32.msk $0xffff, v0  }
0x6c: {  	v5 =	vld [tilespmem:s4+$0x40]  }
0x6d: {  	v6 =	vld [tilespmem:s4+$0x50]  }
0x6e: {  	v7 =	vld [tilespmem:s4+$0x60]  }
0x6f: {  	[tilespmem:s4+$0x6000] =	vst.add.f32.msk $0xffff, v1  }
0x70: {  	[tilespmem:s4+$0x8000] =	vst.add.f32.msk $0xffff, v1  }
0x71: {  	[tilespmem:s4+$0xA000] =	vst.add.f32.msk $0xffff, v1  }
0x72: {  	[tilespmem:s4+$0xC000] =	vst.add.f32.msk $0xffff, v1  }
0x73: {  	[tilespmem:s4+$0x6010] =	vst.add.f32.msk $0xffff, v2  }
0x74: {  	[tilespmem:s4+$0x8010] =	vst.add.f32.msk $0xffff, v2  }
0x75: {  	[tilespmem:s4+$0xA010] =	vst.add.f32.msk $0xffff, v2  }
0x76: {  	[tilespmem:s4+$0xC010] =	vst.add.f32.msk $0xffff, v2  }
0x77: {  	[tilespmem:s4+$0x6020] =	vst.add.f32.msk $0xffff, v3  }
0x78: {  	[tilespmem:s4+$0x8020] =	vst.add.f32.msk $0xffff, v3  }
0x79: {  	[tilespmem:s4+$0xA020] =	vst.add.f32.msk $0xffff, v3  }
0x7a: {  	[tilespmem:s4+$0xC020] =	vst.add.f32.msk $0xffff, v3  }
0x7b: {  	[tilespmem:s4+$0x6030] =	vst.add.f32.msk $0xffff, v4  }
0x7c: {  	[tilespmem:s4+$0x8030] =	vst.add.f32.msk $0xffff, v4  }
0x7d: {  	[tilespmem:s4+$0xA030] =	vst.add.f32.msk $0xffff, v4  }
0x7e: {  	[tilespmem:s4+$0xC030] =	vst.add.f32.msk $0xffff, v4  }
0x7f: {  	[tilespmem:s4+$0x6040] =	vst.add.f32.msk $0xffff, v5  }
0x80: {  	[tilespmem:s4+$0x8040] =	vst.add.f32.msk $0xffff, v5  }
0x81: {  	[tilespmem:s4+$0xA040] =	vst.add.f32.msk $0xffff, v5  }
0x82: {  	[tilespmem:s4+$0xC040] =	vst.add.f32.msk $0xffff, v5  }
0x83: {  	[tilespmem:s4+$0x6050] =	vst.add.f32.msk $0xffff, v6  }
0x84: {  	[tilespmem:s4+$0x8050] =	vst.add.f32.msk $0xffff, v6  }
0x85: {  	[tilespmem:s4+$0xA050] =	vst.add.f32.msk $0xffff, v6  }
0x86: {  	[tilespmem:s4+$0xC050] =	vst.add.f32.msk $0xffff, v6  }
0x87: {  	[tilespmem:s4+$0x6060] =	vst.add.f32.msk $0xffff, v7  }
.Ltmp0:
0x88: {  	[tilespmem:s4+$0x8060] =	vst.add.f32.msk $0xffff, v7;
	(pc) =	sbr.rel @p0 .LBB2_3-.Ltmp0, $4  }
0x89: {  	[tilespmem:s4+$0xA060] =	vst.add.f32.msk $0xffff, v7  }
0x8a: {  	[tilespmem:s4+$0xC060] =	vst.add.f32.msk $0xffff, v7  }
0x8b: {  	[tilespmem:s4+$0x6070] =	vst.add.f32.msk $0xffff, v0  }
0x8c: {  	s6 =	sadd.s32 $0x1000, s6;
	[tilespmem:s4+$0x8070] =	vst.add.f32.msk $0xffff, v0  }
0x8d: {  	s3 =	sadd.s32 $0x1, s3  }
0x8e: {  	p0 =	sne.s32 s3, $0x8  }
.Ltmp1:
0x8f: {  	_ = 	snop;
	(pc) =	sbr.rel @p0 .LBB2_2-.Ltmp1, $2  }
0x90: {  	_ =	sdelay $0x2  }
0x91: {  	[tilespmem:s4+$0xA070] =	vst.add.f32.msk $0xffff, v0;
	s2 =	sadd.s32 $0x200, s2  }
0x92: {  	[hbm4b:s12+s20] =	stream.strided.scatter [tilespmem:s22], [sflag:$0x4], $0x8000, s21, s20, $0x38;
	[tilespmem:$0x1E000] =	vst v63  }
0x93: {  	s2 =	simm.s32 $0x0;
	s3 =	rddreg [dreg:$0x6]  }
0x94: {  	[tilespmem:s25], [sflag:$0x3] =	stream.linear.gather [hbm4b:s3+s2], $0x2000, $0x38;
	[tilespmem:$0x1E000] =	vst v63  }
0x95: {  	s6 =	rddreg [dreg:$0x7]  }
0x96: {  	[tilespmem:s26], [sflag:$0x3] =	stream.strided.gather [hbm4b:s6+s20], $0x8000, s21, s20, $0x38;
	[tilespmem:$0x1E000] =	vst v63  }
0x97: {  	_ =	swait.ge [sflag:s28], $0x2000  }
0x98: {  	[sflag:s28] =	ssyncset.done $0x0  }
0x99: {  	[sflag:s28] =	ssyncadd.s32 $0xFFFFE000  }
0x9a: {  	_ =	swait.ge [sflag:s28], $0x8000  }
0x9b: {  	[sflag:s28] =	ssyncset.done $0x0  }
0x9c: {  	s3 =	simm.s32 $0x0;
	[sflag:s28] =	ssyncadd.s32 $0xFFFF8000  }
.LBB2_6:
0x9d: {  	s4 =	sshra.s32 s2, $0x2  }
0x9e: {  	v0 =	vld [tilespmem:s4+$0x2070]  }
0x9f: {  	v1 =	vld [tilespmem:s4+$0x2000]  }
0xa0: {  	v2 =	vld [tilespmem:s4+$0x2010]  }
0xa1: {  	v3 =	vld [tilespmem:s4+$0x2020]  }
0xa2: {  	v4 =	vld [tilespmem:s4+$0x2030]  }
0xa3: {  	v5 =	vld [tilespmem:s4+$0x2040]  }
0xa4: {  	v6 =	vld [tilespmem:s4+$0x2050]  }
0xa5: {  	v7 =	vld [tilespmem:s4+$0x2060]  }
0xa6: {  	[tilespmem:s4+$0x14070] =	vst.add.f32.msk $0xffff, v0  }
0xa7: {  	[tilespmem:s4+$0xE000] =	vst.add.f32.msk $0xffff, v1  }
0xa8: {  	[tilespmem:s4+$0x10000] =	vst.add.f32.msk $0xffff, v1  }
0xa9: {  	[tilespmem:s4+$0x12000] =	vst.add.f32.msk $0xffff, v1  }
0xaa: {  	[tilespmem:s4+$0x14000] =	vst.add.f32.msk $0xffff, v1  }
0xab: {  	[tilespmem:s4+$0xE010] =	vst.add.f32.msk $0xffff, v2  }
0xac: {  	[tilespmem:s4+$0x10010] =	vst.add.f32.msk $0xffff, v2  }
0xad: {  	[tilespmem:s4+$0x12010] =	vst.add.f32.msk $0xffff, v2  }
0xae: {  	[tilespmem:s4+$0x14010] =	vst.add.f32.msk $0xffff, v2  }
0xaf: {  	[tilespmem:s4+$0xE020] =	vst.add.f32.msk $0xffff, v3  }
0xb0: {  	[tilespmem:s4+$0x10020] =	vst.add.f32.msk $0xffff, v3  }
0xb1: {  	[tilespmem:s4+$0x12020] =	vst.add.f32.msk $0xffff, v3  }
0xb2: {  	[tilespmem:s4+$0x14020] =	vst.add.f32.msk $0xffff, v3  }
0xb3: {  	[tilespmem:s4+$0xE030] =	vst.add.f32.msk $0xffff, v4  }
0xb4: {  	[tilespmem:s4+$0x10030] =	vst.add.f32.msk $0xffff, v4  }
0xb5: {  	[tilespmem:s4+$0x12030] =	vst.add.f32.msk $0xffff, v4  }
0xb6: {  	[tilespmem:s4+$0x14030] =	vst.add.f32.msk $0xffff, v4  }
0xb7: {  	[tilespmem:s4+$0xE040] =	vst.add.f32.msk $0xffff, v5  }
0xb8: {  	[tilespmem:s4+$0x10040] =	vst.add.f32.msk $0xffff, v5  }
0xb9: {  	[tilespmem:s4+$0x12040] =	vst.add.f32.msk $0xffff, v5  }
0xba: {  	[tilespmem:s4+$0x14040] =	vst.add.f32.msk $0xffff, v5  }
0xbb: {  	[tilespmem:s4+$0xE050] =	vst.add.f32.msk $0xffff, v6  }
0xbc: {  	[tilespmem:s4+$0x10050] =	vst.add.f32.msk $0xffff, v6  }
0xbd: {  	[tilespmem:s4+$0x12050] =	vst.add.f32.msk $0xffff, v6  }
0xbe: {  	[tilespmem:s4+$0x14050] =	vst.add.f32.msk $0xffff, v6  }
0xbf: {  	[tilespmem:s4+$0xE060] =	vst.add.f32.msk $0xffff, v7  }
0xc0: {  	[tilespmem:s4+$0x10060] =	vst.add.f32.msk $0xffff, v7  }
0xc1: {  	[tilespmem:s4+$0x12060] =	vst.add.f32.msk $0xffff, v7  }
0xc2: {  	[tilespmem:s4+$0x14060] =	vst.add.f32.msk $0xffff, v7  }
0xc3: {  	[tilespmem:s4+$0xE070] =	vst.add.f32.msk $0xffff, v0  }
0xc4: {  	s5 =	simm.s32 $0x0;
	s6 =	sadd.s32 $0x1000, s2;
	[tilespmem:s4+$0x10070] =	vst.add.f32.msk $0xffff, v0  }
.LBB2_7:
0xc5: {  	s5 =	sadd.s32 $0x80, s5;
	[tilespmem:s4+$0x12070] =	vst.add.f32.msk $0xffff, v0;
	s4 =	sshra.s32 s6, $0x2  }
0xc6: {  	v0 =	vld [tilespmem:s4+$0x2070];
	p0 =	slt.u32 s5, $0x380  }
0xc7: {  	v1 =	vld [tilespmem:s4+$0x2000]  }
0xc8: {  	v2 =	vld [tilespmem:s4+$0x2010]  }
0xc9: {  	v3 =	vld [tilespmem:s4+$0x2020]  }
0xca: {  	v4 =	vld [tilespmem:s4+$0x2030]  }
0xcb: {  	[tilespmem:s4+$0x14070] =	vst.add.f32.msk $0xffff, v0  }
0xcc: {  	v5 =	vld [tilespmem:s4+$0x2040]  }
0xcd: {  	v6 =	vld [tilespmem:s4+$0x2050]  }
0xce: {  	v7 =	vld [tilespmem:s4+$0x2060]  }
0xcf: {  	[tilespmem:s4+$0xE000] =	vst.add.f32.msk $0xffff, v1  }
0xd0: {  	[tilespmem:s4+$0x10000] =	vst.add.f32.msk $0xffff, v1  }
0xd1: {  	[tilespmem:s4+$0x12000] =	vst.add.f32.msk $0xffff, v1  }
0xd2: {  	[tilespmem:s4+$0x14000] =	vst.add.f32.msk $0xffff, v1  }
0xd3: {  	[tilespmem:s4+$0xE010] =	vst.add.f32.msk $0xffff, v2  }
0xd4: {  	[tilespmem:s4+$0x10010] =	vst.add.f32.msk $0xffff, v2  }
0xd5: {  	[tilespmem:s4+$0x12010] =	vst.add.f32.msk $0xffff, v2  }
0xd6: {  	[tilespmem:s4+$0x14010] =	vst.add.f32.msk $0xffff, v2  }
0xd7: {  	[tilespmem:s4+$0xE020] =	vst.add.f32.msk $0xffff, v3  }
0xd8: {  	[tilespmem:s4+$0x10020] =	vst.add.f32.msk $0xffff, v3  }
0xd9: {  	[tilespmem:s4+$0x12020] =	vst.add.f32.msk $0xffff, v3  }
0xda: {  	[tilespmem:s4+$0x14020] =	vst.add.f32.msk $0xffff, v3  }
0xdb: {  	[tilespmem:s4+$0xE030] =	vst.add.f32.msk $0xffff, v4  }
0xdc: {  	[tilespmem:s4+$0x10030] =	vst.add.f32.msk $0xffff, v4  }
0xdd: {  	[tilespmem:s4+$0x12030] =	vst.add.f32.msk $0xffff, v4  }
0xde: {  	[tilespmem:s4+$0x14030] =	vst.add.f32.msk $0xffff, v4  }
0xdf: {  	[tilespmem:s4+$0xE040] =	vst.add.f32.msk $0xffff, v5  }
0xe0: {  	[tilespmem:s4+$0x10040] =	vst.add.f32.msk $0xffff, v5  }
0xe1: {  	[tilespmem:s4+$0x12040] =	vst.add.f32.msk $0xffff, v5  }
0xe2: {  	[tilespmem:s4+$0x14040] =	vst.add.f32.msk $0xffff, v5  }
0xe3: {  	[tilespmem:s4+$0xE050] =	vst.add.f32.msk $0xffff, v6  }
0xe4: {  	[tilespmem:s4+$0x10050] =	vst.add.f32.msk $0xffff, v6  }
0xe5: {  	[tilespmem:s4+$0x12050] =	vst.add.f32.msk $0xffff, v6  }
0xe6: {  	[tilespmem:s4+$0x14050] =	vst.add.f32.msk $0xffff, v6  }
0xe7: {  	[tilespmem:s4+$0xE060] =	vst.add.f32.msk $0xffff, v7  }
.Ltmp2:
0xe8: {  	[tilespmem:s4+$0x10060] =	vst.add.f32.msk $0xffff, v7;
	(pc) =	sbr.rel @p0 .LBB2_7-.Ltmp2, $4  }
0xe9: {  	[tilespmem:s4+$0x12060] =	vst.add.f32.msk $0xffff, v7  }
0xea: {  	[tilespmem:s4+$0x14060] =	vst.add.f32.msk $0xffff, v7  }
0xeb: {  	[tilespmem:s4+$0xE070] =	vst.add.f32.msk $0xffff, v0  }
0xec: {  	s6 =	sadd.s32 $0x1000, s6;
	[tilespmem:s4+$0x10070] =	vst.add.f32.msk $0xffff, v0  }
0xed: {  	s3 =	sadd.s32 $0x1, s3  }
0xee: {  	p0 =	sne.s32 s3, $0x8  }
.Ltmp3:
0xef: {  	_ = 	snop;
	(pc) =	sbr.rel @p0 .LBB2_6-.Ltmp3, $2  }
0xf0: {  	_ =	sdelay $0x2  }
0xf1: {  	[tilespmem:s4+$0x12070] =	vst.add.f32.msk $0xffff, v0;
	s2 =	sadd.s32 $0x200, s2  }
0xf2: {  	s2 =	rddreg [dreg:$0x8]  }
0xf3: {  	[hbm4b:s2+s20] =	stream.strided.scatter [tilespmem:s23], [sflag:$0x5], $0x8000, s21, s20, $0x38;
	[tilespmem:$0x1E000] =	vst v63  }
0xf4: {  	_ =	swait.ge [sflag:s29], $0x8000  }
0xf5: {  	[sflag:s29] =	ssyncset.done $0x0  }
0xf6: {  	s2 =	simm.s32 $0x0;
	s3 =	rddreg [dreg:$0x9];
	[sflag:s29] =	ssyncadd.s32 $0xFFFF8000  }
0xf7: {  	[tilespmem:s2], [sflag:$0x1] =	stream.linear.gather [hbm4b:s3+s2], $0x2000, $0x38;
	[tilespmem:$0x1E000] =	vst v63  }
0xf8: {  	s6 =	rddreg [dreg:$0xa]  }
0xf9: {  	[tilespmem:s22], [sflag:$0x1] =	stream.strided.gather [hbm4b:s6+s20], $0x8000, s21, s20, $0x38;
	[tilespmem:$0x1E000] =	vst v63  }
0xfa: {  	_ =	swait.ge [sflag:s30], $0x2000  }
0xfb: {  	[sflag:s30] =	ssyncset.done $0x0  }
0xfc: {  	[sflag:s30] =	ssyncadd.s32 $0xFFFFE000  }
0xfd: {  	_ =	swait.ge [sflag:s30], $0x8000  }
0xfe: {  	[sflag:s30] =	ssyncset.done $0x0  }
0xff: {  	s3 =	simm.s32 $0x0;
	[sflag:s30] =	ssyncadd.s32 $0xFFFF8000  }
.LBB2_10:
0x100: {  	s4 =	sshra.s32 s2, $0x2  }
0x101: {  	v0 =	vld [tilespmem:s4+$0x4070]  }
0x102: {  	v1 =	vld [tilespmem:s4+$0x4000]  }
0x103: {  	v2 =	vld [tilespmem:s4+$0x4010]  }
0x104: {  	v3 =	vld [tilespmem:s4+$0x4020]  }
0x105: {  	v4 =	vld [tilespmem:s4+$0x4030]  }
0x106: {  	v5 =	vld [tilespmem:s4+$0x4040]  }
0x107: {  	v6 =	vld [tilespmem:s4+$0x4050]  }
0x108: {  	v7 =	vld [tilespmem:s4+$0x4060]  }
0x109: {  	[tilespmem:s4+$0x1C070] =	vst.add.f32.msk $0xffff, v0  }
0x10a: {  	[tilespmem:s4+$0x16000] =	vst.add.f32.msk $0xffff, v1  }
0x10b: {  	[tilespmem:s4+$0x18000] =	vst.add.f32.msk $0xffff, v1  }
0x10c: {  	[tilespmem:s4+$0x1A000] =	vst.add.f32.msk $0xffff, v1  }
0x10d: {  	[tilespmem:s4+$0x1C000] =	vst.add.f32.msk $0xffff, v1  }
0x10e: {  	[tilespmem:s4+$0x16010] =	vst.add.f32.msk $0xffff, v2  }
0x10f: {  	[tilespmem:s4+$0x18010] =	vst.add.f32.msk $0xffff, v2  }
0x110: {  	[tilespmem:s4+$0x1A010] =	vst.add.f32.msk $0xffff, v2  }
0x111: {  	[tilespmem:s4+$0x1C010] =	vst.add.f32.msk $0xffff, v2  }
0x112: {  	[tilespmem:s4+$0x16020] =	vst.add.f32.msk $0xffff, v3  }
0x113: {  	[tilespmem:s4+$0x18020] =	vst.add.f32.msk $0xffff, v3  }
0x114: {  	[tilespmem:s4+$0x1A020] =	vst.add.f32.msk $0xffff, v3  }
0x115: {  	[tilespmem:s4+$0x1C020] =	vst.add.f32.msk $0xffff, v3  }
0x116: {  	[tilespmem:s4+$0x16030] =	vst.add.f32.msk $0xffff, v4  }
0x117: {  	[tilespmem:s4+$0x18030] =	vst.add.f32.msk $0xffff, v4  }
0x118: {  	[tilespmem:s4+$0x1A030] =	vst.add.f32.msk $0xffff, v4  }
0x119: {  	[tilespmem:s4+$0x1C030] =	vst.add.f32.msk $0xffff, v4  }
0x11a: {  	[tilespmem:s4+$0x16040] =	vst.add.f32.msk $0xffff, v5  }
0x11b: {  	[tilespmem:s4+$0x18040] =	vst.add.f32.msk $0xffff, v5  }
0x11c: {  	[tilespmem:s4+$0x1A040] =	vst.add.f32.msk $0xffff, v5  }
0x11d: {  	[tilespmem:s4+$0x1C040] =	vst.add.f32.msk $0xffff, v5  }
0x11e: {  	[tilespmem:s4+$0x16050] =	vst.add.f32.msk $0xffff, v6  }
0x11f: {  	[tilespmem:s4+$0x18050] =	vst.add.f32.msk $0xffff, v6  }
0x120: {  	[tilespmem:s4+$0x1A050] =	vst.add.f32.msk $0xffff, v6  }
0x121: {  	[tilespmem:s4+$0x1C050] =	vst.add.f32.msk $0xffff, v6  }
0x122: {  	[tilespmem:s4+$0x16060] =	vst.add.f32.msk $0xffff, v7  }
0x123: {  	[tilespmem:s4+$0x18060] =	vst.add.f32.msk $0xffff, v7  }
0x124: {  	[tilespmem:s4+$0x1A060] =	vst.add.f32.msk $0xffff, v7  }
0x125: {  	[tilespmem:s4+$0x1C060] =	vst.add.f32.msk $0xffff, v7  }
0x126: {  	[tilespmem:s4+$0x16070] =	vst.add.f32.msk $0xffff, v0  }
0x127: {  	s5 =	simm.s32 $0x0;
	s6 =	sadd.s32 $0x1000, s2;
	[tilespmem:s4+$0x18070] =	vst.add.f32.msk $0xffff, v0  }
.LBB2_11:
0x128: {  	s5 =	sadd.s32 $0x80, s5;
	[tilespmem:s4+$0x1A070] =	vst.add.f32.msk $0xffff, v0;
	s4 =	sshra.s32 s6, $0x2  }
0x129: {  	v0 =	vld [tilespmem:s4+$0x4070];
	p0 =	slt.u32 s5, $0x380  }
0x12a: {  	v1 =	vld [tilespmem:s4+$0x4000]  }
0x12b: {  	v2 =	vld [tilespmem:s4+$0x4010]  }
0x12c: {  	v3 =	vld [tilespmem:s4+$0x4020]  }
0x12d: {  	v4 =	vld [tilespmem:s4+$0x4030]  }
0x12e: {  	[tilespmem:s4+$0x1C070] =	vst.add.f32.msk $0xffff, v0  }
0x12f: {  	v5 =	vld [tilespmem:s4+$0x4040]  }
0x130: {  	v6 =	vld [tilespmem:s4+$0x4050]  }
0x131: {  	v7 =	vld [tilespmem:s4+$0x4060]  }
0x132: {  	[tilespmem:s4+$0x16000] =	vst.add.f32.msk $0xffff, v1  }
0x133: {  	[tilespmem:s4+$0x18000] =	vst.add.f32.msk $0xffff, v1  }
0x134: {  	[tilespmem:s4+$0x1A000] =	vst.add.f32.msk $0xffff, v1  }
0x135: {  	[tilespmem:s4+$0x1C000] =	vst.add.f32.msk $0xffff, v1  }
0x136: {  	[tilespmem:s4+$0x16010] =	vst.add.f32.msk $0xffff, v2  }
0x137: {  	[tilespmem:s4+$0x18010] =	vst.add.f32.msk $0xffff, v2  }
0x138: {  	[tilespmem:s4+$0x1A010] =	vst.add.f32.msk $0xffff, v2  }
0x139: {  	[tilespmem:s4+$0x1C010] =	vst.add.f32.msk $0xffff, v2  }
0x13a: {  	[tilespmem:s4+$0x16020] =	vst.add.f32.msk $0xffff, v3  }
0x13b: {  	[tilespmem:s4+$0x18020] =	vst.add.f32.msk $0xffff, v3  }
0x13c: {  	[tilespmem:s4+$0x1A020] =	vst.add.f32.msk $0xffff, v3  }
0x13d: {  	[tilespmem:s4+$0x1C020] =	vst.add.f32.msk $0xffff, v3  }
0x13e: {  	[tilespmem:s4+$0x16030] =	vst.add.f32.msk $0xffff, v4  }
0x13f: {  	[tilespmem:s4+$0x18030] =	vst.add.f32.msk $0xffff, v4  }
0x140: {  	[tilespmem:s4+$0x1A030] =	vst.add.f32.msk $0xffff, v4  }
0x141: {  	[tilespmem:s4+$0x1C030] =	vst.add.f32.msk $0xffff, v4  }
0x142: {  	[tilespmem:s4+$0x16040] =	vst.add.f32.msk $0xffff, v5  }
0x143: {  	[tilespmem:s4+$0x18040] =	vst.add.f32.msk $0xffff, v5  }
0x144: {  	[tilespmem:s4+$0x1A040] =	vst.add.f32.msk $0xffff, v5  }
0x145: {  	[tilespmem:s4+$0x1C040] =	vst.add.f32.msk $0xffff, v5  }
0x146: {  	[tilespmem:s4+$0x16050] =	vst.add.f32.msk $0xffff, v6  }
0x147: {  	[tilespmem:s4+$0x18050] =	vst.add.f32.msk $0xffff, v6  }
0x148: {  	[tilespmem:s4+$0x1A050] =	vst.add.f32.msk $0xffff, v6  }
0x149: {  	[tilespmem:s4+$0x1C050] =	vst.add.f32.msk $0xffff, v6  }
0x14a: {  	[tilespmem:s4+$0x16060] =	vst.add.f32.msk $0xffff, v7  }
.Ltmp4:
0x14b: {  	[tilespmem:s4+$0x18060] =	vst.add.f32.msk $0xffff, v7;
	(pc) =	sbr.rel @p0 .LBB2_11-.Ltmp4, $4  }
0x14c: {  	[tilespmem:s4+$0x1A060] =	vst.add.f32.msk $0xffff, v7  }
0x14d: {  	[tilespmem:s4+$0x1C060] =	vst.add.f32.msk $0xffff, v7  }
0x14e: {  	[tilespmem:s4+$0x16070] =	vst.add.f32.msk $0xffff, v0  }
0x14f: {  	s6 =	sadd.s32 $0x1000, s6;
	[tilespmem:s4+$0x18070] =	vst.add.f32.msk $0xffff, v0  }
0x150: {  	s3 =	sadd.s32 $0x1, s3  }
0x151: {  	p0 =	sne.s32 s3, $0x8  }
.Ltmp5:
0x152: {  	_ = 	snop;
	(pc) =	sbr.rel @p0 .LBB2_10-.Ltmp5, $2  }
0x153: {  	_ =	sdelay $0x2  }
0x154: {  	[tilespmem:s4+$0x1A070] =	vst.add.f32.msk $0xffff, v0;
	s2 =	sadd.s32 $0x200, s2  }
0x155: {  	s2 =	rddreg [dreg:$0xb]  }
0x156: {  	[hbm4b:s2+s20] =	stream.strided.scatter [tilespmem:s26], [sflag:$0x6], $0x8000, s21, s20, $0x38;
	[tilespmem:$0x1E000] =	vst v63  }
0x157: {  	_ =	swait.ge [sflag:s31], $0x8000  }
0x158: {  	[sflag:s31] =	ssyncset.done $0x0  }
0x159: {  	s2 =	simm.s32 $0x0;
	s3 =	rddreg [dreg:$0xc];
	[sflag:s31] =	ssyncadd.s32 $0xFFFF8000  }
0x15a: {  	[tilespmem:s20], [sflag:$0x2] =	stream.linear.gather [hbm4b:s3+s2], $0x2000, $0x38;
	[tilespmem:$0x1E000] =	vst v63  }
0x15b: {  	s6 =	rddreg [dreg:$0xd]  }
0x15c: {  	[tilespmem:s23], [sflag:$0x2] =	stream.strided.gather [hbm4b:s6+s20], $0x8000, s21, s20, $0x38;
	[tilespmem:$0x1E000] =	vst v63  }
0x15d: {  	_ =	swait.ge [sflag:s24], $0x2000  }
0x15e: {  	[sflag:s24] =	ssyncset.done $0x0  }
0x15f: {  	[sflag:s24] =	ssyncadd.s32 $0xFFFFE000  }
0x160: {  	_ =	swait.ge [sflag:s24], $0x8000  }
0x161: {  	[sflag:s24] =	ssyncset.done $0x0  }
0x162: {  	s3 =	simm.s32 $0x0;
	[sflag:s24] =	ssyncadd.s32 $0xFFFF8000  }
.LBB2_14:
0x163: {  	s4 =	sshra.s32 s2, $0x2  }
0x164: {  	v0 =	vld [tilespmem:s4+$0x70]  }
0x165: {  	v1 =	vld [tilespmem:s4+$0x0]  }
0x166: {  	v2 =	vld [tilespmem:s4+$0x10]  }
0x167: {  	v3 =	vld [tilespmem:s4+$0x20]  }
0x168: {  	v4 =	vld [tilespmem:s4+$0x30]  }
0x169: {  	v5 =	vld [tilespmem:s4+$0x40]  }
0x16a: {  	v6 =	vld [tilespmem:s4+$0x50]  }
0x16b: {  	v7 =	vld [tilespmem:s4+$0x60]  }
0x16c: {  	[tilespmem:s4+$0xC070] =	vst.add.f32.msk $0xffff, v0  }
0x16d: {  	[tilespmem:s4+$0x6000] =	vst.add.f32.msk $0xffff, v1  }
0x16e: {  	[tilespmem:s4+$0x8000] =	vst.add.f32.msk $0xffff, v1  }
0x16f: {  	[tilespmem:s4+$0xA000] =	vst.add.f32.msk $0xffff, v1  }
0x170: {  	[tilespmem:s4+$0xC000] =	vst.add.f32.msk $0xffff, v1  }
0x171: {  	[tilespmem:s4+$0x6010] =	vst.add.f32.msk $0xffff, v2  }
0x172: {  	[tilespmem:s4+$0x8010] =	vst.add.f32.msk $0xffff, v2  }
0x173: {  	[tilespmem:s4+$0xA010] =	vst.add.f32.msk $0xffff, v2  }
0x174: {  	[tilespmem:s4+$0xC010] =	vst.add.f32.msk $0xffff, v2  }
0x175: {  	[tilespmem:s4+$0x6020] =	vst.add.f32.msk $0xffff, v3  }
0x176: {  	[tilespmem:s4+$0x8020] =	vst.add.f32.msk $0xffff, v3  }
0x177: {  	[tilespmem:s4+$0xA020] =	vst.add.f32.msk $0xffff, v3  }
0x178: {  	[tilespmem:s4+$0xC020] =	vst.add.f32.msk $0xffff, v3  }
0x179: {  	[tilespmem:s4+$0x6030] =	vst.add.f32.msk $0xffff, v4  }
0x17a: {  	[tilespmem:s4+$0x8030] =	vst.add.f32.msk $0xffff, v4  }
0x17b: {  	[tilespmem:s4+$0xA030] =	vst.add.f32.msk $0xffff, v4  }
0x17c: {  	[tilespmem:s4+$0xC030] =	vst.add.f32.msk $0xffff, v4  }
0x17d: {  	[tilespmem:s4+$0x6040] =	vst.add.f32.msk $0xffff, v5  }
0x17e: {  	[tilespmem:s4+$0x8040] =	vst.add.f32.msk $0xffff, v5  }
0x17f: {  	[tilespmem:s4+$0xA040] =	vst.add.f32.msk $0xffff, v5  }
0x180: {  	[tilespmem:s4+$0xC040] =	vst.add.f32.msk $0xffff, v5  }
0x181: {  	[tilespmem:s4+$0x6050] =	vst.add.f32.msk $0xffff, v6  }
0x182: {  	[tilespmem:s4+$0x8050] =	vst.add.f32.msk $0xffff, v6  }
0x183: {  	[tilespmem:s4+$0xA050] =	vst.add.f32.msk $0xffff, v6  }
0x184: {  	[tilespmem:s4+$0xC050] =	vst.add.f32.msk $0xffff, v6  }
0x185: {  	[tilespmem:s4+$0x6060] =	vst.add.f32.msk $0xffff, v7  }
0x186: {  	[tilespmem:s4+$0x8060] =	vst.add.f32.msk $0xffff, v7  }
0x187: {  	[tilespmem:s4+$0xA060] =	vst.add.f32.msk $0xffff, v7  }
0x188: {  	[tilespmem:s4+$0xC060] =	vst.add.f32.msk $0xffff, v7  }
0x189: {  	[tilespmem:s4+$0x6070] =	vst.add.f32.msk $0xffff, v0  }
0x18a: {  	s5 =	simm.s32 $0x0;
	s6 =	sadd.s32 $0x1000, s2;
	[tilespmem:s4+$0x8070] =	vst.add.f32.msk $0xffff, v0  }
.LBB2_15:
0x18b: {  	s5 =	sadd.s32 $0x80, s5;
	[tilespmem:s4+$0xA070] =	vst.add.f32.msk $0xffff, v0;
	s4 =	sshra.s32 s6, $0x2  }
0x18c: {  	v0 =	vld [tilespmem:s4+$0x70];
	p0 =	slt.u32 s5, $0x380  }
0x18d: {  	v1 =	vld [tilespmem:s4+$0x0]  }
0x18e: {  	v2 =	vld [tilespmem:s4+$0x10]  }
0x18f: {  	v3 =	vld [tilespmem:s4+$0x20]  }
0x190: {  	v4 =	vld [tilespmem:s4+$0x30]  }
0x191: {  	[tilespmem:s4+$0xC070] =	vst.add.f32.msk $0xffff, v0  }
0x192: {  	v5 =	vld [tilespmem:s4+$0x40]  }
0x193: {  	v6 =	vld [tilespmem:s4+$0x50]  }
0x194: {  	v7 =	vld [tilespmem:s4+$0x60]  }
0x195: {  	[tilespmem:s4+$0x6000] =	vst.add.f32.msk $0xffff, v1  }
0x196: {  	[tilespmem:s4+$0x8000] =	vst.add.f32.msk $0xffff, v1  }
0x197: {  	[tilespmem:s4+$0xA000] =	vst.add.f32.msk $0xffff, v1  }
0x198: {  	[tilespmem:s4+$0xC000] =	vst.add.f32.msk $0xffff, v1  }
0x199: {  	[tilespmem:s4+$0x6010] =	vst.add.f32.msk $0xffff, v2  }
0x19a: {  	[tilespmem:s4+$0x8010] =	vst.add.f32.msk $0xffff, v2  }
0x19b: {  	[tilespmem:s4+$0xA010] =	vst.add.f32.msk $0xffff, v2  }
0x19c: {  	[tilespmem:s4+$0xC010] =	vst.add.f32.msk $0xffff, v2  }
0x19d: {  	[tilespmem:s4+$0x6020] =	vst.add.f32.msk $0xffff, v3  }
0x19e: {  	[tilespmem:s4+$0x8020] =	vst.add.f32.msk $0xffff, v3  }
0x19f: {  	[tilespmem:s4+$0xA020] =	vst.add.f32.msk $0xffff, v3  }
0x1a0: {  	[tilespmem:s4+$0xC020] =	vst.add.f32.msk $0xffff, v3  }
0x1a1: {  	[tilespmem:s4+$0x6030] =	vst.add.f32.msk $0xffff, v4  }
0x1a2: {  	[tilespmem:s4+$0x8030] =	vst.add.f32.msk $0xffff, v4  }
0x1a3: {  	[tilespmem:s4+$0xA030] =	vst.add.f32.msk $0xffff, v4  }
0x1a4: {  	[tilespmem:s4+$0xC030] =	vst.add.f32.msk $0xffff, v4  }
0x1a5: {  	[tilespmem:s4+$0x6040] =	vst.add.f32.msk $0xffff, v5  }
0x1a6: {  	[tilespmem:s4+$0x8040] =	vst.add.f32.msk $0xffff, v5  }
0x1a7: {  	[tilespmem:s4+$0xA040] =	vst.add.f32.msk $0xffff, v5  }
0x1a8: {  	[tilespmem:s4+$0xC040] =	vst.add.f32.msk $0xffff, v5  }
0x1a9: {  	[tilespmem:s4+$0x6050] =	vst.add.f32.msk $0xffff, v6  }
0x1aa: {  	[tilespmem:s4+$0x8050] =	vst.add.f32.msk $0xffff, v6  }
0x1ab: {  	[tilespmem:s4+$0xA050] =	vst.add.f32.msk $0xffff, v6  }
0x1ac: {  	[tilespmem:s4+$0xC050] =	vst.add.f32.msk $0xffff, v6  }
0x1ad: {  	[tilespmem:s4+$0x6060] =	vst.add.f32.msk $0xffff, v7  }
.Ltmp6:
0x1ae: {  	[tilespmem:s4+$0x8060] =	vst.add.f32.msk $0xffff, v7;
	(pc) =	sbr.rel @p0 .LBB2_15-.Ltmp6, $4  }
0x1af: {  	[tilespmem:s4+$0xA060] =	vst.add.f32.msk $0xffff, v7  }
0x1b0: {  	[tilespmem:s4+$0xC060] =	vst.add.f32.msk $0xffff, v7  }
0x1b1: {  	[tilespmem:s4+$0x6070] =	vst.add.f32.msk $0xffff, v0  }
0x1b2: {  	s6 =	sadd.s32 $0x1000, s6;
	[tilespmem:s4+$0x8070] =	vst.add.f32.msk $0xffff, v0  }
0x1b3: {  	s3 =	sadd.s32 $0x1, s3  }
0x1b4: {  	p0 =	sne.s32 s3, $0x8  }
.Ltmp7:
0x1b5: {  	_ = 	snop;
	(pc) =	sbr.rel @p0 .LBB2_14-.Ltmp7, $2  }
0x1b6: {  	_ =	sdelay $0x2  }
0x1b7: {  	[tilespmem:s4+$0xA070] =	vst.add.f32.msk $0xffff, v0;
	s2 =	sadd.s32 $0x200, s2  }
0x1b8: {  	s2 =	rddreg [dreg:$0xe]  }
0x1b9: {  	[hbm4b:s2+s20] =	stream.strided.scatter [tilespmem:s22], [sflag:$0x4], $0x8000, s21, s20, $0x38;
	[tilespmem:$0x1E000] =	vst v63  }
0x1ba: {  	_ =	swait.ge [sflag:s0], $0x8000  }
0x1bb: {  	[sflag:s0] =	ssyncset.done $0x0  }
0x1bc: {  	s2 =	simm.s32 $0x0;
	s3 =	rddreg [dreg:$0xf];
	[sflag:s0] =	ssyncadd.s32 $0xFFFF8000  }
0x1bd: {  	[tilespmem:s25], [sflag:$0x3] =	stream.linear.gather [hbm4b:s3+s2], $0x2000, $0x38;
	[tilespmem:$0x1E000] =	vst v63  }
0x1be: {  	s6 =	rddreg [dreg:$0x10]  }
0x1bf: {  	[tilespmem:s26], [sflag:$0x3] =	stream.strided.gather [hbm4b:s6+s20], $0x8000, s21, s20, $0x38;
	[tilespmem:$0x1E000] =	vst v63  }
0x1c0: {  	_ =	swait.ge [sflag:s28], $0x2000  }
0x1c1: {  	[sflag:s28] =	ssyncset.done $0x0  }
0x1c2: {  	[sflag:s28] =	ssyncadd.s32 $0xFFFFE000  }
0x1c3: {  	_ =	swait.ge [sflag:s28], $0x8000  }
0x1c4: {  	[sflag:s28] =	ssyncset.done $0x0  }
0x1c5: {  	s3 =	simm.s32 $0x0;
	[sflag:s28] =	ssyncadd.s32 $0xFFFF8000  }
.LBB2_18:
0x1c6: {  	s4 =	sshra.s32 s2, $0x2  }
0x1c7: {  	v0 =	vld [tilespmem:s4+$0x2070]  }
0x1c8: {  	v1 =	vld [tilespmem:s4+$0x2000]  }
0x1c9: {  	v2 =	vld [tilespmem:s4+$0x2010]  }
0x1ca: {  	v3 =	vld [tilespmem:s4+$0x2020]  }
0x1cb: {  	v4 =	vld [tilespmem:s4+$0x2030]  }
0x1cc: {  	v5 =	vld [tilespmem:s4+$0x2040]  }
0x1cd: {  	v6 =	vld [tilespmem:s4+$0x2050]  }
0x1ce: {  	v7 =	vld [tilespmem:s4+$0x2060]  }
0x1cf: {  	[tilespmem:s4+$0x14070] =	vst.add.f32.msk $0xffff, v0  }
0x1d0: {  	[tilespmem:s4+$0xE000] =	vst.add.f32.msk $0xffff, v1  }
0x1d1: {  	[tilespmem:s4+$0x10000] =	vst.add.f32.msk $0xffff, v1  }
0x1d2: {  	[tilespmem:s4+$0x12000] =	vst.add.f32.msk $0xffff, v1  }
0x1d3: {  	[tilespmem:s4+$0x14000] =	vst.add.f32.msk $0xffff, v1  }
0x1d4: {  	[tilespmem:s4+$0xE010] =	vst.add.f32.msk $0xffff, v2  }
0x1d5: {  	[tilespmem:s4+$0x10010] =	vst.add.f32.msk $0xffff, v2  }
0x1d6: {  	[tilespmem:s4+$0x12010] =	vst.add.f32.msk $0xffff, v2  }
0x1d7: {  	[tilespmem:s4+$0x14010] =	vst.add.f32.msk $0xffff, v2  }
0x1d8: {  	[tilespmem:s4+$0xE020] =	vst.add.f32.msk $0xffff, v3  }
0x1d9: {  	[tilespmem:s4+$0x10020] =	vst.add.f32.msk $0xffff, v3  }
0x1da: {  	[tilespmem:s4+$0x12020] =	vst.add.f32.msk $0xffff, v3  }
0x1db: {  	[tilespmem:s4+$0x14020] =	vst.add.f32.msk $0xffff, v3  }
0x1dc: {  	[tilespmem:s4+$0xE030] =	vst.add.f32.msk $0xffff, v4  }
0x1dd: {  	[tilespmem:s4+$0x10030] =	vst.add.f32.msk $0xffff, v4  }
0x1de: {  	[tilespmem:s4+$0x12030] =	vst.add.f32.msk $0xffff, v4  }
0x1df: {  	[tilespmem:s4+$0x14030] =	vst.add.f32.msk $0xffff, v4  }
0x1e0: {  	[tilespmem:s4+$0xE040] =	vst.add.f32.msk $0xffff, v5  }
0x1e1: {  	[tilespmem:s4+$0x10040] =	vst.add.f32.msk $0xffff, v5  }
0x1e2: {  	[tilespmem:s4+$0x12040] =	vst.add.f32.msk $0xffff, v5  }
0x1e3: {  	[tilespmem:s4+$0x14040] =	vst.add.f32.msk $0xffff, v5  }
0x1e4: {  	[tilespmem:s4+$0xE050] =	vst.add.f32.msk $0xffff, v6  }
0x1e5: {  	[tilespmem:s4+$0x10050] =	vst.add.f32.msk $0xffff, v6  }
0x1e6: {  	[tilespmem:s4+$0x12050] =	vst.add.f32.msk $0xffff, v6  }
0x1e7: {  	[tilespmem:s4+$0x14050] =	vst.add.f32.msk $0xffff, v6  }
0x1e8: {  	[tilespmem:s4+$0xE060] =	vst.add.f32.msk $0xffff, v7  }
0x1e9: {  	[tilespmem:s4+$0x10060] =	vst.add.f32.msk $0xffff, v7  }
0x1ea: {  	[tilespmem:s4+$0x12060] =	vst.add.f32.msk $0xffff, v7  }
0x1eb: {  	[tilespmem:s4+$0x14060] =	vst.add.f32.msk $0xffff, v7  }
0x1ec: {  	[tilespmem:s4+$0xE070] =	vst.add.f32.msk $0xffff, v0  }
0x1ed: {  	s5 =	simm.s32 $0x0;
	s6 =	sadd.s32 $0x1000, s2;
	[tilespmem:s4+$0x10070] =	vst.add.f32.msk $0xffff, v0  }
.LBB2_19:
0x1ee: {  	s5 =	sadd.s32 $0x80, s5;
	[tilespmem:s4+$0x12070] =	vst.add.f32.msk $0xffff, v0;
	s4 =	sshra.s32 s6, $0x2  }
0x1ef: {  	v0 =	vld [tilespmem:s4+$0x2070];
	p0 =	slt.u32 s5, $0x380  }
0x1f0: {  	v1 =	vld [tilespmem:s4+$0x2000]  }
0x1f1: {  	v2 =	vld [tilespmem:s4+$0x2010]  }
0x1f2: {  	v3 =	vld [tilespmem:s4+$0x2020]  }
0x1f3: {  	v4 =	vld [tilespmem:s4+$0x2030]  }
0x1f4: {  	[tilespmem:s4+$0x14070] =	vst.add.f32.msk $0xffff, v0  }
0x1f5: {  	v5 =	vld [tilespmem:s4+$0x2040]  }
0x1f6: {  	v6 =	vld [tilespmem:s4+$0x2050]  }
0x1f7: {  	v7 =	vld [tilespmem:s4+$0x2060]  }
0x1f8: {  	[tilespmem:s4+$0xE000] =	vst.add.f32.msk $0xffff, v1  }
0x1f9: {  	[tilespmem:s4+$0x10000] =	vst.add.f32.msk $0xffff, v1  }
0x1fa: {  	[tilespmem:s4+$0x12000] =	vst.add.f32.msk $0xffff, v1  }
0x1fb: {  	[tilespmem:s4+$0x14000] =	vst.add.f32.msk $0xffff, v1  }
0x1fc: {  	[tilespmem:s4+$0xE010] =	vst.add.f32.msk $0xffff, v2  }
0x1fd: {  	[tilespmem:s4+$0x10010] =	vst.add.f32.msk $0xffff, v2  }
0x1fe: {  	[tilespmem:s4+$0x12010] =	vst.add.f32.msk $0xffff, v2  }
0x1ff: {  	[tilespmem:s4+$0x14010] =	vst.add.f32.msk $0xffff, v2  }
0x200: {  	[tilespmem:s4+$0xE020] =	vst.add.f32.msk $0xffff, v3  }
0x201: {  	[tilespmem:s4+$0x10020] =	vst.add.f32.msk $0xffff, v3  }
0x202: {  	[tilespmem:s4+$0x12020] =	vst.add.f32.msk $0xffff, v3  }
0x203: {  	[tilespmem:s4+$0x14020] =	vst.add.f32.msk $0xffff, v3  }
0x204: {  	[tilespmem:s4+$0xE030] =	vst.add.f32.msk $0xffff, v4  }
0x205: {  	[tilespmem:s4+$0x10030] =	vst.add.f32.msk $0xffff, v4  }
0x206: {  	[tilespmem:s4+$0x12030] =	vst.add.f32.msk $0xffff, v4  }
0x207: {  	[tilespmem:s4+$0x14030] =	vst.add.f32.msk $0xffff, v4  }
0x208: {  	[tilespmem:s4+$0xE040] =	vst.add.f32.msk $0xffff, v5  }
0x209: {  	[tilespmem:s4+$0x10040] =	vst.add.f32.msk $0xffff, v5  }
0x20a: {  	[tilespmem:s4+$0x12040] =	vst.add.f32.msk $0xffff, v5  }
0x20b: {  	[tilespmem:s4+$0x14040] =	vst.add.f32.msk $0xffff, v5  }
0x20c: {  	[tilespmem:s4+$0xE050] =	vst.add.f32.msk $0xffff, v6  }
0x20d: {  	[tilespmem:s4+$0x10050] =	vst.add.f32.msk $0xffff, v6  }
0x20e: {  	[tilespmem:s4+$0x12050] =	vst.add.f32.msk $0xffff, v6  }
0x20f: {  	[tilespmem:s4+$0x14050] =	vst.add.f32.msk $0xffff, v6  }
0x210: {  	[tilespmem:s4+$0xE060] =	vst.add.f32.msk $0xffff, v7  }
.Ltmp8:
0x211: {  	[tilespmem:s4+$0x10060] =	vst.add.f32.msk $0xffff, v7;
	(pc) =	sbr.rel @p0 .LBB2_19-.Ltmp8, $4  }
0x212: {  	[tilespmem:s4+$0x12060] =	vst.add.f32.msk $0xffff, v7  }
0x213: {  	[tilespmem:s4+$0x14060] =	vst.add.f32.msk $0xffff, v7  }
0x214: {  	[tilespmem:s4+$0xE070] =	vst.add.f32.msk $0xffff, v0  }
0x215: {  	s6 =	sadd.s32 $0x1000, s6;
	[tilespmem:s4+$0x10070] =	vst.add.f32.msk $0xffff, v0  }
0x216: {  	s3 =	sadd.s32 $0x1, s3  }
0x217: {  	p0 =	sne.s32 s3, $0x8  }
.Ltmp9:
0x218: {  	_ = 	snop;
	(pc) =	sbr.rel @p0 .LBB2_18-.Ltmp9, $2  }
0x219: {  	_ =	sdelay $0x2  }
0x21a: {  	[tilespmem:s4+$0x12070] =	vst.add.f32.msk $0xffff, v0;
	s2 =	sadd.s32 $0x200, s2  }
0x21b: {  	s2 =	rddreg [dreg:$0x11]  }
0x21c: {  	[hbm4b:s2+s20] =	stream.strided.scatter [tilespmem:s23], [sflag:$0x5], $0x8000, s21, s20, $0x38;
	[tilespmem:$0x1E000] =	vst v63  }
0x21d: {  	_ =	swait.ge [sflag:s29], $0x8000  }
0x21e: {  	[sflag:s29] =	ssyncset.done $0x0  }
0x21f: {  	s2 =	simm.s32 $0x0;
	s3 =	rddreg [dreg:$0x12];
	[sflag:s29] =	ssyncadd.s32 $0xFFFF8000  }
0x220: {  	[tilespmem:s2], [sflag:$0x1] =	stream.linear.gather [hbm4b:s3+s2], $0x2000, $0x38;
	[tilespmem:$0x1E000] =	vst v63  }
0x221: {  	s6 =	rddreg [dreg:$0x13]  }
0x222: {  	[tilespmem:s22], [sflag:$0x1] =	stream.strided.gather [hbm4b:s6+s20], $0x8000, s21, s20, $0x38;
	[tilespmem:$0x1E000] =	vst v63  }
0x223: {  	_ =	swait.ge [sflag:s30], $0x2000  }
0x224: {  	[sflag:s30] =	ssyncset.done $0x0  }
0x225: {  	[sflag:s30] =	ssyncadd.s32 $0xFFFFE000  }
0x226: {  	_ =	swait.ge [sflag:s30], $0x8000  }
0x227: {  	[sflag:s30] =	ssyncset.done $0x0  }
0x228: {  	s3 =	simm.s32 $0x0;
	[sflag:s30] =	ssyncadd.s32 $0xFFFF8000  }
.LBB2_22:
0x229: {  	s4 =	sshra.s32 s2, $0x2  }
0x22a: {  	v0 =	vld [tilespmem:s4+$0x4070]  }
0x22b: {  	v1 =	vld [tilespmem:s4+$0x4000]  }
0x22c: {  	v2 =	vld [tilespmem:s4+$0x4010]  }
0x22d: {  	v3 =	vld [tilespmem:s4+$0x4020]  }
0x22e: {  	v4 =	vld [tilespmem:s4+$0x4030]  }
0x22f: {  	v5 =	vld [tilespmem:s4+$0x4040]  }
0x230: {  	v6 =	vld [tilespmem:s4+$0x4050]  }
0x231: {  	v7 =	vld [tilespmem:s4+$0x4060]  }
0x232: {  	[tilespmem:s4+$0x1C070] =	vst.add.f32.msk $0xffff, v0  }
0x233: {  	[tilespmem:s4+$0x16000] =	vst.add.f32.msk $0xffff, v1  }
0x234: {  	[tilespmem:s4+$0x18000] =	vst.add.f32.msk $0xffff, v1  }
0x235: {  	[tilespmem:s4+$0x1A000] =	vst.add.f32.msk $0xffff, v1  }
0x236: {  	[tilespmem:s4+$0x1C000] =	vst.add.f32.msk $0xffff, v1  }
0x237: {  	[tilespmem:s4+$0x16010] =	vst.add.f32.msk $0xffff, v2  }
0x238: {  	[tilespmem:s4+$0x18010] =	vst.add.f32.msk $0xffff, v2  }
0x239: {  	[tilespmem:s4+$0x1A010] =	vst.add.f32.msk $0xffff, v2  }
0x23a: {  	[tilespmem:s4+$0x1C010] =	vst.add.f32.msk $0xffff, v2  }
0x23b: {  	[tilespmem:s4+$0x16020] =	vst.add.f32.msk $0xffff, v3  }
0x23c: {  	[tilespmem:s4+$0x18020] =	vst.add.f32.msk $0xffff, v3  }
0x23d: {  	[tilespmem:s4+$0x1A020] =	vst.add.f32.msk $0xffff, v3  }
0x23e: {  	[tilespmem:s4+$0x1C020] =	vst.add.f32.msk $0xffff, v3  }
0x23f: {  	[tilespmem:s4+$0x16030] =	vst.add.f32.msk $0xffff, v4  }
0x240: {  	[tilespmem:s4+$0x18030] =	vst.add.f32.msk $0xffff, v4  }
0x241: {  	[tilespmem:s4+$0x1A030] =	vst.add.f32.msk $0xffff, v4  }
0x242: {  	[tilespmem:s4+$0x1C030] =	vst.add.f32.msk $0xffff, v4  }
0x243: {  	[tilespmem:s4+$0x16040] =	vst.add.f32.msk $0xffff, v5  }
0x244: {  	[tilespmem:s4+$0x18040] =	vst.add.f32.msk $0xffff, v5  }
0x245: {  	[tilespmem:s4+$0x1A040] =	vst.add.f32.msk $0xffff, v5  }
0x246: {  	[tilespmem:s4+$0x1C040] =	vst.add.f32.msk $0xffff, v5  }
0x247: {  	[tilespmem:s4+$0x16050] =	vst.add.f32.msk $0xffff, v6  }
0x248: {  	[tilespmem:s4+$0x18050] =	vst.add.f32.msk $0xffff, v6  }
0x249: {  	[tilespmem:s4+$0x1A050] =	vst.add.f32.msk $0xffff, v6  }
0x24a: {  	[tilespmem:s4+$0x1C050] =	vst.add.f32.msk $0xffff, v6  }
0x24b: {  	[tilespmem:s4+$0x16060] =	vst.add.f32.msk $0xffff, v7  }
0x24c: {  	[tilespmem:s4+$0x18060] =	vst.add.f32.msk $0xffff, v7  }
0x24d: {  	[tilespmem:s4+$0x1A060] =	vst.add.f32.msk $0xffff, v7  }
0x24e: {  	[tilespmem:s4+$0x1C060] =	vst.add.f32.msk $0xffff, v7  }
0x24f: {  	[tilespmem:s4+$0x16070] =	vst.add.f32.msk $0xffff, v0  }
0x250: {  	s5 =	simm.s32 $0x0;
	s6 =	sadd.s32 $0x1000, s2;
	[tilespmem:s4+$0x18070] =	vst.add.f32.msk $0xffff, v0  }
.LBB2_23:
0x251: {  	s5 =	sadd.s32 $0x80, s5;
	[tilespmem:s4+$0x1A070] =	vst.add.f32.msk $0xffff, v0;
	s4 =	sshra.s32 s6, $0x2  }
0x252: {  	v0 =	vld [tilespmem:s4+$0x4070];
	p0 =	slt.u32 s5, $0x380  }
0x253: {  	v1 =	vld [tilespmem:s4+$0x4000]  }
0x254: {  	v2 =	vld [tilespmem:s4+$0x4010]  }
0x255: {  	v3 =	vld [tilespmem:s4+$0x4020]  }
0x256: {  	v4 =	vld [tilespmem:s4+$0x4030]  }
0x257: {  	[tilespmem:s4+$0x1C070] =	vst.add.f32.msk $0xffff, v0  }
0x258: {  	v5 =	vld [tilespmem:s4+$0x4040]  }
0x259: {  	v6 =	vld [tilespmem:s4+$0x4050]  }
0x25a: {  	v7 =	vld [tilespmem:s4+$0x4060]  }
0x25b: {  	[tilespmem:s4+$0x16000] =	vst.add.f32.msk $0xffff, v1  }
0x25c: {  	[tilespmem:s4+$0x18000] =	vst.add.f32.msk $0xffff, v1  }
0x25d: {  	[tilespmem:s4+$0x1A000] =	vst.add.f32.msk $0xffff, v1  }
0x25e: {  	[tilespmem:s4+$0x1C000] =	vst.add.f32.msk $0xffff, v1  }
0x25f: {  	[tilespmem:s4+$0x16010] =	vst.add.f32.msk $0xffff, v2  }
0x260: {  	[tilespmem:s4+$0x18010] =	vst.add.f32.msk $0xffff, v2  }
0x261: {  	[tilespmem:s4+$0x1A010] =	vst.add.f32.msk $0xffff, v2  }
0x262: {  	[tilespmem:s4+$0x1C010] =	vst.add.f32.msk $0xffff, v2  }
0x263: {  	[tilespmem:s4+$0x16020] =	vst.add.f32.msk $0xffff, v3  }
0x264: {  	[tilespmem:s4+$0x18020] =	vst.add.f32.msk $0xffff, v3  }
0x265: {  	[tilespmem:s4+$0x1A020] =	vst.add.f32.msk $0xffff, v3  }
0x266: {  	[tilespmem:s4+$0x1C020] =	vst.add.f32.msk $0xffff, v3  }
0x267: {  	[tilespmem:s4+$0x16030] =	vst.add.f32.msk $0xffff, v4  }
0x268: {  	[tilespmem:s4+$0x18030] =	vst.add.f32.msk $0xffff, v4  }
0x269: {  	[tilespmem:s4+$0x1A030] =	vst.add.f32.msk $0xffff, v4  }
0x26a: {  	[tilespmem:s4+$0x1C030] =	vst.add.f32.msk $0xffff, v4  }
0x26b: {  	[tilespmem:s4+$0x16040] =	vst.add.f32.msk $0xffff, v5  }
0x26c: {  	[tilespmem:s4+$0x18040] =	vst.add.f32.msk $0xffff, v5  }
0x26d: {  	[tilespmem:s4+$0x1A040] =	vst.add.f32.msk $0xffff, v5  }
0x26e: {  	[tilespmem:s4+$0x1C040] =	vst.add.f32.msk $0xffff, v5  }
0x26f: {  	[tilespmem:s4+$0x16050] =	vst.add.f32.msk $0xffff, v6  }
0x270: {  	[tilespmem:s4+$0x18050] =	vst.add.f32.msk $0xffff, v6  }
0x271: {  	[tilespmem:s4+$0x1A050] =	vst.add.f32.msk $0xffff, v6  }
0x272: {  	[tilespmem:s4+$0x1C050] =	vst.add.f32.msk $0xffff, v6  }
0x273: {  	[tilespmem:s4+$0x16060] =	vst.add.f32.msk $0xffff, v7  }
.Ltmp10:
0x274: {  	[tilespmem:s4+$0x18060] =	vst.add.f32.msk $0xffff, v7;
	(pc) =	sbr.rel @p0 .LBB2_23-.Ltmp10, $4  }
0x275: {  	[tilespmem:s4+$0x1A060] =	vst.add.f32.msk $0xffff, v7  }
0x276: {  	[tilespmem:s4+$0x1C060] =	vst.add.f32.msk $0xffff, v7  }
0x277: {  	[tilespmem:s4+$0x16070] =	vst.add.f32.msk $0xffff, v0  }
0x278: {  	s6 =	sadd.s32 $0x1000, s6;
	[tilespmem:s4+$0x18070] =	vst.add.f32.msk $0xffff, v0  }
0x279: {  	s3 =	sadd.s32 $0x1, s3  }
0x27a: {  	p0 =	sne.s32 s3, $0x8  }
.Ltmp11:
0x27b: {  	_ = 	snop;
	(pc) =	sbr.rel @p0 .LBB2_22-.Ltmp11, $2  }
0x27c: {  	_ =	sdelay $0x2  }
0x27d: {  	[tilespmem:s4+$0x1A070] =	vst.add.f32.msk $0xffff, v0;
	s2 =	sadd.s32 $0x200, s2  }
0x27e: {  	s2 =	rddreg [dreg:$0x14]  }
0x27f: {  	[hbm4b:s2+s20] =	stream.strided.scatter [tilespmem:s26], [sflag:$0x6], $0x8000, s21, s20, $0x38;
	[tilespmem:$0x1E000] =	vst v63  }
0x280: {  	_ =	swait.ge [sflag:s31], $0x8000  }
0x281: {  	[sflag:s31] =	ssyncset.done $0x0  }
0x282: {  	s2 =	simm.s32 $0x0;
	s3 =	rddreg [dreg:$0x16];
	[sflag:s31] =	ssyncadd.s32 $0xFFFF8000  }
0x283: {  	[tilespmem:s20], [sflag:$0x2] =	stream.linear.gather [hbm4b:s3+s2], $0x2000, $0x38;
	[tilespmem:$0x1E000] =	vst v63  }
0x284: {  	s6 =	rddreg [dreg:$0x17]  }
0x285: {  	[tilespmem:s23], [sflag:$0x2] =	stream.strided.gather [hbm4b:s6+s20], $0x8000, s21, s20, $0x38;
	[tilespmem:$0x1E000] =	vst v63  }
0x286: {  	_ =	swait.ge [sflag:s24], $0x2000  }
0x287: {  	[sflag:s24] =	ssyncset.done $0x0  }
0x288: {  	[sflag:s24] =	ssyncadd.s32 $0xFFFFE000  }
0x289: {  	_ =	swait.ge [sflag:s24], $0x8000  }
0x28a: {  	[sflag:s24] =	ssyncset.done $0x0  }
0x28b: {  	s3 =	simm.s32 $0x0;
	[sflag:s24] =	ssyncadd.s32 $0xFFFF8000  }
.LBB2_26:
0x28c: {  	s4 =	sshra.s32 s2, $0x2  }
0x28d: {  	v0 =	vld [tilespmem:s4+$0x70]  }
0x28e: {  	v1 =	vld [tilespmem:s4+$0x0]  }
0x28f: {  	v2 =	vld [tilespmem:s4+$0x10]  }
0x290: {  	v3 =	vld [tilespmem:s4+$0x20]  }
0x291: {  	v4 =	vld [tilespmem:s4+$0x30]  }
0x292: {  	v5 =	vld [tilespmem:s4+$0x40]  }
0x293: {  	v6 =	vld [tilespmem:s4+$0x50]  }
0x294: {  	v7 =	vld [tilespmem:s4+$0x60]  }
0x295: {  	[tilespmem:s4+$0xC070] =	vst.add.f32.msk $0xffff, v0  }
0x296: {  	[tilespmem:s4+$0x6000] =	vst.add.f32.msk $0xffff, v1  }
0x297: {  	[tilespmem:s4+$0x8000] =	vst.add.f32.msk $0xffff, v1  }
0x298: {  	[tilespmem:s4+$0xA000] =	vst.add.f32.msk $0xffff, v1  }
0x299: {  	[tilespmem:s4+$0xC000] =	vst.add.f32.msk $0xffff, v1  }
0x29a: {  	[tilespmem:s4+$0x6010] =	vst.add.f32.msk $0xffff, v2  }
0x29b: {  	[tilespmem:s4+$0x8010] =	vst.add.f32.msk $0xffff, v2  }
0x29c: {  	[tilespmem:s4+$0xA010] =	vst.add.f32.msk $0xffff, v2  }
0x29d: {  	[tilespmem:s4+$0xC010] =	vst.add.f32.msk $0xffff, v2  }
0x29e: {  	[tilespmem:s4+$0x6020] =	vst.add.f32.msk $0xffff, v3  }
0x29f: {  	[tilespmem:s4+$0x8020] =	vst.add.f32.msk $0xffff, v3  }
0x2a0: {  	[tilespmem:s4+$0xA020] =	vst.add.f32.msk $0xffff, v3  }
0x2a1: {  	[tilespmem:s4+$0xC020] =	vst.add.f32.msk $0xffff, v3  }
0x2a2: {  	[tilespmem:s4+$0x6030] =	vst.add.f32.msk $0xffff, v4  }
0x2a3: {  	[tilespmem:s4+$0x8030] =	vst.add.f32.msk $0xffff, v4  }
0x2a4: {  	[tilespmem:s4+$0xA030] =	vst.add.f32.msk $0xffff, v4  }
0x2a5: {  	[tilespmem:s4+$0xC030] =	vst.add.f32.msk $0xffff, v4  }
0x2a6: {  	[tilespmem:s4+$0x6040] =	vst.add.f32.msk $0xffff, v5  }
0x2a7: {  	[tilespmem:s4+$0x8040] =	vst.add.f32.msk $0xffff, v5  }
0x2a8: {  	[tilespmem:s4+$0xA040] =	vst.add.f32.msk $0xffff, v5  }
0x2a9: {  	[tilespmem:s4+$0xC040] =	vst.add.f32.msk $0xffff, v5  }
0x2aa: {  	[tilespmem:s4+$0x6050] =	vst.add.f32.msk $0xffff, v6  }
0x2ab: {  	[tilespmem:s4+$0x8050] =	vst.add.f32.msk $0xffff, v6  }
0x2ac: {  	[tilespmem:s4+$0xA050] =	vst.add.f32.msk $0xffff, v6  }
0x2ad: {  	[tilespmem:s4+$0xC050] =	vst.add.f32.msk $0xffff, v6  }
0x2ae: {  	[tilespmem:s4+$0x6060] =	vst.add.f32.msk $0xffff, v7  }
0x2af: {  	[tilespmem:s4+$0x8060] =	vst.add.f32.msk $0xffff, v7  }
0x2b0: {  	[tilespmem:s4+$0xA060] =	vst.add.f32.msk $0xffff, v7  }
0x2b1: {  	[tilespmem:s4+$0xC060] =	vst.add.f32.msk $0xffff, v7  }
0x2b2: {  	[tilespmem:s4+$0x6070] =	vst.add.f32.msk $0xffff, v0  }
0x2b3: {  	s5 =	simm.s32 $0x0;
	s6 =	sadd.s32 $0x1000, s2;
	[tilespmem:s4+$0x8070] =	vst.add.f32.msk $0xffff, v0  }
.LBB2_27:
0x2b4: {  	s5 =	sadd.s32 $0x80, s5;
	[tilespmem:s4+$0xA070] =	vst.add.f32.msk $0xffff, v0;
	s4 =	sshra.s32 s6, $0x2  }
0x2b5: {  	v0 =	vld [tilespmem:s4+$0x70];
	p0 =	slt.u32 s5, $0x380  }
0x2b6: {  	v1 =	vld [tilespmem:s4+$0x0]  }
0x2b7: {  	v2 =	vld [tilespmem:s4+$0x10]  }
0x2b8: {  	v3 =	vld [tilespmem:s4+$0x20]  }
0x2b9: {  	v4 =	vld [tilespmem:s4+$0x30]  }
0x2ba: {  	[tilespmem:s4+$0xC070] =	vst.add.f32.msk $0xffff, v0  }
0x2bb: {  	v5 =	vld [tilespmem:s4+$0x40]  }
0x2bc: {  	v6 =	vld [tilespmem:s4+$0x50]  }
0x2bd: {  	v7 =	vld [tilespmem:s4+$0x60]  }
0x2be: {  	[tilespmem:s4+$0x6000] =	vst.add.f32.msk $0xffff, v1  }
0x2bf: {  	[tilespmem:s4+$0x8000] =	vst.add.f32.msk $0xffff, v1  }
0x2c0: {  	[tilespmem:s4+$0xA000] =	vst.add.f32.msk $0xffff, v1  }
0x2c1: {  	[tilespmem:s4+$0xC000] =	vst.add.f32.msk $0xffff, v1  }
0x2c2: {  	[tilespmem:s4+$0x6010] =	vst.add.f32.msk $0xffff, v2  }
0x2c3: {  	[tilespmem:s4+$0x8010] =	vst.add.f32.msk $0xffff, v2  }
0x2c4: {  	[tilespmem:s4+$0xA010] =	vst.add.f32.msk $0xffff, v2  }
0x2c5: {  	[tilespmem:s4+$0xC010] =	vst.add.f32.msk $0xffff, v2  }
0x2c6: {  	[tilespmem:s4+$0x6020] =	vst.add.f32.msk $0xffff, v3  }
0x2c7: {  	[tilespmem:s4+$0x8020] =	vst.add.f32.msk $0xffff, v3  }
0x2c8: {  	[tilespmem:s4+$0xA020] =	vst.add.f32.msk $0xffff, v3  }
0x2c9: {  	[tilespmem:s4+$0xC020] =	vst.add.f32.msk $0xffff, v3  }
0x2ca: {  	[tilespmem:s4+$0x6030] =	vst.add.f32.msk $0xffff, v4  }
0x2cb: {  	[tilespmem:s4+$0x8030] =	vst.add.f32.msk $0xffff, v4  }
0x2cc: {  	[tilespmem:s4+$0xA030] =	vst.add.f32.msk $0xffff, v4  }
0x2cd: {  	[tilespmem:s4+$0xC030] =	vst.add.f32.msk $0xffff, v4  }
0x2ce: {  	[tilespmem:s4+$0x6040] =	vst.add.f32.msk $0xffff, v5  }
0x2cf: {  	[tilespmem:s4+$0x8040] =	vst.add.f32.msk $0xffff, v5  }
0x2d0: {  	[tilespmem:s4+$0xA040] =	vst.add.f32.msk $0xffff, v5  }
0x2d1: {  	[tilespmem:s4+$0xC040] =	vst.add.f32.msk $0xffff, v5  }
0x2d2: {  	[tilespmem:s4+$0x6050] =	vst.add.f32.msk $0xffff, v6  }
0x2d3: {  	[tilespmem:s4+$0x8050] =	vst.add.f32.msk $0xffff, v6  }
0x2d4: {  	[tilespmem:s4+$0xA050] =	vst.add.f32.msk $0xffff, v6  }
0x2d5: {  	[tilespmem:s4+$0xC050] =	vst.add.f32.msk $0xffff, v6  }
0x2d6: {  	[tilespmem:s4+$0x6060] =	vst.add.f32.msk $0xffff, v7  }
.Ltmp12:
0x2d7: {  	[tilespmem:s4+$0x8060] =	vst.add.f32.msk $0xffff, v7;
	(pc) =	sbr.rel @p0 .LBB2_27-.Ltmp12, $4  }
0x2d8: {  	[tilespmem:s4+$0xA060] =	vst.add.f32.msk $0xffff, v7  }
0x2d9: {  	[tilespmem:s4+$0xC060] =	vst.add.f32.msk $0xffff, v7  }
0x2da: {  	[tilespmem:s4+$0x6070] =	vst.add.f32.msk $0xffff, v0  }
0x2db: {  	s6 =	sadd.s32 $0x1000, s6;
	[tilespmem:s4+$0x8070] =	vst.add.f32.msk $0xffff, v0  }
0x2dc: {  	s3 =	sadd.s32 $0x1, s3  }
0x2dd: {  	p0 =	sne.s32 s3, $0x8  }
.Ltmp13:
0x2de: {  	_ = 	snop;
	(pc) =	sbr.rel @p0 .LBB2_26-.Ltmp13, $2  }
0x2df: {  	_ =	sdelay $0x2  }
0x2e0: {  	[tilespmem:s4+$0xA070] =	vst.add.f32.msk $0xffff, v0;
	s2 =	sadd.s32 $0x200, s2  }
0x2e1: {  	s2 =	rddreg [dreg:$0x15]  }
0x2e2: {  	[hbm4b:s2+s20] =	stream.strided.scatter [tilespmem:s22], [sflag:$0x4], $0x8000, s21, s20, $0x38;
	[tilespmem:$0x1E000] =	vst v63  }
0x2e3: {  	_ =	swait.ge [sflag:s0], $0x8000  }
0x2e4: {  	[sflag:s0] =	ssyncset.done $0x0  }
0x2e5: {  	s2 =	simm.s32 $0x0;
	s3 =	rddreg [dreg:$0x19];
	[sflag:s0] =	ssyncadd.s32 $0xFFFF8000  }
0x2e6: {  	[tilespmem:s25], [sflag:$0x3] =	stream.linear.gather [hbm4b:s3+s2], $0x2000, $0x38;
	[tilespmem:$0x1E000] =	vst v63  }
0x2e7: {  	s6 =	rddreg [dreg:$0x1a]  }
0x2e8: {  	[tilespmem:s26], [sflag:$0x3] =	stream.strided.gather [hbm4b:s6+s20], $0x8000, s21, s20, $0x38;
	[tilespmem:$0x1E000] =	vst v63  }
0x2e9: {  	_ =	swait.ge [sflag:s28], $0x2000  }
0x2ea: {  	[sflag:s28] =	ssyncset.done $0x0  }
0x2eb: {  	[sflag:s28] =	ssyncadd.s32 $0xFFFFE000  }
0x2ec: {  	_ =	swait.ge [sflag:s28], $0x8000  }
0x2ed: {  	[sflag:s28] =	ssyncset.done $0x0  }
0x2ee: {  	s3 =	simm.s32 $0x0;
	[sflag:s28] =	ssyncadd.s32 $0xFFFF8000  }
.LBB2_30:
0x2ef: {  	s4 =	sshra.s32 s2, $0x2  }
0x2f0: {  	v0 =	vld [tilespmem:s4+$0x2070]  }
0x2f1: {  	v1 =	vld [tilespmem:s4+$0x2000]  }
0x2f2: {  	v2 =	vld [tilespmem:s4+$0x2010]  }
0x2f3: {  	v3 =	vld [tilespmem:s4+$0x2020]  }
0x2f4: {  	v4 =	vld [tilespmem:s4+$0x2030]  }
0x2f5: {  	v5 =	vld [tilespmem:s4+$0x2040]  }
0x2f6: {  	v6 =	vld [tilespmem:s4+$0x2050]  }
0x2f7: {  	v7 =	vld [tilespmem:s4+$0x2060]  }
0x2f8: {  	[tilespmem:s4+$0x14070] =	vst.add.f32.msk $0xffff, v0  }
0x2f9: {  	[tilespmem:s4+$0xE000] =	vst.add.f32.msk $0xffff, v1  }
0x2fa: {  	[tilespmem:s4+$0x10000] =	vst.add.f32.msk $0xffff, v1  }
0x2fb: {  	[tilespmem:s4+$0x12000] =	vst.add.f32.msk $0xffff, v1  }
0x2fc: {  	[tilespmem:s4+$0x14000] =	vst.add.f32.msk $0xffff, v1  }
0x2fd: {  	[tilespmem:s4+$0xE010] =	vst.add.f32.msk $0xffff, v2  }
0x2fe: {  	[tilespmem:s4+$0x10010] =	vst.add.f32.msk $0xffff, v2  }
0x2ff: {  	[tilespmem:s4+$0x12010] =	vst.add.f32.msk $0xffff, v2  }
0x300: {  	[tilespmem:s4+$0x14010] =	vst.add.f32.msk $0xffff, v2  }
0x301: {  	[tilespmem:s4+$0xE020] =	vst.add.f32.msk $0xffff, v3  }
0x302: {  	[tilespmem:s4+$0x10020] =	vst.add.f32.msk $0xffff, v3  }
0x303: {  	[tilespmem:s4+$0x12020] =	vst.add.f32.msk $0xffff, v3  }
0x304: {  	[tilespmem:s4+$0x14020] =	vst.add.f32.msk $0xffff, v3  }
0x305: {  	[tilespmem:s4+$0xE030] =	vst.add.f32.msk $0xffff, v4  }
0x306: {  	[tilespmem:s4+$0x10030] =	vst.add.f32.msk $0xffff, v4  }
0x307: {  	[tilespmem:s4+$0x12030] =	vst.add.f32.msk $0xffff, v4  }
0x308: {  	[tilespmem:s4+$0x14030] =	vst.add.f32.msk $0xffff, v4  }
0x309: {  	[tilespmem:s4+$0xE040] =	vst.add.f32.msk $0xffff, v5  }
0x30a: {  	[tilespmem:s4+$0x10040] =	vst.add.f32.msk $0xffff, v5  }
0x30b: {  	[tilespmem:s4+$0x12040] =	vst.add.f32.msk $0xffff, v5  }
0x30c: {  	[tilespmem:s4+$0x14040] =	vst.add.f32.msk $0xffff, v5  }
0x30d: {  	[tilespmem:s4+$0xE050] =	vst.add.f32.msk $0xffff, v6  }
0x30e: {  	[tilespmem:s4+$0x10050] =	vst.add.f32.msk $0xffff, v6  }
0x30f: {  	[tilespmem:s4+$0x12050] =	vst.add.f32.msk $0xffff, v6  }
0x310: {  	[tilespmem:s4+$0x14050] =	vst.add.f32.msk $0xffff, v6  }
0x311: {  	[tilespmem:s4+$0xE060] =	vst.add.f32.msk $0xffff, v7  }
0x312: {  	[tilespmem:s4+$0x10060] =	vst.add.f32.msk $0xffff, v7  }
0x313: {  	[tilespmem:s4+$0x12060] =	vst.add.f32.msk $0xffff, v7  }
0x314: {  	[tilespmem:s4+$0x14060] =	vst.add.f32.msk $0xffff, v7  }
0x315: {  	[tilespmem:s4+$0xE070] =	vst.add.f32.msk $0xffff, v0  }
0x316: {  	s5 =	simm.s32 $0x0;
	s6 =	sadd.s32 $0x1000, s2;
	[tilespmem:s4+$0x10070] =	vst.add.f32.msk $0xffff, v0  }
.LBB2_31:
0x317: {  	s5 =	sadd.s32 $0x80, s5;
	[tilespmem:s4+$0x12070] =	vst.add.f32.msk $0xffff, v0;
	s4 =	sshra.s32 s6, $0x2  }
0x318: {  	v0 =	vld [tilespmem:s4+$0x2070];
	p0 =	slt.u32 s5, $0x380  }
0x319: {  	v1 =	vld [tilespmem:s4+$0x2000]  }
0x31a: {  	v2 =	vld [tilespmem:s4+$0x2010]  }
0x31b: {  	v3 =	vld [tilespmem:s4+$0x2020]  }
0x31c: {  	v4 =	vld [tilespmem:s4+$0x2030]  }
0x31d: {  	[tilespmem:s4+$0x14070] =	vst.add.f32.msk $0xffff, v0  }
0x31e: {  	v5 =	vld [tilespmem:s4+$0x2040]  }
0x31f: {  	v6 =	vld [tilespmem:s4+$0x2050]  }
0x320: {  	v7 =	vld [tilespmem:s4+$0x2060]  }
0x321: {  	[tilespmem:s4+$0xE000] =	vst.add.f32.msk $0xffff, v1  }
0x322: {  	[tilespmem:s4+$0x10000] =	vst.add.f32.msk $0xffff, v1  }
0x323: {  	[tilespmem:s4+$0x12000] =	vst.add.f32.msk $0xffff, v1  }
0x324: {  	[tilespmem:s4+$0x14000] =	vst.add.f32.msk $0xffff, v1  }
0x325: {  	[tilespmem:s4+$0xE010] =	vst.add.f32.msk $0xffff, v2  }
0x326: {  	[tilespmem:s4+$0x10010] =	vst.add.f32.msk $0xffff, v2  }
0x327: {  	[tilespmem:s4+$0x12010] =	vst.add.f32.msk $0xffff, v2  }
0x328: {  	[tilespmem:s4+$0x14010] =	vst.add.f32.msk $0xffff, v2  }
0x329: {  	[tilespmem:s4+$0xE020] =	vst.add.f32.msk $0xffff, v3  }
0x32a: {  	[tilespmem:s4+$0x10020] =	vst.add.f32.msk $0xffff, v3  }
0x32b: {  	[tilespmem:s4+$0x12020] =	vst.add.f32.msk $0xffff, v3  }
0x32c: {  	[tilespmem:s4+$0x14020] =	vst.add.f32.msk $0xffff, v3  }
0x32d: {  	[tilespmem:s4+$0xE030] =	vst.add.f32.msk $0xffff, v4  }
0x32e: {  	[tilespmem:s4+$0x10030] =	vst.add.f32.msk $0xffff, v4  }
0x32f: {  	[tilespmem:s4+$0x12030] =	vst.add.f32.msk $0xffff, v4  }
0x330: {  	[tilespmem:s4+$0x14030] =	vst.add.f32.msk $0xffff, v4  }
0x331: {  	[tilespmem:s4+$0xE040] =	vst.add.f32.msk $0xffff, v5  }
0x332: {  	[tilespmem:s4+$0x10040] =	vst.add.f32.msk $0xffff, v5  }
0x333: {  	[tilespmem:s4+$0x12040] =	vst.add.f32.msk $0xffff, v5  }
0x334: {  	[tilespmem:s4+$0x14040] =	vst.add.f32.msk $0xffff, v5  }
0x335: {  	[tilespmem:s4+$0xE050] =	vst.add.f32.msk $0xffff, v6  }
0x336: {  	[tilespmem:s4+$0x10050] =	vst.add.f32.msk $0xffff, v6  }
0x337: {  	[tilespmem:s4+$0x12050] =	vst.add.f32.msk $0xffff, v6  }
0x338: {  	[tilespmem:s4+$0x14050] =	vst.add.f32.msk $0xffff, v6  }
0x339: {  	[tilespmem:s4+$0xE060] =	vst.add.f32.msk $0xffff, v7  }
.Ltmp14:
0x33a: {  	[tilespmem:s4+$0x10060] =	vst.add.f32.msk $0xffff, v7;
	(pc) =	sbr.rel @p0 .LBB2_31-.Ltmp14, $4  }
0x33b: {  	[tilespmem:s4+$0x12060] =	vst.add.f32.msk $0xffff, v7  }
0x33c: {  	[tilespmem:s4+$0x14060] =	vst.add.f32.msk $0xffff, v7  }
0x33d: {  	[tilespmem:s4+$0xE070] =	vst.add.f32.msk $0xffff, v0  }
0x33e: {  	s6 =	sadd.s32 $0x1000, s6;
	[tilespmem:s4+$0x10070] =	vst.add.f32.msk $0xffff, v0  }
0x33f: {  	s3 =	sadd.s32 $0x1, s3  }
0x340: {  	p0 =	sne.s32 s3, $0x8  }
.Ltmp15:
0x341: {  	_ = 	snop;
	(pc) =	sbr.rel @p0 .LBB2_30-.Ltmp15, $2  }
0x342: {  	_ =	sdelay $0x2  }
0x343: {  	[tilespmem:s4+$0x12070] =	vst.add.f32.msk $0xffff, v0;
	s2 =	sadd.s32 $0x200, s2  }
0x344: {  	s2 =	rddreg [dreg:$0x18]  }
0x345: {  	[hbm4b:s2+s20] =	stream.strided.scatter [tilespmem:s23], [sflag:$0x5], $0x8000, s21, s20, $0x38;
	[tilespmem:$0x1E000] =	vst v63  }
0x346: {  	_ =	swait.ge [sflag:s29], $0x8000  }
0x347: {  	[sflag:s29] =	ssyncset.done $0x0  }
0x348: {  	s2 =	simm.s32 $0x0;
	s3 =	rddreg [dreg:$0x1c];
	[sflag:s29] =	ssyncadd.s32 $0xFFFF8000  }
0x349: {  	[tilespmem:s2], [sflag:$0x1] =	stream.linear.gather [hbm4b:s3+s2], $0x2000, $0x38;
	[tilespmem:$0x1E000] =	vst v63  }
0x34a: {  	s6 =	rddreg [dreg:$0x1d]  }
0x34b: {  	[tilespmem:s22], [sflag:$0x1] =	stream.strided.gather [hbm4b:s6+s20], $0x8000, s21, s20, $0x38;
	[tilespmem:$0x1E000] =	vst v63  }
0x34c: {  	_ =	swait.ge [sflag:s30], $0x2000  }
0x34d: {  	[sflag:s30] =	ssyncset.done $0x0  }
0x34e: {  	[sflag:s30] =	ssyncadd.s32 $0xFFFFE000  }
0x34f: {  	_ =	swait.ge [sflag:s30], $0x8000  }
0x350: {  	[sflag:s30] =	ssyncset.done $0x0  }
0x351: {  	s3 =	simm.s32 $0x0;
	[sflag:s30] =	ssyncadd.s32 $0xFFFF8000  }
.LBB2_34:
0x352: {  	s4 =	sshra.s32 s2, $0x2  }
0x353: {  	v0 =	vld [tilespmem:s4+$0x4070]  }
0x354: {  	v1 =	vld [tilespmem:s4+$0x4000]  }
0x355: {  	v2 =	vld [tilespmem:s4+$0x4010]  }
0x356: {  	v3 =	vld [tilespmem:s4+$0x4020]  }
0x357: {  	v4 =	vld [tilespmem:s4+$0x4030]  }
0x358: {  	v5 =	vld [tilespmem:s4+$0x4040]  }
0x359: {  	v6 =	vld [tilespmem:s4+$0x4050]  }
0x35a: {  	v7 =	vld [tilespmem:s4+$0x4060]  }
0x35b: {  	[tilespmem:s4+$0x1C070] =	vst.add.f32.msk $0xffff, v0  }
0x35c: {  	[tilespmem:s4+$0x16000] =	vst.add.f32.msk $0xffff, v1  }
0x35d: {  	[tilespmem:s4+$0x18000] =	vst.add.f32.msk $0xffff, v1  }
0x35e: {  	[tilespmem:s4+$0x1A000] =	vst.add.f32.msk $0xffff, v1  }
0x35f: {  	[tilespmem:s4+$0x1C000] =	vst.add.f32.msk $0xffff, v1  }
0x360: {  	[tilespmem:s4+$0x16010] =	vst.add.f32.msk $0xffff, v2  }
0x361: {  	[tilespmem:s4+$0x18010] =	vst.add.f32.msk $0xffff, v2  }
0x362: {  	[tilespmem:s4+$0x1A010] =	vst.add.f32.msk $0xffff, v2  }
0x363: {  	[tilespmem:s4+$0x1C010] =	vst.add.f32.msk $0xffff, v2  }
0x364: {  	[tilespmem:s4+$0x16020] =	vst.add.f32.msk $0xffff, v3  }
0x365: {  	[tilespmem:s4+$0x18020] =	vst.add.f32.msk $0xffff, v3  }
0x366: {  	[tilespmem:s4+$0x1A020] =	vst.add.f32.msk $0xffff, v3  }
0x367: {  	[tilespmem:s4+$0x1C020] =	vst.add.f32.msk $0xffff, v3  }
0x368: {  	[tilespmem:s4+$0x16030] =	vst.add.f32.msk $0xffff, v4  }
0x369: {  	[tilespmem:s4+$0x18030] =	vst.add.f32.msk $0xffff, v4  }
0x36a: {  	[tilespmem:s4+$0x1A030] =	vst.add.f32.msk $0xffff, v4  }
0x36b: {  	[tilespmem:s4+$0x1C030] =	vst.add.f32.msk $0xffff, v4  }
0x36c: {  	[tilespmem:s4+$0x16040] =	vst.add.f32.msk $0xffff, v5  }
0x36d: {  	[tilespmem:s4+$0x18040] =	vst.add.f32.msk $0xffff, v5  }
0x36e: {  	[tilespmem:s4+$0x1A040] =	vst.add.f32.msk $0xffff, v5  }
0x36f: {  	[tilespmem:s4+$0x1C040] =	vst.add.f32.msk $0xffff, v5  }
0x370: {  	[tilespmem:s4+$0x16050] =	vst.add.f32.msk $0xffff, v6  }
0x371: {  	[tilespmem:s4+$0x18050] =	vst.add.f32.msk $0xffff, v6  }
0x372: {  	[tilespmem:s4+$0x1A050] =	vst.add.f32.msk $0xffff, v6  }
0x373: {  	[tilespmem:s4+$0x1C050] =	vst.add.f32.msk $0xffff, v6  }
0x374: {  	[tilespmem:s4+$0x16060] =	vst.add.f32.msk $0xffff, v7  }
0x375: {  	[tilespmem:s4+$0x18060] =	vst.add.f32.msk $0xffff, v7  }
0x376: {  	[tilespmem:s4+$0x1A060] =	vst.add.f32.msk $0xffff, v7  }
0x377: {  	[tilespmem:s4+$0x1C060] =	vst.add.f32.msk $0xffff, v7  }
0x378: {  	[tilespmem:s4+$0x16070] =	vst.add.f32.msk $0xffff, v0  }
0x379: {  	s5 =	simm.s32 $0x0;
	s6 =	sadd.s32 $0x1000, s2;
	[tilespmem:s4+$0x18070] =	vst.add.f32.msk $0xffff, v0  }
.LBB2_35:
0x37a: {  	s5 =	sadd.s32 $0x80, s5;
	[tilespmem:s4+$0x1A070] =	vst.add.f32.msk $0xffff, v0;
	s4 =	sshra.s32 s6, $0x2  }
0x37b: {  	v0 =	vld [tilespmem:s4+$0x4070];
	p0 =	slt.u32 s5, $0x380  }
0x37c: {  	v1 =	vld [tilespmem:s4+$0x4000]  }
0x37d: {  	v2 =	vld [tilespmem:s4+$0x4010]  }
0x37e: {  	v3 =	vld [tilespmem:s4+$0x4020]  }
0x37f: {  	v4 =	vld [tilespmem:s4+$0x4030]  }
0x380: {  	[tilespmem:s4+$0x1C070] =	vst.add.f32.msk $0xffff, v0  }
0x381: {  	v5 =	vld [tilespmem:s4+$0x4040]  }
0x382: {  	v6 =	vld [tilespmem:s4+$0x4050]  }
0x383: {  	v7 =	vld [tilespmem:s4+$0x4060]  }
0x384: {  	[tilespmem:s4+$0x16000] =	vst.add.f32.msk $0xffff, v1  }
0x385: {  	[tilespmem:s4+$0x18000] =	vst.add.f32.msk $0xffff, v1  }
0x386: {  	[tilespmem:s4+$0x1A000] =	vst.add.f32.msk $0xffff, v1  }
0x387: {  	[tilespmem:s4+$0x1C000] =	vst.add.f32.msk $0xffff, v1  }
0x388: {  	[tilespmem:s4+$0x16010] =	vst.add.f32.msk $0xffff, v2  }
0x389: {  	[tilespmem:s4+$0x18010] =	vst.add.f32.msk $0xffff, v2  }
0x38a: {  	[tilespmem:s4+$0x1A010] =	vst.add.f32.msk $0xffff, v2  }
0x38b: {  	[tilespmem:s4+$0x1C010] =	vst.add.f32.msk $0xffff, v2  }
0x38c: {  	[tilespmem:s4+$0x16020] =	vst.add.f32.msk $0xffff, v3  }
0x38d: {  	[tilespmem:s4+$0x18020] =	vst.add.f32.msk $0xffff, v3  }
0x38e: {  	[tilespmem:s4+$0x1A020] =	vst.add.f32.msk $0xffff, v3  }
0x38f: {  	[tilespmem:s4+$0x1C020] =	vst.add.f32.msk $0xffff, v3  }
0x390: {  	[tilespmem:s4+$0x16030] =	vst.add.f32.msk $0xffff, v4  }
0x391: {  	[tilespmem:s4+$0x18030] =	vst.add.f32.msk $0xffff, v4  }
0x392: {  	[tilespmem:s4+$0x1A030] =	vst.add.f32.msk $0xffff, v4  }
0x393: {  	[tilespmem:s4+$0x1C030] =	vst.add.f32.msk $0xffff, v4  }
0x394: {  	[tilespmem:s4+$0x16040] =	vst.add.f32.msk $0xffff, v5  }
0x395: {  	[tilespmem:s4+$0x18040] =	vst.add.f32.msk $0xffff, v5  }
0x396: {  	[tilespmem:s4+$0x1A040] =	vst.add.f32.msk $0xffff, v5  }
0x397: {  	[tilespmem:s4+$0x1C040] =	vst.add.f32.msk $0xffff, v5  }
0x398: {  	[tilespmem:s4+$0x16050] =	vst.add.f32.msk $0xffff, v6  }
0x399: {  	[tilespmem:s4+$0x18050] =	vst.add.f32.msk $0xffff, v6  }
0x39a: {  	[tilespmem:s4+$0x1A050] =	vst.add.f32.msk $0xffff, v6  }
0x39b: {  	[tilespmem:s4+$0x1C050] =	vst.add.f32.msk $0xffff, v6  }
0x39c: {  	[tilespmem:s4+$0x16060] =	vst.add.f32.msk $0xffff, v7  }
.Ltmp16:
0x39d: {  	[tilespmem:s4+$0x18060] =	vst.add.f32.msk $0xffff, v7;
	(pc) =	sbr.rel @p0 .LBB2_35-.Ltmp16, $4  }
0x39e: {  	[tilespmem:s4+$0x1A060] =	vst.add.f32.msk $0xffff, v7  }
0x39f: {  	[tilespmem:s4+$0x1C060] =	vst.add.f32.msk $0xffff, v7  }
0x3a0: {  	[tilespmem:s4+$0x16070] =	vst.add.f32.msk $0xffff, v0  }
0x3a1: {  	s6 =	sadd.s32 $0x1000, s6;
	[tilespmem:s4+$0x18070] =	vst.add.f32.msk $0xffff, v0  }
0x3a2: {  	s3 =	sadd.s32 $0x1, s3  }
0x3a3: {  	p0 =	sne.s32 s3, $0x8  }
.Ltmp17:
0x3a4: {  	_ = 	snop;
	(pc) =	sbr.rel @p0 .LBB2_34-.Ltmp17, $2  }
0x3a5: {  	_ =	sdelay $0x2  }
0x3a6: {  	[tilespmem:s4+$0x1A070] =	vst.add.f32.msk $0xffff, v0;
	s2 =	sadd.s32 $0x200, s2  }
0x3a7: {  	s2 =	rddreg [dreg:$0x1b]  }
0x3a8: {  	[hbm4b:s2+s20] =	stream.strided.scatter [tilespmem:s26], [sflag:$0x6], $0x8000, s21, s20, $0x38;
	[tilespmem:$0x1E000] =	vst v63  }
0x3a9: {  	_ =	swait.ge [sflag:s31], $0x8000  }
0x3aa: {  	[sflag:s31] =	ssyncset.done $0x0;
	s3 =	rddreg [dreg:$0x1f]  }
0x3ab: {  	s2 =	simm.s32 $0x0;
	s6 =	sld [smem:$0x7F6];
	[sflag:s31] =	ssyncadd.s32 $0xFFFF8000  }
0x3ac: {  	[tilespmem:s20], [sflag:$0x2] =	stream.linear.gather [hbm4b:s3+s2], $0x2000, $0x38;
	[tilespmem:$0x1E000] =	vst v63  }
0x3ad: {  	_ = 	snop  }
0x3ae: {  	[tilespmem:s23], [sflag:$0x2] =	stream.strided.gather [hbm4b:s6+s20], $0x8000, s21, s20, $0x38;
	[tilespmem:$0x1E000] =	vst v63  }
0x3af: {  	_ =	swait.ge [sflag:s24], $0x2000  }
0x3b0: {  	[sflag:s24] =	ssyncset.done $0x0  }
0x3b1: {  	[sflag:s24] =	ssyncadd.s32 $0xFFFFE000  }
0x3b2: {  	_ =	swait.ge [sflag:s24], $0x8000  }
0x3b3: {  	[sflag:s24] =	ssyncset.done $0x0  }
0x3b4: {  	s3 =	simm.s32 $0x0;
	[sflag:s24] =	ssyncadd.s32 $0xFFFF8000  }
.LBB2_38:
0x3b5: {  	s4 =	sshra.s32 s2, $0x2  }
0x3b6: {  	v0 =	vld [tilespmem:s4+$0x70]  }
0x3b7: {  	v1 =	vld [tilespmem:s4+$0x0]  }
0x3b8: {  	v2 =	vld [tilespmem:s4+$0x10]  }
0x3b9: {  	v3 =	vld [tilespmem:s4+$0x20]  }
0x3ba: {  	v4 =	vld [tilespmem:s4+$0x30]  }
0x3bb: {  	v5 =	vld [tilespmem:s4+$0x40]  }
0x3bc: {  	v6 =	vld [tilespmem:s4+$0x50]  }
0x3bd: {  	v7 =	vld [tilespmem:s4+$0x60]  }
0x3be: {  	[tilespmem:s4+$0xC070] =	vst.add.f32.msk $0xffff, v0  }
0x3bf: {  	[tilespmem:s4+$0x6000] =	vst.add.f32.msk $0xffff, v1  }
0x3c0: {  	[tilespmem:s4+$0x8000] =	vst.add.f32.msk $0xffff, v1  }
0x3c1: {  	[tilespmem:s4+$0xA000] =	vst.add.f32.msk $0xffff, v1  }
0x3c2: {  	[tilespmem:s4+$0xC000] =	vst.add.f32.msk $0xffff, v1  }
0x3c3: {  	[tilespmem:s4+$0x6010] =	vst.add.f32.msk $0xffff, v2  }
0x3c4: {  	[tilespmem:s4+$0x8010] =	vst.add.f32.msk $0xffff, v2  }
0x3c5: {  	[tilespmem:s4+$0xA010] =	vst.add.f32.msk $0xffff, v2  }
0x3c6: {  	[tilespmem:s4+$0xC010] =	vst.add.f32.msk $0xffff, v2  }
0x3c7: {  	[tilespmem:s4+$0x6020] =	vst.add.f32.msk $0xffff, v3  }
0x3c8: {  	[tilespmem:s4+$0x8020] =	vst.add.f32.msk $0xffff, v3  }
0x3c9: {  	[tilespmem:s4+$0xA020] =	vst.add.f32.msk $0xffff, v3  }
0x3ca: {  	[tilespmem:s4+$0xC020] =	vst.add.f32.msk $0xffff, v3  }
0x3cb: {  	[tilespmem:s4+$0x6030] =	vst.add.f32.msk $0xffff, v4  }
0x3cc: {  	[tilespmem:s4+$0x8030] =	vst.add.f32.msk $0xffff, v4  }
0x3cd: {  	[tilespmem:s4+$0xA030] =	vst.add.f32.msk $0xffff, v4  }
0x3ce: {  	[tilespmem:s4+$0xC030] =	vst.add.f32.msk $0xffff, v4  }
0x3cf: {  	[tilespmem:s4+$0x6040] =	vst.add.f32.msk $0xffff, v5  }
0x3d0: {  	[tilespmem:s4+$0x8040] =	vst.add.f32.msk $0xffff, v5  }
0x3d1: {  	[tilespmem:s4+$0xA040] =	vst.add.f32.msk $0xffff, v5  }
0x3d2: {  	[tilespmem:s4+$0xC040] =	vst.add.f32.msk $0xffff, v5  }
0x3d3: {  	[tilespmem:s4+$0x6050] =	vst.add.f32.msk $0xffff, v6  }
0x3d4: {  	[tilespmem:s4+$0x8050] =	vst.add.f32.msk $0xffff, v6  }
0x3d5: {  	[tilespmem:s4+$0xA050] =	vst.add.f32.msk $0xffff, v6  }
0x3d6: {  	[tilespmem:s4+$0xC050] =	vst.add.f32.msk $0xffff, v6  }
0x3d7: {  	[tilespmem:s4+$0x6060] =	vst.add.f32.msk $0xffff, v7  }
0x3d8: {  	[tilespmem:s4+$0x8060] =	vst.add.f32.msk $0xffff, v7  }
0x3d9: {  	[tilespmem:s4+$0xA060] =	vst.add.f32.msk $0xffff, v7  }
0x3da: {  	[tilespmem:s4+$0xC060] =	vst.add.f32.msk $0xffff, v7  }
0x3db: {  	[tilespmem:s4+$0x6070] =	vst.add.f32.msk $0xffff, v0  }
0x3dc: {  	s5 =	simm.s32 $0x0;
	s6 =	sadd.s32 $0x1000, s2;
	[tilespmem:s4+$0x8070] =	vst.add.f32.msk $0xffff, v0  }
.LBB2_39:
0x3dd: {  	s5 =	sadd.s32 $0x80, s5;
	[tilespmem:s4+$0xA070] =	vst.add.f32.msk $0xffff, v0;
	s4 =	sshra.s32 s6, $0x2  }
0x3de: {  	v0 =	vld [tilespmem:s4+$0x70];
	p0 =	slt.u32 s5, $0x380  }
0x3df: {  	v1 =	vld [tilespmem:s4+$0x0]  }
0x3e0: {  	v2 =	vld [tilespmem:s4+$0x10]  }
0x3e1: {  	v3 =	vld [tilespmem:s4+$0x20]  }
0x3e2: {  	v4 =	vld [tilespmem:s4+$0x30]  }
0x3e3: {  	[tilespmem:s4+$0xC070] =	vst.add.f32.msk $0xffff, v0  }
0x3e4: {  	v5 =	vld [tilespmem:s4+$0x40]  }
0x3e5: {  	v6 =	vld [tilespmem:s4+$0x50]  }
0x3e6: {  	v7 =	vld [tilespmem:s4+$0x60]  }
0x3e7: {  	[tilespmem:s4+$0x6000] =	vst.add.f32.msk $0xffff, v1  }
0x3e8: {  	[tilespmem:s4+$0x8000] =	vst.add.f32.msk $0xffff, v1  }
0x3e9: {  	[tilespmem:s4+$0xA000] =	vst.add.f32.msk $0xffff, v1  }
0x3ea: {  	[tilespmem:s4+$0xC000] =	vst.add.f32.msk $0xffff, v1  }
0x3eb: {  	[tilespmem:s4+$0x6010] =	vst.add.f32.msk $0xffff, v2  }
0x3ec: {  	[tilespmem:s4+$0x8010] =	vst.add.f32.msk $0xffff, v2  }
0x3ed: {  	[tilespmem:s4+$0xA010] =	vst.add.f32.msk $0xffff, v2  }
0x3ee: {  	[tilespmem:s4+$0xC010] =	vst.add.f32.msk $0xffff, v2  }
0x3ef: {  	[tilespmem:s4+$0x6020] =	vst.add.f32.msk $0xffff, v3  }
0x3f0: {  	[tilespmem:s4+$0x8020] =	vst.add.f32.msk $0xffff, v3  }
0x3f1: {  	[tilespmem:s4+$0xA020] =	vst.add.f32.msk $0xffff, v3  }
0x3f2: {  	[tilespmem:s4+$0xC020] =	vst.add.f32.msk $0xffff, v3  }
0x3f3: {  	[tilespmem:s4+$0x6030] =	vst.add.f32.msk $0xffff, v4  }
0x3f4: {  	[tilespmem:s4+$0x8030] =	vst.add.f32.msk $0xffff, v4  }
0x3f5: {  	[tilespmem:s4+$0xA030] =	vst.add.f32.msk $0xffff, v4  }
0x3f6: {  	[tilespmem:s4+$0xC030] =	vst.add.f32.msk $0xffff, v4  }
0x3f7: {  	[tilespmem:s4+$0x6040] =	vst.add.f32.msk $0xffff, v5  }
0x3f8: {  	[tilespmem:s4+$0x8040] =	vst.add.f32.msk $0xffff, v5  }
0x3f9: {  	[tilespmem:s4+$0xA040] =	vst.add.f32.msk $0xffff, v5  }
0x3fa: {  	[tilespmem:s4+$0xC040] =	vst.add.f32.msk $0xffff, v5  }
0x3fb: {  	[tilespmem:s4+$0x6050] =	vst.add.f32.msk $0xffff, v6  }
0x3fc: {  	[tilespmem:s4+$0x8050] =	vst.add.f32.msk $0xffff, v6  }
0x3fd: {  	[tilespmem:s4+$0xA050] =	vst.add.f32.msk $0xffff, v6  }
0x3fe: {  	[tilespmem:s4+$0xC050] =	vst.add.f32.msk $0xffff, v6  }
0x3ff: {  	[tilespmem:s4+$0x6060] =	vst.add.f32.msk $0xffff, v7  }
.Ltmp18:
0x400: {  	[tilespmem:s4+$0x8060] =	vst.add.f32.msk $0xffff, v7;
	(pc) =	sbr.rel @p0 .LBB2_39-.Ltmp18, $4  }
0x401: {  	[tilespmem:s4+$0xA060] =	vst.add.f32.msk $0xffff, v7  }
0x402: {  	[tilespmem:s4+$0xC060] =	vst.add.f32.msk $0xffff, v7  }
0x403: {  	[tilespmem:s4+$0x6070] =	vst.add.f32.msk $0xffff, v0  }
0x404: {  	s6 =	sadd.s32 $0x1000, s6;
	[tilespmem:s4+$0x8070] =	vst.add.f32.msk $0xffff, v0  }
0x405: {  	s3 =	sadd.s32 $0x1, s3  }
0x406: {  	p0 =	sne.s32 s3, $0x8  }
.Ltmp19:
0x407: {  	_ = 	snop;
	(pc) =	sbr.rel @p0 .LBB2_38-.Ltmp19, $2  }
0x408: {  	_ =	sdelay $0x2  }
0x409: {  	[tilespmem:s4+$0xA070] =	vst.add.f32.msk $0xffff, v0;
	s2 =	sadd.s32 $0x200, s2  }
0x40a: {  	s2 =	rddreg [dreg:$0x1e]  }
0x40b: {  	[hbm4b:s2+s20] =	stream.strided.scatter [tilespmem:s22], [sflag:$0x4], $0x8000, s21, s20, $0x38;
	[tilespmem:$0x1E000] =	vst v63  }
0x40c: {  	_ =	swait.ge [sflag:s0], $0x8000  }
0x40d: {  	s3 =	sld [smem:$0x7F8]  }
0x40e: {  	[sflag:s0] =	ssyncset.done $0x0  }
0x40f: {  	s2 =	simm.s32 $0x0;
	s6 =	sld [smem:$0x7F9];
	[sflag:s0] =	ssyncadd.s32 $0xFFFF8000  }
0x410: {  	[tilespmem:s25], [sflag:$0x3] =	stream.linear.gather [hbm4b:s3+s2], $0x2000, $0x38;
	[tilespmem:$0x1E000] =	vst v63  }
0x411: {  	_ = 	snop  }
0x412: {  	[tilespmem:s26], [sflag:$0x3] =	stream.strided.gather [hbm4b:s6+s20], $0x8000, s21, s20, $0x38;
	[tilespmem:$0x1E000] =	vst v63  }
0x413: {  	_ =	swait.ge [sflag:s28], $0x2000  }
0x414: {  	[sflag:s28] =	ssyncset.done $0x0  }
0x415: {  	[sflag:s28] =	ssyncadd.s32 $0xFFFFE000  }
0x416: {  	_ =	swait.ge [sflag:s28], $0x8000  }
0x417: {  	[sflag:s28] =	ssyncset.done $0x0  }
0x418: {  	s3 =	simm.s32 $0x0;
	[sflag:s28] =	ssyncadd.s32 $0xFFFF8000  }
.LBB2_42:
0x419: {  	s4 =	sshra.s32 s2, $0x2  }
0x41a: {  	v0 =	vld [tilespmem:s4+$0x2070]  }
0x41b: {  	v1 =	vld [tilespmem:s4+$0x2000]  }
0x41c: {  	v2 =	vld [tilespmem:s4+$0x2010]  }
0x41d: {  	v3 =	vld [tilespmem:s4+$0x2020]  }
0x41e: {  	v4 =	vld [tilespmem:s4+$0x2030]  }
0x41f: {  	v5 =	vld [tilespmem:s4+$0x2040]  }
0x420: {  	v6 =	vld [tilespmem:s4+$0x2050]  }
0x421: {  	v7 =	vld [tilespmem:s4+$0x2060]  }
0x422: {  	[tilespmem:s4+$0x14070] =	vst.add.f32.msk $0xffff, v0  }
0x423: {  	[tilespmem:s4+$0xE000] =	vst.add.f32.msk $0xffff, v1  }
0x424: {  	[tilespmem:s4+$0x10000] =	vst.add.f32.msk $0xffff, v1  }
0x425: {  	[tilespmem:s4+$0x12000] =	vst.add.f32.msk $0xffff, v1  }
0x426: {  	[tilespmem:s4+$0x14000] =	vst.add.f32.msk $0xffff, v1  }
0x427: {  	[tilespmem:s4+$0xE010] =	vst.add.f32.msk $0xffff, v2  }
0x428: {  	[tilespmem:s4+$0x10010] =	vst.add.f32.msk $0xffff, v2  }
0x429: {  	[tilespmem:s4+$0x12010] =	vst.add.f32.msk $0xffff, v2  }
0x42a: {  	[tilespmem:s4+$0x14010] =	vst.add.f32.msk $0xffff, v2  }
0x42b: {  	[tilespmem:s4+$0xE020] =	vst.add.f32.msk $0xffff, v3  }
0x42c: {  	[tilespmem:s4+$0x10020] =	vst.add.f32.msk $0xffff, v3  }
0x42d: {  	[tilespmem:s4+$0x12020] =	vst.add.f32.msk $0xffff, v3  }
0x42e: {  	[tilespmem:s4+$0x14020] =	vst.add.f32.msk $0xffff, v3  }
0x42f: {  	[tilespmem:s4+$0xE030] =	vst.add.f32.msk $0xffff, v4  }
0x430: {  	[tilespmem:s4+$0x10030] =	vst.add.f32.msk $0xffff, v4  }
0x431: {  	[tilespmem:s4+$0x12030] =	vst.add.f32.msk $0xffff, v4  }
0x432: {  	[tilespmem:s4+$0x14030] =	vst.add.f32.msk $0xffff, v4  }
0x433: {  	[tilespmem:s4+$0xE040] =	vst.add.f32.msk $0xffff, v5  }
0x434: {  	[tilespmem:s4+$0x10040] =	vst.add.f32.msk $0xffff, v5  }
0x435: {  	[tilespmem:s4+$0x12040] =	vst.add.f32.msk $0xffff, v5  }
0x436: {  	[tilespmem:s4+$0x14040] =	vst.add.f32.msk $0xffff, v5  }
0x437: {  	[tilespmem:s4+$0xE050] =	vst.add.f32.msk $0xffff, v6  }
0x438: {  	[tilespmem:s4+$0x10050] =	vst.add.f32.msk $0xffff, v6  }
0x439: {  	[tilespmem:s4+$0x12050] =	vst.add.f32.msk $0xffff, v6  }
0x43a: {  	[tilespmem:s4+$0x14050] =	vst.add.f32.msk $0xffff, v6  }
0x43b: {  	[tilespmem:s4+$0xE060] =	vst.add.f32.msk $0xffff, v7  }
0x43c: {  	[tilespmem:s4+$0x10060] =	vst.add.f32.msk $0xffff, v7  }
0x43d: {  	[tilespmem:s4+$0x12060] =	vst.add.f32.msk $0xffff, v7  }
0x43e: {  	[tilespmem:s4+$0x14060] =	vst.add.f32.msk $0xffff, v7  }
0x43f: {  	[tilespmem:s4+$0xE070] =	vst.add.f32.msk $0xffff, v0  }
0x440: {  	s5 =	simm.s32 $0x0;
	s6 =	sadd.s32 $0x1000, s2;
	[tilespmem:s4+$0x10070] =	vst.add.f32.msk $0xffff, v0  }
.LBB2_43:
0x441: {  	s5 =	sadd.s32 $0x80, s5;
	[tilespmem:s4+$0x12070] =	vst.add.f32.msk $0xffff, v0;
	s4 =	sshra.s32 s6, $0x2  }
0x442: {  	v0 =	vld [tilespmem:s4+$0x2070];
	p0 =	slt.u32 s5, $0x380  }
0x443: {  	v1 =	vld [tilespmem:s4+$0x2000]  }
0x444: {  	v2 =	vld [tilespmem:s4+$0x2010]  }
0x445: {  	v3 =	vld [tilespmem:s4+$0x2020]  }
0x446: {  	v4 =	vld [tilespmem:s4+$0x2030]  }
0x447: {  	[tilespmem:s4+$0x14070] =	vst.add.f32.msk $0xffff, v0  }
0x448: {  	v5 =	vld [tilespmem:s4+$0x2040]  }
0x449: {  	v6 =	vld [tilespmem:s4+$0x2050]  }
0x44a: {  	v7 =	vld [tilespmem:s4+$0x2060]  }
0x44b: {  	[tilespmem:s4+$0xE000] =	vst.add.f32.msk $0xffff, v1  }
0x44c: {  	[tilespmem:s4+$0x10000] =	vst.add.f32.msk $0xffff, v1  }
0x44d: {  	[tilespmem:s4+$0x12000] =	vst.add.f32.msk $0xffff, v1  }
0x44e: {  	[tilespmem:s4+$0x14000] =	vst.add.f32.msk $0xffff, v1  }
0x44f: {  	[tilespmem:s4+$0xE010] =	vst.add.f32.msk $0xffff, v2  }
0x450: {  	[tilespmem:s4+$0x10010] =	vst.add.f32.msk $0xffff, v2  }
0x451: {  	[tilespmem:s4+$0x12010] =	vst.add.f32.msk $0xffff, v2  }
0x452: {  	[tilespmem:s4+$0x14010] =	vst.add.f32.msk $0xffff, v2  }
0x453: {  	[tilespmem:s4+$0xE020] =	vst.add.f32.msk $0xffff, v3  }
0x454: {  	[tilespmem:s4+$0x10020] =	vst.add.f32.msk $0xffff, v3  }
0x455: {  	[tilespmem:s4+$0x12020] =	vst.add.f32.msk $0xffff, v3  }
0x456: {  	[tilespmem:s4+$0x14020] =	vst.add.f32.msk $0xffff, v3  }
0x457: {  	[tilespmem:s4+$0xE030] =	vst.add.f32.msk $0xffff, v4  }
0x458: {  	[tilespmem:s4+$0x10030] =	vst.add.f32.msk $0xffff, v4  }
0x459: {  	[tilespmem:s4+$0x12030] =	vst.add.f32.msk $0xffff, v4  }
0x45a: {  	[tilespmem:s4+$0x14030] =	vst.add.f32.msk $0xffff, v4  }
0x45b: {  	[tilespmem:s4+$0xE040] =	vst.add.f32.msk $0xffff, v5  }
0x45c: {  	[tilespmem:s4+$0x10040] =	vst.add.f32.msk $0xffff, v5  }
0x45d: {  	[tilespmem:s4+$0x12040] =	vst.add.f32.msk $0xffff, v5  }
0x45e: {  	[tilespmem:s4+$0x14040] =	vst.add.f32.msk $0xffff, v5  }
0x45f: {  	[tilespmem:s4+$0xE050] =	vst.add.f32.msk $0xffff, v6  }
0x460: {  	[tilespmem:s4+$0x10050] =	vst.add.f32.msk $0xffff, v6  }
0x461: {  	[tilespmem:s4+$0x12050] =	vst.add.f32.msk $0xffff, v6  }
0x462: {  	[tilespmem:s4+$0x14050] =	vst.add.f32.msk $0xffff, v6  }
0x463: {  	[tilespmem:s4+$0xE060] =	vst.add.f32.msk $0xffff, v7  }
.Ltmp20:
0x464: {  	[tilespmem:s4+$0x10060] =	vst.add.f32.msk $0xffff, v7;
	(pc) =	sbr.rel @p0 .LBB2_43-.Ltmp20, $4  }
0x465: {  	[tilespmem:s4+$0x12060] =	vst.add.f32.msk $0xffff, v7  }
0x466: {  	[tilespmem:s4+$0x14060] =	vst.add.f32.msk $0xffff, v7  }
0x467: {  	[tilespmem:s4+$0xE070] =	vst.add.f32.msk $0xffff, v0  }
0x468: {  	s6 =	sadd.s32 $0x1000, s6;
	[tilespmem:s4+$0x10070] =	vst.add.f32.msk $0xffff, v0  }
0x469: {  	s3 =	sadd.s32 $0x1, s3  }
0x46a: {  	p0 =	sne.s32 s3, $0x8  }
.Ltmp21:
0x46b: {  	_ = 	snop;
	(pc) =	sbr.rel @p0 .LBB2_42-.Ltmp21, $2  }
0x46c: {  	_ =	sdelay $0x2  }
0x46d: {  	[tilespmem:s4+$0x12070] =	vst.add.f32.msk $0xffff, v0;
	s2 =	sadd.s32 $0x200, s2  }
0x46e: {  	s2 =	sld [smem:$0x7F7];
	_ =	sdelay $0x2  }
0x46f: {  	[hbm4b:s2+s20] =	stream.strided.scatter [tilespmem:s23], [sflag:$0x5], $0x8000, s21, s20, $0x38;
	[tilespmem:$0x1E000] =	vst v63  }
0x470: {  	_ =	swait.ge [sflag:s29], $0x8000  }
0x471: {  	s3 =	sld [smem:$0x7FB]  }
0x472: {  	[sflag:s29] =	ssyncset.done $0x0  }
0x473: {  	s2 =	simm.s32 $0x0;
	s6 =	sld [smem:$0x7FC];
	[sflag:s29] =	ssyncadd.s32 $0xFFFF8000  }
0x474: {  	[tilespmem:s2], [sflag:$0x1] =	stream.linear.gather [hbm4b:s3+s2], $0x2000, $0x38;
	[tilespmem:$0x1E000] =	vst v63  }
0x475: {  	_ = 	snop  }
0x476: {  	[tilespmem:s22], [sflag:$0x1] =	stream.strided.gather [hbm4b:s6+s20], $0x8000, s21, s20, $0x38;
	[tilespmem:$0x1E000] =	vst v63  }
0x477: {  	_ =	swait.ge [sflag:s30], $0x2000  }
0x478: {  	[sflag:s30] =	ssyncset.done $0x0  }
0x479: {  	[sflag:s30] =	ssyncadd.s32 $0xFFFFE000  }
0x47a: {  	_ =	swait.ge [sflag:s30], $0x8000  }
0x47b: {  	[sflag:s30] =	ssyncset.done $0x0  }
0x47c: {  	s3 =	simm.s32 $0x0;
	[sflag:s30] =	ssyncadd.s32 $0xFFFF8000  }
.LBB2_46:
0x47d: {  	s4 =	sshra.s32 s2, $0x2  }
0x47e: {  	v0 =	vld [tilespmem:s4+$0x4070]  }
0x47f: {  	v1 =	vld [tilespmem:s4+$0x4000]  }
0x480: {  	v2 =	vld [tilespmem:s4+$0x4010]  }
0x481: {  	v3 =	vld [tilespmem:s4+$0x4020]  }
0x482: {  	v4 =	vld [tilespmem:s4+$0x4030]  }
0x483: {  	v5 =	vld [tilespmem:s4+$0x4040]  }
0x484: {  	v6 =	vld [tilespmem:s4+$0x4050]  }
0x485: {  	v7 =	vld [tilespmem:s4+$0x4060]  }
0x486: {  	[tilespmem:s4+$0x1C070] =	vst.add.f32.msk $0xffff, v0  }
0x487: {  	[tilespmem:s4+$0x16000] =	vst.add.f32.msk $0xffff, v1  }
0x488: {  	[tilespmem:s4+$0x18000] =	vst.add.f32.msk $0xffff, v1  }
0x489: {  	[tilespmem:s4+$0x1A000] =	vst.add.f32.msk $0xffff, v1  }
0x48a: {  	[tilespmem:s4+$0x1C000] =	vst.add.f32.msk $0xffff, v1  }
0x48b: {  	[tilespmem:s4+$0x16010] =	vst.add.f32.msk $0xffff, v2  }
0x48c: {  	[tilespmem:s4+$0x18010] =	vst.add.f32.msk $0xffff, v2  }
0x48d: {  	[tilespmem:s4+$0x1A010] =	vst.add.f32.msk $0xffff, v2  }
0x48e: {  	[tilespmem:s4+$0x1C010] =	vst.add.f32.msk $0xffff, v2  }
0x48f: {  	[tilespmem:s4+$0x16020] =	vst.add.f32.msk $0xffff, v3  }
0x490: {  	[tilespmem:s4+$0x18020] =	vst.add.f32.msk $0xffff, v3  }
0x491: {  	[tilespmem:s4+$0x1A020] =	vst.add.f32.msk $0xffff, v3  }
0x492: {  	[tilespmem:s4+$0x1C020] =	vst.add.f32.msk $0xffff, v3  }
0x493: {  	[tilespmem:s4+$0x16030] =	vst.add.f32.msk $0xffff, v4  }
0x494: {  	[tilespmem:s4+$0x18030] =	vst.add.f32.msk $0xffff, v4  }
0x495: {  	[tilespmem:s4+$0x1A030] =	vst.add.f32.msk $0xffff, v4  }
0x496: {  	[tilespmem:s4+$0x1C030] =	vst.add.f32.msk $0xffff, v4  }
0x497: {  	[tilespmem:s4+$0x16040] =	vst.add.f32.msk $0xffff, v5  }
0x498: {  	[tilespmem:s4+$0x18040] =	vst.add.f32.msk $0xffff, v5  }
0x499: {  	[tilespmem:s4+$0x1A040] =	vst.add.f32.msk $0xffff, v5  }
0x49a: {  	[tilespmem:s4+$0x1C040] =	vst.add.f32.msk $0xffff, v5  }
0x49b: {  	[tilespmem:s4+$0x16050] =	vst.add.f32.msk $0xffff, v6  }
0x49c: {  	[tilespmem:s4+$0x18050] =	vst.add.f32.msk $0xffff, v6  }
0x49d: {  	[tilespmem:s4+$0x1A050] =	vst.add.f32.msk $0xffff, v6  }
0x49e: {  	[tilespmem:s4+$0x1C050] =	vst.add.f32.msk $0xffff, v6  }
0x49f: {  	[tilespmem:s4+$0x16060] =	vst.add.f32.msk $0xffff, v7  }
0x4a0: {  	[tilespmem:s4+$0x18060] =	vst.add.f32.msk $0xffff, v7  }
0x4a1: {  	[tilespmem:s4+$0x1A060] =	vst.add.f32.msk $0xffff, v7  }
0x4a2: {  	[tilespmem:s4+$0x1C060] =	vst.add.f32.msk $0xffff, v7  }
0x4a3: {  	[tilespmem:s4+$0x16070] =	vst.add.f32.msk $0xffff, v0  }
0x4a4: {  	s5 =	simm.s32 $0x0;
	s6 =	sadd.s32 $0x1000, s2;
	[tilespmem:s4+$0x18070] =	vst.add.f32.msk $0xffff, v0  }
.LBB2_47:
0x4a5: {  	s5 =	sadd.s32 $0x80, s5;
	[tilespmem:s4+$0x1A070] =	vst.add.f32.msk $0xffff, v0;
	s4 =	sshra.s32 s6, $0x2  }
0x4a6: {  	v0 =	vld [tilespmem:s4+$0x4070];
	p0 =	slt.u32 s5, $0x380  }
0x4a7: {  	v1 =	vld [tilespmem:s4+$0x4000]  }
0x4a8: {  	v2 =	vld [tilespmem:s4+$0x4010]  }
0x4a9: {  	v3 =	vld [tilespmem:s4+$0x4020]  }
0x4aa: {  	v4 =	vld [tilespmem:s4+$0x4030]  }
0x4ab: {  	[tilespmem:s4+$0x1C070] =	vst.add.f32.msk $0xffff, v0  }
0x4ac: {  	v5 =	vld [tilespmem:s4+$0x4040]  }
0x4ad: {  	v6 =	vld [tilespmem:s4+$0x4050]  }
0x4ae: {  	v7 =	vld [tilespmem:s4+$0x4060]  }
0x4af: {  	[tilespmem:s4+$0x16000] =	vst.add.f32.msk $0xffff, v1  }
0x4b0: {  	[tilespmem:s4+$0x18000] =	vst.add.f32.msk $0xffff, v1  }
0x4b1: {  	[tilespmem:s4+$0x1A000] =	vst.add.f32.msk $0xffff, v1  }
0x4b2: {  	[tilespmem:s4+$0x1C000] =	vst.add.f32.msk $0xffff, v1  }
0x4b3: {  	[tilespmem:s4+$0x16010] =	vst.add.f32.msk $0xffff, v2  }
0x4b4: {  	[tilespmem:s4+$0x18010] =	vst.add.f32.msk $0xffff, v2  }
0x4b5: {  	[tilespmem:s4+$0x1A010] =	vst.add.f32.msk $0xffff, v2  }
0x4b6: {  	[tilespmem:s4+$0x1C010] =	vst.add.f32.msk $0xffff, v2  }
0x4b7: {  	[tilespmem:s4+$0x16020] =	vst.add.f32.msk $0xffff, v3  }
0x4b8: {  	[tilespmem:s4+$0x18020] =	vst.add.f32.msk $0xffff, v3  }
0x4b9: {  	[tilespmem:s4+$0x1A020] =	vst.add.f32.msk $0xffff, v3  }
0x4ba: {  	[tilespmem:s4+$0x1C020] =	vst.add.f32.msk $0xffff, v3  }
0x4bb: {  	[tilespmem:s4+$0x16030] =	vst.add.f32.msk $0xffff, v4  }
0x4bc: {  	[tilespmem:s4+$0x18030] =	vst.add.f32.msk $0xffff, v4  }
0x4bd: {  	[tilespmem:s4+$0x1A030] =	vst.add.f32.msk $0xffff, v4  }
0x4be: {  	[tilespmem:s4+$0x1C030] =	vst.add.f32.msk $0xffff, v4  }
0x4bf: {  	[tilespmem:s4+$0x16040] =	vst.add.f32.msk $0xffff, v5  }
0x4c0: {  	[tilespmem:s4+$0x18040] =	vst.add.f32.msk $0xffff, v5  }
0x4c1: {  	[tilespmem:s4+$0x1A040] =	vst.add.f32.msk $0xffff, v5  }
0x4c2: {  	[tilespmem:s4+$0x1C040] =	vst.add.f32.msk $0xffff, v5  }
0x4c3: {  	[tilespmem:s4+$0x16050] =	vst.add.f32.msk $0xffff, v6  }
0x4c4: {  	[tilespmem:s4+$0x18050] =	vst.add.f32.msk $0xffff, v6  }
0x4c5: {  	[tilespmem:s4+$0x1A050] =	vst.add.f32.msk $0xffff, v6  }
0x4c6: {  	[tilespmem:s4+$0x1C050] =	vst.add.f32.msk $0xffff, v6  }
0x4c7: {  	[tilespmem:s4+$0x16060] =	vst.add.f32.msk $0xffff, v7  }
.Ltmp22:
0x4c8: {  	[tilespmem:s4+$0x18060] =	vst.add.f32.msk $0xffff, v7;
	(pc) =	sbr.rel @p0 .LBB2_47-.Ltmp22, $4  }
0x4c9: {  	[tilespmem:s4+$0x1A060] =	vst.add.f32.msk $0xffff, v7  }
0x4ca: {  	[tilespmem:s4+$0x1C060] =	vst.add.f32.msk $0xffff, v7  }
0x4cb: {  	[tilespmem:s4+$0x16070] =	vst.add.f32.msk $0xffff, v0  }
0x4cc: {  	s6 =	sadd.s32 $0x1000, s6;
	[tilespmem:s4+$0x18070] =	vst.add.f32.msk $0xffff, v0  }
0x4cd: {  	s3 =	sadd.s32 $0x1, s3  }
0x4ce: {  	p0 =	sne.s32 s3, $0x8  }
.Ltmp23:
0x4cf: {  	_ = 	snop;
	(pc) =	sbr.rel @p0 .LBB2_46-.Ltmp23, $2  }
0x4d0: {  	_ =	sdelay $0x2  }
0x4d1: {  	[tilespmem:s4+$0x1A070] =	vst.add.f32.msk $0xffff, v0;
	s2 =	sadd.s32 $0x200, s2  }
0x4d2: {  	s2 =	sld [smem:$0x7FA];
	_ =	sdelay $0x2  }
0x4d3: {  	[hbm4b:s2+s20] =	stream.strided.scatter [tilespmem:s26], [sflag:$0x6], $0x8000, s21, s20, $0x38;
	[tilespmem:$0x1E000] =	vst v63  }
0x4d4: {  	_ =	swait.ge [sflag:s31], $0x8000  }
0x4d5: {  	[sflag:s31] =	ssyncset.done $0x0  }
0x4d6: {  	s2 =	simm.s32 $0x0;
	[sflag:s31] =	ssyncadd.s32 $0xFFFF8000  }
0x4d7: {  	[tilespmem:s20], [sflag:$0x2] =	stream.linear.gather [hbm4b:s7+s2], $0x2000, $0x38;
	[tilespmem:$0x1E000] =	vst v63  }
0x4d8: {  	_ = 	snop  }
0x4d9: {  	[tilespmem:s23], [sflag:$0x2] =	stream.strided.gather [hbm4b:s8+s20], $0x8000, s21, s20, $0x38;
	[tilespmem:$0x1E000] =	vst v63  }
0x4da: {  	_ =	swait.ge [sflag:s24], $0x2000  }
0x4db: {  	[sflag:s24] =	ssyncset.done $0x0  }
0x4dc: {  	[sflag:s24] =	ssyncadd.s32 $0xFFFFE000  }
0x4dd: {  	_ =	swait.ge [sflag:s24], $0x8000  }
0x4de: {  	[sflag:s24] =	ssyncset.done $0x0  }
0x4df: {  	s3 =	simm.s32 $0x0;
	[sflag:s24] =	ssyncadd.s32 $0xFFFF8000  }
.LBB2_50:
0x4e0: {  	s4 =	sshra.s32 s2, $0x2  }
0x4e1: {  	v0 =	vld [tilespmem:s4+$0x70]  }
0x4e2: {  	v1 =	vld [tilespmem:s4+$0x0]  }
0x4e3: {  	v2 =	vld [tilespmem:s4+$0x10]  }
0x4e4: {  	v3 =	vld [tilespmem:s4+$0x20]  }
0x4e5: {  	v4 =	vld [tilespmem:s4+$0x30]  }
0x4e6: {  	v5 =	vld [tilespmem:s4+$0x40]  }
0x4e7: {  	v6 =	vld [tilespmem:s4+$0x50]  }
0x4e8: {  	v7 =	vld [tilespmem:s4+$0x60]  }
0x4e9: {  	[tilespmem:s4+$0xC070] =	vst.add.f32.msk $0xffff, v0  }
0x4ea: {  	[tilespmem:s4+$0x6000] =	vst.add.f32.msk $0xffff, v1  }
0x4eb: {  	[tilespmem:s4+$0x8000] =	vst.add.f32.msk $0xffff, v1  }
0x4ec: {  	[tilespmem:s4+$0xA000] =	vst.add.f32.msk $0xffff, v1  }
0x4ed: {  	[tilespmem:s4+$0xC000] =	vst.add.f32.msk $0xffff, v1  }
0x4ee: {  	[tilespmem:s4+$0x6010] =	vst.add.f32.msk $0xffff, v2  }
0x4ef: {  	[tilespmem:s4+$0x8010] =	vst.add.f32.msk $0xffff, v2  }
0x4f0: {  	[tilespmem:s4+$0xA010] =	vst.add.f32.msk $0xffff, v2  }
0x4f1: {  	[tilespmem:s4+$0xC010] =	vst.add.f32.msk $0xffff, v2  }
0x4f2: {  	[tilespmem:s4+$0x6020] =	vst.add.f32.msk $0xffff, v3  }
0x4f3: {  	[tilespmem:s4+$0x8020] =	vst.add.f32.msk $0xffff, v3  }
0x4f4: {  	[tilespmem:s4+$0xA020] =	vst.add.f32.msk $0xffff, v3  }
0x4f5: {  	[tilespmem:s4+$0xC020] =	vst.add.f32.msk $0xffff, v3  }
0x4f6: {  	[tilespmem:s4+$0x6030] =	vst.add.f32.msk $0xffff, v4  }
0x4f7: {  	[tilespmem:s4+$0x8030] =	vst.add.f32.msk $0xffff, v4  }
0x4f8: {  	[tilespmem:s4+$0xA030] =	vst.add.f32.msk $0xffff, v4  }
0x4f9: {  	[tilespmem:s4+$0xC030] =	vst.add.f32.msk $0xffff, v4  }
0x4fa: {  	[tilespmem:s4+$0x6040] =	vst.add.f32.msk $0xffff, v5  }
0x4fb: {  	[tilespmem:s4+$0x8040] =	vst.add.f32.msk $0xffff, v5  }
0x4fc: {  	[tilespmem:s4+$0xA040] =	vst.add.f32.msk $0xffff, v5  }
0x4fd: {  	[tilespmem:s4+$0xC040] =	vst.add.f32.msk $0xffff, v5  }
0x4fe: {  	[tilespmem:s4+$0x6050] =	vst.add.f32.msk $0xffff, v6  }
0x4ff: {  	[tilespmem:s4+$0x8050] =	vst.add.f32.msk $0xffff, v6  }
0x500: {  	[tilespmem:s4+$0xA050] =	vst.add.f32.msk $0xffff, v6  }
0x501: {  	[tilespmem:s4+$0xC050] =	vst.add.f32.msk $0xffff, v6  }
0x502: {  	[tilespmem:s4+$0x6060] =	vst.add.f32.msk $0xffff, v7  }
0x503: {  	[tilespmem:s4+$0x8060] =	vst.add.f32.msk $0xffff, v7  }
0x504: {  	[tilespmem:s4+$0xA060] =	vst.add.f32.msk $0xffff, v7  }
0x505: {  	[tilespmem:s4+$0xC060] =	vst.add.f32.msk $0xffff, v7  }
0x506: {  	[tilespmem:s4+$0x6070] =	vst.add.f32.msk $0xffff, v0  }
0x507: {  	s5 =	simm.s32 $0x0;
	s6 =	sadd.s32 $0x1000, s2;
	[tilespmem:s4+$0x8070] =	vst.add.f32.msk $0xffff, v0  }
.LBB2_51:
0x508: {  	s5 =	sadd.s32 $0x80, s5;
	[tilespmem:s4+$0xA070] =	vst.add.f32.msk $0xffff, v0;
	s4 =	sshra.s32 s6, $0x2  }
0x509: {  	v0 =	vld [tilespmem:s4+$0x70];
	p0 =	slt.u32 s5, $0x380  }
0x50a: {  	v1 =	vld [tilespmem:s4+$0x0]  }
0x50b: {  	v2 =	vld [tilespmem:s4+$0x10]  }
0x50c: {  	v3 =	vld [tilespmem:s4+$0x20]  }
0x50d: {  	v4 =	vld [tilespmem:s4+$0x30]  }
0x50e: {  	[tilespmem:s4+$0xC070] =	vst.add.f32.msk $0xffff, v0  }
0x50f: {  	v5 =	vld [tilespmem:s4+$0x40]  }
0x510: {  	v6 =	vld [tilespmem:s4+$0x50]  }
0x511: {  	v7 =	vld [tilespmem:s4+$0x60]  }
0x512: {  	[tilespmem:s4+$0x6000] =	vst.add.f32.msk $0xffff, v1  }
0x513: {  	[tilespmem:s4+$0x8000] =	vst.add.f32.msk $0xffff, v1  }
0x514: {  	[tilespmem:s4+$0xA000] =	vst.add.f32.msk $0xffff, v1  }
0x515: {  	[tilespmem:s4+$0xC000] =	vst.add.f32.msk $0xffff, v1  }
0x516: {  	[tilespmem:s4+$0x6010] =	vst.add.f32.msk $0xffff, v2  }
0x517: {  	[tilespmem:s4+$0x8010] =	vst.add.f32.msk $0xffff, v2  }
0x518: {  	[tilespmem:s4+$0xA010] =	vst.add.f32.msk $0xffff, v2  }
0x519: {  	[tilespmem:s4+$0xC010] =	vst.add.f32.msk $0xffff, v2  }
0x51a: {  	[tilespmem:s4+$0x6020] =	vst.add.f32.msk $0xffff, v3  }
0x51b: {  	[tilespmem:s4+$0x8020] =	vst.add.f32.msk $0xffff, v3  }
0x51c: {  	[tilespmem:s4+$0xA020] =	vst.add.f32.msk $0xffff, v3  }
0x51d: {  	[tilespmem:s4+$0xC020] =	vst.add.f32.msk $0xffff, v3  }
0x51e: {  	[tilespmem:s4+$0x6030] =	vst.add.f32.msk $0xffff, v4  }
0x51f: {  	[tilespmem:s4+$0x8030] =	vst.add.f32.msk $0xffff, v4  }
0x520: {  	[tilespmem:s4+$0xA030] =	vst.add.f32.msk $0xffff, v4  }
0x521: {  	[tilespmem:s4+$0xC030] =	vst.add.f32.msk $0xffff, v4  }
0x522: {  	[tilespmem:s4+$0x6040] =	vst.add.f32.msk $0xffff, v5  }
0x523: {  	[tilespmem:s4+$0x8040] =	vst.add.f32.msk $0xffff, v5  }
0x524: {  	[tilespmem:s4+$0xA040] =	vst.add.f32.msk $0xffff, v5  }
0x525: {  	[tilespmem:s4+$0xC040] =	vst.add.f32.msk $0xffff, v5  }
0x526: {  	[tilespmem:s4+$0x6050] =	vst.add.f32.msk $0xffff, v6  }
0x527: {  	[tilespmem:s4+$0x8050] =	vst.add.f32.msk $0xffff, v6  }
0x528: {  	[tilespmem:s4+$0xA050] =	vst.add.f32.msk $0xffff, v6  }
0x529: {  	[tilespmem:s4+$0xC050] =	vst.add.f32.msk $0xffff, v6  }
0x52a: {  	[tilespmem:s4+$0x6060] =	vst.add.f32.msk $0xffff, v7  }
.Ltmp24:
0x52b: {  	[tilespmem:s4+$0x8060] =	vst.add.f32.msk $0xffff, v7;
	(pc) =	sbr.rel @p0 .LBB2_51-.Ltmp24, $4  }
0x52c: {  	[tilespmem:s4+$0xA060] =	vst.add.f32.msk $0xffff, v7  }
0x52d: {  	[tilespmem:s4+$0xC060] =	vst.add.f32.msk $0xffff, v7  }
0x52e: {  	[tilespmem:s4+$0x6070] =	vst.add.f32.msk $0xffff, v0  }
0x52f: {  	s6 =	sadd.s32 $0x1000, s6;
	[tilespmem:s4+$0x8070] =	vst.add.f32.msk $0xffff, v0  }
0x530: {  	s3 =	sadd.s32 $0x1, s3  }
0x531: {  	p0 =	sne.s32 s3, $0x8  }
.Ltmp25:
0x532: {  	_ = 	snop;
	(pc) =	sbr.rel @p0 .LBB2_50-.Ltmp25, $2  }
0x533: {  	_ =	sdelay $0x2  }
0x534: {  	[tilespmem:s4+$0xA070] =	vst.add.f32.msk $0xffff, v0;
	s2 =	sadd.s32 $0x200, s2  }
0x535: {  	s2 =	sld [smem:$0x7FD];
	_ =	sdelay $0x2  }
0x536: {  	[hbm4b:s2+s20] =	stream.strided.scatter [tilespmem:s22], [sflag:$0x4], $0x8000, s21, s20, $0x38;
	[tilespmem:$0x1E000] =	vst v63  }
0x537: {  	_ =	swait.ge [sflag:s0], $0x8000  }
0x538: {  	[sflag:s0] =	ssyncset.done $0x0  }
0x539: {  	s2 =	simm.s32 $0x0;
	[sflag:s0] =	ssyncadd.s32 $0xFFFF8000  }
0x53a: {  	[tilespmem:s25], [sflag:$0x3] =	stream.linear.gather [hbm4b:s13+s2], $0x2000, $0x38;
	[tilespmem:$0x1E000] =	vst v63  }
0x53b: {  	_ = 	snop  }
0x53c: {  	[tilespmem:s26], [sflag:$0x3] =	stream.strided.gather [hbm4b:s15+s20], $0x8000, s21, s20, $0x38;
	[tilespmem:$0x1E000] =	vst v63  }
0x53d: {  	_ =	swait.ge [sflag:s28], $0x2000  }
0x53e: {  	[sflag:s28] =	ssyncset.done $0x0  }
0x53f: {  	[sflag:s28] =	ssyncadd.s32 $0xFFFFE000  }
0x540: {  	_ =	swait.ge [sflag:s28], $0x8000  }
0x541: {  	[sflag:s28] =	ssyncset.done $0x0  }
0x542: {  	s3 =	simm.s32 $0x0;
	[sflag:s28] =	ssyncadd.s32 $0xFFFF8000  }
.LBB2_54:
0x543: {  	s4 =	sshra.s32 s2, $0x2  }
0x544: {  	v0 =	vld [tilespmem:s4+$0x2070]  }
0x545: {  	v1 =	vld [tilespmem:s4+$0x2000]  }
0x546: {  	v2 =	vld [tilespmem:s4+$0x2010]  }
0x547: {  	v3 =	vld [tilespmem:s4+$0x2020]  }
0x548: {  	v4 =	vld [tilespmem:s4+$0x2030]  }
0x549: {  	v5 =	vld [tilespmem:s4+$0x2040]  }
0x54a: {  	v6 =	vld [tilespmem:s4+$0x2050]  }
0x54b: {  	v7 =	vld [tilespmem:s4+$0x2060]  }
0x54c: {  	[tilespmem:s4+$0x14070] =	vst.add.f32.msk $0xffff, v0  }
0x54d: {  	[tilespmem:s4+$0xE000] =	vst.add.f32.msk $0xffff, v1  }
0x54e: {  	[tilespmem:s4+$0x10000] =	vst.add.f32.msk $0xffff, v1  }
0x54f: {  	[tilespmem:s4+$0x12000] =	vst.add.f32.msk $0xffff, v1  }
0x550: {  	[tilespmem:s4+$0x14000] =	vst.add.f32.msk $0xffff, v1  }
0x551: {  	[tilespmem:s4+$0xE010] =	vst.add.f32.msk $0xffff, v2  }
0x552: {  	[tilespmem:s4+$0x10010] =	vst.add.f32.msk $0xffff, v2  }
0x553: {  	[tilespmem:s4+$0x12010] =	vst.add.f32.msk $0xffff, v2  }
0x554: {  	[tilespmem:s4+$0x14010] =	vst.add.f32.msk $0xffff, v2  }
0x555: {  	[tilespmem:s4+$0xE020] =	vst.add.f32.msk $0xffff, v3  }
0x556: {  	[tilespmem:s4+$0x10020] =	vst.add.f32.msk $0xffff, v3  }
0x557: {  	[tilespmem:s4+$0x12020] =	vst.add.f32.msk $0xffff, v3  }
0x558: {  	[tilespmem:s4+$0x14020] =	vst.add.f32.msk $0xffff, v3  }
0x559: {  	[tilespmem:s4+$0xE030] =	vst.add.f32.msk $0xffff, v4  }
0x55a: {  	[tilespmem:s4+$0x10030] =	vst.add.f32.msk $0xffff, v4  }
0x55b: {  	[tilespmem:s4+$0x12030] =	vst.add.f32.msk $0xffff, v4  }
0x55c: {  	[tilespmem:s4+$0x14030] =	vst.add.f32.msk $0xffff, v4  }
0x55d: {  	[tilespmem:s4+$0xE040] =	vst.add.f32.msk $0xffff, v5  }
0x55e: {  	[tilespmem:s4+$0x10040] =	vst.add.f32.msk $0xffff, v5  }
0x55f: {  	[tilespmem:s4+$0x12040] =	vst.add.f32.msk $0xffff, v5  }
0x560: {  	[tilespmem:s4+$0x14040] =	vst.add.f32.msk $0xffff, v5  }
0x561: {  	[tilespmem:s4+$0xE050] =	vst.add.f32.msk $0xffff, v6  }
0x562: {  	[tilespmem:s4+$0x10050] =	vst.add.f32.msk $0xffff, v6  }
0x563: {  	[tilespmem:s4+$0x12050] =	vst.add.f32.msk $0xffff, v6  }
0x564: {  	[tilespmem:s4+$0x14050] =	vst.add.f32.msk $0xffff, v6  }
0x565: {  	[tilespmem:s4+$0xE060] =	vst.add.f32.msk $0xffff, v7  }
0x566: {  	[tilespmem:s4+$0x10060] =	vst.add.f32.msk $0xffff, v7  }
0x567: {  	[tilespmem:s4+$0x12060] =	vst.add.f32.msk $0xffff, v7  }
0x568: {  	[tilespmem:s4+$0x14060] =	vst.add.f32.msk $0xffff, v7  }
0x569: {  	[tilespmem:s4+$0xE070] =	vst.add.f32.msk $0xffff, v0  }
0x56a: {  	s5 =	simm.s32 $0x0;
	s6 =	sadd.s32 $0x1000, s2;
	[tilespmem:s4+$0x10070] =	vst.add.f32.msk $0xffff, v0  }
.LBB2_55:
0x56b: {  	s5 =	sadd.s32 $0x80, s5;
	[tilespmem:s4+$0x12070] =	vst.add.f32.msk $0xffff, v0;
	s4 =	sshra.s32 s6, $0x2  }
0x56c: {  	v0 =	vld [tilespmem:s4+$0x2070];
	p0 =	slt.u32 s5, $0x380  }
0x56d: {  	v1 =	vld [tilespmem:s4+$0x2000]  }
0x56e: {  	v2 =	vld [tilespmem:s4+$0x2010]  }
0x56f: {  	v3 =	vld [tilespmem:s4+$0x2020]  }
0x570: {  	v4 =	vld [tilespmem:s4+$0x2030]  }
0x571: {  	[tilespmem:s4+$0x14070] =	vst.add.f32.msk $0xffff, v0  }
0x572: {  	v5 =	vld [tilespmem:s4+$0x2040]  }
0x573: {  	v6 =	vld [tilespmem:s4+$0x2050]  }
0x574: {  	v7 =	vld [tilespmem:s4+$0x2060]  }
0x575: {  	[tilespmem:s4+$0xE000] =	vst.add.f32.msk $0xffff, v1  }
0x576: {  	[tilespmem:s4+$0x10000] =	vst.add.f32.msk $0xffff, v1  }
0x577: {  	[tilespmem:s4+$0x12000] =	vst.add.f32.msk $0xffff, v1  }
0x578: {  	[tilespmem:s4+$0x14000] =	vst.add.f32.msk $0xffff, v1  }
0x579: {  	[tilespmem:s4+$0xE010] =	vst.add.f32.msk $0xffff, v2  }
0x57a: {  	[tilespmem:s4+$0x10010] =	vst.add.f32.msk $0xffff, v2  }
0x57b: {  	[tilespmem:s4+$0x12010] =	vst.add.f32.msk $0xffff, v2  }
0x57c: {  	[tilespmem:s4+$0x14010] =	vst.add.f32.msk $0xffff, v2  }
0x57d: {  	[tilespmem:s4+$0xE020] =	vst.add.f32.msk $0xffff, v3  }
0x57e: {  	[tilespmem:s4+$0x10020] =	vst.add.f32.msk $0xffff, v3  }
0x57f: {  	[tilespmem:s4+$0x12020] =	vst.add.f32.msk $0xffff, v3  }
0x580: {  	[tilespmem:s4+$0x14020] =	vst.add.f32.msk $0xffff, v3  }
0x581: {  	[tilespmem:s4+$0xE030] =	vst.add.f32.msk $0xffff, v4  }
0x582: {  	[tilespmem:s4+$0x10030] =	vst.add.f32.msk $0xffff, v4  }
0x583: {  	[tilespmem:s4+$0x12030] =	vst.add.f32.msk $0xffff, v4  }
0x584: {  	[tilespmem:s4+$0x14030] =	vst.add.f32.msk $0xffff, v4  }
0x585: {  	[tilespmem:s4+$0xE040] =	vst.add.f32.msk $0xffff, v5  }
0x586: {  	[tilespmem:s4+$0x10040] =	vst.add.f32.msk $0xffff, v5  }
0x587: {  	[tilespmem:s4+$0x12040] =	vst.add.f32.msk $0xffff, v5  }
0x588: {  	[tilespmem:s4+$0x14040] =	vst.add.f32.msk $0xffff, v5  }
0x589: {  	[tilespmem:s4+$0xE050] =	vst.add.f32.msk $0xffff, v6  }
0x58a: {  	[tilespmem:s4+$0x10050] =	vst.add.f32.msk $0xffff, v6  }
0x58b: {  	[tilespmem:s4+$0x12050] =	vst.add.f32.msk $0xffff, v6  }
0x58c: {  	[tilespmem:s4+$0x14050] =	vst.add.f32.msk $0xffff, v6  }
0x58d: {  	[tilespmem:s4+$0xE060] =	vst.add.f32.msk $0xffff, v7  }
.Ltmp26:
0x58e: {  	[tilespmem:s4+$0x10060] =	vst.add.f32.msk $0xffff, v7;
	(pc) =	sbr.rel @p0 .LBB2_55-.Ltmp26, $4  }
0x58f: {  	[tilespmem:s4+$0x12060] =	vst.add.f32.msk $0xffff, v7  }
0x590: {  	[tilespmem:s4+$0x14060] =	vst.add.f32.msk $0xffff, v7  }
0x591: {  	[tilespmem:s4+$0xE070] =	vst.add.f32.msk $0xffff, v0  }
0x592: {  	s6 =	sadd.s32 $0x1000, s6;
	[tilespmem:s4+$0x10070] =	vst.add.f32.msk $0xffff, v0  }
0x593: {  	s3 =	sadd.s32 $0x1, s3  }
0x594: {  	p0 =	sne.s32 s3, $0x8  }
.Ltmp27:
0x595: {  	_ = 	snop;
	(pc) =	sbr.rel @p0 .LBB2_54-.Ltmp27, $2  }
0x596: {  	_ =	sdelay $0x2  }
0x597: {  	[tilespmem:s4+$0x12070] =	vst.add.f32.msk $0xffff, v0;
	s2 =	sadd.s32 $0x200, s2  }
0x598: {  	[hbm4b:s9+s20] =	stream.strided.scatter [tilespmem:s23], [sflag:$0x5], $0x8000, s21, s20, $0x38;
	[tilespmem:$0x1E000] =	vst v63  }
0x599: {  	_ =	swait.ge [sflag:s29], $0x8000  }
0x59a: {  	[sflag:s29] =	ssyncset.done $0x0  }
0x59b: {  	s2 =	simm.s32 $0x0;
	[sflag:s29] =	ssyncadd.s32 $0xFFFF8000  }
0x59c: {  	[tilespmem:s2], [sflag:$0x1] =	stream.linear.gather [hbm4b:s14+s2], $0x2000, $0x38;
	[tilespmem:$0x1E000] =	vst v63  }
0x59d: {  	_ = 	snop  }
0x59e: {  	[tilespmem:s22], [sflag:$0x1] =	stream.strided.gather [hbm4b:s16+s20], $0x8000, s21, s20, $0x38;
	[tilespmem:$0x1E000] =	vst v63  }
0x59f: {  	_ =	swait.ge [sflag:s30], $0x2000  }
0x5a0: {  	[sflag:s30] =	ssyncset.done $0x0  }
0x5a1: {  	[sflag:s30] =	ssyncadd.s32 $0xFFFFE000  }
0x5a2: {  	_ =	swait.ge [sflag:s30], $0x8000  }
0x5a3: {  	[sflag:s30] =	ssyncset.done $0x0  }
0x5a4: {  	s3 =	simm.s32 $0x0;
	[sflag:s30] =	ssyncadd.s32 $0xFFFF8000  }
.LBB2_58:
0x5a5: {  	s4 =	sshra.s32 s2, $0x2  }
0x5a6: {  	v0 =	vld [tilespmem:s4+$0x4070]  }
0x5a7: {  	v1 =	vld [tilespmem:s4+$0x4000]  }
0x5a8: {  	v2 =	vld [tilespmem:s4+$0x4010]  }
0x5a9: {  	v3 =	vld [tilespmem:s4+$0x4020]  }
0x5aa: {  	v4 =	vld [tilespmem:s4+$0x4030]  }
0x5ab: {  	v5 =	vld [tilespmem:s4+$0x4040]  }
0x5ac: {  	v6 =	vld [tilespmem:s4+$0x4050]  }
0x5ad: {  	v7 =	vld [tilespmem:s4+$0x4060]  }
0x5ae: {  	[tilespmem:s4+$0x1C070] =	vst.add.f32.msk $0xffff, v0  }
0x5af: {  	[tilespmem:s4+$0x16000] =	vst.add.f32.msk $0xffff, v1  }
0x5b0: {  	[tilespmem:s4+$0x18000] =	vst.add.f32.msk $0xffff, v1  }
0x5b1: {  	[tilespmem:s4+$0x1A000] =	vst.add.f32.msk $0xffff, v1  }
0x5b2: {  	[tilespmem:s4+$0x1C000] =	vst.add.f32.msk $0xffff, v1  }
0x5b3: {  	[tilespmem:s4+$0x16010] =	vst.add.f32.msk $0xffff, v2  }
0x5b4: {  	[tilespmem:s4+$0x18010] =	vst.add.f32.msk $0xffff, v2  }
0x5b5: {  	[tilespmem:s4+$0x1A010] =	vst.add.f32.msk $0xffff, v2  }
0x5b6: {  	[tilespmem:s4+$0x1C010] =	vst.add.f32.msk $0xffff, v2  }
0x5b7: {  	[tilespmem:s4+$0x16020] =	vst.add.f32.msk $0xffff, v3  }
0x5b8: {  	[tilespmem:s4+$0x18020] =	vst.add.f32.msk $0xffff, v3  }
0x5b9: {  	[tilespmem:s4+$0x1A020] =	vst.add.f32.msk $0xffff, v3  }
0x5ba: {  	[tilespmem:s4+$0x1C020] =	vst.add.f32.msk $0xffff, v3  }
0x5bb: {  	[tilespmem:s4+$0x16030] =	vst.add.f32.msk $0xffff, v4  }
0x5bc: {  	[tilespmem:s4+$0x18030] =	vst.add.f32.msk $0xffff, v4  }
0x5bd: {  	[tilespmem:s4+$0x1A030] =	vst.add.f32.msk $0xffff, v4  }
0x5be: {  	[tilespmem:s4+$0x1C030] =	vst.add.f32.msk $0xffff, v4  }
0x5bf: {  	[tilespmem:s4+$0x16040] =	vst.add.f32.msk $0xffff, v5  }
0x5c0: {  	[tilespmem:s4+$0x18040] =	vst.add.f32.msk $0xffff, v5  }
0x5c1: {  	[tilespmem:s4+$0x1A040] =	vst.add.f32.msk $0xffff, v5  }
0x5c2: {  	[tilespmem:s4+$0x1C040] =	vst.add.f32.msk $0xffff, v5  }
0x5c3: {  	[tilespmem:s4+$0x16050] =	vst.add.f32.msk $0xffff, v6  }
0x5c4: {  	[tilespmem:s4+$0x18050] =	vst.add.f32.msk $0xffff, v6  }
0x5c5: {  	[tilespmem:s4+$0x1A050] =	vst.add.f32.msk $0xffff, v6  }
0x5c6: {  	[tilespmem:s4+$0x1C050] =	vst.add.f32.msk $0xffff, v6  }
0x5c7: {  	[tilespmem:s4+$0x16060] =	vst.add.f32.msk $0xffff, v7  }
0x5c8: {  	[tilespmem:s4+$0x18060] =	vst.add.f32.msk $0xffff, v7  }
0x5c9: {  	[tilespmem:s4+$0x1A060] =	vst.add.f32.msk $0xffff, v7  }
0x5ca: {  	[tilespmem:s4+$0x1C060] =	vst.add.f32.msk $0xffff, v7  }
0x5cb: {  	[tilespmem:s4+$0x16070] =	vst.add.f32.msk $0xffff, v0  }
0x5cc: {  	s5 =	simm.s32 $0x0;
	s6 =	sadd.s32 $0x1000, s2;
	[tilespmem:s4+$0x18070] =	vst.add.f32.msk $0xffff, v0  }
.LBB2_59:
0x5cd: {  	s5 =	sadd.s32 $0x80, s5;
	[tilespmem:s4+$0x1A070] =	vst.add.f32.msk $0xffff, v0;
	s4 =	sshra.s32 s6, $0x2  }
0x5ce: {  	v0 =	vld [tilespmem:s4+$0x4070];
	p0 =	slt.u32 s5, $0x380  }
0x5cf: {  	v1 =	vld [tilespmem:s4+$0x4000]  }
0x5d0: {  	v2 =	vld [tilespmem:s4+$0x4010]  }
0x5d1: {  	v3 =	vld [tilespmem:s4+$0x4020]  }
0x5d2: {  	v4 =	vld [tilespmem:s4+$0x4030]  }
0x5d3: {  	[tilespmem:s4+$0x1C070] =	vst.add.f32.msk $0xffff, v0  }
0x5d4: {  	v5 =	vld [tilespmem:s4+$0x4040]  }
0x5d5: {  	v6 =	vld [tilespmem:s4+$0x4050]  }
0x5d6: {  	v7 =	vld [tilespmem:s4+$0x4060]  }
0x5d7: {  	[tilespmem:s4+$0x16000] =	vst.add.f32.msk $0xffff, v1  }
0x5d8: {  	[tilespmem:s4+$0x18000] =	vst.add.f32.msk $0xffff, v1  }
0x5d9: {  	[tilespmem:s4+$0x1A000] =	vst.add.f32.msk $0xffff, v1  }
0x5da: {  	[tilespmem:s4+$0x1C000] =	vst.add.f32.msk $0xffff, v1  }
0x5db: {  	[tilespmem:s4+$0x16010] =	vst.add.f32.msk $0xffff, v2  }
0x5dc: {  	[tilespmem:s4+$0x18010] =	vst.add.f32.msk $0xffff, v2  }
0x5dd: {  	[tilespmem:s4+$0x1A010] =	vst.add.f32.msk $0xffff, v2  }
0x5de: {  	[tilespmem:s4+$0x1C010] =	vst.add.f32.msk $0xffff, v2  }
0x5df: {  	[tilespmem:s4+$0x16020] =	vst.add.f32.msk $0xffff, v3  }
0x5e0: {  	[tilespmem:s4+$0x18020] =	vst.add.f32.msk $0xffff, v3  }
0x5e1: {  	[tilespmem:s4+$0x1A020] =	vst.add.f32.msk $0xffff, v3  }
0x5e2: {  	[tilespmem:s4+$0x1C020] =	vst.add.f32.msk $0xffff, v3  }
0x5e3: {  	[tilespmem:s4+$0x16030] =	vst.add.f32.msk $0xffff, v4  }
0x5e4: {  	[tilespmem:s4+$0x18030] =	vst.add.f32.msk $0xffff, v4  }
0x5e5: {  	[tilespmem:s4+$0x1A030] =	vst.add.f32.msk $0xffff, v4  }
0x5e6: {  	[tilespmem:s4+$0x1C030] =	vst.add.f32.msk $0xffff, v4  }
0x5e7: {  	[tilespmem:s4+$0x16040] =	vst.add.f32.msk $0xffff, v5  }
0x5e8: {  	[tilespmem:s4+$0x18040] =	vst.add.f32.msk $0xffff, v5  }
0x5e9: {  	[tilespmem:s4+$0x1A040] =	vst.add.f32.msk $0xffff, v5  }
0x5ea: {  	[tilespmem:s4+$0x1C040] =	vst.add.f32.msk $0xffff, v5  }
0x5eb: {  	[tilespmem:s4+$0x16050] =	vst.add.f32.msk $0xffff, v6  }
0x5ec: {  	[tilespmem:s4+$0x18050] =	vst.add.f32.msk $0xffff, v6  }
0x5ed: {  	[tilespmem:s4+$0x1A050] =	vst.add.f32.msk $0xffff, v6  }
0x5ee: {  	[tilespmem:s4+$0x1C050] =	vst.add.f32.msk $0xffff, v6  }
0x5ef: {  	[tilespmem:s4+$0x16060] =	vst.add.f32.msk $0xffff, v7  }
.Ltmp28:
0x5f0: {  	[tilespmem:s4+$0x18060] =	vst.add.f32.msk $0xffff, v7;
	(pc) =	sbr.rel @p0 .LBB2_59-.Ltmp28, $4  }
0x5f1: {  	[tilespmem:s4+$0x1A060] =	vst.add.f32.msk $0xffff, v7  }
0x5f2: {  	[tilespmem:s4+$0x1C060] =	vst.add.f32.msk $0xffff, v7  }
0x5f3: {  	[tilespmem:s4+$0x16070] =	vst.add.f32.msk $0xffff, v0  }
0x5f4: {  	s6 =	sadd.s32 $0x1000, s6;
	[tilespmem:s4+$0x18070] =	vst.add.f32.msk $0xffff, v0  }
0x5f5: {  	s3 =	sadd.s32 $0x1, s3  }
0x5f6: {  	p0 =	sne.s32 s3, $0x8  }
.Ltmp29:
0x5f7: {  	_ = 	snop;
	(pc) =	sbr.rel @p0 .LBB2_58-.Ltmp29, $2  }
0x5f8: {  	_ =	sdelay $0x2  }
0x5f9: {  	[tilespmem:s4+$0x1A070] =	vst.add.f32.msk $0xffff, v0;
	s2 =	sadd.s32 $0x200, s2  }
0x5fa: {  	[hbm4b:s17+s20] =	stream.strided.scatter [tilespmem:s26], [sflag:$0x6], $0x8000, s21, s20, $0x38;
	[tilespmem:$0x1E000] =	vst v63  }
0x5fb: {  	_ =	swait.ge [sflag:s24], $0x2000  }
0x5fc: {  	[sflag:s24] =	ssyncset.done $0x0  }
0x5fd: {  	[sflag:s24] =	ssyncadd.s32 $0xFFFFE000  }
0x5fe: {  	_ =	swait.ge [sflag:s24], $0x8000  }
0x5ff: {  	[sflag:s24] =	ssyncset.done $0x0  }
0x600: {  	s2 =	simm.s32 $0x0;
	s3 =	simm.s32 $0x0;
	[sflag:s24] =	ssyncadd.s32 $0xFFFF8000  }
.LBB2_62:
0x601: {  	s4 =	sshra.s32 s2, $0x2  }
0x602: {  	v0 =	vld [tilespmem:s4+$0x70]  }
0x603: {  	v1 =	vld [tilespmem:s4+$0x0]  }
0x604: {  	v2 =	vld [tilespmem:s4+$0x10]  }
0x605: {  	v3 =	vld [tilespmem:s4+$0x20]  }
0x606: {  	v4 =	vld [tilespmem:s4+$0x30]  }
0x607: {  	v5 =	vld [tilespmem:s4+$0x40]  }
0x608: {  	v6 =	vld [tilespmem:s4+$0x50]  }
0x609: {  	v7 =	vld [tilespmem:s4+$0x60]  }
0x60a: {  	[tilespmem:s4+$0xC070] =	vst.add.f32.msk $0xffff, v0  }
0x60b: {  	[tilespmem:s4+$0x6000] =	vst.add.f32.msk $0xffff, v1  }
0x60c: {  	[tilespmem:s4+$0x8000] =	vst.add.f32.msk $0xffff, v1  }
0x60d: {  	[tilespmem:s4+$0xA000] =	vst.add.f32.msk $0xffff, v1  }
0x60e: {  	[tilespmem:s4+$0xC000] =	vst.add.f32.msk $0xffff, v1  }
0x60f: {  	[tilespmem:s4+$0x6010] =	vst.add.f32.msk $0xffff, v2  }
0x610: {  	[tilespmem:s4+$0x8010] =	vst.add.f32.msk $0xffff, v2  }
0x611: {  	[tilespmem:s4+$0xA010] =	vst.add.f32.msk $0xffff, v2  }
0x612: {  	[tilespmem:s4+$0xC010] =	vst.add.f32.msk $0xffff, v2  }
0x613: {  	[tilespmem:s4+$0x6020] =	vst.add.f32.msk $0xffff, v3  }
0x614: {  	[tilespmem:s4+$0x8020] =	vst.add.f32.msk $0xffff, v3  }
0x615: {  	[tilespmem:s4+$0xA020] =	vst.add.f32.msk $0xffff, v3  }
0x616: {  	[tilespmem:s4+$0xC020] =	vst.add.f32.msk $0xffff, v3  }
0x617: {  	[tilespmem:s4+$0x6030] =	vst.add.f32.msk $0xffff, v4  }
0x618: {  	[tilespmem:s4+$0x8030] =	vst.add.f32.msk $0xffff, v4  }
0x619: {  	[tilespmem:s4+$0xA030] =	vst.add.f32.msk $0xffff, v4  }
0x61a: {  	[tilespmem:s4+$0xC030] =	vst.add.f32.msk $0xffff, v4  }
0x61b: {  	[tilespmem:s4+$0x6040] =	vst.add.f32.msk $0xffff, v5  }
0x61c: {  	[tilespmem:s4+$0x8040] =	vst.add.f32.msk $0xffff, v5  }
0x61d: {  	[tilespmem:s4+$0xA040] =	vst.add.f32.msk $0xffff, v5  }
0x61e: {  	[tilespmem:s4+$0xC040] =	vst.add.f32.msk $0xffff, v5  }
0x61f: {  	[tilespmem:s4+$0x6050] =	vst.add.f32.msk $0xffff, v6  }
0x620: {  	[tilespmem:s4+$0x8050] =	vst.add.f32.msk $0xffff, v6  }
0x621: {  	[tilespmem:s4+$0xA050] =	vst.add.f32.msk $0xffff, v6  }
0x622: {  	[tilespmem:s4+$0xC050] =	vst.add.f32.msk $0xffff, v6  }
0x623: {  	[tilespmem:s4+$0x6060] =	vst.add.f32.msk $0xffff, v7  }
0x624: {  	[tilespmem:s4+$0x8060] =	vst.add.f32.msk $0xffff, v7  }
0x625: {  	[tilespmem:s4+$0xA060] =	vst.add.f32.msk $0xffff, v7  }
0x626: {  	[tilespmem:s4+$0xC060] =	vst.add.f32.msk $0xffff, v7  }
0x627: {  	[tilespmem:s4+$0x6070] =	vst.add.f32.msk $0xffff, v0  }
0x628: {  	s5 =	simm.s32 $0x0;
	s6 =	sadd.s32 $0x1000, s2;
	[tilespmem:s4+$0x8070] =	vst.add.f32.msk $0xffff, v0  }
.LBB2_63:
0x629: {  	s5 =	sadd.s32 $0x80, s5;
	[tilespmem:s4+$0xA070] =	vst.add.f32.msk $0xffff, v0;
	s4 =	sshra.s32 s6, $0x2  }
0x62a: {  	v0 =	vld [tilespmem:s4+$0x70];
	p0 =	slt.u32 s5, $0x380  }
0x62b: {  	v1 =	vld [tilespmem:s4+$0x0]  }
0x62c: {  	v2 =	vld [tilespmem:s4+$0x10]  }
0x62d: {  	v3 =	vld [tilespmem:s4+$0x20]  }
0x62e: {  	v4 =	vld [tilespmem:s4+$0x30]  }
0x62f: {  	[tilespmem:s4+$0xC070] =	vst.add.f32.msk $0xffff, v0  }
0x630: {  	v5 =	vld [tilespmem:s4+$0x40]  }
0x631: {  	v6 =	vld [tilespmem:s4+$0x50]  }
0x632: {  	v7 =	vld [tilespmem:s4+$0x60]  }
0x633: {  	[tilespmem:s4+$0x6000] =	vst.add.f32.msk $0xffff, v1  }
0x634: {  	[tilespmem:s4+$0x8000] =	vst.add.f32.msk $0xffff, v1  }
0x635: {  	[tilespmem:s4+$0xA000] =	vst.add.f32.msk $0xffff, v1  }
0x636: {  	[tilespmem:s4+$0xC000] =	vst.add.f32.msk $0xffff, v1  }
0x637: {  	[tilespmem:s4+$0x6010] =	vst.add.f32.msk $0xffff, v2  }
0x638: {  	[tilespmem:s4+$0x8010] =	vst.add.f32.msk $0xffff, v2  }
0x639: {  	[tilespmem:s4+$0xA010] =	vst.add.f32.msk $0xffff, v2  }
0x63a: {  	[tilespmem:s4+$0xC010] =	vst.add.f32.msk $0xffff, v2  }
0x63b: {  	[tilespmem:s4+$0x6020] =	vst.add.f32.msk $0xffff, v3  }
0x63c: {  	[tilespmem:s4+$0x8020] =	vst.add.f32.msk $0xffff, v3  }
0x63d: {  	[tilespmem:s4+$0xA020] =	vst.add.f32.msk $0xffff, v3  }
0x63e: {  	[tilespmem:s4+$0xC020] =	vst.add.f32.msk $0xffff, v3  }
0x63f: {  	[tilespmem:s4+$0x6030] =	vst.add.f32.msk $0xffff, v4  }
0x640: {  	[tilespmem:s4+$0x8030] =	vst.add.f32.msk $0xffff, v4  }
0x641: {  	[tilespmem:s4+$0xA030] =	vst.add.f32.msk $0xffff, v4  }
0x642: {  	[tilespmem:s4+$0xC030] =	vst.add.f32.msk $0xffff, v4  }
0x643: {  	[tilespmem:s4+$0x6040] =	vst.add.f32.msk $0xffff, v5  }
0x644: {  	[tilespmem:s4+$0x8040] =	vst.add.f32.msk $0xffff, v5  }
0x645: {  	[tilespmem:s4+$0xA040] =	vst.add.f32.msk $0xffff, v5  }
0x646: {  	[tilespmem:s4+$0xC040] =	vst.add.f32.msk $0xffff, v5  }
0x647: {  	[tilespmem:s4+$0x6050] =	vst.add.f32.msk $0xffff, v6  }
0x648: {  	[tilespmem:s4+$0x8050] =	vst.add.f32.msk $0xffff, v6  }
0x649: {  	[tilespmem:s4+$0xA050] =	vst.add.f32.msk $0xffff, v6  }
0x64a: {  	[tilespmem:s4+$0xC050] =	vst.add.f32.msk $0xffff, v6  }
0x64b: {  	[tilespmem:s4+$0x6060] =	vst.add.f32.msk $0xffff, v7  }
.Ltmp30:
0x64c: {  	[tilespmem:s4+$0x8060] =	vst.add.f32.msk $0xffff, v7;
	(pc) =	sbr.rel @p0 .LBB2_63-.Ltmp30, $4  }
0x64d: {  	[tilespmem:s4+$0xA060] =	vst.add.f32.msk $0xffff, v7  }
0x64e: {  	[tilespmem:s4+$0xC060] =	vst.add.f32.msk $0xffff, v7  }
0x64f: {  	[tilespmem:s4+$0x6070] =	vst.add.f32.msk $0xffff, v0  }
0x650: {  	s6 =	sadd.s32 $0x1000, s6;
	[tilespmem:s4+$0x8070] =	vst.add.f32.msk $0xffff, v0  }
0x651: {  	s3 =	sadd.s32 $0x1, s3  }
0x652: {  	p0 =	sne.s32 s3, $0x8  }
.Ltmp31:
0x653: {  	_ = 	snop;
	(pc) =	sbr.rel @p0 .LBB2_62-.Ltmp31, $2  }
0x654: {  	_ =	sdelay $0x2  }
0x655: {  	[tilespmem:s4+$0xA070] =	vst.add.f32.msk $0xffff, v0;
	s2 =	sadd.s32 $0x200, s2  }
0x656: {  	[hbm4b:s18+s20] =	stream.strided.scatter [tilespmem:s22], [sflag:$0x4], $0x8000, s21, s20, $0x38;
	[tilespmem:$0x1E000] =	vst v63  }
0x657: {  	_ =	swait.ge [sflag:s31], $0x8000  }
0x658: {  	[sflag:s31] =	ssyncset.done $0x0  }
0x659: {  	s1 =	sadd.s32 $0x1, s1;
	[sflag:s31] =	ssyncadd.s32 $0xFFFF8000  }
0x65a: {  	p0 =	sne.s32 s1, s19;
	_ =	swait.ge [sflag:s0], $0x8000  }
.Ltmp32:
0x65b: {  	[sflag:s0] =	ssyncset.done $0x0;
	(pc) =	sbr.rel @p0 .LBB2_1-.Ltmp32, $4  }
0x65c: {  	[sflag:s0] =	ssyncadd.s32 $0xFFFF8000  }
0x65d: {  	_ =	swait.ge [sflag:s29], $0x8000  }
0x65e: {  	[sflag:s29] =	ssyncset.done $0x0  }
0x65f: {  	[sflag:s29] =	ssyncadd.s32 $0xFFFF8000  }
0x660: {  	_ =	sfence.sel $0x180000  }
0x661: {  	[bflag:$0x0] =	sbarrier.arrive $0xFFFF  }
0x662: {  	_ =	strace $0x90000047  }
0x663: {  	s0 =	stileid.u32;
	[bflag:$0x2] =	sbarrier.arrive $0xFFFF  }
0x664: {  	p0 =	sne.s32 s0, $0x0;
	s0 =	rddreg [dreg:$0x3]  }
0x665: {  	s0 =	sadd.s32 @!p0 $0x100000, s0  }
0x666: {  	[sflag:s0] =	ssyncadd.tile.s32 @!p0 $0x1;
	_ =	shalt  }
.Lfunc_end2:
_tile_overlayer_lowered:
.L_overlay_start_2:
0x667: {  	(tag) =	ssettag $0x2  }
0x668: {  	s0 =	rddreg [dreg:$0x0];
	s2 =	stileid.u32  }
0x669: {  	s1 =	rddreg [dreg:$0x1];
	p0 =	sne.s32 s2, $0x0  }
0x66a: {  	s3 =	rddreg [dreg:$0x2];
	[bflag:$0x3] =	sbarrier.arrive $0xFFFF;
	s2 =	simm.s32 @!p0 $0x1C07  }
0x66b: {  	[timem:s3], [sflag:s2] =	dma.local @!p0 [hbm:s0], s1  }
0x66c: {  	s0 =	simm.s32 @!p0 $0x7  }
0x66d: {  	_ =	swait.ge @!p0 [sflag:s0], s1  }
0x66e: {  	s1 =	ssub.s32 @!p0 $0x0, s1;
	[sflag:s0] =	ssyncset.done @!p0 $0x0  }
0x66f: {  	[sflag:s0] =	ssyncadd.s32 @!p0 s1  }
0x670: {  	[bflag:$0x3] =	sbarrier.arrive $0xFFFF  }
0x671: {  	_ =	shalt  }

</sc_bundles>
